<compile_context>
chip_gen: v7x
topology: tpu7x:2x2x1
jax: 0.10.2.dev20260603
libtpu: 0.0.44.dev20260713+nightly
codegen_flags: <defaults>
</compile_context>

<pallas_src>
import jax
import jax.numpy as jnp
from jax import lax
from jax.experimental import pallas as pl
from jax.experimental.pallas import tpu as pltpu
from jax.experimental.pallas import tpu_sc as plsc

N = 10000
E = 160000
D = 128
S = 3

NC = 2
NS = 16
L = 16

N_PAD = 10240
CHUNK = 128
NCH = 40
EPW = CHUNK * NCH
EC = EPW * NC * NS
ROWS_PER_SUB = N_PAD // NS
BN = 1280
GRID = N_PAD // BN


def _k1_body(h_ref, w_ref, o_ref):
    o_ref[...] = jnp.dot(h_ref[...], w_ref[...],
                         preferred_element_type=jnp.float32)


def _alphas(h_pad, att_src, att_dst):
    w = jnp.zeros((D, D), jnp.float32)
    w = w.at[:, 0:S].set(att_src.T).at[:, S:2 * S].set(att_dst.T)
    al = pl.pallas_call(
        _k1_body,
        grid=(GRID,),
        in_specs=[
            pl.BlockSpec((BN, D), lambda i: (i, 0)),
            pl.BlockSpec((D, D), lambda i: (0, 0)),
        ],
        out_specs=pl.BlockSpec((BN, D), lambda i: (i, 0)),
        out_shape=jax.ShapeDtypeStruct((N_PAD, D), jnp.float32),
    )(h_pad, w)
    alsrc = al[:, 0:S].T.reshape(-1)
    aldst = al[:, S:2 * S].T.reshape(-1)
    return alsrc, aldst


def _take16(x, idx):
    return lax.gather(
        x, idx[:, None],
        lax.GatherDimensionNumbers(
            offset_dims=(), collapsed_slice_dims=(0,), start_index_map=(0,)),
        (1,), mode=lax.GatherScatterMode.PROMISE_IN_BOUNDS)


def _sc1_body(als_hbm, ald_hbm, src_hbm, dst_hbm, ex_hbm, den_hbm,
              asv, adv, srcv, dstv, exv, denv):
    cid = lax.axis_index("c")
    sid = lax.axis_index("s")
    zero16 = jnp.zeros((L,), jnp.float32)
    iota = lax.iota(jnp.int32, L)
    ip1 = jnp.minimum(iota + 1, L - 1)
    im1 = jnp.maximum(iota - 1, 0)

    for s in range(S):
        pltpu.sync_copy(als_hbm.at[pl.ds(s * N_PAD, N_PAD)], asv)
        pltpu.sync_copy(ald_hbm.at[pl.ds(s * N_PAD, N_PAD)], adv)
        pltpu.sync_copy(src_hbm.at[s, cid, sid], srcv)
        pltpu.sync_copy(dst_hbm.at[s, cid, sid], dstv)

        def _zd(i, _):
            denv[pl.ds(i * L, L)] = zero16
            return 0
        lax.fori_loop(0, N_PAD // L, _zd, 0)

        def _chunk(ch, _):
            for v in range(CHUNK // L):
                si = srcv[ch, pl.ds(v * L, L)]
                di = dstv[ch, pl.ds(v * L, L)]
                a = plsc.load_gather(asv, [si]) + plsc.load_gather(adv, [di])
                a = jnp.where(a >= 0.0, a, a * jnp.float32(0.01))
                e = jnp.exp(a)
                exv[ch, pl.ds(v * L, L)] = e
                k, vv = plsc.sort_key_val(di, e)
                knext = _take16(k, ip1)
                kprev = _take16(k, im1)
                lasts = (k != knext) | (iota == L - 1)
                firsts = (k != kprev) | (iota == 0)
                c = plsc.cumsum(vv)
                cprev = jnp.where(iota == 0, 0.0, _take16(c, im1))
                plsc.addupdate_scatter(denv, [k], c, mask=lasts)
                plsc.addupdate_scatter(denv, [k], -cprev, mask=firsts)
            return 0
        lax.fori_loop(0, NCH, _chunk, 0)

        wid = (s * NC + cid) * NS + sid
        pltpu.sync_copy(exv, ex_hbm.at[s, cid, sid])
        pltpu.sync_copy(denv, den_hbm.at[pl.ds(wid * N_PAD, N_PAD)])


def _sc2_body(h_hbm, src_hbm, dst_hbm, ex_hbm, num_hbm,
              srcv, dstv, exv, rows0, rows1, acc, sem0, sem1, ssem0, ssem1):
    cid = lax.axis_index("c")
    sid = lax.axis_index("s")
    zero16 = jnp.zeros((L,), jnp.float32)

    def _scale(buf, ch):
        @plsc.parallel_loop(0, CHUNK, 1, unroll=2)
        def _srow(i):
            bi = jnp.full((L,), 0, dtype=jnp.int32) + (ch * CHUNK + i)
            b = plsc.load_gather(exv, [bi])
            for j in range(D // L):
                buf[i, pl.ds(j * L, L)] = buf[i, pl.ds(j * L, L)] * b

    def _drain(buf, sem):
        pltpu.make_async_copy(h_hbm.at[srcv.at[0]], buf, sem).wait()

    for s in range(S):
        wid = (s * NC + cid) * NS + sid
        pltpu.sync_copy(src_hbm.at[s, cid, sid], srcv)
        pltpu.sync_copy(dst_hbm.at[s, cid, sid], dstv)
        pltpu.sync_copy(ex_hbm.at[pl.ds(wid * EPW, EPW)], exv)

        def _zrow(i, _):
            for j in range(D // L):
                rows0[i, pl.ds(j * L, L)] = zero16
            return 0
        lax.fori_loop(0, CHUNK, _zrow, 0)
        for kb in range(ROWS_PER_SUB // CHUNK):
            pltpu.sync_copy(
                rows0, acc.at[pl.ds(sid * ROWS_PER_SUB + kb * CHUNK, CHUNK)])
        plsc.subcore_barrier()

        pltpu.async_copy(h_hbm.at[srcv.at[0]], rows0, sem0)

        def _pair(g, _):
            ch0 = 2 * g
            ch1 = ch0 + 1

            @pl.when(g > 0)
            def _():
                _drain(rows1, ssem1)
            pltpu.async_copy(h_hbm.at[srcv.at[ch1]], rows1, sem1)

            pltpu.make_async_copy(h_hbm.at[srcv.at[ch0]], rows0, sem0).wait()
            _scale(rows0, ch0)
            pltpu.async_copy(rows0, acc.at[dstv.at[ch0]], ssem0, add=True)

            pltpu.make_async_copy(h_hbm.at[srcv.at[ch1]], rows1, sem1).wait()
            _scale(rows1, ch1)
            pltpu.async_copy(rows1, acc.at[dstv.at[ch1]], ssem1, add=True)

            _drain(rows0, ssem0)

            @pl.when(g < NCH // 2 - 1)
            def _():
                pltpu.async_copy(h_hbm.at[srcv.at[ch0 + 2]], rows0, sem0)
            return 0
        lax.fori_loop(0, NCH // 2, _pair, 0)
        _drain(rows1, ssem1)
        plsc.subcore_barrier()

        pltpu.sync_copy(
            acc.at[pl.ds(sid * ROWS_PER_SUB, ROWS_PER_SUB)],
            num_hbm.at[s, cid, pl.ds(sid * ROWS_PER_SUB, ROWS_PER_SUB)])
        plsc.subcore_barrier()


def _edge_phase(h_pad, alsrc, aldst, srcs, dsts):
    mesh = plsc.VectorSubcoreMesh(core_axis_name="c", subcore_axis_name="s")
    run1 = pl.kernel(
        _sc1_body,
        out_type=[
            pltpu.HBM((S, NC, NS, NCH, CHUNK), jnp.float32),
            pltpu.HBM((S * NC * NS * N_PAD,), jnp.float32),
        ],
        mesh=mesh,
        compiler_params=pltpu.CompilerParams(needs_layout_passes=False),
        scratch_types=[
            pltpu.VMEM((N_PAD,), jnp.float32),
            pltpu.VMEM((N_PAD,), jnp.float32),
            pltpu.VMEM((NCH, CHUNK), jnp.int32),
            pltpu.VMEM((NCH, CHUNK), jnp.int32),
            pltpu.VMEM((NCH, CHUNK), jnp.float32),
            pltpu.VMEM((N_PAD,), jnp.float32),
        ],
    )
    ex, den_flat = run1(alsrc, aldst, srcs, dsts)

    run2 = pl.kernel(
        _sc2_body,
        out_type=pltpu.HBM((S, NC, N_PAD, D), jnp.float32),
        mesh=mesh,
        compiler_params=pltpu.CompilerParams(needs_layout_passes=False),
        scratch_types=[
            pltpu.VMEM((NCH, CHUNK), jnp.int32),
            pltpu.VMEM((NCH, CHUNK), jnp.int32),
            pltpu.VMEM((EPW,), jnp.float32),
            pltpu.VMEM((CHUNK, D), jnp.float32),
            pltpu.VMEM((CHUNK, D), jnp.float32),
            pltpu.VMEM_SHARED((N_PAD, D), jnp.float32),
            pltpu.SemaphoreType.DMA,
            pltpu.SemaphoreType.DMA,
            pltpu.SemaphoreType.DMA,
            pltpu.SemaphoreType.DMA,
        ],
    )
    num = run2(h_pad, srcs, dsts, ex.reshape(-1))
    return num, den_flat


def _k2a_body(num_ref, den_ref, bias_ref, w_ref, b_ref, att_ref,
              emb_ref, sp_ref):
    i = pl.program_id(0)
    lane = lax.broadcasted_iota(jnp.int32, (1, D), 1)
    ridx = lax.broadcasted_iota(jnp.int32, (BN, 1), 0) + i * BN
    valid = (ridx < N).astype(jnp.float32)
    sp_row = jnp.zeros((1, 1, D), jnp.float32)
    for s in range(S):
        num = num_ref[s, 0] + num_ref[s, 1]
        den = jnp.sum(den_ref[s], axis=1, keepdims=True)
        emb = num / (den + jnp.float32(1e-16)) + bias_ref[pl.ds(s, 1), :]
        emb_ref[s] = emb
        proj = jnp.tanh(
            jnp.dot(emb, w_ref[...], preferred_element_type=jnp.float32)
            + b_ref[...])
        spv = jnp.dot(proj, att_ref[...],
                      preferred_element_type=jnp.float32)
        part = jnp.sum(spv * valid)
        sp_row = sp_row + jnp.where(lane == s, part, 0.0)
    sp_ref[...] = sp_row


def _post_a(num, denp, gat_bias, agg_W, agg_b, agg_att):
    return pl.pallas_call(
        _k2a_body,
        grid=(GRID,),
        in_specs=[
            pl.BlockSpec((S, NC, BN, D), lambda i: (0, 0, i, 0)),
            pl.BlockSpec((S, BN, NC * NS), lambda i: (0, i, 0)),
            pl.BlockSpec((S, D), lambda i: (0, 0)),
            pl.BlockSpec((D, D), lambda i: (0, 0)),
            pl.BlockSpec((1, D), lambda i: (0, 0)),
            pl.BlockSpec((D, 1), lambda i: (0, 0)),
        ],
        out_specs=[
            pl.BlockSpec((S, BN, D), lambda i: (0, i, 0)),
            pl.BlockSpec((1, 1, D), lambda i: (i, 0, 0)),
        ],
        out_shape=[
            jax.ShapeDtypeStruct((S, N_PAD, D), jnp.float32),
            jax.ShapeDtypeStruct((GRID, 1, D), jnp.float32),
        ],
    )(num, denp, gat_bias, agg_W, agg_b.reshape(1, D), agg_att.reshape(D, 1))


def _k2b_body(emb_ref, bt_ref, z_ref):
    acc = emb_ref[0] * bt_ref[pl.ds(0, 1), :]
    for s in range(1, S):
        acc = acc + emb_ref[s] * bt_ref[pl.ds(s, 1), :]
    z_ref[...] = acc


def _post_b(emb, betat):
    return pl.pallas_call(
        _k2b_body,
        grid=(GRID,),
        in_specs=[
            pl.BlockSpec((S, BN, D), lambda i: (0, i, 0)),
            pl.BlockSpec((S, D), lambda i: (0, 0)),
        ],
        out_specs=pl.BlockSpec((BN, D), lambda i: (i, 0)),
        out_shape=jax.ShapeDtypeStruct((N_PAD, D), jnp.float32),
    )(emb, betat)


def kernel(h, att_src, att_dst, gat_bias, agg_W, agg_b, agg_att,
           edge_index0, edge_index1, edge_index2):
    h = h.astype(jnp.float32)
    h_pad = jnp.zeros((N_PAD, D), jnp.float32).at[:N].set(h)

    alsrc, aldst = _alphas(h_pad, att_src, att_dst)

    srcs = []
    dsts = []
    for ei in (edge_index0, edge_index1, edge_index2):
        src = jnp.concatenate(
            [ei[0], jnp.zeros((EC - E,), jnp.int32)])
        dst = jnp.concatenate(
            [ei[1], jnp.full((EC - E,), N_PAD - 1, jnp.int32)])
        srcs.append(src.reshape(NC, NS, NCH, CHUNK))
        dsts.append(dst.reshape(NC, NS, NCH, CHUNK))
    srcs = jnp.stack(srcs)
    dsts = jnp.stack(dsts)

    num, den_flat = _edge_phase(h_pad, alsrc, aldst, srcs, dsts)
    denp = den_flat.reshape(S, NC * NS, N_PAD).transpose(0, 2, 1)

    emb, sp_rows = _post_a(num, denp, gat_bias, agg_W, agg_b, agg_att)
    sp = sp_rows.sum(axis=(0, 1))[:S] / jnp.float32(N)
    beta = jax.nn.softmax(sp)
    betat = jnp.broadcast_to(beta[:, None], (S, D))

    z_pad = _post_b(emb, betat)
    return z_pad[:N]

# --- scband reference (transcript-rebuilt; emitter-appended) ---
"""Pipeline reference for scband-sc-encoder-30039001269019 (READ-ONLY COPY).

The authoritative reference and input builder live on the scoring server;
editing this copy changes nothing except your own understanding.
"""

import jax, jax.numpy as jnp
import numpy as np

N = 10000
E = 160000
D = 128
S = 3


def setup_inputs(seed: int = 0) -> dict:
    key = jax.random.key(seed)
    ks = jax.random.split(key, 10)
    h = jax.random.normal(ks[0], (N, D), dtype=jnp.float32)
    edge_index0 = jax.random.randint(ks[1], (2, E), 0, N, dtype=jnp.int32)
    edge_index1 = jax.random.randint(ks[2], (2, E), 0, N, dtype=jnp.int32)
    edge_index2 = jax.random.randint(ks[3], (2, E), 0, N, dtype=jnp.int32)
    g = (6.0 / (1 + D)) ** 0.5
    att_src = jax.random.uniform(ks[4], (S, D), minval=-g, maxval=g, dtype=jnp.float32)
    att_dst = jax.random.uniform(ks[5], (S, D), minval=-g, maxval=g, dtype=jnp.float32)
    gat_bias = jnp.zeros((S, D), dtype=jnp.float32)
    gw = (6.0 / (D + D)) ** 0.5
    agg_W = jax.random.uniform(ks[6], (D, D), minval=-gw, maxval=gw, dtype=jnp.float32)
    agg_b = jnp.zeros((D,), dtype=jnp.float32)
    ga = (6.0 / (D + 1)) ** 0.5
    agg_att = jax.random.uniform(ks[7], (D,), minval=-ga, maxval=ga, dtype=jnp.float32)
    return {"h": h, "att_src": att_src, "att_dst": att_dst, "gat_bias": gat_bias,
            "agg_W": agg_W, "agg_b": agg_b, "agg_att": agg_att,
            "edge_index0": edge_index0, "edge_index1": edge_index1, "edge_index2": edge_index2}


def _gat(h, ei, a_src, a_dst, b):
    # GAT intra-schema layer: dst-wise softmax attention, aggr='add'
    src = ei[0]
    dst = ei[1]
    alpha_src = (h * a_src[None, :]).sum(-1)
    alpha_dst = (h * a_dst[None, :]).sum(-1)
    alpha = jax.nn.leaky_relu(alpha_src[src] + alpha_dst[dst], negative_slope=0.01)
    m = jax.ops.segment_max(alpha, dst, num_segments=N)
    m = jnp.where(jnp.isfinite(m), m, 0.0)
    ex = jnp.exp(alpha - m[dst])
    den = jax.ops.segment_sum(ex, dst, num_segments=N)
    w = ex / (den[dst] + 1e-16)
    out = jax.ops.segment_sum(h[src] * w[:, None], dst, num_segments=N)
    return out + b[None, :]


def reference(h, att_src, att_dst, gat_bias, agg_W, agg_b, agg_att,
              edge_index0, edge_index1, edge_index2):
    eis = [edge_index0, edge_index1, edge_index2]
    embeds = jnp.stack([_gat(h, eis[i], att_src[i], att_dst[i], gat_bias[i]) for i in range(S)])
    # inter-schema semantic attention aggregator
    proj = jnp.tanh(embeds @ agg_W + agg_b[None, None, :])
    sp = (proj @ agg_att).mean(axis=1)
    beta = jax.nn.softmax(sp)
    z = (beta[:, None, None] * embeds).sum(axis=0)
    return z

if __name__ == "__main__":
    import jax
    _d = setup_inputs()
    print(jax.jit(kernel)(*tuple(_d.values())))

</pallas_src>

<mosaic_0001>
#map = affine_map<(d0, d1) -> (0)>
#map1 = affine_map<(d0, d1) -> (0, 0, 0, 0, 0)>
module attributes {stable_mosaic.version = 14 : i64} {
  func.func @_sc1_body(%arg0: i32, %arg1: i32, %arg2: memref<30720xf32, #tpu.memory_space<hbm>>, %arg3: memref<30720xf32, #tpu.memory_space<hbm>>, %arg4: memref<3x2x16x40x128xi32, #tpu.memory_space<hbm>>, %arg5: memref<3x2x16x40x128xi32, #tpu.memory_space<hbm>>, %arg6: memref<3x2x16x40x128xf32, #tpu.memory_space<hbm>>, %arg7: memref<983040xf32, #tpu.memory_space<hbm>>, %arg8: memref<10240xf32, #tpu.memory_space<vmem>>, %arg9: memref<10240xf32, #tpu.memory_space<vmem>>, %arg10: memref<40x128xi32, #tpu.memory_space<vmem>>, %arg11: memref<40x128xi32, #tpu.memory_space<vmem>>, %arg12: memref<40x128xf32, #tpu.memory_space<vmem>>, %arg13: memref<10240xf32, #tpu.memory_space<vmem>>) attributes {dimension_semantics = [#tpu.dimension_semantics<core_parallel>, #tpu.dimension_semantics<subcore_parallel>], iteration_bounds = array<i64: 2, 16>, scalar_prefetch = 0 : i64, scratch_operands = 6 : i64, tpu.core_type = #tpu.core_type<sc_vector_subcore>, window_params = [{transform_indices = #map}, {transform_indices = #map}, {transform_indices = #map1}, {transform_indices = #map1}, {transform_indices = #map1}, {transform_indices = #map}]} {
    %broadcast_in_dim3A = arith.constant 0.000000e+00 : f32
    %broadcast_in_dim3A_0 = vector.broadcast %broadcast_in_dim3A : f32 to vector<16xf32>
    %iota3A = tpu.iota {dimensions = array<i32: 0>} : vector<16xi32>
    %add3A = arith.constant 1 : i32
    %add3A_1 = vector.broadcast %add3A : i32 to vector<16xi32>
    %add3A_2 = arith.addi %iota3A, %add3A_1 : vector<16xi32>
    %min3A = arith.constant 15 : i32
    %min3A_3 = vector.broadcast %min3A : i32 to vector<16xi32>
    %min3A_4 = arith.minsi %add3A_2, %min3A_3 : vector<16xi32>
    %sub3A = arith.constant 1 : i32
    %sub3A_5 = vector.broadcast %sub3A : i32 to vector<16xi32>
    %sub3A_6 = arith.subi %iota3A, %sub3A_5 : vector<16xi32>
    %max3A = arith.constant 0 : i32
    %max3A_7 = vector.broadcast %max3A : i32 to vector<16xi32>
    %max3A_8 = arith.maxsi %sub3A_6, %max3A_7 : vector<16xi32>
    "tpu.region"() ({
      %run_scoped3A_78 = tpu.sem_alloc : memref<!tpu.dma_semaphore, #tpu.memory_space<semaphore_mem>>
      %dma_start3A = arith.constant 0 : i32
      %dma_start3A_79 = tpu.memref_slice %arg2[%dma_start3A] : memref<30720xf32, #tpu.memory_space<hbm>> -> memref<10240xf32, #tpu.memory_space<hbm>>
      %dma_start3A_80 = arith.constant 0 : i32
      %dma_start3A_81 = tpu.memref_slice %arg2[%dma_start3A_80] : memref<30720xf32, #tpu.memory_space<hbm>> -> memref<10240xf32, #tpu.memory_space<hbm>>
      tpu.enqueue_dma source(%dma_start3A_81 : memref<10240xf32, #tpu.memory_space<hbm>>) target(%arg8 : memref<10240xf32, #tpu.memory_space<vmem>>) target_semaphore(%run_scoped3A_78 : memref<!tpu.dma_semaphore, #tpu.memory_space<semaphore_mem>>)
      %dma_wait3A = arith.constant 0 : i32
      %dma_wait3A_82 = tpu.memref_slice %arg2[%dma_wait3A] : memref<30720xf32, #tpu.memory_space<hbm>> -> memref<10240xf32, #tpu.memory_space<hbm>>
      %dma_wait3A_83 = arith.constant 0 : i32
      %dma_wait3A_84 = tpu.memref_slice %arg2[%dma_wait3A_83] : memref<30720xf32, #tpu.memory_space<hbm>> -> memref<10240xf32, #tpu.memory_space<hbm>>
      tpu.wait_dma2 semaphore(%run_scoped3A_78 : memref<!tpu.dma_semaphore, #tpu.memory_space<semaphore_mem>>) src(%dma_wait3A_84 : memref<10240xf32, #tpu.memory_space<hbm>>) dst(%arg8 : memref<10240xf32, #tpu.memory_space<vmem>>)
      tpu.yield
    }) : () -> ()
    "tpu.region"() ({
      %run_scoped3A_78 = tpu.sem_alloc : memref<!tpu.dma_semaphore, #tpu.memory_space<semaphore_mem>>
      %dma_start3A = arith.constant 0 : i32
      %dma_start3A_79 = tpu.memref_slice %arg3[%dma_start3A] : memref<30720xf32, #tpu.memory_space<hbm>> -> memref<10240xf32, #tpu.memory_space<hbm>>
      %dma_start3A_80 = arith.constant 0 : i32
      %dma_start3A_81 = tpu.memref_slice %arg3[%dma_start3A_80] : memref<30720xf32, #tpu.memory_space<hbm>> -> memref<10240xf32, #tpu.memory_space<hbm>>
      tpu.enqueue_dma source(%dma_start3A_81 : memref<10240xf32, #tpu.memory_space<hbm>>) target(%arg9 : memref<10240xf32, #tpu.memory_space<vmem>>) target_semaphore(%run_scoped3A_78 : memref<!tpu.dma_semaphore, #tpu.memory_space<semaphore_mem>>)
      %dma_wait3A = arith.constant 0 : i32
      %dma_wait3A_82 = tpu.memref_slice %arg3[%dma_wait3A] : memref<30720xf32, #tpu.memory_space<hbm>> -> memref<10240xf32, #tpu.memory_space<hbm>>
      %dma_wait3A_83 = arith.constant 0 : i32
      %dma_wait3A_84 = tpu.memref_slice %arg3[%dma_wait3A_83] : memref<30720xf32, #tpu.memory_space<hbm>> -> memref<10240xf32, #tpu.memory_space<hbm>>
      tpu.wait_dma2 semaphore(%run_scoped3A_78 : memref<!tpu.dma_semaphore, #tpu.memory_space<semaphore_mem>>) src(%dma_wait3A_84 : memref<10240xf32, #tpu.memory_space<hbm>>) dst(%arg9 : memref<10240xf32, #tpu.memory_space<vmem>>)
      tpu.yield
    }) : () -> ()
    %run_scoped3A = arith.constant 0 : i32
    "tpu.region"() ({
      %run_scoped3A_78 = tpu.sem_alloc : memref<!tpu.dma_semaphore, #tpu.memory_space<semaphore_mem>>
      %dma_start3A = arith.constant 0 : i32
      %dma_start3A_79 = arith.constant 0 : i32
      %dma_start3A_80 = tpu.memref_slice %arg4[%run_scoped3A, %arg0, %arg1, %dma_start3A, %dma_start3A_79] : memref<3x2x16x40x128xi32, #tpu.memory_space<hbm>> -> memref<1x1x1x40x128xi32, #tpu.memory_space<hbm>>
      %dma_start3A_81 = tpu.memref_squeeze %dma_start3A_80 : memref<1x1x1x40x128xi32, #tpu.memory_space<hbm>> -> memref<40x128xi32, #tpu.memory_space<hbm>>
      %dma_start3A_82 = arith.constant 0 : i32
      %dma_start3A_83 = arith.constant 0 : i32
      %dma_start3A_84 = tpu.memref_slice %arg4[%run_scoped3A, %arg0, %arg1, %dma_start3A_82, %dma_start3A_83] : memref<3x2x16x40x128xi32, #tpu.memory_space<hbm>> -> memref<1x1x1x40x128xi32, #tpu.memory_space<hbm>>
      %dma_start3A_85 = tpu.memref_squeeze %dma_start3A_84 : memref<1x1x1x40x128xi32, #tpu.memory_space<hbm>> -> memref<40x128xi32, #tpu.memory_space<hbm>>
      tpu.enqueue_dma source(%dma_start3A_85 : memref<40x128xi32, #tpu.memory_space<hbm>>) target(%arg10 : memref<40x128xi32, #tpu.memory_space<vmem>>) target_semaphore(%run_scoped3A_78 : memref<!tpu.dma_semaphore, #tpu.memory_space<semaphore_mem>>)
      %dma_wait3A = arith.constant 0 : i32
      %dma_wait3A_86 = arith.constant 0 : i32
      %dma_wait3A_87 = tpu.memref_slice %arg4[%run_scoped3A, %arg0, %arg1, %dma_wait3A, %dma_wait3A_86] : memref<3x2x16x40x128xi32, #tpu.memory_space<hbm>> -> memref<1x1x1x40x128xi32, #tpu.memory_space<hbm>>
      %dma_wait3A_88 = tpu.memref_squeeze %dma_wait3A_87 : memref<1x1x1x40x128xi32, #tpu.memory_space<hbm>> -> memref<40x128xi32, #tpu.memory_space<hbm>>
      %dma_wait3A_89 = arith.constant 0 : i32
      %dma_wait3A_90 = arith.constant 0 : i32
      %dma_wait3A_91 = tpu.memref_slice %arg4[%run_scoped3A, %arg0, %arg1, %dma_wait3A_89, %dma_wait3A_90] : memref<3x2x16x40x128xi32, #tpu.memory_space<hbm>> -> memref<1x1x1x40x128xi32, #tpu.memory_space<hbm>>
      %dma_wait3A_92 = tpu.memref_squeeze %dma_wait3A_91 : memref<1x1x1x40x128xi32, #tpu.memory_space<hbm>> -> memref<40x128xi32, #tpu.memory_space<hbm>>
      tpu.wait_dma2 semaphore(%run_scoped3A_78 : memref<!tpu.dma_semaphore, #tpu.memory_space<semaphore_mem>>) src(%dma_wait3A_92 : memref<40x128xi32, #tpu.memory_space<hbm>>) dst(%arg10 : memref<40x128xi32, #tpu.memory_space<vmem>>)
      tpu.yield
    }) : () -> ()
    %run_scoped3A_9 = arith.constant 0 : i32
    "tpu.region"() ({
      %run_scoped3A_78 = tpu.sem_alloc : memref<!tpu.dma_semaphore, #tpu.memory_space<semaphore_mem>>
      %dma_start3A = arith.constant 0 : i32
      %dma_start3A_79 = arith.constant 0 : i32
      %dma_start3A_80 = tpu.memref_slice %arg5[%run_scoped3A_9, %arg0, %arg1, %dma_start3A, %dma_start3A_79] : memref<3x2x16x40x128xi32, #tpu.memory_space<hbm>> -> memref<1x1x1x40x128xi32, #tpu.memory_space<hbm>>
      %dma_start3A_81 = tpu.memref_squeeze %dma_start3A_80 : memref<1x1x1x40x128xi32, #tpu.memory_space<hbm>> -> memref<40x128xi32, #tpu.memory_space<hbm>>
      %dma_start3A_82 = arith.constant 0 : i32
      %dma_start3A_83 = arith.constant 0 : i32
      %dma_start3A_84 = tpu.memref_slice %arg5[%run_scoped3A_9, %arg0, %arg1, %dma_start3A_82, %dma_start3A_83] : memref<3x2x16x40x128xi32, #tpu.memory_space<hbm>> -> memref<1x1x1x40x128xi32, #tpu.memory_space<hbm>>
      %dma_start3A_85 = tpu.memref_squeeze %dma_start3A_84 : memref<1x1x1x40x128xi32, #tpu.memory_space<hbm>> -> memref<40x128xi32, #tpu.memory_space<hbm>>
      tpu.enqueue_dma source(%dma_start3A_85 : memref<40x128xi32, #tpu.memory_space<hbm>>) target(%arg11 : memref<40x128xi32, #tpu.memory_space<vmem>>) target_semaphore(%run_scoped3A_78 : memref<!tpu.dma_semaphore, #tpu.memory_space<semaphore_mem>>)
      %dma_wait3A = arith.constant 0 : i32
      %dma_wait3A_86 = arith.constant 0 : i32
      %dma_wait3A_87 = tpu.memref_slice %arg5[%run_scoped3A_9, %arg0, %arg1, %dma_wait3A, %dma_wait3A_86] : memref<3x2x16x40x128xi32, #tpu.memory_space<hbm>> -> memref<1x1x1x40x128xi32, #tpu.memory_space<hbm>>
      %dma_wait3A_88 = tpu.memref_squeeze %dma_wait3A_87 : memref<1x1x1x40x128xi32, #tpu.memory_space<hbm>> -> memref<40x128xi32, #tpu.memory_space<hbm>>
      %dma_wait3A_89 = arith.constant 0 : i32
      %dma_wait3A_90 = arith.constant 0 : i32
      %dma_wait3A_91 = tpu.memref_slice %arg5[%run_scoped3A_9, %arg0, %arg1, %dma_wait3A_89, %dma_wait3A_90] : memref<3x2x16x40x128xi32, #tpu.memory_space<hbm>> -> memref<1x1x1x40x128xi32, #tpu.memory_space<hbm>>
      %dma_wait3A_92 = tpu.memref_squeeze %dma_wait3A_91 : memref<1x1x1x40x128xi32, #tpu.memory_space<hbm>> -> memref<40x128xi32, #tpu.memory_space<hbm>>
      tpu.wait_dma2 semaphore(%run_scoped3A_78 : memref<!tpu.dma_semaphore, #tpu.memory_space<semaphore_mem>>) src(%dma_wait3A_92 : memref<40x128xi32, #tpu.memory_space<hbm>>) dst(%arg11 : memref<40x128xi32, #tpu.memory_space<vmem>>)
      tpu.yield
    }) : () -> ()
    %scan3A = arith.constant 0 : i32
    %scan3A_10 = arith.constant 0 : i32
    %scan3A_11 = arith.constant 640 : i32
    %scan3A_12 = arith.addi %scan3A_10, %scan3A_11 : i32
    %scan3A_13 = arith.constant 1 : i32
    %scan3A_14 = scf.for %scan3A_78 = %scan3A_10 to %scan3A_12 step %scan3A_13 iter_args(%scan3A_79 = %scan3A) -> (i32)  : i32 {
      %mul3A_80 = arith.constant 16 : i32
      %mul3A_81 = arith.muli %scan3A_78, %mul3A_80 : i32
      %swap3A = arith.index_cast %mul3A_81 : i32 to index
      %swap3A_82 = tpu.vector_load %arg13[%swap3A] {strides = array<i32>} : memref<10240xf32, #tpu.memory_space<vmem>>, vector<16xf32>,
      tpu.vector_store %arg13[%swap3A], %broadcast_in_dim3A_0 {strides = array<i32>} : memref<10240xf32, #tpu.memory_space<vmem>>, vector<16xf32>,
      %scan3A_83 = arith.constant 0 : i32
      scf.yield %scan3A_83 : i32
    }
    %scan3A_15 = arith.constant 640 : i32
    %scan3A_16 = arith.constant 0 : i32
    %scan3A_17 = arith.constant 0 : i32
    %scan3A_18 = arith.constant 40 : i32
    %scan3A_19 = arith.addi %scan3A_17, %scan3A_18 : i32
    %scan3A_20 = arith.constant 1 : i32
    %scan3A_21 = scf.for %scan3A_78 = %scan3A_17 to %scan3A_19 step %scan3A_20 iter_args(%scan3A_79 = %scan3A_16) -> (i32)  : i32 {
      %get3A = arith.index_cast %scan3A_78 : i32 to index
      %get3A_80 = arith.constant 0 : index
      %get3A_81 = tpu.vector_load %arg10[%get3A, %get3A_80] {strides = array<i32>} : memref<40x128xi32, #tpu.memory_space<vmem>>, vector<16xi32>,
      %get3A_82 = arith.index_cast %scan3A_78 : i32 to index
      %get3A_83 = arith.constant 0 : index
      %get3A_84 = tpu.vector_load %arg11[%get3A_82, %get3A_83] {strides = array<i32>} : memref<40x128xi32, #tpu.memory_space<vmem>>, vector<16xi32>,
      %gather3A = tpu.vector_load_idx %arg8[%get3A_81] : memref<10240xf32, #tpu.memory_space<vmem>>[vector<16xi32>], vector<16xf32>,
      %gather3A_85 = tpu.vector_load_idx %arg9[%get3A_84] : memref<10240xf32, #tpu.memory_space<vmem>>[vector<16xi32>], vector<16xf32>,
      %add3A_86 = arith.addf %gather3A, %gather3A_85 : vector<16xf32>
      %ge3A = arith.constant 0.000000e+00 : f32
      %ge3A_87 = vector.broadcast %ge3A : f32 to vector<16xf32>
      %ge3A_88 = arith.cmpf oge, %add3A_86, %ge3A_87 : vector<16xf32>
      %mul3A_89 = arith.constant 0.00999999977 : f32
      %mul3A_90 = vector.broadcast %mul3A_89 : f32 to vector<16xf32>
      %mul3A_91 = arith.mulf %add3A_86, %mul3A_90 : vector<16xf32>
      %select_n3A = arith.select %ge3A_88, %add3A_86, %mul3A_91 : vector<16xi1>, vector<16xf32>
      %exp3A = math.exp %select_n3A : vector<16xf32>
      %swap3A = arith.index_cast %scan3A_78 : i32 to index
      %swap3A_92 = arith.constant 0 : index
      %swap3A_93 = tpu.vector_load %arg12[%swap3A, %swap3A_92] {strides = array<i32>} : memref<40x128xf32, #tpu.memory_space<vmem>>, vector<16xf32>,
      tpu.vector_store %arg12[%swap3A, %swap3A_92], %exp3A {strides = array<i32>} : memref<40x128xf32, #tpu.memory_space<vmem>>, vector<16xf32>,
      %masked_sort3A = arith.constant dense<true> : vector<16xi1>
      %masked_sort3A_94 = arith.constant -2147483648 : i32
      %masked_sort3A_95 = vector.broadcast %masked_sort3A_94 : i32 to vector<16xi32>
      %masked_sort3A_96 = arith.xori %get3A_84, %masked_sort3A_95 : vector<16xi32>
      %masked_sort3A_97, %masked_sort3A_98, %masked_sort3A_99 = tpu.sort %masked_sort3A_96, %exp3A masked %masked_sort3A : (vector<16xi32>, vector<16xf32>, vector<16xi1>) -> (vector<16xi1>, vector<16xi32>, vector<16xf32>)
      %masked_sort3A_100 = arith.xori %masked_sort3A_98, %masked_sort3A_95 : vector<16xi32>
      %broadcast_in_dim3A_101 = vector.shape_cast %min3A_4 : vector<16xi32> to vector<16x1xi32>
      %gather3A_102 = vector.shape_cast %broadcast_in_dim3A_101 : vector<16x1xi32> to vector<16xi32>
      %gather3A_103 = tpu.dynamic_gather %masked_sort3A_100[%gather3A_102] in [0] : vector<16xi32>, vector<16xi32> -> vector<16xi32>
      %broadcast_in_dim3A_104 = vector.shape_cast %max3A_8 : vector<16xi32> to vector<16x1xi32>
      %gather3A_105 = vector.shape_cast %broadcast_in_dim3A_104 : vector<16x1xi32> to vector<16xi32>
      %gather3A_106 = tpu.dynamic_gather %masked_sort3A_100[%gather3A_105] in [0] : vector<16xi32>, vector<16xi32> -> vector<16xi32>
      %ne3A = arith.cmpi ne, %masked_sort3A_100, %gather3A_103 : vector<16xi32>
      %eq3A = arith.constant 15 : i32
      %eq3A_107 = vector.broadcast %eq3A : i32 to vector<16xi32>
      %eq3A_108 = arith.cmpi eq, %iota3A, %eq3A_107 : vector<16xi32>
      %or3A = arith.ori %ne3A, %eq3A_108 : vector<16xi1>
      %ne3A_109 = arith.cmpi ne, %masked_sort3A_100, %gather3A_106 : vector<16xi32>
      %eq3A_110 = arith.constant 0 : i32
      %eq3A_111 = vector.broadcast %eq3A_110 : i32 to vector<16xi32>
      %eq3A_112 = arith.cmpi eq, %iota3A, %eq3A_111 : vector<16xi32>
      %or3A_113 = arith.ori %ne3A_109, %eq3A_112 : vector<16xi1>
      %broadcast_in_dim3A_114 = arith.constant true
      %broadcast_in_dim3A_115 = vector.broadcast %broadcast_in_dim3A_114 : i1 to vector<16xi1>
      %masked_cumsum3A = tpu.scan <sum>, %masked_sort3A_99 masked %broadcast_in_dim3A_115 : vector<16xf32>, vector<16xi1> -> vector<16xf32>
      %eq3A_116 = arith.constant 0 : i32
      %eq3A_117 = vector.broadcast %eq3A_116 : i32 to vector<16xi32>
      %eq3A_118 = arith.cmpi eq, %iota3A, %eq3A_117 : vector<16xi32>
      %broadcast_in_dim3A_119 = vector.shape_cast %max3A_8 : vector<16xi32> to vector<16x1xi32>
      %gather3A_120 = vector.shape_cast %broadcast_in_dim3A_119 : vector<16x1xi32> to vector<16xi32>
      %gather3A_121 = tpu.dynamic_gather %masked_cumsum3A[%gather3A_120] in [0] : vector<16xf32>, vector<16xi32> -> vector<16xf32>
      %jit3A = arith.constant 0.000000e+00 : f32
      %broadcast_in_dim3A_122 = vector.broadcast %jit3A : f32 to vector<16xf32>
      %select_n3A_123 = arith.select %eq3A_118, %broadcast_in_dim3A_122, %gather3A_121 : vector<16xi1>, vector<16xf32>
      tpu.vector_store_idx %arg13[%masked_sort3A_100], %masked_cumsum3A masked %or3A {add = true} : memref<10240xf32, #tpu.memory_space<vmem>>[vector<16xi32>], vector<16xf32>, vector<16xi1>
      %neg3A = arith.constant 0.000000e+00 : f32
      %neg3A_124 = vector.broadcast %neg3A : f32 to vector<16xf32>
      %neg3A_125 = arith.subf %neg3A_124, %select_n3A_123 : vector<16xf32>
      tpu.vector_store_idx %arg13[%masked_sort3A_100], %neg3A_125 masked %or3A_113 {add = true} : memref<10240xf32, #tpu.memory_space<vmem>>[vector<16xi32>], vector<16xf32>, vector<16xi1>
      %get3A_126 = arith.index_cast %scan3A_78 : i32 to index
      %get3A_127 = arith.constant 16 : index
      %get3A_128 = tpu.vector_load %arg10[%get3A_126, %get3A_127] {strides = array<i32>} : memref<40x128xi32, #tpu.memory_space<vmem>>, vector<16xi32>,
      %get3A_129 = arith.index_cast %scan3A_78 : i32 to index
      %get3A_130 = arith.constant 16 : index
      %get3A_131 = tpu.vector_load %arg11[%get3A_129, %get3A_130] {strides = array<i32>} : memref<40x128xi32, #tpu.memory_space<vmem>>, vector<16xi32>,
      %gather3A_132 = tpu.vector_load_idx %arg8[%get3A_128] : memref<10240xf32, #tpu.memory_space<vmem>>[vector<16xi32>], vector<16xf32>,
      %gather3A_133 = tpu.vector_load_idx %arg9[%get3A_131] : memref<10240xf32, #tpu.memory_space<vmem>>[vector<16xi32>], vector<16xf32>,
      %add3A_134 = arith.addf %gather3A_132, %gather3A_133 : vector<16xf32>
      %ge3A_135 = arith.constant 0.000000e+00 : f32
      %ge3A_136 = vector.broadcast %ge3A_135 : f32 to vector<16xf32>
      %ge3A_137 = arith.cmpf oge, %add3A_134, %ge3A_136 : vector<16xf32>
      %mul3A_138 = arith.constant 0.00999999977 : f32
      %mul3A_139 = vector.broadcast %mul3A_138 : f32 to vector<16xf32>
      %mul3A_140 = arith.mulf %add3A_134, %mul3A_139 : vector<16xf32>
      %select_n3A_141 = arith.select %ge3A_137, %add3A_134, %mul3A_140 : vector<16xi1>, vector<16xf32>
      %exp3A_142 = math.exp %select_n3A_141 : vector<16xf32>
      %swap3A_143 = arith.index_cast %scan3A_78 : i32 to index
      %swap3A_144 = arith.constant 16 : index
      %swap3A_145 = tpu.vector_load %arg12[%swap3A_143, %swap3A_144] {strides = array<i32>} : memref<40x128xf32, #tpu.memory_space<vmem>>, vector<16xf32>,
      tpu.vector_store %arg12[%swap3A_143, %swap3A_144], %exp3A_142 {strides = array<i32>} : memref<40x128xf32, #tpu.memory_space<vmem>>, vector<16xf32>,
      %masked_sort3A_146 = arith.constant dense<true> : vector<16xi1>
      %masked_sort3A_147 = arith.constant -2147483648 : i32
      %masked_sort3A_148 = vector.broadcast %masked_sort3A_147 : i32 to vector<16xi32>
      %masked_sort3A_149 = arith.xori %get3A_131, %masked_sort3A_148 : vector<16xi32>
      %masked_sort3A_150, %masked_sort3A_151, %masked_sort3A_152 = tpu.sort %masked_sort3A_149, %exp3A_142 masked %masked_sort3A_146 : (vector<16xi32>, vector<16xf32>, vector<16xi1>) -> (vector<16xi1>, vector<16xi32>, vector<16xf32>)
      %masked_sort3A_153 = arith.xori %masked_sort3A_151, %masked_sort3A_148 : vector<16xi32>
      %broadcast_in_dim3A_154 = vector.shape_cast %min3A_4 : vector<16xi32> to vector<16x1xi32>
      %gather3A_155 = vector.shape_cast %broadcast_in_dim3A_154 : vector<16x1xi32> to vector<16xi32>
      %gather3A_156 = tpu.dynamic_gather %masked_sort3A_153[%gather3A_155] in [0] : vector<16xi32>, vector<16xi32> -> vector<16xi32>
      %broadcast_in_dim3A_157 = vector.shape_cast %max3A_8 : vector<16xi32> to vector<16x1xi32>
      %gather3A_158 = vector.shape_cast %broadcast_in_dim3A_157 : vector<16x1xi32> to vector<16xi32>
      %gather3A_159 = tpu.dynamic_gather %masked_sort3A_153[%gather3A_158] in [0] : vector<16xi32>, vector<16xi32> -> vector<16xi32>
      %ne3A_160 = arith.cmpi ne, %masked_sort3A_153, %gather3A_156 : vector<16xi32>
      %eq3A_161 = arith.constant 15 : i32
      %eq3A_162 = vector.broadcast %eq3A_161 : i32 to vector<16xi32>
      %eq3A_163 = arith.cmpi eq, %iota3A, %eq3A_162 : vector<16xi32>
      %or3A_164 = arith.ori %ne3A_160, %eq3A_163 : vector<16xi1>
      %ne3A_165 = arith.cmpi ne, %masked_sort3A_153, %gather3A_159 : vector<16xi32>
      %eq3A_166 = arith.constant 0 : i32
      %eq3A_167 = vector.broadcast %eq3A_166 : i32 to vector<16xi32>
      %eq3A_168 = arith.cmpi eq, %iota3A, %eq3A_167 : vector<16xi32>
      %or3A_169 = arith.ori %ne3A_165, %eq3A_168 : vector<16xi1>
      %broadcast_in_dim3A_170 = arith.constant true
      %broadcast_in_dim3A_171 = vector.broadcast %broadcast_in_dim3A_170 : i1 to vector<16xi1>
      %masked_cumsum3A_172 = tpu.scan <sum>, %masked_sort3A_152 masked %broadcast_in_dim3A_171 : vector<16xf32>, vector<16xi1> -> vector<16xf32>
      %eq3A_173 = arith.constant 0 : i32
      %eq3A_174 = vector.broadcast %eq3A_173 : i32 to vector<16xi32>
      %eq3A_175 = arith.cmpi eq, %iota3A, %eq3A_174 : vector<16xi32>
      %broadcast_in_dim3A_176 = vector.shape_cast %max3A_8 : vector<16xi32> to vector<16x1xi32>
      %gather3A_177 = vector.shape_cast %broadcast_in_dim3A_176 : vector<16x1xi32> to vector<16xi32>
      %gather3A_178 = tpu.dynamic_gather %masked_cumsum3A_172[%gather3A_177] in [0] : vector<16xf32>, vector<16xi32> -> vector<16xf32>
      %jit3A_179 = arith.constant 0.000000e+00 : f32
      %broadcast_in_dim3A_180 = vector.broadcast %jit3A_179 : f32 to vector<16xf32>
      %select_n3A_181 = arith.select %eq3A_175, %broadcast_in_dim3A_180, %gather3A_178 : vector<16xi1>, vector<16xf32>
      tpu.vector_store_idx %arg13[%masked_sort3A_153], %masked_cumsum3A_172 masked %or3A_164 {add = true} : memref<10240xf32, #tpu.memory_space<vmem>>[vector<16xi32>], vector<16xf32>, vector<16xi1>
      %neg3A_182 = arith.constant 0.000000e+00 : f32
      %neg3A_183 = vector.broadcast %neg3A_182 : f32 to vector<16xf32>
      %neg3A_184 = arith.subf %neg3A_183, %select_n3A_181 : vector<16xf32>
      tpu.vector_store_idx %arg13[%masked_sort3A_153], %neg3A_184 masked %or3A_169 {add = true} : memref<10240xf32, #tpu.memory_space<vmem>>[vector<16xi32>], vector<16xf32>, vector<16xi1>
      %get3A_185 = arith.index_cast %scan3A_78 : i32 to index
      %get3A_186 = arith.constant 32 : index
      %get3A_187 = tpu.vector_load %arg10[%get3A_185, %get3A_186] {strides = array<i32>} : memref<40x128xi32, #tpu.memory_space<vmem>>, vector<16xi32>,
      %get3A_188 = arith.index_cast %scan3A_78 : i32 to index
      %get3A_189 = arith.constant 32 : index
      %get3A_190 = tpu.vector_load %arg11[%get3A_188, %get3A_189] {strides = array<i32>} : memref<40x128xi32, #tpu.memory_space<vmem>>, vector<16xi32>,
      %gather3A_191 = tpu.vector_load_idx %arg8[%get3A_187] : memref<10240xf32, #tpu.memory_space<vmem>>[vector<16xi32>], vector<16xf32>,
      %gather3A_192 = tpu.vector_load_idx %arg9[%get3A_190] : memref<10240xf32, #tpu.memory_space<vmem>>[vector<16xi32>], vector<16xf32>,
      %add3A_193 = arith.addf %gather3A_191, %gather3A_192 : vector<16xf32>
      %ge3A_194 = arith.constant 0.000000e+00 : f32
      %ge3A_195 = vector.broadcast %ge3A_194 : f32 to vector<16xf32>
      %ge3A_196 = arith.cmpf oge, %add3A_193, %ge3A_195 : vector<16xf32>
      %mul3A_197 = arith.constant 0.00999999977 : f32
      %mul3A_198 = vector.broadcast %mul3A_197 : f32 to vector<16xf32>
      %mul3A_199 = arith.mulf %add3A_193, %mul3A_198 : vector<16xf32>
      %select_n3A_200 = arith.select %ge3A_196, %add3A_193, %mul3A_199 : vector<16xi1>, vector<16xf32>
      %exp3A_201 = math.exp %select_n3A_200 : vector<16xf32>
      %swap3A_202 = arith.index_cast %scan3A_78 : i32 to index
      %swap3A_203 = arith.constant 32 : index
      %swap3A_204 = tpu.vector_load %arg12[%swap3A_202, %swap3A_203] {strides = array<i32>} : memref<40x128xf32, #tpu.memory_space<vmem>>, vector<16xf32>,
      tpu.vector_store %arg12[%swap3A_202, %swap3A_203], %exp3A_201 {strides = array<i32>} : memref<40x128xf32, #tpu.memory_space<vmem>>, vector<16xf32>,
      %masked_sort3A_205 = arith.constant dense<true> : vector<16xi1>
      %masked_sort3A_206 = arith.constant -2147483648 : i32
      %masked_sort3A_207 = vector.broadcast %masked_sort3A_206 : i32 to vector<16xi32>
      %masked_sort3A_208 = arith.xori %get3A_190, %masked_sort3A_207 : vector<16xi32>
      %masked_sort3A_209, %masked_sort3A_210, %masked_sort3A_211 = tpu.sort %masked_sort3A_208, %exp3A_201 masked %masked_sort3A_205 : (vector<16xi32>, vector<16xf32>, vector<16xi1>) -> (vector<16xi1>, vector<16xi32>, vector<16xf32>)
      %masked_sort3A_212 = arith.xori %masked_sort3A_210, %masked_sort3A_207 : vector<16xi32>
      %broadcast_in_dim3A_213 = vector.shape_cast %min3A_4 : vector<16xi32> to vector<16x1xi32>
      %gather3A_214 = vector.shape_cast %broadcast_in_dim3A_213 : vector<16x1xi32> to vector<16xi32>
      %gather3A_215 = tpu.dynamic_gather %masked_sort3A_212[%gather3A_214] in [0] : vector<16xi32>, vector<16xi32> -> vector<16xi32>
      %broadcast_in_dim3A_216 = vector.shape_cast %max3A_8 : vector<16xi32> to vector<16x1xi32>
      %gather3A_217 = vector.shape_cast %broadcast_in_dim3A_216 : vector<16x1xi32> to vector<16xi32>
      %gather3A_218 = tpu.dynamic_gather %masked_sort3A_212[%gather3A_217] in [0] : vector<16xi32>, vector<16xi32> -> vector<16xi32>
      %ne3A_219 = arith.cmpi ne, %masked_sort3A_212, %gather3A_215 : vector<16xi32>
      %eq3A_220 = arith.constant 15 : i32
      %eq3A_221 = vector.broadcast %eq3A_220 : i32 to vector<16xi32>
      %eq3A_222 = arith.cmpi eq, %iota3A, %eq3A_221 : vector<16xi32>
      %or3A_223 = arith.ori %ne3A_219, %eq3A_222 : vector<16xi1>
      %ne3A_224 = arith.cmpi ne, %masked_sort3A_212, %gather3A_218 : vector<16xi32>
      %eq3A_225 = arith.constant 0 : i32
      %eq3A_226 = vector.broadcast %eq3A_225 : i32 to vector<16xi32>
      %eq3A_227 = arith.cmpi eq, %iota3A, %eq3A_226 : vector<16xi32>
      %or3A_228 = arith.ori %ne3A_224, %eq3A_227 : vector<16xi1>
      %broadcast_in_dim3A_229 = arith.constant true
      %broadcast_in_dim3A_230 = vector.broadcast %broadcast_in_dim3A_229 : i1 to vector<16xi1>
      %masked_cumsum3A_231 = tpu.scan <sum>, %masked_sort3A_211 masked %broadcast_in_dim3A_230 : vector<16xf32>, vector<16xi1> -> vector<16xf32>
      %eq3A_232 = arith.constant 0 : i32
      %eq3A_233 = vector.broadcast %eq3A_232 : i32 to vector<16xi32>
      %eq3A_234 = arith.cmpi eq, %iota3A, %eq3A_233 : vector<16xi32>
      %broadcast_in_dim3A_235 = vector.shape_cast %max3A_8 : vector<16xi32> to vector<16x1xi32>
      %gather3A_236 = vector.shape_cast %broadcast_in_dim3A_235 : vector<16x1xi32> to vector<16xi32>
      %gather3A_237 = tpu.dynamic_gather %masked_cumsum3A_231[%gather3A_236] in [0] : vector<16xf32>, vector<16xi32> -> vector<16xf32>
      %jit3A_238 = arith.constant 0.000000e+00 : f32
      %broadcast_in_dim3A_239 = vector.broadcast %jit3A_238 : f32 to vector<16xf32>
      %select_n3A_240 = arith.select %eq3A_234, %broadcast_in_dim3A_239, %gather3A_237 : vector<16xi1>, vector<16xf32>
      tpu.vector_store_idx %arg13[%masked_sort3A_212], %masked_cumsum3A_231 masked %or3A_223 {add = true} : memref<10240xf32, #tpu.memory_space<vmem>>[vector<16xi32>], vector<16xf32>, vector<16xi1>
      %neg3A_241 = arith.constant 0.000000e+00 : f32
      %neg3A_242 = vector.broadcast %neg3A_241 : f32 to vector<16xf32>
      %neg3A_243 = arith.subf %neg3A_242, %select_n3A_240 : vector<16xf32>
      tpu.vector_store_idx %arg13[%masked_sort3A_212], %neg3A_243 masked %or3A_228 {add = true} : memref<10240xf32, #tpu.memory_space<vmem>>[vector<16xi32>], vector<16xf32>, vector<16xi1>
      %get3A_244 = arith.index_cast %scan3A_78 : i32 to index
      %get3A_245 = arith.constant 48 : index
      %get3A_246 = tpu.vector_load %arg10[%get3A_244, %get3A_245] {strides = array<i32>} : memref<40x128xi32, #tpu.memory_space<vmem>>, vector<16xi32>,
      %get3A_247 = arith.index_cast %scan3A_78 : i32 to index
      %get3A_248 = arith.constant 48 : index
      %get3A_249 = tpu.vector_load %arg11[%get3A_247, %get3A_248] {strides = array<i32>} : memref<40x128xi32, #tpu.memory_space<vmem>>, vector<16xi32>,
      %gather3A_250 = tpu.vector_load_idx %arg8[%get3A_246] : memref<10240xf32, #tpu.memory_space<vmem>>[vector<16xi32>], vector<16xf32>,
      %gather3A_251 = tpu.vector_load_idx %arg9[%get3A_249] : memref<10240xf32, #tpu.memory_space<vmem>>[vector<16xi32>], vector<16xf32>,
      %add3A_252 = arith.addf %gather3A_250, %gather3A_251 : vector<16xf32>
      %ge3A_253 = arith.constant 0.000000e+00 : f32
      %ge3A_254 = vector.broadcast %ge3A_253 : f32 to vector<16xf32>
      %ge3A_255 = arith.cmpf oge, %add3A_252, %ge3A_254 : vector<16xf32>
      %mul3A_256 = arith.constant 0.00999999977 : f32
      %mul3A_257 = vector.broadcast %mul3A_256 : f32 to vector<16xf32>
      %mul3A_258 = arith.mulf %add3A_252, %mul3A_257 : vector<16xf32>
      %select_n3A_259 = arith.select %ge3A_255, %add3A_252, %mul3A_258 : vector<16xi1>, vector<16xf32>
      %exp3A_260 = math.exp %select_n3A_259 : vector<16xf32>
      %swap3A_261 = arith.index_cast %scan3A_78 : i32 to index
      %swap3A_262 = arith.constant 48 : index
      %swap3A_263 = tpu.vector_load %arg12[%swap3A_261, %swap3A_262] {strides = array<i32>} : memref<40x128xf32, #tpu.memory_space<vmem>>, vector<16xf32>,
      tpu.vector_store %arg12[%swap3A_261, %swap3A_262], %exp3A_260 {strides = array<i32>} : memref<40x128xf32, #tpu.memory_space<vmem>>, vector<16xf32>,
      %masked_sort3A_264 = arith.constant dense<true> : vector<16xi1>
      %masked_sort3A_265 = arith.constant -2147483648 : i32
      %masked_sort3A_266 = vector.broadcast %masked_sort3A_265 : i32 to vector<16xi32>
      %masked_sort3A_267 = arith.xori %get3A_249, %masked_sort3A_266 : vector<16xi32>
      %masked_sort3A_268, %masked_sort3A_269, %masked_sort3A_270 = tpu.sort %masked_sort3A_267, %exp3A_260 masked %masked_sort3A_264 : (vector<16xi32>, vector<16xf32>, vector<16xi1>) -> (vector<16xi1>, vector<16xi32>, vector<16xf32>)
      %masked_sort3A_271 = arith.xori %masked_sort3A_269, %masked_sort3A_266 : vector<16xi32>
      %broadcast_in_dim3A_272 = vector.shape_cast %min3A_4 : vector<16xi32> to vector<16x1xi32>
      %gather3A_273 = vector.shape_cast %broadcast_in_dim3A_272 : vector<16x1xi32> to vector<16xi32>
      %gather3A_274 = tpu.dynamic_gather %masked_sort3A_271[%gather3A_273] in [0] : vector<16xi32>, vector<16xi32> -> vector<16xi32>
      %broadcast_in_dim3A_275 = vector.shape_cast %max3A_8 : vector<16xi32> to vector<16x1xi32>
      %gather3A_276 = vector.shape_cast %broadcast_in_dim3A_275 : vector<16x1xi32> to vector<16xi32>
      %gather3A_277 = tpu.dynamic_gather %masked_sort3A_271[%gather3A_276] in [0] : vector<16xi32>, vector<16xi32> -> vector<16xi32>
      %ne3A_278 = arith.cmpi ne, %masked_sort3A_271, %gather3A_274 : vector<16xi32>
      %eq3A_279 = arith.constant 15 : i32
      %eq3A_280 = vector.broadcast %eq3A_279 : i32 to vector<16xi32>
      %eq3A_281 = arith.cmpi eq, %iota3A, %eq3A_280 : vector<16xi32>
      %or3A_282 = arith.ori %ne3A_278, %eq3A_281 : vector<16xi1>
      %ne3A_283 = arith.cmpi ne, %masked_sort3A_271, %gather3A_277 : vector<16xi32>
      %eq3A_284 = arith.constant 0 : i32
      %eq3A_285 = vector.broadcast %eq3A_284 : i32 to vector<16xi32>
      %eq3A_286 = arith.cmpi eq, %iota3A, %eq3A_285 : vector<16xi32>
      %or3A_287 = arith.ori %ne3A_283, %eq3A_286 : vector<16xi1>
      %broadcast_in_dim3A_288 = arith.constant true
      %broadcast_in_dim3A_289 = vector.broadcast %broadcast_in_dim3A_288 : i1 to vector<16xi1>
      %masked_cumsum3A_290 = tpu.scan <sum>, %masked_sort3A_270 masked %broadcast_in_dim3A_289 : vector<16xf32>, vector<16xi1> -> vector<16xf32>
      %eq3A_291 = arith.constant 0 : i32
      %eq3A_292 = vector.broadcast %eq3A_291 : i32 to vector<16xi32>
      %eq3A_293 = arith.cmpi eq, %iota3A, %eq3A_292 : vector<16xi32>
      %broadcast_in_dim3A_294 = vector.shape_cast %max3A_8 : vector<16xi32> to vector<16x1xi32>
      %gather3A_295 = vector.shape_cast %broadcast_in_dim3A_294 : vector<16x1xi32> to vector<16xi32>
      %gather3A_296 = tpu.dynamic_gather %masked_cumsum3A_290[%gather3A_295] in [0] : vector<16xf32>, vector<16xi32> -> vector<16xf32>
      %jit3A_297 = arith.constant 0.000000e+00 : f32
      %broadcast_in_dim3A_298 = vector.broadcast %jit3A_297 : f32 to vector<16xf32>
      %select_n3A_299 = arith.select %eq3A_293, %broadcast_in_dim3A_298, %gather3A_296 : vector<16xi1>, vector<16xf32>
      tpu.vector_store_idx %arg13[%masked_sort3A_271], %masked_cumsum3A_290 masked %or3A_282 {add = true} : memref<10240xf32, #tpu.memory_space<vmem>>[vector<16xi32>], vector<16xf32>, vector<16xi1>
      %neg3A_300 = arith.constant 0.000000e+00 : f32
      %neg3A_301 = vector.broadcast %neg3A_300 : f32 to vector<16xf32>
      %neg3A_302 = arith.subf %neg3A_301, %select_n3A_299 : vector<16xf32>
      tpu.vector_store_idx %arg13[%masked_sort3A_271], %neg3A_302 masked %or3A_287 {add = true} : memref<10240xf32, #tpu.memory_space<vmem>>[vector<16xi32>], vector<16xf32>, vector<16xi1>
      %get3A_303 = arith.index_cast %scan3A_78 : i32 to index
      %get3A_304 = arith.constant 64 : index
      %get3A_305 = tpu.vector_load %arg10[%get3A_303, %get3A_304] {strides = array<i32>} : memref<40x128xi32, #tpu.memory_space<vmem>>, vector<16xi32>,
      %get3A_306 = arith.index_cast %scan3A_78 : i32 to index
      %get3A_307 = arith.constant 64 : index
      %get3A_308 = tpu.vector_load %arg11[%get3A_306, %get3A_307] {strides = array<i32>} : memref<40x128xi32, #tpu.memory_space<vmem>>, vector<16xi32>,
      %gather3A_309 = tpu.vector_load_idx %arg8[%get3A_305] : memref<10240xf32, #tpu.memory_space<vmem>>[vector<16xi32>], vector<16xf32>,
      %gather3A_310 = tpu.vector_load_idx %arg9[%get3A_308] : memref<10240xf32, #tpu.memory_space<vmem>>[vector<16xi32>], vector<16xf32>,
      %add3A_311 = arith.addf %gather3A_309, %gather3A_310 : vector<16xf32>
      %ge3A_312 = arith.constant 0.000000e+00 : f32
      %ge3A_313 = vector.broadcast %ge3A_312 : f32 to vector<16xf32>
      %ge3A_314 = arith.cmpf oge, %add3A_311, %ge3A_313 : vector<16xf32>
      %mul3A_315 = arith.constant 0.00999999977 : f32
      %mul3A_316 = vector.broadcast %mul3A_315 : f32 to vector<16xf32>
      %mul3A_317 = arith.mulf %add3A_311, %mul3A_316 : vector<16xf32>
      %select_n3A_318 = arith.select %ge3A_314, %add3A_311, %mul3A_317 : vector<16xi1>, vector<16xf32>
      %exp3A_319 = math.exp %select_n3A_318 : vector<16xf32>
      %swap3A_320 = arith.index_cast %scan3A_78 : i32 to index
      %swap3A_321 = arith.constant 64 : index
      %swap3A_322 = tpu.vector_load %arg12[%swap3A_320, %swap3A_321] {strides = array<i32>} : memref<40x128xf32, #tpu.memory_space<vmem>>, vector<16xf32>,
      tpu.vector_store %arg12[%swap3A_320, %swap3A_321], %exp3A_319 {strides = array<i32>} : memref<40x128xf32, #tpu.memory_space<vmem>>, vector<16xf32>,
      %masked_sort3A_323 = arith.constant dense<true> : vector<16xi1>
      %masked_sort3A_324 = arith.constant -2147483648 : i32
      %masked_sort3A_325 = vector.broadcast %masked_sort3A_324 : i32 to vector<16xi32>
      %masked_sort3A_326 = arith.xori %get3A_308, %masked_sort3A_325 : vector<16xi32>
      %masked_sort3A_327, %masked_sort3A_328, %masked_sort3A_329 = tpu.sort %masked_sort3A_326, %exp3A_319 masked %masked_sort3A_323 : (vector<16xi32>, vector<16xf32>, vector<16xi1>) -> (vector<16xi1>, vector<16xi32>, vector<16xf32>)
      %masked_sort3A_330 = arith.xori %masked_sort3A_328, %masked_sort3A_325 : vector<16xi32>
      %broadcast_in_dim3A_331 = vector.shape_cast %min3A_4 : vector<16xi32> to vector<16x1xi32>
      %gather3A_332 = vector.shape_cast %broadcast_in_dim3A_331 : vector<16x1xi32> to vector<16xi32>
      %gather3A_333 = tpu.dynamic_gather %masked_sort3A_330[%gather3A_332] in [0] : vector<16xi32>, vector<16xi32> -> vector<16xi32>
      %broadcast_in_dim3A_334 = vector.shape_cast %max3A_8 : vector<16xi32> to vector<16x1xi32>
      %gather3A_335 = vector.shape_cast %broadcast_in_dim3A_334 : vector<16x1xi32> to vector<16xi32>
      %gather3A_336 = tpu.dynamic_gather %masked_sort3A_330[%gather3A_335] in [0] : vector<16xi32>, vector<16xi32> -> vector<16xi32>
      %ne3A_337 = arith.cmpi ne, %masked_sort3A_330, %gather3A_333 : vector<16xi32>
      %eq3A_338 = arith.constant 15 : i32
      %eq3A_339 = vector.broadcast %eq3A_338 : i32 to vector<16xi32>
      %eq3A_340 = arith.cmpi eq, %iota3A, %eq3A_339 : vector<16xi32>
      %or3A_341 = arith.ori %ne3A_337, %eq3A_340 : vector<16xi1>
      %ne3A_342 = arith.cmpi ne, %masked_sort3A_330, %gather3A_336 : vector<16xi32>
      %eq3A_343 = arith.constant 0 : i32
      %eq3A_344 = vector.broadcast %eq3A_343 : i32 to vector<16xi32>
      %eq3A_345 = arith.cmpi eq, %iota3A, %eq3A_344 : vector<16xi32>
      %or3A_346 = arith.ori %ne3A_342, %eq3A_345 : vector<16xi1>
      %broadcast_in_dim3A_347 = arith.constant true
      %broadcast_in_dim3A_348 = vector.broadcast %broadcast_in_dim3A_347 : i1 to vector<16xi1>
      %masked_cumsum3A_349 = tpu.scan <sum>, %masked_sort3A_329 masked %broadcast_in_dim3A_348 : vector<16xf32>, vector<16xi1> -> vector<16xf32>
      %eq3A_350 = arith.constant 0 : i32
      %eq3A_351 = vector.broadcast %eq3A_350 : i32 to vector<16xi32>
      %eq3A_352 = arith.cmpi eq, %iota3A, %eq3A_351 : vector<16xi32>
      %broadcast_in_dim3A_353 = vector.shape_cast %max3A_8 : vector<16xi32> to vector<16x1xi32>
      %gather3A_354 = vector.shape_cast %broadcast_in_dim3A_353 : vector<16x1xi32> to vector<16xi32>
      %gather3A_355 = tpu.dynamic_gather %masked_cumsum3A_349[%gather3A_354] in [0] : vector<16xf32>, vector<16xi32> -> vector<16xf32>
      %jit3A_356 = arith.constant 0.000000e+00 : f32
      %broadcast_in_dim3A_357 = vector.broadcast %jit3A_356 : f32 to vector<16xf32>
      %select_n3A_358 = arith.select %eq3A_352, %broadcast_in_dim3A_357, %gather3A_355 : vector<16xi1>, vector<16xf32>
      tpu.vector_store_idx %arg13[%masked_sort3A_330], %masked_cumsum3A_349 masked %or3A_341 {add = true} : memref<10240xf32, #tpu.memory_space<vmem>>[vector<16xi32>], vector<16xf32>, vector<16xi1>
      %neg3A_359 = arith.constant 0.000000e+00 : f32
      %neg3A_360 = vector.broadcast %neg3A_359 : f32 to vector<16xf32>
      %neg3A_361 = arith.subf %neg3A_360, %select_n3A_358 : vector<16xf32>
      tpu.vector_store_idx %arg13[%masked_sort3A_330], %neg3A_361 masked %or3A_346 {add = true} : memref<10240xf32, #tpu.memory_space<vmem>>[vector<16xi32>], vector<16xf32>, vector<16xi1>
      %get3A_362 = arith.index_cast %scan3A_78 : i32 to index
      %get3A_363 = arith.constant 80 : index
      %get3A_364 = tpu.vector_load %arg10[%get3A_362, %get3A_363] {strides = array<i32>} : memref<40x128xi32, #tpu.memory_space<vmem>>, vector<16xi32>,
      %get3A_365 = arith.index_cast %scan3A_78 : i32 to index
      %get3A_366 = arith.constant 80 : index
      %get3A_367 = tpu.vector_load %arg11[%get3A_365, %get3A_366] {strides = array<i32>} : memref<40x128xi32, #tpu.memory_space<vmem>>, vector<16xi32>,
      %gather3A_368 = tpu.vector_load_idx %arg8[%get3A_364] : memref<10240xf32, #tpu.memory_space<vmem>>[vector<16xi32>], vector<16xf32>,
      %gather3A_369 = tpu.vector_load_idx %arg9[%get3A_367] : memref<10240xf32, #tpu.memory_space<vmem>>[vector<16xi32>], vector<16xf32>,
      %add3A_370 = arith.addf %gather3A_368, %gather3A_369 : vector<16xf32>
      %ge3A_371 = arith.constant 0.000000e+00 : f32
      %ge3A_372 = vector.broadcast %ge3A_371 : f32 to vector<16xf32>
      %ge3A_373 = arith.cmpf oge, %add3A_370, %ge3A_372 : vector<16xf32>
      %mul3A_374 = arith.constant 0.00999999977 : f32
      %mul3A_375 = vector.broadcast %mul3A_374 : f32 to vector<16xf32>
      %mul3A_376 = arith.mulf %add3A_370, %mul3A_375 : vector<16xf32>
      %select_n3A_377 = arith.select %ge3A_373, %add3A_370, %mul3A_376 : vector<16xi1>, vector<16xf32>
      %exp3A_378 = math.exp %select_n3A_377 : vector<16xf32>
      %swap3A_379 = arith.index_cast %scan3A_78 : i32 to index
      %swap3A_380 = arith.constant 80 : index
      %swap3A_381 = tpu.vector_load %arg12[%swap3A_379, %swap3A_380] {strides = array<i32>} : memref<40x128xf32, #tpu.memory_space<vmem>>, vector<16xf32>,
      tpu.vector_store %arg12[%swap3A_379, %swap3A_380], %exp3A_378 {strides = array<i32>} : memref<40x128xf32, #tpu.memory_space<vmem>>, vector<16xf32>,
      %masked_sort3A_382 = arith.constant dense<true> : vector<16xi1>
      %masked_sort3A_383 = arith.constant -2147483648 : i32
      %masked_sort3A_384 = vector.broadcast %masked_sort3A_383 : i32 to vector<16xi32>
      %masked_sort3A_385 = arith.xori %get3A_367, %masked_sort3A_384 : vector<16xi32>
      %masked_sort3A_386, %masked_sort3A_387, %masked_sort3A_388 = tpu.sort %masked_sort3A_385, %exp3A_378 masked %masked_sort3A_382 : (vector<16xi32>, vector<16xf32>, vector<16xi1>) -> (vector<16xi1>, vector<16xi32>, vector<16xf32>)
      %masked_sort3A_389 = arith.xori %masked_sort3A_387, %masked_sort3A_384 : vector<16xi32>
      %broadcast_in_dim3A_390 = vector.shape_cast %min3A_4 : vector<16xi32> to vector<16x1xi32>
      %gather3A_391 = vector.shape_cast %broadcast_in_dim3A_390 : vector<16x1xi32> to vector<16xi32>
      %gather3A_392 = tpu.dynamic_gather %masked_sort3A_389[%gather3A_391] in [0] : vector<16xi32>, vector<16xi32> -> vector<16xi32>
      %broadcast_in_dim3A_393 = vector.shape_cast %max3A_8 : vector<16xi32> to vector<16x1xi32>
      %gather3A_394 = vector.shape_cast %broadcast_in_dim3A_393 : vector<16x1xi32> to vector<16xi32>
      %gather3A_395 = tpu.dynamic_gather %masked_sort3A_389[%gather3A_394] in [0] : vector<16xi32>, vector<16xi32> -> vector<16xi32>
      %ne3A_396 = arith.cmpi ne, %masked_sort3A_389, %gather3A_392 : vector<16xi32>
      %eq3A_397 = arith.constant 15 : i32
      %eq3A_398 = vector.broadcast %eq3A_397 : i32 to vector<16xi32>
      %eq3A_399 = arith.cmpi eq, %iota3A, %eq3A_398 : vector<16xi32>
      %or3A_400 = arith.ori %ne3A_396, %eq3A_399 : vector<16xi1>
      %ne3A_401 = arith.cmpi ne, %masked_sort3A_389, %gather3A_395 : vector<16xi32>
      %eq3A_402 = arith.constant 0 : i32
      %eq3A_403 = vector.broadcast %eq3A_402 : i32 to vector<16xi32>
      %eq3A_404 = arith.cmpi eq, %iota3A, %eq3A_403 : vector<16xi32>
      %or3A_405 = arith.ori %ne3A_401, %eq3A_404 : vector<16xi1>
      %broadcast_in_dim3A_406 = arith.constant true
      %broadcast_in_dim3A_407 = vector.broadcast %broadcast_in_dim3A_406 : i1 to vector<16xi1>
      %masked_cumsum3A_408 = tpu.scan <sum>, %masked_sort3A_388 masked %broadcast_in_dim3A_407 : vector<16xf32>, vector<16xi1> -> vector<16xf32>
      %eq3A_409 = arith.constant 0 : i32
      %eq3A_410 = vector.broadcast %eq3A_409 : i32 to vector<16xi32>
      %eq3A_411 = arith.cmpi eq, %iota3A, %eq3A_410 : vector<16xi32>
      %broadcast_in_dim3A_412 = vector.shape_cast %max3A_8 : vector<16xi32> to vector<16x1xi32>
      %gather3A_413 = vector.shape_cast %broadcast_in_dim3A_412 : vector<16x1xi32> to vector<16xi32>
      %gather3A_414 = tpu.dynamic_gather %masked_cumsum3A_408[%gather3A_413] in [0] : vector<16xf32>, vector<16xi32> -> vector<16xf32>
      %jit3A_415 = arith.constant 0.000000e+00 : f32
      %broadcast_in_dim3A_416 = vector.broadcast %jit3A_415 : f32 to vector<16xf32>
      %select_n3A_417 = arith.select %eq3A_411, %broadcast_in_dim3A_416, %gather3A_414 : vector<16xi1>, vector<16xf32>
      tpu.vector_store_idx %arg13[%masked_sort3A_389], %masked_cumsum3A_408 masked %or3A_400 {add = true} : memref<10240xf32, #tpu.memory_space<vmem>>[vector<16xi32>], vector<16xf32>, vector<16xi1>
      %neg3A_418 = arith.constant 0.000000e+00 : f32
      %neg3A_419 = vector.broadcast %neg3A_418 : f32 to vector<16xf32>
      %neg3A_420 = arith.subf %neg3A_419, %select_n3A_417 : vector<16xf32>
      tpu.vector_store_idx %arg13[%masked_sort3A_389], %neg3A_420 masked %or3A_405 {add = true} : memref<10240xf32, #tpu.memory_space<vmem>>[vector<16xi32>], vector<16xf32>, vector<16xi1>
      %get3A_421 = arith.index_cast %scan3A_78 : i32 to index
      %get3A_422 = arith.constant 96 : index
      %get3A_423 = tpu.vector_load %arg10[%get3A_421, %get3A_422] {strides = array<i32>} : memref<40x128xi32, #tpu.memory_space<vmem>>, vector<16xi32>,
      %get3A_424 = arith.index_cast %scan3A_78 : i32 to index
      %get3A_425 = arith.constant 96 : index
      %get3A_426 = tpu.vector_load %arg11[%get3A_424, %get3A_425] {strides = array<i32>} : memref<40x128xi32, #tpu.memory_space<vmem>>, vector<16xi32>,
      %gather3A_427 = tpu.vector_load_idx %arg8[%get3A_423] : memref<10240xf32, #tpu.memory_space<vmem>>[vector<16xi32>], vector<16xf32>,
      %gather3A_428 = tpu.vector_load_idx %arg9[%get3A_426] : memref<10240xf32, #tpu.memory_space<vmem>>[vector<16xi32>], vector<16xf32>,
      %add3A_429 = arith.addf %gather3A_427, %gather3A_428 : vector<16xf32>
      %ge3A_430 = arith.constant 0.000000e+00 : f32
      %ge3A_431 = vector.broadcast %ge3A_430 : f32 to vector<16xf32>
      %ge3A_432 = arith.cmpf oge, %add3A_429, %ge3A_431 : vector<16xf32>
      %mul3A_433 = arith.constant 0.00999999977 : f32
      %mul3A_434 = vector.broadcast %mul3A_433 : f32 to vector<16xf32>
      %mul3A_435 = arith.mulf %add3A_429, %mul3A_434 : vector<16xf32>
      %select_n3A_436 = arith.select %ge3A_432, %add3A_429, %mul3A_435 : vector<16xi1>, vector<16xf32>
      %exp3A_437 = math.exp %select_n3A_436 : vector<16xf32>
      %swap3A_438 = arith.index_cast %scan3A_78 : i32 to index
      %swap3A_439 = arith.constant 96 : index
      %swap3A_440 = tpu.vector_load %arg12[%swap3A_438, %swap3A_439] {strides = array<i32>} : memref<40x128xf32, #tpu.memory_space<vmem>>, vector<16xf32>,
      tpu.vector_store %arg12[%swap3A_438, %swap3A_439], %exp3A_437 {strides = array<i32>} : memref<40x128xf32, #tpu.memory_space<vmem>>, vector<16xf32>,
      %masked_sort3A_441 = arith.constant dense<true> : vector<16xi1>
      %masked_sort3A_442 = arith.constant -2147483648 : i32
      %masked_sort3A_443 = vector.broadcast %masked_sort3A_442 : i32 to vector<16xi32>
      %masked_sort3A_444 = arith.xori %get3A_426, %masked_sort3A_443 : vector<16xi32>
      %masked_sort3A_445, %masked_sort3A_446, %masked_sort3A_447 = tpu.sort %masked_sort3A_444, %exp3A_437 masked %masked_sort3A_441 : (vector<16xi32>, vector<16xf32>, vector<16xi1>) -> (vector<16xi1>, vector<16xi32>, vector<16xf32>)
      %masked_sort3A_448 = arith.xori %masked_sort3A_446, %masked_sort3A_443 : vector<16xi32>
      %broadcast_in_dim3A_449 = vector.shape_cast %min3A_4 : vector<16xi32> to vector<16x1xi32>
      %gather3A_450 = vector.shape_cast %broadcast_in_dim3A_449 : vector<16x1xi32> to vector<16xi32>
      %gather3A_451 = tpu.dynamic_gather %masked_sort3A_448[%gather3A_450] in [0] : vector<16xi32>, vector<16xi32> -> vector<16xi32>
      %broadcast_in_dim3A_452 = vector.shape_cast %max3A_8 : vector<16xi32> to vector<16x1xi32>
      %gather3A_453 = vector.shape_cast %broadcast_in_dim3A_452 : vector<16x1xi32> to vector<16xi32>
      %gather3A_454 = tpu.dynamic_gather %masked_sort3A_448[%gather3A_453] in [0] : vector<16xi32>, vector<16xi32> -> vector<16xi32>
      %ne3A_455 = arith.cmpi ne, %masked_sort3A_448, %gather3A_451 : vector<16xi32>
      %eq3A_456 = arith.constant 15 : i32
      %eq3A_457 = vector.broadcast %eq3A_456 : i32 to vector<16xi32>
      %eq3A_458 = arith.cmpi eq, %iota3A, %eq3A_457 : vector<16xi32>
      %or3A_459 = arith.ori %ne3A_455, %eq3A_458 : vector<16xi1>
      %ne3A_460 = arith.cmpi ne, %masked_sort3A_448, %gather3A_454 : vector<16xi32>
      %eq3A_461 = arith.constant 0 : i32
      %eq3A_462 = vector.broadcast %eq3A_461 : i32 to vector<16xi32>
      %eq3A_463 = arith.cmpi eq, %iota3A, %eq3A_462 : vector<16xi32>
      %or3A_464 = arith.ori %ne3A_460, %eq3A_463 : vector<16xi1>
      %broadcast_in_dim3A_465 = arith.constant true
      %broadcast_in_dim3A_466 = vector.broadcast %broadcast_in_dim3A_465 : i1 to vector<16xi1>
      %masked_cumsum3A_467 = tpu.scan <sum>, %masked_sort3A_447 masked %broadcast_in_dim3A_466 : vector<16xf32>, vector<16xi1> -> vector<16xf32>
      %eq3A_468 = arith.constant 0 : i32
      %eq3A_469 = vector.broadcast %eq3A_468 : i32 to vector<16xi32>
      %eq3A_470 = arith.cmpi eq, %iota3A, %eq3A_469 : vector<16xi32>
      %broadcast_in_dim3A_471 = vector.shape_cast %max3A_8 : vector<16xi32> to vector<16x1xi32>
      %gather3A_472 = vector.shape_cast %broadcast_in_dim3A_471 : vector<16x1xi32> to vector<16xi32>
      %gather3A_473 = tpu.dynamic_gather %masked_cumsum3A_467[%gather3A_472] in [0] : vector<16xf32>, vector<16xi32> -> vector<16xf32>
      %jit3A_474 = arith.constant 0.000000e+00 : f32
      %broadcast_in_dim3A_475 = vector.broadcast %jit3A_474 : f32 to vector<16xf32>
      %select_n3A_476 = arith.select %eq3A_470, %broadcast_in_dim3A_475, %gather3A_473 : vector<16xi1>, vector<16xf32>
      tpu.vector_store_idx %arg13[%masked_sort3A_448], %masked_cumsum3A_467 masked %or3A_459 {add = true} : memref<10240xf32, #tpu.memory_space<vmem>>[vector<16xi32>], vector<16xf32>, vector<16xi1>
      %neg3A_477 = arith.constant 0.000000e+00 : f32
      %neg3A_478 = vector.broadcast %neg3A_477 : f32 to vector<16xf32>
      %neg3A_479 = arith.subf %neg3A_478, %select_n3A_476 : vector<16xf32>
      tpu.vector_store_idx %arg13[%masked_sort3A_448], %neg3A_479 masked %or3A_464 {add = true} : memref<10240xf32, #tpu.memory_space<vmem>>[vector<16xi32>], vector<16xf32>, vector<16xi1>
      %get3A_480 = arith.index_cast %scan3A_78 : i32 to index
      %get3A_481 = arith.constant 112 : index
      %get3A_482 = tpu.vector_load %arg10[%get3A_480, %get3A_481] {strides = array<i32>} : memref<40x128xi32, #tpu.memory_space<vmem>>, vector<16xi32>,
      %get3A_483 = arith.index_cast %scan3A_78 : i32 to index
      %get3A_484 = arith.constant 112 : index
      %get3A_485 = tpu.vector_load %arg11[%get3A_483, %get3A_484] {strides = array<i32>} : memref<40x128xi32, #tpu.memory_space<vmem>>, vector<16xi32>,
      %gather3A_486 = tpu.vector_load_idx %arg8[%get3A_482] : memref<10240xf32, #tpu.memory_space<vmem>>[vector<16xi32>], vector<16xf32>,
      %gather3A_487 = tpu.vector_load_idx %arg9[%get3A_485] : memref<10240xf32, #tpu.memory_space<vmem>>[vector<16xi32>], vector<16xf32>,
      %add3A_488 = arith.addf %gather3A_486, %gather3A_487 : vector<16xf32>
      %ge3A_489 = arith.constant 0.000000e+00 : f32
      %ge3A_490 = vector.broadcast %ge3A_489 : f32 to vector<16xf32>
      %ge3A_491 = arith.cmpf oge, %add3A_488, %ge3A_490 : vector<16xf32>
      %mul3A_492 = arith.constant 0.00999999977 : f32
      %mul3A_493 = vector.broadcast %mul3A_492 : f32 to vector<16xf32>
      %mul3A_494 = arith.mulf %add3A_488, %mul3A_493 : vector<16xf32>
      %select_n3A_495 = arith.select %ge3A_491, %add3A_488, %mul3A_494 : vector<16xi1>, vector<16xf32>
      %exp3A_496 = math.exp %select_n3A_495 : vector<16xf32>
      %swap3A_497 = arith.index_cast %scan3A_78 : i32 to index
      %swap3A_498 = arith.constant 112 : index
      %swap3A_499 = tpu.vector_load %arg12[%swap3A_497, %swap3A_498] {strides = array<i32>} : memref<40x128xf32, #tpu.memory_space<vmem>>, vector<16xf32>,
      tpu.vector_store %arg12[%swap3A_497, %swap3A_498], %exp3A_496 {strides = array<i32>} : memref<40x128xf32, #tpu.memory_space<vmem>>, vector<16xf32>,
      %masked_sort3A_500 = arith.constant dense<true> : vector<16xi1>
      %masked_sort3A_501 = arith.constant -2147483648 : i32
      %masked_sort3A_502 = vector.broadcast %masked_sort3A_501 : i32 to vector<16xi32>
      %masked_sort3A_503 = arith.xori %get3A_485, %masked_sort3A_502 : vector<16xi32>
      %masked_sort3A_504, %masked_sort3A_505, %masked_sort3A_506 = tpu.sort %masked_sort3A_503, %exp3A_496 masked %masked_sort3A_500 : (vector<16xi32>, vector<16xf32>, vector<16xi1>) -> (vector<16xi1>, vector<16xi32>, vector<16xf32>)
      %masked_sort3A_507 = arith.xori %masked_sort3A_505, %masked_sort3A_502 : vector<16xi32>
      %broadcast_in_dim3A_508 = vector.shape_cast %min3A_4 : vector<16xi32> to vector<16x1xi32>
      %gather3A_509 = vector.shape_cast %broadcast_in_dim3A_508 : vector<16x1xi32> to vector<16xi32>
      %gather3A_510 = tpu.dynamic_gather %masked_sort3A_507[%gather3A_509] in [0] : vector<16xi32>, vector<16xi32> -> vector<16xi32>
      %broadcast_in_dim3A_511 = vector.shape_cast %max3A_8 : vector<16xi32> to vector<16x1xi32>
      %gather3A_512 = vector.shape_cast %broadcast_in_dim3A_511 : vector<16x1xi32> to vector<16xi32>
      %gather3A_513 = tpu.dynamic_gather %masked_sort3A_507[%gather3A_512] in [0] : vector<16xi32>, vector<16xi32> -> vector<16xi32>
      %ne3A_514 = arith.cmpi ne, %masked_sort3A_507, %gather3A_510 : vector<16xi32>
      %eq3A_515 = arith.constant 15 : i32
      %eq3A_516 = vector.broadcast %eq3A_515 : i32 to vector<16xi32>
      %eq3A_517 = arith.cmpi eq, %iota3A, %eq3A_516 : vector<16xi32>
      %or3A_518 = arith.ori %ne3A_514, %eq3A_517 : vector<16xi1>
      %ne3A_519 = arith.cmpi ne, %masked_sort3A_507, %gather3A_513 : vector<16xi32>
      %eq3A_520 = arith.constant 0 : i32
      %eq3A_521 = vector.broadcast %eq3A_520 : i32 to vector<16xi32>
      %eq3A_522 = arith.cmpi eq, %iota3A, %eq3A_521 : vector<16xi32>
      %or3A_523 = arith.ori %ne3A_519, %eq3A_522 : vector<16xi1>
      %broadcast_in_dim3A_524 = arith.constant true
      %broadcast_in_dim3A_525 = vector.broadcast %broadcast_in_dim3A_524 : i1 to vector<16xi1>
      %masked_cumsum3A_526 = tpu.scan <sum>, %masked_sort3A_506 masked %broadcast_in_dim3A_525 : vector<16xf32>, vector<16xi1> -> vector<16xf32>
      %eq3A_527 = arith.constant 0 : i32
      %eq3A_528 = vector.broadcast %eq3A_527 : i32 to vector<16xi32>
      %eq3A_529 = arith.cmpi eq, %iota3A, %eq3A_528 : vector<16xi32>
      %broadcast_in_dim3A_530 = vector.shape_cast %max3A_8 : vector<16xi32> to vector<16x1xi32>
      %gather3A_531 = vector.shape_cast %broadcast_in_dim3A_530 : vector<16x1xi32> to vector<16xi32>
      %gather3A_532 = tpu.dynamic_gather %masked_cumsum3A_526[%gather3A_531] in [0] : vector<16xf32>, vector<16xi32> -> vector<16xf32>
      %jit3A_533 = arith.constant 0.000000e+00 : f32
      %broadcast_in_dim3A_534 = vector.broadcast %jit3A_533 : f32 to vector<16xf32>
      %select_n3A_535 = arith.select %eq3A_529, %broadcast_in_dim3A_534, %gather3A_532 : vector<16xi1>, vector<16xf32>
      tpu.vector_store_idx %arg13[%masked_sort3A_507], %masked_cumsum3A_526 masked %or3A_518 {add = true} : memref<10240xf32, #tpu.memory_space<vmem>>[vector<16xi32>], vector<16xf32>, vector<16xi1>
      %neg3A_536 = arith.constant 0.000000e+00 : f32
      %neg3A_537 = vector.broadcast %neg3A_536 : f32 to vector<16xf32>
      %neg3A_538 = arith.subf %neg3A_537, %select_n3A_535 : vector<16xf32>
      tpu.vector_store_idx %arg13[%masked_sort3A_507], %neg3A_538 masked %or3A_523 {add = true} : memref<10240xf32, #tpu.memory_space<vmem>>[vector<16xi32>], vector<16xf32>, vector<16xi1>
      %scan3A_539 = arith.constant 0 : i32
      scf.yield %scan3A_539 : i32
    }
    %scan3A_22 = arith.constant 40 : i32
    %add3A_23 = arith.constant 0 : i32
    %add3A_24 = arith.addi %add3A_23, %arg0 : i32
    %mul3A = arith.constant 16 : i32
    %mul3A_25 = arith.muli %add3A_24, %mul3A : i32
    %add3A_26 = arith.addi %mul3A_25, %arg1 : i32
    %run_scoped3A_27 = arith.constant 0 : i32
    "tpu.region"() ({
      %run_scoped3A_78 = tpu.sem_alloc : memref<!tpu.dma_semaphore, #tpu.memory_space<semaphore_mem>>
      %dma_start3A = arith.constant 0 : i32
      %dma_start3A_79 = arith.constant 0 : i32
      %dma_start3A_80 = tpu.memref_slice %arg6[%run_scoped3A_27, %arg0, %arg1, %dma_start3A, %dma_start3A_79] : memref<3x2x16x40x128xf32, #tpu.memory_space<hbm>> -> memref<1x1x1x40x128xf32, #tpu.memory_space<hbm>>
      %dma_start3A_81 = tpu.memref_squeeze %dma_start3A_80 : memref<1x1x1x40x128xf32, #tpu.memory_space<hbm>> -> memref<40x128xf32, #tpu.memory_space<hbm>>
      %dma_start3A_82 = arith.constant 0 : i32
      %dma_start3A_83 = arith.constant 0 : i32
      %dma_start3A_84 = tpu.memref_slice %arg6[%run_scoped3A_27, %arg0, %arg1, %dma_start3A_82, %dma_start3A_83] : memref<3x2x16x40x128xf32, #tpu.memory_space<hbm>> -> memref<1x1x1x40x128xf32, #tpu.memory_space<hbm>>
      %dma_start3A_85 = tpu.memref_squeeze %dma_start3A_84 : memref<1x1x1x40x128xf32, #tpu.memory_space<hbm>> -> memref<40x128xf32, #tpu.memory_space<hbm>>
      tpu.enqueue_dma source(%arg12 : memref<40x128xf32, #tpu.memory_space<vmem>>) target(%dma_start3A_85 : memref<40x128xf32, #tpu.memory_space<hbm>>) target_semaphore(%run_scoped3A_78 : memref<!tpu.dma_semaphore, #tpu.memory_space<semaphore_mem>>)
      %dma_wait3A = arith.constant 0 : i32
      %dma_wait3A_86 = arith.constant 0 : i32
      %dma_wait3A_87 = tpu.memref_slice %arg6[%run_scoped3A_27, %arg0, %arg1, %dma_wait3A, %dma_wait3A_86] : memref<3x2x16x40x128xf32, #tpu.memory_space<hbm>> -> memref<1x1x1x40x128xf32, #tpu.memory_space<hbm>>
      %dma_wait3A_88 = tpu.memref_squeeze %dma_wait3A_87 : memref<1x1x1x40x128xf32, #tpu.memory_space<hbm>> -> memref<40x128xf32, #tpu.memory_space<hbm>>
      %dma_wait3A_89 = arith.constant 0 : i32
      %dma_wait3A_90 = arith.constant 0 : i32
      %dma_wait3A_91 = tpu.memref_slice %arg6[%run_scoped3A_27, %arg0, %arg1, %dma_wait3A_89, %dma_wait3A_90] : memref<3x2x16x40x128xf32, #tpu.memory_space<hbm>> -> memref<1x1x1x40x128xf32, #tpu.memory_space<hbm>>
      %dma_wait3A_92 = tpu.memref_squeeze %dma_wait3A_91 : memref<1x1x1x40x128xf32, #tpu.memory_space<hbm>> -> memref<40x128xf32, #tpu.memory_space<hbm>>
      tpu.wait_dma2 semaphore(%run_scoped3A_78 : memref<!tpu.dma_semaphore, #tpu.memory_space<semaphore_mem>>) src(%arg12 : memref<40x128xf32, #tpu.memory_space<vmem>>) dst(%dma_wait3A_92 : memref<40x128xf32, #tpu.memory_space<hbm>>)
      tpu.yield
    }) : () -> ()
    %mul3A_28 = arith.constant 10240 : i32
    %mul3A_29 = arith.muli %add3A_26, %mul3A_28 : i32
    "tpu.region"() ({
      %run_scoped3A_78 = tpu.sem_alloc : memref<!tpu.dma_semaphore, #tpu.memory_space<semaphore_mem>>
      %dma_start3A = tpu.memref_slice %arg7[%mul3A_29] : memref<983040xf32, #tpu.memory_space<hbm>> -> memref<10240xf32, #tpu.memory_space<hbm>>
      %dma_start3A_79 = tpu.memref_slice %arg7[%mul3A_29] : memref<983040xf32, #tpu.memory_space<hbm>> -> memref<10240xf32, #tpu.memory_space<hbm>>
      tpu.enqueue_dma source(%arg13 : memref<10240xf32, #tpu.memory_space<vmem>>) target(%dma_start3A_79 : memref<10240xf32, #tpu.memory_space<hbm>>) target_semaphore(%run_scoped3A_78 : memref<!tpu.dma_semaphore, #tpu.memory_space<semaphore_mem>>)
      %dma_wait3A = tpu.memref_slice %arg7[%mul3A_29] : memref<983040xf32, #tpu.memory_space<hbm>> -> memref<10240xf32, #tpu.memory_space<hbm>>
      %dma_wait3A_80 = tpu.memref_slice %arg7[%mul3A_29] : memref<983040xf32, #tpu.memory_space<hbm>> -> memref<10240xf32, #tpu.memory_space<hbm>>
      tpu.wait_dma2 semaphore(%run_scoped3A_78 : memref<!tpu.dma_semaphore, #tpu.memory_space<semaphore_mem>>) src(%arg13 : memref<10240xf32, #tpu.memory_space<vmem>>) dst(%dma_wait3A_80 : memref<10240xf32, #tpu.memory_space<hbm>>)
      tpu.yield
    }) : () -> ()
    "tpu.region"() ({
      %run_scoped3A_78 = tpu.sem_alloc : memref<!tpu.dma_semaphore, #tpu.memory_space<semaphore_mem>>
      %dma_start3A = arith.constant 10240 : i32
      %dma_start3A_79 = tpu.memref_slice %arg2[%dma_start3A] : memref<30720xf32, #tpu.memory_space<hbm>> -> memref<10240xf32, #tpu.memory_space<hbm>>
      %dma_start3A_80 = arith.constant 10240 : i32
      %dma_start3A_81 = tpu.memref_slice %arg2[%dma_start3A_80] : memref<30720xf32, #tpu.memory_space<hbm>> -> memref<10240xf32, #tpu.memory_space<hbm>>
      tpu.enqueue_dma source(%dma_start3A_81 : memref<10240xf32, #tpu.memory_space<hbm>>) target(%arg8 : memref<10240xf32, #tpu.memory_space<vmem>>) target_semaphore(%run_scoped3A_78 : memref<!tpu.dma_semaphore, #tpu.memory_space<semaphore_mem>>)
      %dma_wait3A = arith.constant 10240 : i32
      %dma_wait3A_82 = tpu.memref_slice %arg2[%dma_wait3A] : memref<30720xf32, #tpu.memory_space<hbm>> -> memref<10240xf32, #tpu.memory_space<hbm>>
      %dma_wait3A_83 = arith.constant 10240 : i32
      %dma_wait3A_84 = tpu.memref_slice %arg2[%dma_wait3A_83] : memref<30720xf32, #tpu.memory_space<hbm>> -> memref<10240xf32, #tpu.memory_space<hbm>>
      tpu.wait_dma2 semaphore(%run_scoped3A_78 : memref<!tpu.dma_semaphore, #tpu.memory_space<semaphore_mem>>) src(%dma_wait3A_84 : memref<10240xf32, #tpu.memory_space<hbm>>) dst(%arg8 : memref<10240xf32, #tpu.memory_space<vmem>>)
      tpu.yield
    }) : () -> ()
    "tpu.region"() ({
      %run_scoped3A_78 = tpu.sem_alloc : memref<!tpu.dma_semaphore, #tpu.memory_space<semaphore_mem>>
      %dma_start3A = arith.constant 10240 : i32
      %dma_start3A_79 = tpu.memref_slice %arg3[%dma_start3A] : memref<30720xf32, #tpu.memory_space<hbm>> -> memref<10240xf32, #tpu.memory_space<hbm>>
      %dma_start3A_80 = arith.constant 10240 : i32
      %dma_start3A_81 = tpu.memref_slice %arg3[%dma_start3A_80] : memref<30720xf32, #tpu.memory_space<hbm>> -> memref<10240xf32, #tpu.memory_space<hbm>>
      tpu.enqueue_dma source(%dma_start3A_81 : memref<10240xf32, #tpu.memory_space<hbm>>) target(%arg9 : memref<10240xf32, #tpu.memory_space<vmem>>) target_semaphore(%run_scoped3A_78 : memref<!tpu.dma_semaphore, #tpu.memory_space<semaphore_mem>>)
      %dma_wait3A = arith.constant 10240 : i32
      %dma_wait3A_82 = tpu.memref_slice %arg3[%dma_wait3A] : memref<30720xf32, #tpu.memory_space<hbm>> -> memref<10240xf32, #tpu.memory_space<hbm>>
      %dma_wait3A_83 = arith.constant 10240 : i32
      %dma_wait3A_84 = tpu.memref_slice %arg3[%dma_wait3A_83] : memref<30720xf32, #tpu.memory_space<hbm>> -> memref<10240xf32, #tpu.memory_space<hbm>>
      tpu.wait_dma2 semaphore(%run_scoped3A_78 : memref<!tpu.dma_semaphore, #tpu.memory_space<semaphore_mem>>) src(%dma_wait3A_84 : memref<10240xf32, #tpu.memory_space<hbm>>) dst(%arg9 : memref<10240xf32, #tpu.memory_space<vmem>>)
      tpu.yield
    }) : () -> ()
    %run_scoped3A_30 = arith.constant 1 : i32
    "tpu.region"() ({
      %run_scoped3A_78 = tpu.sem_alloc : memref<!tpu.dma_semaphore, #tpu.memory_space<semaphore_mem>>
      %dma_start3A = arith.constant 0 : i32
      %dma_start3A_79 = arith.constant 0 : i32
      %dma_start3A_80 = tpu.memref_slice %arg4[%run_scoped3A_30, %arg0, %arg1, %dma_start3A, %dma_start3A_79] : memref<3x2x16x40x128xi32, #tpu.memory_space<hbm>> -> memref<1x1x1x40x128xi32, #tpu.memory_space<hbm>>
      %dma_start3A_81 = tpu.memref_squeeze %dma_start3A_80 : memref<1x1x1x40x128xi32, #tpu.memory_space<hbm>> -> memref<40x128xi32, #tpu.memory_space<hbm>>
      %dma_start3A_82 = arith.constant 0 : i32
      %dma_start3A_83 = arith.constant 0 : i32
      %dma_start3A_84 = tpu.memref_slice %arg4[%run_scoped3A_30, %arg0, %arg1, %dma_start3A_82, %dma_start3A_83] : memref<3x2x16x40x128xi32, #tpu.memory_space<hbm>> -> memref<1x1x1x40x128xi32, #tpu.memory_space<hbm>>
      %dma_start3A_85 = tpu.memref_squeeze %dma_start3A_84 : memref<1x1x1x40x128xi32, #tpu.memory_space<hbm>> -> memref<40x128xi32, #tpu.memory_space<hbm>>
      tpu.enqueue_dma source(%dma_start3A_85 : memref<40x128xi32, #tpu.memory_space<hbm>>) target(%arg10 : memref<40x128xi32, #tpu.memory_space<vmem>>) target_semaphore(%run_scoped3A_78 : memref<!tpu.dma_semaphore, #tpu.memory_space<semaphore_mem>>)
      %dma_wait3A = arith.constant 0 : i32
      %dma_wait3A_86 = arith.constant 0 : i32
      %dma_wait3A_87 = tpu.memref_slice %arg4[%run_scoped3A_30, %arg0, %arg1, %dma_wait3A, %dma_wait3A_86] : memref<3x2x16x40x128xi32, #tpu.memory_space<hbm>> -> memref<1x1x1x40x128xi32, #tpu.memory_space<hbm>>
      %dma_wait3A_88 = tpu.memref_squeeze %dma_wait3A_87 : memref<1x1x1x40x128xi32, #tpu.memory_space<hbm>> -> memref<40x128xi32, #tpu.memory_space<hbm>>
      %dma_wait3A_89 = arith.constant 0 : i32
      %dma_wait3A_90 = arith.constant 0 : i32
      %dma_wait3A_91 = tpu.memref_slice %arg4[%run_scoped3A_30, %arg0, %arg1, %dma_wait3A_89, %dma_wait3A_90] : memref<3x2x16x40x128xi32, #tpu.memory_space<hbm>> -> memref<1x1x1x40x128xi32, #tpu.memory_space<hbm>>
      %dma_wait3A_92 = tpu.memref_squeeze %dma_wait3A_91 : memref<1x1x1x40x128xi32, #tpu.memory_space<hbm>> -> memref<40x128xi32, #tpu.memory_space<hbm>>
      tpu.wait_dma2 semaphore(%run_scoped3A_78 : memref<!tpu.dma_semaphore, #tpu.memory_space<semaphore_mem>>) src(%dma_wait3A_92 : memref<40x128xi32, #tpu.memory_space<hbm>>) dst(%arg10 : memref<40x128xi32, #tpu.memory_space<vmem>>)
      tpu.yield
    }) : () -> ()
    %run_scoped3A_31 = arith.constant 1 : i32
    "tpu.region"() ({
      %run_scoped3A_78 = tpu.sem_alloc : memref<!tpu.dma_semaphore, #tpu.memory_space<semaphore_mem>>
      %dma_start3A = arith.constant 0 : i32
      %dma_start3A_79 = arith.constant 0 : i32
      %dma_start3A_80 = tpu.memref_slice %arg5[%run_scoped3A_31, %arg0, %arg1, %dma_start3A, %dma_start3A_79] : memref<3x2x16x40x128xi32, #tpu.memory_space<hbm>> -> memref<1x1x1x40x128xi32, #tpu.memory_space<hbm>>
      %dma_start3A_81 = tpu.memref_squeeze %dma_start3A_80 : memref<1x1x1x40x128xi32, #tpu.memory_space<hbm>> -> memref<40x128xi32, #tpu.memory_space<hbm>>
      %dma_start3A_82 = arith.constant 0 : i32
      %dma_start3A_83 = arith.constant 0 : i32
      %dma_start3A_84 = tpu.memref_slice %arg5[%run_scoped3A_31, %arg0, %arg1, %dma_start3A_82, %dma_start3A_83] : memref<3x2x16x40x128xi32, #tpu.memory_space<hbm>> -> memref<1x1x1x40x128xi32, #tpu.memory_space<hbm>>
      %dma_start3A_85 = tpu.memref_squeeze %dma_start3A_84 : memref<1x1x1x40x128xi32, #tpu.memory_space<hbm>> -> memref<40x128xi32, #tpu.memory_space<hbm>>
      tpu.enqueue_dma source(%dma_start3A_85 : memref<40x128xi32, #tpu.memory_space<hbm>>) target(%arg11 : memref<40x128xi32, #tpu.memory_space<vmem>>) target_semaphore(%run_scoped3A_78 : memref<!tpu.dma_semaphore, #tpu.memory_space<semaphore_mem>>)
      %dma_wait3A = arith.constant 0 : i32
      %dma_wait3A_86 = arith.constant 0 : i32
      %dma_wait3A_87 = tpu.memref_slice %arg5[%run_scoped3A_31, %arg0, %arg1, %dma_wait3A, %dma_wait3A_86] : memref<3x2x16x40x128xi32, #tpu.memory_space<hbm>> -> memref<1x1x1x40x128xi32, #tpu.memory_space<hbm>>
      %dma_wait3A_88 = tpu.memref_squeeze %dma_wait3A_87 : memref<1x1x1x40x128xi32, #tpu.memory_space<hbm>> -> memref<40x128xi32, #tpu.memory_space<hbm>>
      %dma_wait3A_89 = arith.constant 0 : i32
      %dma_wait3A_90 = arith.constant 0 : i32
      %dma_wait3A_91 = tpu.memref_slice %arg5[%run_scoped3A_31, %arg0, %arg1, %dma_wait3A_89, %dma_wait3A_90] : memref<3x2x16x40x128xi32, #tpu.memory_space<hbm>> -> memref<1x1x1x40x128xi32, #tpu.memory_space<hbm>>
      %dma_wait3A_92 = tpu.memref_squeeze %dma_wait3A_91 : memref<1x1x1x40x128xi32, #tpu.memory_space<hbm>> -> memref<40x128xi32, #tpu.memory_space<hbm>>
      tpu.wait_dma2 semaphore(%run_scoped3A_78 : memref<!tpu.dma_semaphore, #tpu.memory_space<semaphore_mem>>) src(%dma_wait3A_92 : memref<40x128xi32, #tpu.memory_space<hbm>>) dst(%arg11 : memref<40x128xi32, #tpu.memory_space<vmem>>)
      tpu.yield
    }) : () -> ()
    %scan3A_32 = arith.constant 0 : i32
    %scan3A_33 = arith.constant 0 : i32
    %scan3A_34 = arith.constant 640 : i32
    %scan3A_35 = arith.addi %scan3A_33, %scan3A_34 : i32
    %scan3A_36 = arith.constant 1 : i32
    %scan3A_37 = scf.for %scan3A_78 = %scan3A_33 to %scan3A_35 step %scan3A_36 iter_args(%scan3A_79 = %scan3A_32) -> (i32)  : i32 {
      %mul3A_80 = arith.constant 16 : i32
      %mul3A_81 = arith.muli %scan3A_78, %mul3A_80 : i32
      %swap3A = arith.index_cast %mul3A_81 : i32 to index
      %swap3A_82 = tpu.vector_load %arg13[%swap3A] {strides = array<i32>} : memref<10240xf32, #tpu.memory_space<vmem>>, vector<16xf32>,
      tpu.vector_store %arg13[%swap3A], %broadcast_in_dim3A_0 {strides = array<i32>} : memref<10240xf32, #tpu.memory_space<vmem>>, vector<16xf32>,
      %scan3A_83 = arith.constant 0 : i32
      scf.yield %scan3A_83 : i32
    }
    %scan3A_38 = arith.constant 640 : i32
    %scan3A_39 = arith.constant 0 : i32
    %scan3A_40 = arith.constant 0 : i32
    %scan3A_41 = arith.constant 40 : i32
    %scan3A_42 = arith.addi %scan3A_40, %scan3A_41 : i32
    %scan3A_43 = arith.constant 1 : i32
    %scan3A_44 = scf.for %scan3A_78 = %scan3A_40 to %scan3A_42 step %scan3A_43 iter_args(%scan3A_79 = %scan3A_39) -> (i32)  : i32 {
      %get3A = arith.index_cast %scan3A_78 : i32 to index
      %get3A_80 = arith.constant 0 : index
      %get3A_81 = tpu.vector_load %arg10[%get3A, %get3A_80] {strides = array<i32>} : memref<40x128xi32, #tpu.memory_space<vmem>>, vector<16xi32>,
      %get3A_82 = arith.index_cast %scan3A_78 : i32 to index
      %get3A_83 = arith.constant 0 : index
      %get3A_84 = tpu.vector_load %arg11[%get3A_82, %get3A_83] {strides = array<i32>} : memref<40x128xi32, #tpu.memory_space<vmem>>, vector<16xi32>,
      %gather3A = tpu.vector_load_idx %arg8[%get3A_81] : memref<10240xf32, #tpu.memory_space<vmem>>[vector<16xi32>], vector<16xf32>,
      %gather3A_85 = tpu.vector_load_idx %arg9[%get3A_84] : memref<10240xf32, #tpu.memory_space<vmem>>[vector<16xi32>], vector<16xf32>,
      %add3A_86 = arith.addf %gather3A, %gather3A_85 : vector<16xf32>
      %ge3A = arith.constant 0.000000e+00 : f32
      %ge3A_87 = vector.broadcast %ge3A : f32 to vector<16xf32>
      %ge3A_88 = arith.cmpf oge, %add3A_86, %ge3A_87 : vector<16xf32>
      %mul3A_89 = arith.constant 0.00999999977 : f32
      %mul3A_90 = vector.broadcast %mul3A_89 : f32 to vector<16xf32>
      %mul3A_91 = arith.mulf %add3A_86, %mul3A_90 : vector<16xf32>
      %select_n3A = arith.select %ge3A_88, %add3A_86, %mul3A_91 : vector<16xi1>, vector<16xf32>
      %exp3A = math.exp %select_n3A : vector<16xf32>
      %swap3A = arith.index_cast %scan3A_78 : i32 to index
      %swap3A_92 = arith.constant 0 : index
      %swap3A_93 = tpu.vector_load %arg12[%swap3A, %swap3A_92] {strides = array<i32>} : memref<40x128xf32, #tpu.memory_space<vmem>>, vector<16xf32>,
      tpu.vector_store %arg12[%swap3A, %swap3A_92], %exp3A {strides = array<i32>} : memref<40x128xf32, #tpu.memory_space<vmem>>, vector<16xf32>,
      %masked_sort3A = arith.constant dense<true> : vector<16xi1>
      %masked_sort3A_94 = arith.constant -2147483648 : i32
      %masked_sort3A_95 = vector.broadcast %masked_sort3A_94 : i32 to vector<16xi32>
      %masked_sort3A_96 = arith.xori %get3A_84, %masked_sort3A_95 : vector<16xi32>
      %masked_sort3A_97, %masked_sort3A_98, %masked_sort3A_99 = tpu.sort %masked_sort3A_96, %exp3A masked %masked_sort3A : (vector<16xi32>, vector<16xf32>, vector<16xi1>) -> (vector<16xi1>, vector<16xi32>, vector<16xf32>)
      %masked_sort3A_100 = arith.xori %masked_sort3A_98, %masked_sort3A_95 : vector<16xi32>
      %broadcast_in_dim3A_101 = vector.shape_cast %min3A_4 : vector<16xi32> to vector<16x1xi32>
      %gather3A_102 = vector.shape_cast %broadcast_in_dim3A_101 : vector<16x1xi32> to vector<16xi32>
      %gather3A_103 = tpu.dynamic_gather %masked_sort3A_100[%gather3A_102] in [0] : vector<16xi32>, vector<16xi32> -> vector<16xi32>
      %broadcast_in_dim3A_104 = vector.shape_cast %max3A_8 : vector<16xi32> to vector<16x1xi32>
      %gather3A_105 = vector.shape_cast %broadcast_in_dim3A_104 : vector<16x1xi32> to vector<16xi32>
      %gather3A_106 = tpu.dynamic_gather %masked_sort3A_100[%gather3A_105] in [0] : vector<16xi32>, vector<16xi32> -> vector<16xi32>
      %ne3A = arith.cmpi ne, %masked_sort3A_100, %gather3A_103 : vector<16xi32>
      %eq3A = arith.constant 15 : i32
      %eq3A_107 = vector.broadcast %eq3A : i32 to vector<16xi32>
      %eq3A_108 = arith.cmpi eq, %iota3A, %eq3A_107 : vector<16xi32>
      %or3A = arith.ori %ne3A, %eq3A_108 : vector<16xi1>
      %ne3A_109 = arith.cmpi ne, %masked_sort3A_100, %gather3A_106 : vector<16xi32>
      %eq3A_110 = arith.constant 0 : i32
      %eq3A_111 = vector.broadcast %eq3A_110 : i32 to vector<16xi32>
      %eq3A_112 = arith.cmpi eq, %iota3A, %eq3A_111 : vector<16xi32>
      %or3A_113 = arith.ori %ne3A_109, %eq3A_112 : vector<16xi1>
      %broadcast_in_dim3A_114 = arith.constant true
      %broadcast_in_dim3A_115 = vector.broadcast %broadcast_in_dim3A_114 : i1 to vector<16xi1>
      %masked_cumsum3A = tpu.scan <sum>, %masked_sort3A_99 masked %broadcast_in_dim3A_115 : vector<16xf32>, vector<16xi1> -> vector<16xf32>
      %eq3A_116 = arith.constant 0 : i32
      %eq3A_117 = vector.broadcast %eq3A_116 : i32 to vector<16xi32>
      %eq3A_118 = arith.cmpi eq, %iota3A, %eq3A_117 : vector<16xi32>
      %broadcast_in_dim3A_119 = vector.shape_cast %max3A_8 : vector<16xi32> to vector<16x1xi32>
      %gather3A_120 = vector.shape_cast %broadcast_in_dim3A_119 : vector<16x1xi32> to vector<16xi32>
      %gather3A_121 = tpu.dynamic_gather %masked_cumsum3A[%gather3A_120] in [0] : vector<16xf32>, vector<16xi32> -> vector<16xf32>
      %jit3A = arith.constant 0.000000e+00 : f32
      %broadcast_in_dim3A_122 = vector.broadcast %jit3A : f32 to vector<16xf32>
      %select_n3A_123 = arith.select %eq3A_118, %broadcast_in_dim3A_122, %gather3A_121 : vector<16xi1>, vector<16xf32>
      tpu.vector_store_idx %arg13[%masked_sort3A_100], %masked_cumsum3A masked %or3A {add = true} : memref<10240xf32, #tpu.memory_space<vmem>>[vector<16xi32>], vector<16xf32>, vector<16xi1>
      %neg3A = arith.constant 0.000000e+00 : f32
      %neg3A_124 = vector.broadcast %neg3A : f32 to vector<16xf32>
      %neg3A_125 = arith.subf %neg3A_124, %select_n3A_123 : vector<16xf32>
      tpu.vector_store_idx %arg13[%masked_sort3A_100], %neg3A_125 masked %or3A_113 {add = true} : memref<10240xf32, #tpu.memory_space<vmem>>[vector<16xi32>], vector<16xf32>, vector<16xi1>
      %get3A_126 = arith.index_cast %scan3A_78 : i32 to index
      %get3A_127 = arith.constant 16 : index
      %get3A_128 = tpu.vector_load %arg10[%get3A_126, %get3A_127] {strides = array<i32>} : memref<40x128xi32, #tpu.memory_space<vmem>>, vector<16xi32>,
      %get3A_129 = arith.index_cast %scan3A_78 : i32 to index
      %get3A_130 = arith.constant 16 : index
      %get3A_131 = tpu.vector_load %arg11[%get3A_129, %get3A_130] {strides = array<i32>} : memref<40x128xi32, #tpu.memory_space<vmem>>, vector<16xi32>,
      %gather3A_132 = tpu.vector_load_idx %arg8[%get3A_128] : memref<10240xf32, #tpu.memory_space<vmem>>[vector<16xi32>], vector<16xf32>,
      %gather3A_133 = tpu.vector_load_idx %arg9[%get3A_131] : memref<10240xf32, #tpu.memory_space<vmem>>[vector<16xi32>], vector<16xf32>,
      %add3A_134 = arith.addf %gather3A_132, %gather3A_133 : vector<16xf32>
      %ge3A_135 = arith.constant 0.000000e+00 : f32
      %ge3A_136 = vector.broadcast %ge3A_135 : f32 to vector<16xf32>
      %ge3A_137 = arith.cmpf oge, %add3A_134, %ge3A_136 : vector<16xf32>
      %mul3A_138 = arith.constant 0.00999999977 : f32
      %mul3A_139 = vector.broadcast %mul3A_138 : f32 to vector<16xf32>
      %mul3A_140 = arith.mulf %add3A_134, %mul3A_139 : vector<16xf32>
      %select_n3A_141 = arith.select %ge3A_137, %add3A_134, %mul3A_140 : vector<16xi1>, vector<16xf32>
      %exp3A_142 = math.exp %select_n3A_141 : vector<16xf32>
      %swap3A_143 = arith.index_cast %scan3A_78 : i32 to index
      %swap3A_144 = arith.constant 16 : index
      %swap3A_145 = tpu.vector_load %arg12[%swap3A_143, %swap3A_144] {strides = array<i32>} : memref<40x128xf32, #tpu.memory_space<vmem>>, vector<16xf32>,
      tpu.vector_store %arg12[%swap3A_143, %swap3A_144], %exp3A_142 {strides = array<i32>} : memref<40x128xf32, #tpu.memory_space<vmem>>, vector<16xf32>,
      %masked_sort3A_146 = arith.constant dense<true> : vector<16xi1>
      %masked_sort3A_147 = arith.constant -2147483648 : i32
      %masked_sort3A_148 = vector.broadcast %masked_sort3A_147 : i32 to vector<16xi32>
      %masked_sort3A_149 = arith.xori %get3A_131, %masked_sort3A_148 : vector<16xi32>
      %masked_sort3A_150, %masked_sort3A_151, %masked_sort3A_152 = tpu.sort %masked_sort3A_149, %exp3A_142 masked %masked_sort3A_146 : (vector<16xi32>, vector<16xf32>, vector<16xi1>) -> (vector<16xi1>, vector<16xi32>, vector<16xf32>)
      %masked_sort3A_153 = arith.xori %masked_sort3A_151, %masked_sort3A_148 : vector<16xi32>
      %broadcast_in_dim3A_154 = vector.shape_cast %min3A_4 : vector<16xi32> to vector<16x1xi32>
      %gather3A_155 = vector.shape_cast %broadcast_in_dim3A_154 : vector<16x1xi32> to vector<16xi32>
      %gather3A_156 = tpu.dynamic_gather %masked_sort3A_153[%gather3A_155] in [0] : vector<16xi32>, vector<16xi32> -> vector<16xi32>
      %broadcast_in_dim3A_157 = vector.shape_cast %max3A_8 : vector<16xi32> to vector<16x1xi32>
      %gather3A_158 = vector.shape_cast %broadcast_in_dim3A_157 : vector<16x1xi32> to vector<16xi32>
      %gather3A_159 = tpu.dynamic_gather %masked_sort3A_153[%gather3A_158] in [0] : vector<16xi32>, vector<16xi32> -> vector<16xi32>
      %ne3A_160 = arith.cmpi ne, %masked_sort3A_153, %gather3A_156 : vector<16xi32>
      %eq3A_161 = arith.constant 15 : i32
      %eq3A_162 = vector.broadcast %eq3A_161 : i32 to vector<16xi32>
      %eq3A_163 = arith.cmpi eq, %iota3A, %eq3A_162 : vector<16xi32>
      %or3A_164 = arith.ori %ne3A_160, %eq3A_163 : vector<16xi1>
      %ne3A_165 = arith.cmpi ne, %masked_sort3A_153, %gather3A_159 : vector<16xi32>
      %eq3A_166 = arith.constant 0 : i32
      %eq3A_167 = vector.broadcast %eq3A_166 : i32 to vector<16xi32>
      %eq3A_168 = arith.cmpi eq, %iota3A, %eq3A_167 : vector<16xi32>
      %or3A_169 = arith.ori %ne3A_165, %eq3A_168 : vector<16xi1>
      %broadcast_in_dim3A_170 = arith.constant true
      %broadcast_in_dim3A_171 = vector.broadcast %broadcast_in_dim3A_170 : i1 to vector<16xi1>
      %masked_cumsum3A_172 = tpu.scan <sum>, %masked_sort3A_152 masked %broadcast_in_dim3A_171 : vector<16xf32>, vector<16xi1> -> vector<16xf32>
      %eq3A_173 = arith.constant 0 : i32
      %eq3A_174 = vector.broadcast %eq3A_173 : i32 to vector<16xi32>
      %eq3A_175 = arith.cmpi eq, %iota3A, %eq3A_174 : vector<16xi32>
      %broadcast_in_dim3A_176 = vector.shape_cast %max3A_8 : vector<16xi32> to vector<16x1xi32>
      %gather3A_177 = vector.shape_cast %broadcast_in_dim3A_176 : vector<16x1xi32> to vector<16xi32>
      %gather3A_178 = tpu.dynamic_gather %masked_cumsum3A_172[%gather3A_177] in [0] : vector<16xf32>, vector<16xi32> -> vector<16xf32>
      %jit3A_179 = arith.constant 0.000000e+00 : f32
      %broadcast_in_dim3A_180 = vector.broadcast %jit3A_179 : f32 to vector<16xf32>
      %select_n3A_181 = arith.select %eq3A_175, %broadcast_in_dim3A_180, %gather3A_178 : vector<16xi1>, vector<16xf32>
      tpu.vector_store_idx %arg13[%masked_sort3A_153], %masked_cumsum3A_172 masked %or3A_164 {add = true} : memref<10240xf32, #tpu.memory_space<vmem>>[vector<16xi32>], vector<16xf32>, vector<16xi1>
      %neg3A_182 = arith.constant 0.000000e+00 : f32
      %neg3A_183 = vector.broadcast %neg3A_182 : f32 to vector<16xf32>
      %neg3A_184 = arith.subf %neg3A_183, %select_n3A_181 : vector<16xf32>
      tpu.vector_store_idx %arg13[%masked_sort3A_153], %neg3A_184 masked %or3A_169 {add = true} : memref<10240xf32, #tpu.memory_space<vmem>>[vector<16xi32>], vector<16xf32>, vector<16xi1>
      %get3A_185 = arith.index_cast %scan3A_78 : i32 to index
      %get3A_186 = arith.constant 32 : index
      %get3A_187 = tpu.vector_load %arg10[%get3A_185, %get3A_186] {strides = array<i32>} : memref<40x128xi32, #tpu.memory_space<vmem>>, vector<16xi32>,
      %get3A_188 = arith.index_cast %scan3A_78 : i32 to index
      %get3A_189 = arith.constant 32 : index
      %get3A_190 = tpu.vector_load %arg11[%get3A_188, %get3A_189] {strides = array<i32>} : memref<40x128xi32, #tpu.memory_space<vmem>>, vector<16xi32>,
      %gather3A_191 = tpu.vector_load_idx %arg8[%get3A_187] : memref<10240xf32, #tpu.memory_space<vmem>>[vector<16xi32>], vector<16xf32>,
      %gather3A_192 = tpu.vector_load_idx %arg9[%get3A_190] : memref<10240xf32, #tpu.memory_space<vmem>>[vector<16xi32>], vector<16xf32>,
      %add3A_193 = arith.addf %gather3A_191, %gather3A_192 : vector<16xf32>
      %ge3A_194 = arith.constant 0.000000e+00 : f32
      %ge3A_195 = vector.broadcast %ge3A_194 : f32 to vector<16xf32>
      %ge3A_196 = arith.cmpf oge, %add3A_193, %ge3A_195 : vector<16xf32>
      %mul3A_197 = arith.constant 0.00999999977 : f32
      %mul3A_198 = vector.broadcast %mul3A_197 : f32 to vector<16xf32>
      %mul3A_199 = arith.mulf %add3A_193, %mul3A_198 : vector<16xf32>
      %select_n3A_200 = arith.select %ge3A_196, %add3A_193, %mul3A_199 : vector<16xi1>, vector<16xf32>
      %exp3A_201 = math.exp %select_n3A_200 : vector<16xf32>
      %swap3A_202 = arith.index_cast %scan3A_78 : i32 to index
      %swap3A_203 = arith.constant 32 : index
      %swap3A_204 = tpu.vector_load %arg12[%swap3A_202, %swap3A_203] {strides = array<i32>} : memref<40x128xf32, #tpu.memory_space<vmem>>, vector<16xf32>,
      tpu.vector_store %arg12[%swap3A_202, %swap3A_203], %exp3A_201 {strides = array<i32>} : memref<40x128xf32, #tpu.memory_space<vmem>>, vector<16xf32>,
      %masked_sort3A_205 = arith.constant dense<true> : vector<16xi1>
      %masked_sort3A_206 = arith.constant -2147483648 : i32
      %masked_sort3A_207 = vector.broadcast %masked_sort3A_206 : i32 to vector<16xi32>
      %masked_sort3A_208 = arith.xori %get3A_190, %masked_sort3A_207 : vector<16xi32>
      %masked_sort3A_209, %masked_sort3A_210, %masked_sort3A_211 = tpu.sort %masked_sort3A_208, %exp3A_201 masked %masked_sort3A_205 : (vector<16xi32>, vector<16xf32>, vector<16xi1>) -> (vector<16xi1>, vector<16xi32>, vector<16xf32>)
      %masked_sort3A_212 = arith.xori %masked_sort3A_210, %masked_sort3A_207 : vector<16xi32>
      %broadcast_in_dim3A_213 = vector.shape_cast %min3A_4 : vector<16xi32> to vector<16x1xi32>
      %gather3A_214 = vector.shape_cast %broadcast_in_dim3A_213 : vector<16x1xi32> to vector<16xi32>
      %gather3A_215 = tpu.dynamic_gather %masked_sort3A_212[%gather3A_214] in [0] : vector<16xi32>, vector<16xi32> -> vector<16xi32>
      %broadcast_in_dim3A_216 = vector.shape_cast %max3A_8 : vector<16xi32> to vector<16x1xi32>
      %gather3A_217 = vector.shape_cast %broadcast_in_dim3A_216 : vector<16x1xi32> to vector<16xi32>
      %gather3A_218 = tpu.dynamic_gather %masked_sort3A_212[%gather3A_217] in [0] : vector<16xi32>, vector<16xi32> -> vector<16xi32>
      %ne3A_219 = arith.cmpi ne, %masked_sort3A_212, %gather3A_215 : vector<16xi32>
      %eq3A_220 = arith.constant 15 : i32
      %eq3A_221 = vector.broadcast %eq3A_220 : i32 to vector<16xi32>
      %eq3A_222 = arith.cmpi eq, %iota3A, %eq3A_221 : vector<16xi32>
      %or3A_223 = arith.ori %ne3A_219, %eq3A_222 : vector<16xi1>
      %ne3A_224 = arith.cmpi ne, %masked_sort3A_212, %gather3A_218 : vector<16xi32>
      %eq3A_225 = arith.constant 0 : i32
      %eq3A_226 = vector.broadcast %eq3A_225 : i32 to vector<16xi32>
      %eq3A_227 = arith.cmpi eq, %iota3A, %eq3A_226 : vector<16xi32>
      %or3A_228 = arith.ori %ne3A_224, %eq3A_227 : vector<16xi1>
      %broadcast_in_dim3A_229 = arith.constant true
      %broadcast_in_dim3A_230 = vector.broadcast %broadcast_in_dim3A_229 : i1 to vector<16xi1>
      %masked_cumsum3A_231 = tpu.scan <sum>, %masked_sort3A_211 masked %broadcast_in_dim3A_230 : vector<16xf32>, vector<16xi1> -> vector<16xf32>
      %eq3A_232 = arith.constant 0 : i32
      %eq3A_233 = vector.broadcast %eq3A_232 : i32 to vector<16xi32>
      %eq3A_234 = arith.cmpi eq, %iota3A, %eq3A_233 : vector<16xi32>
      %broadcast_in_dim3A_235 = vector.shape_cast %max3A_8 : vector<16xi32> to vector<16x1xi32>
      %gather3A_236 = vector.shape_cast %broadcast_in_dim3A_235 : vector<16x1xi32> to vector<16xi32>
      %gather3A_237 = tpu.dynamic_gather %masked_cumsum3A_231[%gather3A_236] in [0] : vector<16xf32>, vector<16xi32> -> vector<16xf32>
      %jit3A_238 = arith.constant 0.000000e+00 : f32
      %broadcast_in_dim3A_239 = vector.broadcast %jit3A_238 : f32 to vector<16xf32>
      %select_n3A_240 = arith.select %eq3A_234, %broadcast_in_dim3A_239, %gather3A_237 : vector<16xi1>, vector<16xf32>
      tpu.vector_store_idx %arg13[%masked_sort3A_212], %masked_cumsum3A_231 masked %or3A_223 {add = true} : memref<10240xf32, #tpu.memory_space<vmem>>[vector<16xi32>], vector<16xf32>, vector<16xi1>
      %neg3A_241 = arith.constant 0.000000e+00 : f32
      %neg3A_242 = vector.broadcast %neg3A_241 : f32 to vector<16xf32>
      %neg3A_243 = arith.subf %neg3A_242, %select_n3A_240 : vector<16xf32>
      tpu.vector_store_idx %arg13[%masked_sort3A_212], %neg3A_243 masked %or3A_228 {add = true} : memref<10240xf32, #tpu.memory_space<vmem>>[vector<16xi32>], vector<16xf32>, vector<16xi1>
      %get3A_244 = arith.index_cast %scan3A_78 : i32 to index
      %get3A_245 = arith.constant 48 : index
      %get3A_246 = tpu.vector_load %arg10[%get3A_244, %get3A_245] {strides = array<i32>} : memref<40x128xi32, #tpu.memory_space<vmem>>, vector<16xi32>,
      %get3A_247 = arith.index_cast %scan3A_78 : i32 to index
      %get3A_248 = arith.constant 48 : index
      %get3A_249 = tpu.vector_load %arg11[%get3A_247, %get3A_248] {strides = array<i32>} : memref<40x128xi32, #tpu.memory_space<vmem>>, vector<16xi32>,
      %gather3A_250 = tpu.vector_load_idx %arg8[%get3A_246] : memref<10240xf32, #tpu.memory_space<vmem>>[vector<16xi32>], vector<16xf32>,
      %gather3A_251 = tpu.vector_load_idx %arg9[%get3A_249] : memref<10240xf32, #tpu.memory_space<vmem>>[vector<16xi32>], vector<16xf32>,
      %add3A_252 = arith.addf %gather3A_250, %gather3A_251 : vector<16xf32>
      %ge3A_253 = arith.constant 0.000000e+00 : f32
      %ge3A_254 = vector.broadcast %ge3A_253 : f32 to vector<16xf32>
      %ge3A_255 = arith.cmpf oge, %add3A_252, %ge3A_254 : vector<16xf32>
      %mul3A_256 = arith.constant 0.00999999977 : f32
      %mul3A_257 = vector.broadcast %mul3A_256 : f32 to vector<16xf32>
      %mul3A_258 = arith.mulf %add3A_252, %mul3A_257 : vector<16xf32>
      %select_n3A_259 = arith.select %ge3A_255, %add3A_252, %mul3A_258 : vector<16xi1>, vector<16xf32>
      %exp3A_260 = math.exp %select_n3A_259 : vector<16xf32>
      %swap3A_261 = arith.index_cast %scan3A_78 : i32 to index
      %swap3A_262 = arith.constant 48 : index
      %swap3A_263 = tpu.vector_load %arg12[%swap3A_261, %swap3A_262] {strides = array<i32>} : memref<40x128xf32, #tpu.memory_space<vmem>>, vector<16xf32>,
      tpu.vector_store %arg12[%swap3A_261, %swap3A_262], %exp3A_260 {strides = array<i32>} : memref<40x128xf32, #tpu.memory_space<vmem>>, vector<16xf32>,
      %masked_sort3A_264 = arith.constant dense<true> : vector<16xi1>
      %masked_sort3A_265 = arith.constant -2147483648 : i32
      %masked_sort3A_266 = vector.broadcast %masked_sort3A_265 : i32 to vector<16xi32>
      %masked_sort3A_267 = arith.xori %get3A_249, %masked_sort3A_266 : vector<16xi32>
      %masked_sort3A_268, %masked_sort3A_269, %masked_sort3A_270 = tpu.sort %masked_sort3A_267, %exp3A_260 masked %masked_sort3A_264 : (vector<16xi32>, vector<16xf32>, vector<16xi1>) -> (vector<16xi1>, vector<16xi32>, vector<16xf32>)
      %masked_sort3A_271 = arith.xori %masked_sort3A_269, %masked_sort3A_266 : vector<16xi32>
      %broadcast_in_dim3A_272 = vector.shape_cast %min3A_4 : vector<16xi32> to vector<16x1xi32>
      %gather3A_273 = vector.shape_cast %broadcast_in_dim3A_272 : vector<16x1xi32> to vector<16xi32>
      %gather3A_274 = tpu.dynamic_gather %masked_sort3A_271[%gather3A_273] in [0] : vector<16xi32>, vector<16xi32> -> vector<16xi32>
      %broadcast_in_dim3A_275 = vector.shape_cast %max3A_8 : vector<16xi32> to vector<16x1xi32>
      %gather3A_276 = vector.shape_cast %broadcast_in_dim3A_275 : vector<16x1xi32> to vector<16xi32>
      %gather3A_277 = tpu.dynamic_gather %masked_sort3A_271[%gather3A_276] in [0] : vector<16xi32>, vector<16xi32> -> vector<16xi32>
      %ne3A_278 = arith.cmpi ne, %masked_sort3A_271, %gather3A_274 : vector<16xi32>
      %eq3A_279 = arith.constant 15 : i32
      %eq3A_280 = vector.broadcast %eq3A_279 : i32 to vector<16xi32>
      %eq3A_281 = arith.cmpi eq, %iota3A, %eq3A_280 : vector<16xi32>
      %or3A_282 = arith.ori %ne3A_278, %eq3A_281 : vector<16xi1>
      %ne3A_283 = arith.cmpi ne, %masked_sort3A_271, %gather3A_277 : vector<16xi32>
      %eq3A_284 = arith.constant 0 : i32
      %eq3A_285 = vector.broadcast %eq3A_284 : i32 to vector<16xi32>
      %eq3A_286 = arith.cmpi eq, %iota3A, %eq3A_285 : vector<16xi32>
      %or3A_287 = arith.ori %ne3A_283, %eq3A_286 : vector<16xi1>
      %broadcast_in_dim3A_288 = arith.constant true
      %broadcast_in_dim3A_289 = vector.broadcast %broadcast_in_dim3A_288 : i1 to vector<16xi1>
      %masked_cumsum3A_290 = tpu.scan <sum>, %masked_sort3A_270 masked %broadcast_in_dim3A_289 : vector<16xf32>, vector<16xi1> -> vector<16xf32>
      %eq3A_291 = arith.constant 0 : i32
      %eq3A_292 = vector.broadcast %eq3A_291 : i32 to vector<16xi32>
      %eq3A_293 = arith.cmpi eq, %iota3A, %eq3A_292 : vector<16xi32>
      %broadcast_in_dim3A_294 = vector.shape_cast %max3A_8 : vector<16xi32> to vector<16x1xi32>
      %gather3A_295 = vector.shape_cast %broadcast_in_dim3A_294 : vector<16x1xi32> to vector<16xi32>
      %gather3A_296 = tpu.dynamic_gather %masked_cumsum3A_290[%gather3A_295] in [0] : vector<16xf32>, vector<16xi32> -> vector<16xf32>
      %jit3A_297 = arith.constant 0.000000e+00 : f32
      %broadcast_in_dim3A_298 = vector.broadcast %jit3A_297 : f32 to vector<16xf32>
      %select_n3A_299 = arith.select %eq3A_293, %broadcast_in_dim3A_298, %gather3A_296 : vector<16xi1>, vector<16xf32>
      tpu.vector_store_idx %arg13[%masked_sort3A_271], %masked_cumsum3A_290 masked %or3A_282 {add = true} : memref<10240xf32, #tpu.memory_space<vmem>>[vector<16xi32>], vector<16xf32>, vector<16xi1>
      %neg3A_300 = arith.constant 0.000000e+00 : f32
      %neg3A_301 = vector.broadcast %neg3A_300 : f32 to vector<16xf32>
      %neg3A_302 = arith.subf %neg3A_301, %select_n3A_299 : vector<16xf32>
      tpu.vector_store_idx %arg13[%masked_sort3A_271], %neg3A_302 masked %or3A_287 {add = true} : memref<10240xf32, #tpu.memory_space<vmem>>[vector<16xi32>], vector<16xf32>, vector<16xi1>
      %get3A_303 = arith.index_cast %scan3A_78 : i32 to index
      %get3A_304 = arith.constant 64 : index
      %get3A_305 = tpu.vector_load %arg10[%get3A_303, %get3A_304] {strides = array<i32>} : memref<40x128xi32, #tpu.memory_space<vmem>>, vector<16xi32>,
      %get3A_306 = arith.index_cast %scan3A_78 : i32 to index
      %get3A_307 = arith.constant 64 : index
      %get3A_308 = tpu.vector_load %arg11[%get3A_306, %get3A_307] {strides = array<i32>} : memref<40x128xi32, #tpu.memory_space<vmem>>, vector<16xi32>,
      %gather3A_309 = tpu.vector_load_idx %arg8[%get3A_305] : memref<10240xf32, #tpu.memory_space<vmem>>[vector<16xi32>], vector<16xf32>,
      %gather3A_310 = tpu.vector_load_idx %arg9[%get3A_308] : memref<10240xf32, #tpu.memory_space<vmem>>[vector<16xi32>], vector<16xf32>,
      %add3A_311 = arith.addf %gather3A_309, %gather3A_310 : vector<16xf32>
      %ge3A_312 = arith.constant 0.000000e+00 : f32
      %ge3A_313 = vector.broadcast %ge3A_312 : f32 to vector<16xf32>
      %ge3A_314 = arith.cmpf oge, %add3A_311, %ge3A_313 : vector<16xf32>
      %mul3A_315 = arith.constant 0.00999999977 : f32
      %mul3A_316 = vector.broadcast %mul3A_315 : f32 to vector<16xf32>
      %mul3A_317 = arith.mulf %add3A_311, %mul3A_316 : vector<16xf32>
      %select_n3A_318 = arith.select %ge3A_314, %add3A_311, %mul3A_317 : vector<16xi1>, vector<16xf32>
      %exp3A_319 = math.exp %select_n3A_318 : vector<16xf32>
      %swap3A_320 = arith.index_cast %scan3A_78 : i32 to index
      %swap3A_321 = arith.constant 64 : index
      %swap3A_322 = tpu.vector_load %arg12[%swap3A_320, %swap3A_321] {strides = array<i32>} : memref<40x128xf32, #tpu.memory_space<vmem>>, vector<16xf32>,
      tpu.vector_store %arg12[%swap3A_320, %swap3A_321], %exp3A_319 {strides = array<i32>} : memref<40x128xf32, #tpu.memory_space<vmem>>, vector<16xf32>,
      %masked_sort3A_323 = arith.constant dense<true> : vector<16xi1>
      %masked_sort3A_324 = arith.constant -2147483648 : i32
      %masked_sort3A_325 = vector.broadcast %masked_sort3A_324 : i32 to vector<16xi32>
      %masked_sort3A_326 = arith.xori %get3A_308, %masked_sort3A_325 : vector<16xi32>
      %masked_sort3A_327, %masked_sort3A_328, %masked_sort3A_329 = tpu.sort %masked_sort3A_326, %exp3A_319 masked %masked_sort3A_323 : (vector<16xi32>, vector<16xf32>, vector<16xi1>) -> (vector<16xi1>, vector<16xi32>, vector<16xf32>)
      %masked_sort3A_330 = arith.xori %masked_sort3A_328, %masked_sort3A_325 : vector<16xi32>
      %broadcast_in_dim3A_331 = vector.shape_cast %min3A_4 : vector<16xi32> to vector<16x1xi32>
      %gather3A_332 = vector.shape_cast %broadcast_in_dim3A_331 : vector<16x1xi32> to vector<16xi32>
      %gather3A_333 = tpu.dynamic_gather %masked_sort3A_330[%gather3A_332] in [0] : vector<16xi32>, vector<16xi32> -> vector<16xi32>
      %broadcast_in_dim3A_334 = vector.shape_cast %max3A_8 : vector<16xi32> to vector<16x1xi32>
      %gather3A_335 = vector.shape_cast %broadcast_in_dim3A_334 : vector<16x1xi32> to vector<16xi32>
      %gather3A_336 = tpu.dynamic_gather %masked_sort3A_330[%gather3A_335] in [0] : vector<16xi32>, vector<16xi32> -> vector<16xi32>
      %ne3A_337 = arith.cmpi ne, %masked_sort3A_330, %gather3A_333 : vector<16xi32>
      %eq3A_338 = arith.constant 15 : i32
      %eq3A_339 = vector.broadcast %eq3A_338 : i32 to vector<16xi32>
      %eq3A_340 = arith.cmpi eq, %iota3A, %eq3A_339 : vector<16xi32>
      %or3A_341 = arith.ori %ne3A_337, %eq3A_340 : vector<16xi1>
      %ne3A_342 = arith.cmpi ne, %masked_sort3A_330, %gather3A_336 : vector<16xi32>
      %eq3A_343 = arith.constant 0 : i32
      %eq3A_344 = vector.broadcast %eq3A_343 : i32 to vector<16xi32>
      %eq3A_345 = arith.cmpi eq, %iota3A, %eq3A_344 : vector<16xi32>
      %or3A_346 = arith.ori %ne3A_342, %eq3A_345 : vector<16xi1>
      %broadcast_in_dim3A_347 = arith.constant true
      %broadcast_in_dim3A_348 = vector.broadcast %broadcast_in_dim3A_347 : i1 to vector<16xi1>
      %masked_cumsum3A_349 = tpu.scan <sum>, %masked_sort3A_329 masked %broadcast_in_dim3A_348 : vector<16xf32>, vector<16xi1> -> vector<16xf32>
      %eq3A_350 = arith.constant 0 : i32
      %eq3A_351 = vector.broadcast %eq3A_350 : i32 to vector<16xi32>
      %eq3A_352 = arith.cmpi eq, %iota3A, %eq3A_351 : vector<16xi32>
      %broadcast_in_dim3A_353 = vector.shape_cast %max3A_8 : vector<16xi32> to vector<16x1xi32>
      %gather3A_354 = vector.shape_cast %broadcast_in_dim3A_353 : vector<16x1xi32> to vector<16xi32>
      %gather3A_355 = tpu.dynamic_gather %masked_cumsum3A_349[%gather3A_354] in [0] : vector<16xf32>, vector<16xi32> -> vector<16xf32>
      %jit3A_356 = arith.constant 0.000000e+00 : f32
      %broadcast_in_dim3A_357 = vector.broadcast %jit3A_356 : f32 to vector<16xf32>
      %select_n3A_358 = arith.select %eq3A_352, %broadcast_in_dim3A_357, %gather3A_355 : vector<16xi1>, vector<16xf32>
      tpu.vector_store_idx %arg13[%masked_sort3A_330], %masked_cumsum3A_349 masked %or3A_341 {add = true} : memref<10240xf32, #tpu.memory_space<vmem>>[vector<16xi32>], vector<16xf32>, vector<16xi1>
      %neg3A_359 = arith.constant 0.000000e+00 : f32
      %neg3A_360 = vector.broadcast %neg3A_359 : f32 to vector<16xf32>
      %neg3A_361 = arith.subf %neg3A_360, %select_n3A_358 : vector<16xf32>
      tpu.vector_store_idx %arg13[%masked_sort3A_330], %neg3A_361 masked %or3A_346 {add = true} : memref<10240xf32, #tpu.memory_space<vmem>>[vector<16xi32>], vector<16xf32>, vector<16xi1>
      %get3A_362 = arith.index_cast %scan3A_78 : i32 to index
      %get3A_363 = arith.constant 80 : index
      %get3A_364 = tpu.vector_load %arg10[%get3A_362, %get3A_363] {strides = array<i32>} : memref<40x128xi32, #tpu.memory_space<vmem>>, vector<16xi32>,
      %get3A_365 = arith.index_cast %scan3A_78 : i32 to index
      %get3A_366 = arith.constant 80 : index
      %get3A_367 = tpu.vector_load %arg11[%get3A_365, %get3A_366] {strides = array<i32>} : memref<40x128xi32, #tpu.memory_space<vmem>>, vector<16xi32>,
      %gather3A_368 = tpu.vector_load_idx %arg8[%get3A_364] : memref<10240xf32, #tpu.memory_space<vmem>>[vector<16xi32>], vector<16xf32>,
      %gather3A_369 = tpu.vector_load_idx %arg9[%get3A_367] : memref<10240xf32, #tpu.memory_space<vmem>>[vector<16xi32>], vector<16xf32>,
      %add3A_370 = arith.addf %gather3A_368, %gather3A_369 : vector<16xf32>
      %ge3A_371 = arith.constant 0.000000e+00 : f32
      %ge3A_372 = vector.broadcast %ge3A_371 : f32 to vector<16xf32>
      %ge3A_373 = arith.cmpf oge, %add3A_370, %ge3A_372 : vector<16xf32>
      %mul3A_374 = arith.constant 0.00999999977 : f32
      %mul3A_375 = vector.broadcast %mul3A_374 : f32 to vector<16xf32>
      %mul3A_376 = arith.mulf %add3A_370, %mul3A_375 : vector<16xf32>
      %select_n3A_377 = arith.select %ge3A_373, %add3A_370, %mul3A_376 : vector<16xi1>, vector<16xf32>
      %exp3A_378 = math.exp %select_n3A_377 : vector<16xf32>
      %swap3A_379 = arith.index_cast %scan3A_78 : i32 to index
      %swap3A_380 = arith.constant 80 : index
      %swap3A_381 = tpu.vector_load %arg12[%swap3A_379, %swap3A_380] {strides = array<i32>} : memref<40x128xf32, #tpu.memory_space<vmem>>, vector<16xf32>,
      tpu.vector_store %arg12[%swap3A_379, %swap3A_380], %exp3A_378 {strides = array<i32>} : memref<40x128xf32, #tpu.memory_space<vmem>>, vector<16xf32>,
      %masked_sort3A_382 = arith.constant dense<true> : vector<16xi1>
      %masked_sort3A_383 = arith.constant -2147483648 : i32
      %masked_sort3A_384 = vector.broadcast %masked_sort3A_383 : i32 to vector<16xi32>
      %masked_sort3A_385 = arith.xori %get3A_367, %masked_sort3A_384 : vector<16xi32>
      %masked_sort3A_386, %masked_sort3A_387, %masked_sort3A_388 = tpu.sort %masked_sort3A_385, %exp3A_378 masked %masked_sort3A_382 : (vector<16xi32>, vector<16xf32>, vector<16xi1>) -> (vector<16xi1>, vector<16xi32>, vector<16xf32>)
      %masked_sort3A_389 = arith.xori %masked_sort3A_387, %masked_sort3A_384 : vector<16xi32>
      %broadcast_in_dim3A_390 = vector.shape_cast %min3A_4 : vector<16xi32> to vector<16x1xi32>
      %gather3A_391 = vector.shape_cast %broadcast_in_dim3A_390 : vector<16x1xi32> to vector<16xi32>
      %gather3A_392 = tpu.dynamic_gather %masked_sort3A_389[%gather3A_391] in [0] : vector<16xi32>, vector<16xi32> -> vector<16xi32>
      %broadcast_in_dim3A_393 = vector.shape_cast %max3A_8 : vector<16xi32> to vector<16x1xi32>
      %gather3A_394 = vector.shape_cast %broadcast_in_dim3A_393 : vector<16x1xi32> to vector<16xi32>
      %gather3A_395 = tpu.dynamic_gather %masked_sort3A_389[%gather3A_394] in [0] : vector<16xi32>, vector<16xi32> -> vector<16xi32>
      %ne3A_396 = arith.cmpi ne, %masked_sort3A_389, %gather3A_392 : vector<16xi32>
      %eq3A_397 = arith.constant 15 : i32
      %eq3A_398 = vector.broadcast %eq3A_397 : i32 to vector<16xi32>
      %eq3A_399 = arith.cmpi eq, %iota3A, %eq3A_398 : vector<16xi32>
      %or3A_400 = arith.ori %ne3A_396, %eq3A_399 : vector<16xi1>
      %ne3A_401 = arith.cmpi ne, %masked_sort3A_389, %gather3A_395 : vector<16xi32>
      %eq3A_402 = arith.constant 0 : i32
      %eq3A_403 = vector.broadcast %eq3A_402 : i32 to vector<16xi32>
      %eq3A_404 = arith.cmpi eq, %iota3A, %eq3A_403 : vector<16xi32>
      %or3A_405 = arith.ori %ne3A_401, %eq3A_404 : vector<16xi1>
      %broadcast_in_dim3A_406 = arith.constant true
      %broadcast_in_dim3A_407 = vector.broadcast %broadcast_in_dim3A_406 : i1 to vector<16xi1>
      %masked_cumsum3A_408 = tpu.scan <sum>, %masked_sort3A_388 masked %broadcast_in_dim3A_407 : vector<16xf32>, vector<16xi1> -> vector<16xf32>
      %eq3A_409 = arith.constant 0 : i32
      %eq3A_410 = vector.broadcast %eq3A_409 : i32 to vector<16xi32>
      %eq3A_411 = arith.cmpi eq, %iota3A, %eq3A_410 : vector<16xi32>
      %broadcast_in_dim3A_412 = vector.shape_cast %max3A_8 : vector<16xi32> to vector<16x1xi32>
      %gather3A_413 = vector.shape_cast %broadcast_in_dim3A_412 : vector<16x1xi32> to vector<16xi32>
      %gather3A_414 = tpu.dynamic_gather %masked_cumsum3A_408[%gather3A_413] in [0] : vector<16xf32>, vector<16xi32> -> vector<16xf32>
      %jit3A_415 = arith.constant 0.000000e+00 : f32
      %broadcast_in_dim3A_416 = vector.broadcast %jit3A_415 : f32 to vector<16xf32>
      %select_n3A_417 = arith.select %eq3A_411, %broadcast_in_dim3A_416, %gather3A_414 : vector<16xi1>, vector<16xf32>
      tpu.vector_store_idx %arg13[%masked_sort3A_389], %masked_cumsum3A_408 masked %or3A_400 {add = true} : memref<10240xf32, #tpu.memory_space<vmem>>[vector<16xi32>], vector<16xf32>, vector<16xi1>
      %neg3A_418 = arith.constant 0.000000e+00 : f32
      %neg3A_419 = vector.broadcast %neg3A_418 : f32 to vector<16xf32>
      %neg3A_420 = arith.subf %neg3A_419, %select_n3A_417 : vector<16xf32>
      tpu.vector_store_idx %arg13[%masked_sort3A_389], %neg3A_420 masked %or3A_405 {add = true} : memref<10240xf32, #tpu.memory_space<vmem>>[vector<16xi32>], vector<16xf32>, vector<16xi1>
      %get3A_421 = arith.index_cast %scan3A_78 : i32 to index
      %get3A_422 = arith.constant 96 : index
      %get3A_423 = tpu.vector_load %arg10[%get3A_421, %get3A_422] {strides = array<i32>} : memref<40x128xi32, #tpu.memory_space<vmem>>, vector<16xi32>,
      %get3A_424 = arith.index_cast %scan3A_78 : i32 to index
      %get3A_425 = arith.constant 96 : index
      %get3A_426 = tpu.vector_load %arg11[%get3A_424, %get3A_425] {strides = array<i32>} : memref<40x128xi32, #tpu.memory_space<vmem>>, vector<16xi32>,
      %gather3A_427 = tpu.vector_load_idx %arg8[%get3A_423] : memref<10240xf32, #tpu.memory_space<vmem>>[vector<16xi32>], vector<16xf32>,
      %gather3A_428 = tpu.vector_load_idx %arg9[%get3A_426] : memref<10240xf32, #tpu.memory_space<vmem>>[vector<16xi32>], vector<16xf32>,
      %add3A_429 = arith.addf %gather3A_427, %gather3A_428 : vector<16xf32>
      %ge3A_430 = arith.constant 0.000000e+00 : f32
      %ge3A_431 = vector.broadcast %ge3A_430 : f32 to vector<16xf32>
      %ge3A_432 = arith.cmpf oge, %add3A_429, %ge3A_431 : vector<16xf32>
      %mul3A_433 = arith.constant 0.00999999977 : f32
      %mul3A_434 = vector.broadcast %mul3A_433 : f32 to vector<16xf32>
      %mul3A_435 = arith.mulf %add3A_429, %mul3A_434 : vector<16xf32>
      %select_n3A_436 = arith.select %ge3A_432, %add3A_429, %mul3A_435 : vector<16xi1>, vector<16xf32>
      %exp3A_437 = math.exp %select_n3A_436 : vector<16xf32>
      %swap3A_438 = arith.index_cast %scan3A_78 : i32 to index
      %swap3A_439 = arith.constant 96 : index
      %swap3A_440 = tpu.vector_load %arg12[%swap3A_438, %swap3A_439] {strides = array<i32>} : memref<40x128xf32, #tpu.memory_space<vmem>>, vector<16xf32>,
      tpu.vector_store %arg12[%swap3A_438, %swap3A_439], %exp3A_437 {strides = array<i32>} : memref<40x128xf32, #tpu.memory_space<vmem>>, vector<16xf32>,
      %masked_sort3A_441 = arith.constant dense<true> : vector<16xi1>
      %masked_sort3A_442 = arith.constant -2147483648 : i32
      %masked_sort3A_443 = vector.broadcast %masked_sort3A_442 : i32 to vector<16xi32>
      %masked_sort3A_444 = arith.xori %get3A_426, %masked_sort3A_443 : vector<16xi32>
      %masked_sort3A_445, %masked_sort3A_446, %masked_sort3A_447 = tpu.sort %masked_sort3A_444, %exp3A_437 masked %masked_sort3A_441 : (vector<16xi32>, vector<16xf32>, vector<16xi1>) -> (vector<16xi1>, vector<16xi32>, vector<16xf32>)
      %masked_sort3A_448 = arith.xori %masked_sort3A_446, %masked_sort3A_443 : vector<16xi32>
      %broadcast_in_dim3A_449 = vector.shape_cast %min3A_4 : vector<16xi32> to vector<16x1xi32>
      %gather3A_450 = vector.shape_cast %broadcast_in_dim3A_449 : vector<16x1xi32> to vector<16xi32>
      %gather3A_451 = tpu.dynamic_gather %masked_sort3A_448[%gather3A_450] in [0] : vector<16xi32>, vector<16xi32> -> vector<16xi32>
      %broadcast_in_dim3A_452 = vector.shape_cast %max3A_8 : vector<16xi32> to vector<16x1xi32>
      %gather3A_453 = vector.shape_cast %broadcast_in_dim3A_452 : vector<16x1xi32> to vector<16xi32>
      %gather3A_454 = tpu.dynamic_gather %masked_sort3A_448[%gather3A_453] in [0] : vector<16xi32>, vector<16xi32> -> vector<16xi32>
      %ne3A_455 = arith.cmpi ne, %masked_sort3A_448, %gather3A_451 : vector<16xi32>
      %eq3A_456 = arith.constant 15 : i32
      %eq3A_457 = vector.broadcast %eq3A_456 : i32 to vector<16xi32>
      %eq3A_458 = arith.cmpi eq, %iota3A, %eq3A_457 : vector<16xi32>
      %or3A_459 = arith.ori %ne3A_455, %eq3A_458 : vector<16xi1>
      %ne3A_460 = arith.cmpi ne, %masked_sort3A_448, %gather3A_454 : vector<16xi32>
      %eq3A_461 = arith.constant 0 : i32
      %eq3A_462 = vector.broadcast %eq3A_461 : i32 to vector<16xi32>
      %eq3A_463 = arith.cmpi eq, %iota3A, %eq3A_462 : vector<16xi32>
      %or3A_464 = arith.ori %ne3A_460, %eq3A_463 : vector<16xi1>
      %broadcast_in_dim3A_465 = arith.constant true
      %broadcast_in_dim3A_466 = vector.broadcast %broadcast_in_dim3A_465 : i1 to vector<16xi1>
      %masked_cumsum3A_467 = tpu.scan <sum>, %masked_sort3A_447 masked %broadcast_in_dim3A_466 : vector<16xf32>, vector<16xi1> -> vector<16xf32>
      %eq3A_468 = arith.constant 0 : i32
      %eq3A_469 = vector.broadcast %eq3A_468 : i32 to vector<16xi32>
      %eq3A_470 = arith.cmpi eq, %iota3A, %eq3A_469 : vector<16xi32>
      %broadcast_in_dim3A_471 = vector.shape_cast %max3A_8 : vector<16xi32> to vector<16x1xi32>
      %gather3A_472 = vector.shape_cast %broadcast_in_dim3A_471 : vector<16x1xi32> to vector<16xi32>
      %gather3A_473 = tpu.dynamic_gather %masked_cumsum3A_467[%gather3A_472] in [0] : vector<16xf32>, vector<16xi32> -> vector<16xf32>
      %jit3A_474 = arith.constant 0.000000e+00 : f32
      %broadcast_in_dim3A_475 = vector.broadcast %jit3A_474 : f32 to vector<16xf32>
      %select_n3A_476 = arith.select %eq3A_470, %broadcast_in_dim3A_475, %gather3A_473 : vector<16xi1>, vector<16xf32>
      tpu.vector_store_idx %arg13[%masked_sort3A_448], %masked_cumsum3A_467 masked %or3A_459 {add = true} : memref<10240xf32, #tpu.memory_space<vmem>>[vector<16xi32>], vector<16xf32>, vector<16xi1>
      %neg3A_477 = arith.constant 0.000000e+00 : f32
      %neg3A_478 = vector.broadcast %neg3A_477 : f32 to vector<16xf32>
      %neg3A_479 = arith.subf %neg3A_478, %select_n3A_476 : vector<16xf32>
      tpu.vector_store_idx %arg13[%masked_sort3A_448], %neg3A_479 masked %or3A_464 {add = true} : memref<10240xf32, #tpu.memory_space<vmem>>[vector<16xi32>], vector<16xf32>, vector<16xi1>
      %get3A_480 = arith.index_cast %scan3A_78 : i32 to index
      %get3A_481 = arith.constant 112 : index
      %get3A_482 = tpu.vector_load %arg10[%get3A_480, %get3A_481] {strides = array<i32>} : memref<40x128xi32, #tpu.memory_space<vmem>>, vector<16xi32>,
      %get3A_483 = arith.index_cast %scan3A_78 : i32 to index
      %get3A_484 = arith.constant 112 : index
      %get3A_485 = tpu.vector_load %arg11[%get3A_483, %get3A_484] {strides = array<i32>} : memref<40x128xi32, #tpu.memory_space<vmem>>, vector<16xi32>,
      %gather3A_486 = tpu.vector_load_idx %arg8[%get3A_482] : memref<10240xf32, #tpu.memory_space<vmem>>[vector<16xi32>], vector<16xf32>,
      %gather3A_487 = tpu.vector_load_idx %arg9[%get3A_485] : memref<10240xf32, #tpu.memory_space<vmem>>[vector<16xi32>], vector<16xf32>,
      %add3A_488 = arith.addf %gather3A_486, %gather3A_487 : vector<16xf32>
      %ge3A_489 = arith.constant 0.000000e+00 : f32
      %ge3A_490 = vector.broadcast %ge3A_489 : f32 to vector<16xf32>
      %ge3A_491 = arith.cmpf oge, %add3A_488, %ge3A_490 : vector<16xf32>
      %mul3A_492 = arith.constant 0.00999999977 : f32
      %mul3A_493 = vector.broadcast %mul3A_492 : f32 to vector<16xf32>
      %mul3A_494 = arith.mulf %add3A_488, %mul3A_493 : vector<16xf32>
      %select_n3A_495 = arith.select %ge3A_491, %add3A_488, %mul3A_494 : vector<16xi1>, vector<16xf32>
      %exp3A_496 = math.exp %select_n3A_495 : vector<16xf32>
      %swap3A_497 = arith.index_cast %scan3A_78 : i32 to index
      %swap3A_498 = arith.constant 112 : index
      %swap3A_499 = tpu.vector_load %arg12[%swap3A_497, %swap3A_498] {strides = array<i32>} : memref<40x128xf32, #tpu.memory_space<vmem>>, vector<16xf32>,
      tpu.vector_store %arg12[%swap3A_497, %swap3A_498], %exp3A_496 {strides = array<i32>} : memref<40x128xf32, #tpu.memory_space<vmem>>, vector<16xf32>,
      %masked_sort3A_500 = arith.constant dense<true> : vector<16xi1>
      %masked_sort3A_501 = arith.constant -2147483648 : i32
      %masked_sort3A_502 = vector.broadcast %masked_sort3A_501 : i32 to vector<16xi32>
      %masked_sort3A_503 = arith.xori %get3A_485, %masked_sort3A_502 : vector<16xi32>
      %masked_sort3A_504, %masked_sort3A_505, %masked_sort3A_506 = tpu.sort %masked_sort3A_503, %exp3A_496 masked %masked_sort3A_500 : (vector<16xi32>, vector<16xf32>, vector<16xi1>) -> (vector<16xi1>, vector<16xi32>, vector<16xf32>)
      %masked_sort3A_507 = arith.xori %masked_sort3A_505, %masked_sort3A_502 : vector<16xi32>
      %broadcast_in_dim3A_508 = vector.shape_cast %min3A_4 : vector<16xi32> to vector<16x1xi32>
      %gather3A_509 = vector.shape_cast %broadcast_in_dim3A_508 : vector<16x1xi32> to vector<16xi32>
      %gather3A_510 = tpu.dynamic_gather %masked_sort3A_507[%gather3A_509] in [0] : vector<16xi32>, vector<16xi32> -> vector<16xi32>
      %broadcast_in_dim3A_511 = vector.shape_cast %max3A_8 : vector<16xi32> to vector<16x1xi32>
      %gather3A_512 = vector.shape_cast %broadcast_in_dim3A_511 : vector<16x1xi32> to vector<16xi32>
      %gather3A_513 = tpu.dynamic_gather %masked_sort3A_507[%gather3A_512] in [0] : vector<16xi32>, vector<16xi32> -> vector<16xi32>
      %ne3A_514 = arith.cmpi ne, %masked_sort3A_507, %gather3A_510 : vector<16xi32>
      %eq3A_515 = arith.constant 15 : i32
      %eq3A_516 = vector.broadcast %eq3A_515 : i32 to vector<16xi32>
      %eq3A_517 = arith.cmpi eq, %iota3A, %eq3A_516 : vector<16xi32>
      %or3A_518 = arith.ori %ne3A_514, %eq3A_517 : vector<16xi1>
      %ne3A_519 = arith.cmpi ne, %masked_sort3A_507, %gather3A_513 : vector<16xi32>
      %eq3A_520 = arith.constant 0 : i32
      %eq3A_521 = vector.broadcast %eq3A_520 : i32 to vector<16xi32>
      %eq3A_522 = arith.cmpi eq, %iota3A, %eq3A_521 : vector<16xi32>
      %or3A_523 = arith.ori %ne3A_519, %eq3A_522 : vector<16xi1>
      %broadcast_in_dim3A_524 = arith.constant true
      %broadcast_in_dim3A_525 = vector.broadcast %broadcast_in_dim3A_524 : i1 to vector<16xi1>
      %masked_cumsum3A_526 = tpu.scan <sum>, %masked_sort3A_506 masked %broadcast_in_dim3A_525 : vector<16xf32>, vector<16xi1> -> vector<16xf32>
      %eq3A_527 = arith.constant 0 : i32
      %eq3A_528 = vector.broadcast %eq3A_527 : i32 to vector<16xi32>
      %eq3A_529 = arith.cmpi eq, %iota3A, %eq3A_528 : vector<16xi32>
      %broadcast_in_dim3A_530 = vector.shape_cast %max3A_8 : vector<16xi32> to vector<16x1xi32>
      %gather3A_531 = vector.shape_cast %broadcast_in_dim3A_530 : vector<16x1xi32> to vector<16xi32>
      %gather3A_532 = tpu.dynamic_gather %masked_cumsum3A_526[%gather3A_531] in [0] : vector<16xf32>, vector<16xi32> -> vector<16xf32>
      %jit3A_533 = arith.constant 0.000000e+00 : f32
      %broadcast_in_dim3A_534 = vector.broadcast %jit3A_533 : f32 to vector<16xf32>
      %select_n3A_535 = arith.select %eq3A_529, %broadcast_in_dim3A_534, %gather3A_532 : vector<16xi1>, vector<16xf32>
      tpu.vector_store_idx %arg13[%masked_sort3A_507], %masked_cumsum3A_526 masked %or3A_518 {add = true} : memref<10240xf32, #tpu.memory_space<vmem>>[vector<16xi32>], vector<16xf32>, vector<16xi1>
      %neg3A_536 = arith.constant 0.000000e+00 : f32
      %neg3A_537 = vector.broadcast %neg3A_536 : f32 to vector<16xf32>
      %neg3A_538 = arith.subf %neg3A_537, %select_n3A_535 : vector<16xf32>
      tpu.vector_store_idx %arg13[%masked_sort3A_507], %neg3A_538 masked %or3A_523 {add = true} : memref<10240xf32, #tpu.memory_space<vmem>>[vector<16xi32>], vector<16xf32>, vector<16xi1>
      %scan3A_539 = arith.constant 0 : i32
      scf.yield %scan3A_539 : i32
    }
    %scan3A_45 = arith.constant 40 : i32
    %add3A_46 = arith.constant 2 : i32
    %add3A_47 = arith.addi %add3A_46, %arg0 : i32
    %mul3A_48 = arith.constant 16 : i32
    %mul3A_49 = arith.muli %add3A_47, %mul3A_48 : i32
    %add3A_50 = arith.addi %mul3A_49, %arg1 : i32
    %run_scoped3A_51 = arith.constant 1 : i32
    "tpu.region"() ({
      %run_scoped3A_78 = tpu.sem_alloc : memref<!tpu.dma_semaphore, #tpu.memory_space<semaphore_mem>>
      %dma_start3A = arith.constant 0 : i32
      %dma_start3A_79 = arith.constant 0 : i32
      %dma_start3A_80 = tpu.memref_slice %arg6[%run_scoped3A_51, %arg0, %arg1, %dma_start3A, %dma_start3A_79] : memref<3x2x16x40x128xf32, #tpu.memory_space<hbm>> -> memref<1x1x1x40x128xf32, #tpu.memory_space<hbm>>
      %dma_start3A_81 = tpu.memref_squeeze %dma_start3A_80 : memref<1x1x1x40x128xf32, #tpu.memory_space<hbm>> -> memref<40x128xf32, #tpu.memory_space<hbm>>
      %dma_start3A_82 = arith.constant 0 : i32
      %dma_start3A_83 = arith.constant 0 : i32
      %dma_start3A_84 = tpu.memref_slice %arg6[%run_scoped3A_51, %arg0, %arg1, %dma_start3A_82, %dma_start3A_83] : memref<3x2x16x40x128xf32, #tpu.memory_space<hbm>> -> memref<1x1x1x40x128xf32, #tpu.memory_space<hbm>>
      %dma_start3A_85 = tpu.memref_squeeze %dma_start3A_84 : memref<1x1x1x40x128xf32, #tpu.memory_space<hbm>> -> memref<40x128xf32, #tpu.memory_space<hbm>>
      tpu.enqueue_dma source(%arg12 : memref<40x128xf32, #tpu.memory_space<vmem>>) target(%dma_start3A_85 : memref<40x128xf32, #tpu.memory_space<hbm>>) target_semaphore(%run_scoped3A_78 : memref<!tpu.dma_semaphore, #tpu.memory_space<semaphore_mem>>)
      %dma_wait3A = arith.constant 0 : i32
      %dma_wait3A_86 = arith.constant 0 : i32
      %dma_wait3A_87 = tpu.memref_slice %arg6[%run_scoped3A_51, %arg0, %arg1, %dma_wait3A, %dma_wait3A_86] : memref<3x2x16x40x128xf32, #tpu.memory_space<hbm>> -> memref<1x1x1x40x128xf32, #tpu.memory_space<hbm>>
      %dma_wait3A_88 = tpu.memref_squeeze %dma_wait3A_87 : memref<1x1x1x40x128xf32, #tpu.memory_space<hbm>> -> memref<40x128xf32, #tpu.memory_space<hbm>>
      %dma_wait3A_89 = arith.constant 0 : i32
      %dma_wait3A_90 = arith.constant 0 : i32
      %dma_wait3A_91 = tpu.memref_slice %arg6[%run_scoped3A_51, %arg0, %arg1, %dma_wait3A_89, %dma_wait3A_90] : memref<3x2x16x40x128xf32, #tpu.memory_space<hbm>> -> memref<1x1x1x40x128xf32, #tpu.memory_space<hbm>>
      %dma_wait3A_92 = tpu.memref_squeeze %dma_wait3A_91 : memref<1x1x1x40x128xf32, #tpu.memory_space<hbm>> -> memref<40x128xf32, #tpu.memory_space<hbm>>
      tpu.wait_dma2 semaphore(%run_scoped3A_78 : memref<!tpu.dma_semaphore, #tpu.memory_space<semaphore_mem>>) src(%arg12 : memref<40x128xf32, #tpu.memory_space<vmem>>) dst(%dma_wait3A_92 : memref<40x128xf32, #tpu.memory_space<hbm>>)
      tpu.yield
    }) : () -> ()
    %mul3A_52 = arith.constant 10240 : i32
    %mul3A_53 = arith.muli %add3A_50, %mul3A_52 : i32
    "tpu.region"() ({
      %run_scoped3A_78 = tpu.sem_alloc : memref<!tpu.dma_semaphore, #tpu.memory_space<semaphore_mem>>
      %dma_start3A = tpu.memref_slice %arg7[%mul3A_53] : memref<983040xf32, #tpu.memory_space<hbm>> -> memref<10240xf32, #tpu.memory_space<hbm>>
      %dma_start3A_79 = tpu.memref_slice %arg7[%mul3A_53] : memref<983040xf32, #tpu.memory_space<hbm>> -> memref<10240xf32, #tpu.memory_space<hbm>>
      tpu.enqueue_dma source(%arg13 : memref<10240xf32, #tpu.memory_space<vmem>>) target(%dma_start3A_79 : memref<10240xf32, #tpu.memory_space<hbm>>) target_semaphore(%run_scoped3A_78 : memref<!tpu.dma_semaphore, #tpu.memory_space<semaphore_mem>>)
      %dma_wait3A = tpu.memref_slice %arg7[%mul3A_53] : memref<983040xf32, #tpu.memory_space<hbm>> -> memref<10240xf32, #tpu.memory_space<hbm>>
      %dma_wait3A_80 = tpu.memref_slice %arg7[%mul3A_53] : memref<983040xf32, #tpu.memory_space<hbm>> -> memref<10240xf32, #tpu.memory_space<hbm>>
      tpu.wait_dma2 semaphore(%run_scoped3A_78 : memref<!tpu.dma_semaphore, #tpu.memory_space<semaphore_mem>>) src(%arg13 : memref<10240xf32, #tpu.memory_space<vmem>>) dst(%dma_wait3A_80 : memref<10240xf32, #tpu.memory_space<hbm>>)
      tpu.yield
    }) : () -> ()
    "tpu.region"() ({
      %run_scoped3A_78 = tpu.sem_alloc : memref<!tpu.dma_semaphore, #tpu.memory_space<semaphore_mem>>
      %dma_start3A = arith.constant 20480 : i32
      %dma_start3A_79 = tpu.memref_slice %arg2[%dma_start3A] : memref<30720xf32, #tpu.memory_space<hbm>> -> memref<10240xf32, #tpu.memory_space<hbm>>
      %dma_start3A_80 = arith.constant 20480 : i32
      %dma_start3A_81 = tpu.memref_slice %arg2[%dma_start3A_80] : memref<30720xf32, #tpu.memory_space<hbm>> -> memref<10240xf32, #tpu.memory_space<hbm>>
      tpu.enqueue_dma source(%dma_start3A_81 : memref<10240xf32, #tpu.memory_space<hbm>>) target(%arg8 : memref<10240xf32, #tpu.memory_space<vmem>>) target_semaphore(%run_scoped3A_78 : memref<!tpu.dma_semaphore, #tpu.memory_space<semaphore_mem>>)
      %dma_wait3A = arith.constant 20480 : i32
      %dma_wait3A_82 = tpu.memref_slice %arg2[%dma_wait3A] : memref<30720xf32, #tpu.memory_space<hbm>> -> memref<10240xf32, #tpu.memory_space<hbm>>
      %dma_wait3A_83 = arith.constant 20480 : i32
      %dma_wait3A_84 = tpu.memref_slice %arg2[%dma_wait3A_83] : memref<30720xf32, #tpu.memory_space<hbm>> -> memref<10240xf32, #tpu.memory_space<hbm>>
      tpu.wait_dma2 semaphore(%run_scoped3A_78 : memref<!tpu.dma_semaphore, #tpu.memory_space<semaphore_mem>>) src(%dma_wait3A_84 : memref<10240xf32, #tpu.memory_space<hbm>>) dst(%arg8 : memref<10240xf32, #tpu.memory_space<vmem>>)
      tpu.yield
    }) : () -> ()
    "tpu.region"() ({
      %run_scoped3A_78 = tpu.sem_alloc : memref<!tpu.dma_semaphore, #tpu.memory_space<semaphore_mem>>
      %dma_start3A = arith.constant 20480 : i32
      %dma_start3A_79 = tpu.memref_slice %arg3[%dma_start3A] : memref<30720xf32, #tpu.memory_space<hbm>> -> memref<10240xf32, #tpu.memory_space<hbm>>
      %dma_start3A_80 = arith.constant 20480 : i32
      %dma_start3A_81 = tpu.memref_slice %arg3[%dma_start3A_80] : memref<30720xf32, #tpu.memory_space<hbm>> -> memref<10240xf32, #tpu.memory_space<hbm>>
      tpu.enqueue_dma source(%dma_start3A_81 : memref<10240xf32, #tpu.memory_space<hbm>>) target(%arg9 : memref<10240xf32, #tpu.memory_space<vmem>>) target_semaphore(%run_scoped3A_78 : memref<!tpu.dma_semaphore, #tpu.memory_space<semaphore_mem>>)
      %dma_wait3A = arith.constant 20480 : i32
      %dma_wait3A_82 = tpu.memref_slice %arg3[%dma_wait3A] : memref<30720xf32, #tpu.memory_space<hbm>> -> memref<10240xf32, #tpu.memory_space<hbm>>
      %dma_wait3A_83 = arith.constant 20480 : i32
      %dma_wait3A_84 = tpu.memref_slice %arg3[%dma_wait3A_83] : memref<30720xf32, #tpu.memory_space<hbm>> -> memref<10240xf32, #tpu.memory_space<hbm>>
      tpu.wait_dma2 semaphore(%run_scoped3A_78 : memref<!tpu.dma_semaphore, #tpu.memory_space<semaphore_mem>>) src(%dma_wait3A_84 : memref<10240xf32, #tpu.memory_space<hbm>>) dst(%arg9 : memref<10240xf32, #tpu.memory_space<vmem>>)
      tpu.yield
    }) : () -> ()
    %run_scoped3A_54 = arith.constant 2 : i32
    "tpu.region"() ({
      %run_scoped3A_78 = tpu.sem_alloc : memref<!tpu.dma_semaphore, #tpu.memory_space<semaphore_mem>>
      %dma_start3A = arith.constant 0 : i32
      %dma_start3A_79 = arith.constant 0 : i32
      %dma_start3A_80 = tpu.memref_slice %arg4[%run_scoped3A_54, %arg0, %arg1, %dma_start3A, %dma_start3A_79] : memref<3x2x16x40x128xi32, #tpu.memory_space<hbm>> -> memref<1x1x1x40x128xi32, #tpu.memory_space<hbm>>
      %dma_start3A_81 = tpu.memref_squeeze %dma_start3A_80 : memref<1x1x1x40x128xi32, #tpu.memory_space<hbm>> -> memref<40x128xi32, #tpu.memory_space<hbm>>
      %dma_start3A_82 = arith.constant 0 : i32
      %dma_start3A_83 = arith.constant 0 : i32
      %dma_start3A_84 = tpu.memref_slice %arg4[%run_scoped3A_54, %arg0, %arg1, %dma_start3A_82, %dma_start3A_83] : memref<3x2x16x40x128xi32, #tpu.memory_space<hbm>> -> memref<1x1x1x40x128xi32, #tpu.memory_space<hbm>>
      %dma_start3A_85 = tpu.memref_squeeze %dma_start3A_84 : memref<1x1x1x40x128xi32, #tpu.memory_space<hbm>> -> memref<40x128xi32, #tpu.memory_space<hbm>>
      tpu.enqueue_dma source(%dma_start3A_85 : memref<40x128xi32, #tpu.memory_space<hbm>>) target(%arg10 : memref<40x128xi32, #tpu.memory_space<vmem>>) target_semaphore(%run_scoped3A_78 : memref<!tpu.dma_semaphore, #tpu.memory_space<semaphore_mem>>)
      %dma_wait3A = arith.constant 0 : i32
      %dma_wait3A_86 = arith.constant 0 : i32
      %dma_wait3A_87 = tpu.memref_slice %arg4[%run_scoped3A_54, %arg0, %arg1, %dma_wait3A, %dma_wait3A_86] : memref<3x2x16x40x128xi32, #tpu.memory_space<hbm>> -> memref<1x1x1x40x128xi32, #tpu.memory_space<hbm>>
      %dma_wait3A_88 = tpu.memref_squeeze %dma_wait3A_87 : memref<1x1x1x40x128xi32, #tpu.memory_space<hbm>> -> memref<40x128xi32, #tpu.memory_space<hbm>>
      %dma_wait3A_89 = arith.constant 0 : i32
      %dma_wait3A_90 = arith.constant 0 : i32
      %dma_wait3A_91 = tpu.memref_slice %arg4[%run_scoped3A_54, %arg0, %arg1, %dma_wait3A_89, %dma_wait3A_90] : memref<3x2x16x40x128xi32, #tpu.memory_space<hbm>> -> memref<1x1x1x40x128xi32, #tpu.memory_space<hbm>>
      %dma_wait3A_92 = tpu.memref_squeeze %dma_wait3A_91 : memref<1x1x1x40x128xi32, #tpu.memory_space<hbm>> -> memref<40x128xi32, #tpu.memory_space<hbm>>
      tpu.wait_dma2 semaphore(%run_scoped3A_78 : memref<!tpu.dma_semaphore, #tpu.memory_space<semaphore_mem>>) src(%dma_wait3A_92 : memref<40x128xi32, #tpu.memory_space<hbm>>) dst(%arg10 : memref<40x128xi32, #tpu.memory_space<vmem>>)
      tpu.yield
    }) : () -> ()
    %run_scoped3A_55 = arith.constant 2 : i32
    "tpu.region"() ({
      %run_scoped3A_78 = tpu.sem_alloc : memref<!tpu.dma_semaphore, #tpu.memory_space<semaphore_mem>>
      %dma_start3A = arith.constant 0 : i32
      %dma_start3A_79 = arith.constant 0 : i32
      %dma_start3A_80 = tpu.memref_slice %arg5[%run_scoped3A_55, %arg0, %arg1, %dma_start3A, %dma_start3A_79] : memref<3x2x16x40x128xi32, #tpu.memory_space<hbm>> -> memref<1x1x1x40x128xi32, #tpu.memory_space<hbm>>
      %dma_start3A_81 = tpu.memref_squeeze %dma_start3A_80 : memref<1x1x1x40x128xi32, #tpu.memory_space<hbm>> -> memref<40x128xi32, #tpu.memory_space<hbm>>
      %dma_start3A_82 = arith.constant 0 : i32
      %dma_start3A_83 = arith.constant 0 : i32
      %dma_start3A_84 = tpu.memref_slice %arg5[%run_scoped3A_55, %arg0, %arg1, %dma_start3A_82, %dma_start3A_83] : memref<3x2x16x40x128xi32, #tpu.memory_space<hbm>> -> memref<1x1x1x40x128xi32, #tpu.memory_space<hbm>>
      %dma_start3A_85 = tpu.memref_squeeze %dma_start3A_84 : memref<1x1x1x40x128xi32, #tpu.memory_space<hbm>> -> memref<40x128xi32, #tpu.memory_space<hbm>>
      tpu.enqueue_dma source(%dma_start3A_85 : memref<40x128xi32, #tpu.memory_space<hbm>>) target(%arg11 : memref<40x128xi32, #tpu.memory_space<vmem>>) target_semaphore(%run_scoped3A_78 : memref<!tpu.dma_semaphore, #tpu.memory_space<semaphore_mem>>)
      %dma_wait3A = arith.constant 0 : i32
      %dma_wait3A_86 = arith.constant 0 : i32
      %dma_wait3A_87 = tpu.memref_slice %arg5[%run_scoped3A_55, %arg0, %arg1, %dma_wait3A, %dma_wait3A_86] : memref<3x2x16x40x128xi32, #tpu.memory_space<hbm>> -> memref<1x1x1x40x128xi32, #tpu.memory_space<hbm>>
      %dma_wait3A_88 = tpu.memref_squeeze %dma_wait3A_87 : memref<1x1x1x40x128xi32, #tpu.memory_space<hbm>> -> memref<40x128xi32, #tpu.memory_space<hbm>>
      %dma_wait3A_89 = arith.constant 0 : i32
      %dma_wait3A_90 = arith.constant 0 : i32
      %dma_wait3A_91 = tpu.memref_slice %arg5[%run_scoped3A_55, %arg0, %arg1, %dma_wait3A_89, %dma_wait3A_90] : memref<3x2x16x40x128xi32, #tpu.memory_space<hbm>> -> memref<1x1x1x40x128xi32, #tpu.memory_space<hbm>>
      %dma_wait3A_92 = tpu.memref_squeeze %dma_wait3A_91 : memref<1x1x1x40x128xi32, #tpu.memory_space<hbm>> -> memref<40x128xi32, #tpu.memory_space<hbm>>
      tpu.wait_dma2 semaphore(%run_scoped3A_78 : memref<!tpu.dma_semaphore, #tpu.memory_space<semaphore_mem>>) src(%dma_wait3A_92 : memref<40x128xi32, #tpu.memory_space<hbm>>) dst(%arg11 : memref<40x128xi32, #tpu.memory_space<vmem>>)
      tpu.yield
    }) : () -> ()
    %scan3A_56 = arith.constant 0 : i32
    %scan3A_57 = arith.constant 0 : i32
    %scan3A_58 = arith.constant 640 : i32
    %scan3A_59 = arith.addi %scan3A_57, %scan3A_58 : i32
    %scan3A_60 = arith.constant 1 : i32
    %scan3A_61 = scf.for %scan3A_78 = %scan3A_57 to %scan3A_59 step %scan3A_60 iter_args(%scan3A_79 = %scan3A_56) -> (i32)  : i32 {
      %mul3A_80 = arith.constant 16 : i32
      %mul3A_81 = arith.muli %scan3A_78, %mul3A_80 : i32
      %swap3A = arith.index_cast %mul3A_81 : i32 to index
      %swap3A_82 = tpu.vector_load %arg13[%swap3A] {strides = array<i32>} : memref<10240xf32, #tpu.memory_space<vmem>>, vector<16xf32>,
      tpu.vector_store %arg13[%swap3A], %broadcast_in_dim3A_0 {strides = array<i32>} : memref<10240xf32, #tpu.memory_space<vmem>>, vector<16xf32>,
      %scan3A_83 = arith.constant 0 : i32
      scf.yield %scan3A_83 : i32
    }
    %scan3A_62 = arith.constant 640 : i32
    %scan3A_63 = arith.constant 0 : i32
    %scan3A_64 = arith.constant 0 : i32
    %scan3A_65 = arith.constant 40 : i32
    %scan3A_66 = arith.addi %scan3A_64, %scan3A_65 : i32
    %scan3A_67 = arith.constant 1 : i32
    %scan3A_68 = scf.for %scan3A_78 = %scan3A_64 to %scan3A_66 step %scan3A_67 iter_args(%scan3A_79 = %scan3A_63) -> (i32)  : i32 {
      %get3A = arith.index_cast %scan3A_78 : i32 to index
      %get3A_80 = arith.constant 0 : index
      %get3A_81 = tpu.vector_load %arg10[%get3A, %get3A_80] {strides = array<i32>} : memref<40x128xi32, #tpu.memory_space<vmem>>, vector<16xi32>,
      %get3A_82 = arith.index_cast %scan3A_78 : i32 to index
      %get3A_83 = arith.constant 0 : index
      %get3A_84 = tpu.vector_load %arg11[%get3A_82, %get3A_83] {strides = array<i32>} : memref<40x128xi32, #tpu.memory_space<vmem>>, vector<16xi32>,
      %gather3A = tpu.vector_load_idx %arg8[%get3A_81] : memref<10240xf32, #tpu.memory_space<vmem>>[vector<16xi32>], vector<16xf32>,
      %gather3A_85 = tpu.vector_load_idx %arg9[%get3A_84] : memref<10240xf32, #tpu.memory_space<vmem>>[vector<16xi32>], vector<16xf32>,
      %add3A_86 = arith.addf %gather3A, %gather3A_85 : vector<16xf32>
      %ge3A = arith.constant 0.000000e+00 : f32
      %ge3A_87 = vector.broadcast %ge3A : f32 to vector<16xf32>
      %ge3A_88 = arith.cmpf oge, %add3A_86, %ge3A_87 : vector<16xf32>
      %mul3A_89 = arith.constant 0.00999999977 : f32
      %mul3A_90 = vector.broadcast %mul3A_89 : f32 to vector<16xf32>
      %mul3A_91 = arith.mulf %add3A_86, %mul3A_90 : vector<16xf32>
      %select_n3A = arith.select %ge3A_88, %add3A_86, %mul3A_91 : vector<16xi1>, vector<16xf32>
      %exp3A = math.exp %select_n3A : vector<16xf32>
      %swap3A = arith.index_cast %scan3A_78 : i32 to index
      %swap3A_92 = arith.constant 0 : index
      %swap3A_93 = tpu.vector_load %arg12[%swap3A, %swap3A_92] {strides = array<i32>} : memref<40x128xf32, #tpu.memory_space<vmem>>, vector<16xf32>,
      tpu.vector_store %arg12[%swap3A, %swap3A_92], %exp3A {strides = array<i32>} : memref<40x128xf32, #tpu.memory_space<vmem>>, vector<16xf32>,
      %masked_sort3A = arith.constant dense<true> : vector<16xi1>
      %masked_sort3A_94 = arith.constant -2147483648 : i32
      %masked_sort3A_95 = vector.broadcast %masked_sort3A_94 : i32 to vector<16xi32>
      %masked_sort3A_96 = arith.xori %get3A_84, %masked_sort3A_95 : vector<16xi32>
      %masked_sort3A_97, %masked_sort3A_98, %masked_sort3A_99 = tpu.sort %masked_sort3A_96, %exp3A masked %masked_sort3A : (vector<16xi32>, vector<16xf32>, vector<16xi1>) -> (vector<16xi1>, vector<16xi32>, vector<16xf32>)
      %masked_sort3A_100 = arith.xori %masked_sort3A_98, %masked_sort3A_95 : vector<16xi32>
      %broadcast_in_dim3A_101 = vector.shape_cast %min3A_4 : vector<16xi32> to vector<16x1xi32>
      %gather3A_102 = vector.shape_cast %broadcast_in_dim3A_101 : vector<16x1xi32> to vector<16xi32>
      %gather3A_103 = tpu.dynamic_gather %masked_sort3A_100[%gather3A_102] in [0] : vector<16xi32>, vector<16xi32> -> vector<16xi32>
      %broadcast_in_dim3A_104 = vector.shape_cast %max3A_8 : vector<16xi32> to vector<16x1xi32>
      %gather3A_105 = vector.shape_cast %broadcast_in_dim3A_104 : vector<16x1xi32> to vector<16xi32>
      %gather3A_106 = tpu.dynamic_gather %masked_sort3A_100[%gather3A_105] in [0] : vector<16xi32>, vector<16xi32> -> vector<16xi32>
      %ne3A = arith.cmpi ne, %masked_sort3A_100, %gather3A_103 : vector<16xi32>
      %eq3A = arith.constant 15 : i32
      %eq3A_107 = vector.broadcast %eq3A : i32 to vector<16xi32>
      %eq3A_108 = arith.cmpi eq, %iota3A, %eq3A_107 : vector<16xi32>
      %or3A = arith.ori %ne3A, %eq3A_108 : vector<16xi1>
      %ne3A_109 = arith.cmpi ne, %masked_sort3A_100, %gather3A_106 : vector<16xi32>
      %eq3A_110 = arith.constant 0 : i32
      %eq3A_111 = vector.broadcast %eq3A_110 : i32 to vector<16xi32>
      %eq3A_112 = arith.cmpi eq, %iota3A, %eq3A_111 : vector<16xi32>
      %or3A_113 = arith.ori %ne3A_109, %eq3A_112 : vector<16xi1>
      %broadcast_in_dim3A_114 = arith.constant true
      %broadcast_in_dim3A_115 = vector.broadcast %broadcast_in_dim3A_114 : i1 to vector<16xi1>
      %masked_cumsum3A = tpu.scan <sum>, %masked_sort3A_99 masked %broadcast_in_dim3A_115 : vector<16xf32>, vector<16xi1> -> vector<16xf32>
      %eq3A_116 = arith.constant 0 : i32
      %eq3A_117 = vector.broadcast %eq3A_116 : i32 to vector<16xi32>
      %eq3A_118 = arith.cmpi eq, %iota3A, %eq3A_117 : vector<16xi32>
      %broadcast_in_dim3A_119 = vector.shape_cast %max3A_8 : vector<16xi32> to vector<16x1xi32>
      %gather3A_120 = vector.shape_cast %broadcast_in_dim3A_119 : vector<16x1xi32> to vector<16xi32>
      %gather3A_121 = tpu.dynamic_gather %masked_cumsum3A[%gather3A_120] in [0] : vector<16xf32>, vector<16xi32> -> vector<16xf32>
      %jit3A = arith.constant 0.000000e+00 : f32
      %broadcast_in_dim3A_122 = vector.broadcast %jit3A : f32 to vector<16xf32>
      %select_n3A_123 = arith.select %eq3A_118, %broadcast_in_dim3A_122, %gather3A_121 : vector<16xi1>, vector<16xf32>
      tpu.vector_store_idx %arg13[%masked_sort3A_100], %masked_cumsum3A masked %or3A {add = true} : memref<10240xf32, #tpu.memory_space<vmem>>[vector<16xi32>], vector<16xf32>, vector<16xi1>
      %neg3A = arith.constant 0.000000e+00 : f32
      %neg3A_124 = vector.broadcast %neg3A : f32 to vector<16xf32>
      %neg3A_125 = arith.subf %neg3A_124, %select_n3A_123 : vector<16xf32>
      tpu.vector_store_idx %arg13[%masked_sort3A_100], %neg3A_125 masked %or3A_113 {add = true} : memref<10240xf32, #tpu.memory_space<vmem>>[vector<16xi32>], vector<16xf32>, vector<16xi1>
      %get3A_126 = arith.index_cast %scan3A_78 : i32 to index
      %get3A_127 = arith.constant 16 : index
      %get3A_128 = tpu.vector_load %arg10[%get3A_126, %get3A_127] {strides = array<i32>} : memref<40x128xi32, #tpu.memory_space<vmem>>, vector<16xi32>,
      %get3A_129 = arith.index_cast %scan3A_78 : i32 to index
      %get3A_130 = arith.constant 16 : index
      %get3A_131 = tpu.vector_load %arg11[%get3A_129, %get3A_130] {strides = array<i32>} : memref<40x128xi32, #tpu.memory_space<vmem>>, vector<16xi32>,
      %gather3A_132 = tpu.vector_load_idx %arg8[%get3A_128] : memref<10240xf32, #tpu.memory_space<vmem>>[vector<16xi32>], vector<16xf32>,
      %gather3A_133 = tpu.vector_load_idx %arg9[%get3A_131] : memref<10240xf32, #tpu.memory_space<vmem>>[vector<16xi32>], vector<16xf32>,
      %add3A_134 = arith.addf %gather3A_132, %gather3A_133 : vector<16xf32>
      %ge3A_135 = arith.constant 0.000000e+00 : f32
      %ge3A_136 = vector.broadcast %ge3A_135 : f32 to vector<16xf32>
      %ge3A_137 = arith.cmpf oge, %add3A_134, %ge3A_136 : vector<16xf32>
      %mul3A_138 = arith.constant 0.00999999977 : f32
      %mul3A_139 = vector.broadcast %mul3A_138 : f32 to vector<16xf32>
      %mul3A_140 = arith.mulf %add3A_134, %mul3A_139 : vector<16xf32>
      %select_n3A_141 = arith.select %ge3A_137, %add3A_134, %mul3A_140 : vector<16xi1>, vector<16xf32>
      %exp3A_142 = math.exp %select_n3A_141 : vector<16xf32>
      %swap3A_143 = arith.index_cast %scan3A_78 : i32 to index
      %swap3A_144 = arith.constant 16 : index
      %swap3A_145 = tpu.vector_load %arg12[%swap3A_143, %swap3A_144] {strides = array<i32>} : memref<40x128xf32, #tpu.memory_space<vmem>>, vector<16xf32>,
      tpu.vector_store %arg12[%swap3A_143, %swap3A_144], %exp3A_142 {strides = array<i32>} : memref<40x128xf32, #tpu.memory_space<vmem>>, vector<16xf32>,
      %masked_sort3A_146 = arith.constant dense<true> : vector<16xi1>
      %masked_sort3A_147 = arith.constant -2147483648 : i32
      %masked_sort3A_148 = vector.broadcast %masked_sort3A_147 : i32 to vector<16xi32>
      %masked_sort3A_149 = arith.xori %get3A_131, %masked_sort3A_148 : vector<16xi32>
      %masked_sort3A_150, %masked_sort3A_151, %masked_sort3A_152 = tpu.sort %masked_sort3A_149, %exp3A_142 masked %masked_sort3A_146 : (vector<16xi32>, vector<16xf32>, vector<16xi1>) -> (vector<16xi1>, vector<16xi32>, vector<16xf32>)
      %masked_sort3A_153 = arith.xori %masked_sort3A_151, %masked_sort3A_148 : vector<16xi32>
      %broadcast_in_dim3A_154 = vector.shape_cast %min3A_4 : vector<16xi32> to vector<16x1xi32>
      %gather3A_155 = vector.shape_cast %broadcast_in_dim3A_154 : vector<16x1xi32> to vector<16xi32>
      %gather3A_156 = tpu.dynamic_gather %masked_sort3A_153[%gather3A_155] in [0] : vector<16xi32>, vector<16xi32> -> vector<16xi32>
      %broadcast_in_dim3A_157 = vector.shape_cast %max3A_8 : vector<16xi32> to vector<16x1xi32>
      %gather3A_158 = vector.shape_cast %broadcast_in_dim3A_157 : vector<16x1xi32> to vector<16xi32>
      %gather3A_159 = tpu.dynamic_gather %masked_sort3A_153[%gather3A_158] in [0] : vector<16xi32>, vector<16xi32> -> vector<16xi32>
      %ne3A_160 = arith.cmpi ne, %masked_sort3A_153, %gather3A_156 : vector<16xi32>
      %eq3A_161 = arith.constant 15 : i32
      %eq3A_162 = vector.broadcast %eq3A_161 : i32 to vector<16xi32>
      %eq3A_163 = arith.cmpi eq, %iota3A, %eq3A_162 : vector<16xi32>
      %or3A_164 = arith.ori %ne3A_160, %eq3A_163 : vector<16xi1>
      %ne3A_165 = arith.cmpi ne, %masked_sort3A_153, %gather3A_159 : vector<16xi32>
      %eq3A_166 = arith.constant 0 : i32
      %eq3A_167 = vector.broadcast %eq3A_166 : i32 to vector<16xi32>
      %eq3A_168 = arith.cmpi eq, %iota3A, %eq3A_167 : vector<16xi32>
      %or3A_169 = arith.ori %ne3A_165, %eq3A_168 : vector<16xi1>
      %broadcast_in_dim3A_170 = arith.constant true
      %broadcast_in_dim3A_171 = vector.broadcast %broadcast_in_dim3A_170 : i1 to vector<16xi1>
      %masked_cumsum3A_172 = tpu.scan <sum>, %masked_sort3A_152 masked %broadcast_in_dim3A_171 : vector<16xf32>, vector<16xi1> -> vector<16xf32>
      %eq3A_173 = arith.constant 0 : i32
      %eq3A_174 = vector.broadcast %eq3A_173 : i32 to vector<16xi32>
      %eq3A_175 = arith.cmpi eq, %iota3A, %eq3A_174 : vector<16xi32>
      %broadcast_in_dim3A_176 = vector.shape_cast %max3A_8 : vector<16xi32> to vector<16x1xi32>
      %gather3A_177 = vector.shape_cast %broadcast_in_dim3A_176 : vector<16x1xi32> to vector<16xi32>
      %gather3A_178 = tpu.dynamic_gather %masked_cumsum3A_172[%gather3A_177] in [0] : vector<16xf32>, vector<16xi32> -> vector<16xf32>
      %jit3A_179 = arith.constant 0.000000e+00 : f32
      %broadcast_in_dim3A_180 = vector.broadcast %jit3A_179 : f32 to vector<16xf32>
      %select_n3A_181 = arith.select %eq3A_175, %broadcast_in_dim3A_180, %gather3A_178 : vector<16xi1>, vector<16xf32>
      tpu.vector_store_idx %arg13[%masked_sort3A_153], %masked_cumsum3A_172 masked %or3A_164 {add = true} : memref<10240xf32, #tpu.memory_space<vmem>>[vector<16xi32>], vector<16xf32>, vector<16xi1>
      %neg3A_182 = arith.constant 0.000000e+00 : f32
      %neg3A_183 = vector.broadcast %neg3A_182 : f32 to vector<16xf32>
      %neg3A_184 = arith.subf %neg3A_183, %select_n3A_181 : vector<16xf32>
      tpu.vector_store_idx %arg13[%masked_sort3A_153], %neg3A_184 masked %or3A_169 {add = true} : memref<10240xf32, #tpu.memory_space<vmem>>[vector<16xi32>], vector<16xf32>, vector<16xi1>
      %get3A_185 = arith.index_cast %scan3A_78 : i32 to index
      %get3A_186 = arith.constant 32 : index
      %get3A_187 = tpu.vector_load %arg10[%get3A_185, %get3A_186] {strides = array<i32>} : memref<40x128xi32, #tpu.memory_space<vmem>>, vector<16xi32>,
      %get3A_188 = arith.index_cast %scan3A_78 : i32 to index
      %get3A_189 = arith.constant 32 : index
      %get3A_190 = tpu.vector_load %arg11[%get3A_188, %get3A_189] {strides = array<i32>} : memref<40x128xi32, #tpu.memory_space<vmem>>, vector<16xi32>,
      %gather3A_191 = tpu.vector_load_idx %arg8[%get3A_187] : memref<10240xf32, #tpu.memory_space<vmem>>[vector<16xi32>], vector<16xf32>,
      %gather3A_192 = tpu.vector_load_idx %arg9[%get3A_190] : memref<10240xf32, #tpu.memory_space<vmem>>[vector<16xi32>], vector<16xf32>,
      %add3A_193 = arith.addf %gather3A_191, %gather3A_192 : vector<16xf32>
      %ge3A_194 = arith.constant 0.000000e+00 : f32
      %ge3A_195 = vector.broadcast %ge3A_194 : f32 to vector<16xf32>
      %ge3A_196 = arith.cmpf oge, %add3A_193, %ge3A_195 : vector<16xf32>
      %mul3A_197 = arith.constant 0.00999999977 : f32
      %mul3A_198 = vector.broadcast %mul3A_197 : f32 to vector<16xf32>
      %mul3A_199 = arith.mulf %add3A_193, %mul3A_198 : vector<16xf32>
      %select_n3A_200 = arith.select %ge3A_196, %add3A_193, %mul3A_199 : vector<16xi1>, vector<16xf32>
      %exp3A_201 = math.exp %select_n3A_200 : vector<16xf32>
      %swap3A_202 = arith.index_cast %scan3A_78 : i32 to index
      %swap3A_203 = arith.constant 32 : index
      %swap3A_204 = tpu.vector_load %arg12[%swap3A_202, %swap3A_203] {strides = array<i32>} : memref<40x128xf32, #tpu.memory_space<vmem>>, vector<16xf32>,
      tpu.vector_store %arg12[%swap3A_202, %swap3A_203], %exp3A_201 {strides = array<i32>} : memref<40x128xf32, #tpu.memory_space<vmem>>, vector<16xf32>,
      %masked_sort3A_205 = arith.constant dense<true> : vector<16xi1>
      %masked_sort3A_206 = arith.constant -2147483648 : i32
      %masked_sort3A_207 = vector.broadcast %masked_sort3A_206 : i32 to vector<16xi32>
      %masked_sort3A_208 = arith.xori %get3A_190, %masked_sort3A_207 : vector<16xi32>
      %masked_sort3A_209, %masked_sort3A_210, %masked_sort3A_211 = tpu.sort %masked_sort3A_208, %exp3A_201 masked %masked_sort3A_205 : (vector<16xi32>, vector<16xf32>, vector<16xi1>) -> (vector<16xi1>, vector<16xi32>, vector<16xf32>)
      %masked_sort3A_212 = arith.xori %masked_sort3A_210, %masked_sort3A_207 : vector<16xi32>
      %broadcast_in_dim3A_213 = vector.shape_cast %min3A_4 : vector<16xi32> to vector<16x1xi32>
      %gather3A_214 = vector.shape_cast %broadcast_in_dim3A_213 : vector<16x1xi32> to vector<16xi32>
      %gather3A_215 = tpu.dynamic_gather %masked_sort3A_212[%gather3A_214] in [0] : vector<16xi32>, vector<16xi32> -> vector<16xi32>
      %broadcast_in_dim3A_216 = vector.shape_cast %max3A_8 : vector<16xi32> to vector<16x1xi32>
      %gather3A_217 = vector.shape_cast %broadcast_in_dim3A_216 : vector<16x1xi32> to vector<16xi32>
      %gather3A_218 = tpu.dynamic_gather %masked_sort3A_212[%gather3A_217] in [0] : vector<16xi32>, vector<16xi32> -> vector<16xi32>
      %ne3A_219 = arith.cmpi ne, %masked_sort3A_212, %gather3A_215 : vector<16xi32>
      %eq3A_220 = arith.constant 15 : i32
      %eq3A_221 = vector.broadcast %eq3A_220 : i32 to vector<16xi32>
      %eq3A_222 = arith.cmpi eq, %iota3A, %eq3A_221 : vector<16xi32>
      %or3A_223 = arith.ori %ne3A_219, %eq3A_222 : vector<16xi1>
      %ne3A_224 = arith.cmpi ne, %masked_sort3A_212, %gather3A_218 : vector<16xi32>
      %eq3A_225 = arith.constant 0 : i32
      %eq3A_226 = vector.broadcast %eq3A_225 : i32 to vector<16xi32>
      %eq3A_227 = arith.cmpi eq, %iota3A, %eq3A_226 : vector<16xi32>
      %or3A_228 = arith.ori %ne3A_224, %eq3A_227 : vector<16xi1>
      %broadcast_in_dim3A_229 = arith.constant true
      %broadcast_in_dim3A_230 = vector.broadcast %broadcast_in_dim3A_229 : i1 to vector<16xi1>
      %masked_cumsum3A_231 = tpu.scan <sum>, %masked_sort3A_211 masked %broadcast_in_dim3A_230 : vector<16xf32>, vector<16xi1> -> vector<16xf32>
      %eq3A_232 = arith.constant 0 : i32
      %eq3A_233 = vector.broadcast %eq3A_232 : i32 to vector<16xi32>
      %eq3A_234 = arith.cmpi eq, %iota3A, %eq3A_233 : vector<16xi32>
      %broadcast_in_dim3A_235 = vector.shape_cast %max3A_8 : vector<16xi32> to vector<16x1xi32>
      %gather3A_236 = vector.shape_cast %broadcast_in_dim3A_235 : vector<16x1xi32> to vector<16xi32>
      %gather3A_237 = tpu.dynamic_gather %masked_cumsum3A_231[%gather3A_236] in [0] : vector<16xf32>, vector<16xi32> -> vector<16xf32>
      %jit3A_238 = arith.constant 0.000000e+00 : f32
      %broadcast_in_dim3A_239 = vector.broadcast %jit3A_238 : f32 to vector<16xf32>
      %select_n3A_240 = arith.select %eq3A_234, %broadcast_in_dim3A_239, %gather3A_237 : vector<16xi1>, vector<16xf32>
      tpu.vector_store_idx %arg13[%masked_sort3A_212], %masked_cumsum3A_231 masked %or3A_223 {add = true} : memref<10240xf32, #tpu.memory_space<vmem>>[vector<16xi32>], vector<16xf32>, vector<16xi1>
      %neg3A_241 = arith.constant 0.000000e+00 : f32
      %neg3A_242 = vector.broadcast %neg3A_241 : f32 to vector<16xf32>
      %neg3A_243 = arith.subf %neg3A_242, %select_n3A_240 : vector<16xf32>
      tpu.vector_store_idx %arg13[%masked_sort3A_212], %neg3A_243 masked %or3A_228 {add = true} : memref<10240xf32, #tpu.memory_space<vmem>>[vector<16xi32>], vector<16xf32>, vector<16xi1>
      %get3A_244 = arith.index_cast %scan3A_78 : i32 to index
      %get3A_245 = arith.constant 48 : index
      %get3A_246 = tpu.vector_load %arg10[%get3A_244, %get3A_245] {strides = array<i32>} : memref<40x128xi32, #tpu.memory_space<vmem>>, vector<16xi32>,
      %get3A_247 = arith.index_cast %scan3A_78 : i32 to index
      %get3A_248 = arith.constant 48 : index
      %get3A_249 = tpu.vector_load %arg11[%get3A_247, %get3A_248] {strides = array<i32>} : memref<40x128xi32, #tpu.memory_space<vmem>>, vector<16xi32>,
      %gather3A_250 = tpu.vector_load_idx %arg8[%get3A_246] : memref<10240xf32, #tpu.memory_space<vmem>>[vector<16xi32>], vector<16xf32>,
      %gather3A_251 = tpu.vector_load_idx %arg9[%get3A_249] : memref<10240xf32, #tpu.memory_space<vmem>>[vector<16xi32>], vector<16xf32>,
      %add3A_252 = arith.addf %gather3A_250, %gather3A_251 : vector<16xf32>
      %ge3A_253 = arith.constant 0.000000e+00 : f32
      %ge3A_254 = vector.broadcast %ge3A_253 : f32 to vector<16xf32>
      %ge3A_255 = arith.cmpf oge, %add3A_252, %ge3A_254 : vector<16xf32>
      %mul3A_256 = arith.constant 0.00999999977 : f32
      %mul3A_257 = vector.broadcast %mul3A_256 : f32 to vector<16xf32>
      %mul3A_258 = arith.mulf %add3A_252, %mul3A_257 : vector<16xf32>
      %select_n3A_259 = arith.select %ge3A_255, %add3A_252, %mul3A_258 : vector<16xi1>, vector<16xf32>
      %exp3A_260 = math.exp %select_n3A_259 : vector<16xf32>
      %swap3A_261 = arith.index_cast %scan3A_78 : i32 to index
      %swap3A_262 = arith.constant 48 : index
      %swap3A_263 = tpu.vector_load %arg12[%swap3A_261, %swap3A_262] {strides = array<i32>} : memref<40x128xf32, #tpu.memory_space<vmem>>, vector<16xf32>,
      tpu.vector_store %arg12[%swap3A_261, %swap3A_262], %exp3A_260 {strides = array<i32>} : memref<40x128xf32, #tpu.memory_space<vmem>>, vector<16xf32>,
      %masked_sort3A_264 = arith.constant dense<true> : vector<16xi1>
      %masked_sort3A_265 = arith.constant -2147483648 : i32
      %masked_sort3A_266 = vector.broadcast %masked_sort3A_265 : i32 to vector<16xi32>
      %masked_sort3A_267 = arith.xori %get3A_249, %masked_sort3A_266 : vector<16xi32>
      %masked_sort3A_268, %masked_sort3A_269, %masked_sort3A_270 = tpu.sort %masked_sort3A_267, %exp3A_260 masked %masked_sort3A_264 : (vector<16xi32>, vector<16xf32>, vector<16xi1>) -> (vector<16xi1>, vector<16xi32>, vector<16xf32>)
      %masked_sort3A_271 = arith.xori %masked_sort3A_269, %masked_sort3A_266 : vector<16xi32>
      %broadcast_in_dim3A_272 = vector.shape_cast %min3A_4 : vector<16xi32> to vector<16x1xi32>
      %gather3A_273 = vector.shape_cast %broadcast_in_dim3A_272 : vector<16x1xi32> to vector<16xi32>
      %gather3A_274 = tpu.dynamic_gather %masked_sort3A_271[%gather3A_273] in [0] : vector<16xi32>, vector<16xi32> -> vector<16xi32>
      %broadcast_in_dim3A_275 = vector.shape_cast %max3A_8 : vector<16xi32> to vector<16x1xi32>
      %gather3A_276 = vector.shape_cast %broadcast_in_dim3A_275 : vector<16x1xi32> to vector<16xi32>
      %gather3A_277 = tpu.dynamic_gather %masked_sort3A_271[%gather3A_276] in [0] : vector<16xi32>, vector<16xi32> -> vector<16xi32>
      %ne3A_278 = arith.cmpi ne, %masked_sort3A_271, %gather3A_274 : vector<16xi32>
      %eq3A_279 = arith.constant 15 : i32
      %eq3A_280 = vector.broadcast %eq3A_279 : i32 to vector<16xi32>
      %eq3A_281 = arith.cmpi eq, %iota3A, %eq3A_280 : vector<16xi32>
      %or3A_282 = arith.ori %ne3A_278, %eq3A_281 : vector<16xi1>
      %ne3A_283 = arith.cmpi ne, %masked_sort3A_271, %gather3A_277 : vector<16xi32>
      %eq3A_284 = arith.constant 0 : i32
      %eq3A_285 = vector.broadcast %eq3A_284 : i32 to vector<16xi32>
      %eq3A_286 = arith.cmpi eq, %iota3A, %eq3A_285 : vector<16xi32>
      %or3A_287 = arith.ori %ne3A_283, %eq3A_286 : vector<16xi1>
      %broadcast_in_dim3A_288 = arith.constant true
      %broadcast_in_dim3A_289 = vector.broadcast %broadcast_in_dim3A_288 : i1 to vector<16xi1>
      %masked_cumsum3A_290 = tpu.scan <sum>, %masked_sort3A_270 masked %broadcast_in_dim3A_289 : vector<16xf32>, vector<16xi1> -> vector<16xf32>
      %eq3A_291 = arith.constant 0 : i32
      %eq3A_292 = vector.broadcast %eq3A_291 : i32 to vector<16xi32>
      %eq3A_293 = arith.cmpi eq, %iota3A, %eq3A_292 : vector<16xi32>
      %broadcast_in_dim3A_294 = vector.shape_cast %max3A_8 : vector<16xi32> to vector<16x1xi32>
      %gather3A_295 = vector.shape_cast %broadcast_in_dim3A_294 : vector<16x1xi32> to vector<16xi32>
      %gather3A_296 = tpu.dynamic_gather %masked_cumsum3A_290[%gather3A_295] in [0] : vector<16xf32>, vector<16xi32> -> vector<16xf32>
      %jit3A_297 = arith.constant 0.000000e+00 : f32
      %broadcast_in_dim3A_298 = vector.broadcast %jit3A_297 : f32 to vector<16xf32>
      %select_n3A_299 = arith.select %eq3A_293, %broadcast_in_dim3A_298, %gather3A_296 : vector<16xi1>, vector<16xf32>
      tpu.vector_store_idx %arg13[%masked_sort3A_271], %masked_cumsum3A_290 masked %or3A_282 {add = true} : memref<10240xf32, #tpu.memory_space<vmem>>[vector<16xi32>], vector<16xf32>, vector<16xi1>
      %neg3A_300 = arith.constant 0.000000e+00 : f32
      %neg3A_301 = vector.broadcast %neg3A_300 : f32 to vector<16xf32>
      %neg3A_302 = arith.subf %neg3A_301, %select_n3A_299 : vector<16xf32>
      tpu.vector_store_idx %arg13[%masked_sort3A_271], %neg3A_302 masked %or3A_287 {add = true} : memref<10240xf32, #tpu.memory_space<vmem>>[vector<16xi32>], vector<16xf32>, vector<16xi1>
      %get3A_303 = arith.index_cast %scan3A_78 : i32 to index
      %get3A_304 = arith.constant 64 : index
      %get3A_305 = tpu.vector_load %arg10[%get3A_303, %get3A_304] {strides = array<i32>} : memref<40x128xi32, #tpu.memory_space<vmem>>, vector<16xi32>,
      %get3A_306 = arith.index_cast %scan3A_78 : i32 to index
      %get3A_307 = arith.constant 64 : index
      %get3A_308 = tpu.vector_load %arg11[%get3A_306, %get3A_307] {strides = array<i32>} : memref<40x128xi32, #tpu.memory_space<vmem>>, vector<16xi32>,
      %gather3A_309 = tpu.vector_load_idx %arg8[%get3A_305] : memref<10240xf32, #tpu.memory_space<vmem>>[vector<16xi32>], vector<16xf32>,
      %gather3A_310 = tpu.vector_load_idx %arg9[%get3A_308] : memref<10240xf32, #tpu.memory_space<vmem>>[vector<16xi32>], vector<16xf32>,
      %add3A_311 = arith.addf %gather3A_309, %gather3A_310 : vector<16xf32>
      %ge3A_312 = arith.constant 0.000000e+00 : f32
      %ge3A_313 = vector.broadcast %ge3A_312 : f32 to vector<16xf32>
      %ge3A_314 = arith.cmpf oge, %add3A_311, %ge3A_313 : vector<16xf32>
      %mul3A_315 = arith.constant 0.00999999977 : f32
      %mul3A_316 = vector.broadcast %mul3A_315 : f32 to vector<16xf32>
      %mul3A_317 = arith.mulf %add3A_311, %mul3A_316 : vector<16xf32>
      %select_n3A_318 = arith.select %ge3A_314, %add3A_311, %mul3A_317 : vector<16xi1>, vector<16xf32>
      %exp3A_319 = math.exp %select_n3A_318 : vector<16xf32>
      %swap3A_320 = arith.index_cast %scan3A_78 : i32 to index
      %swap3A_321 = arith.constant 64 : index
      %swap3A_322 = tpu.vector_load %arg12[%swap3A_320, %swap3A_321] {strides = array<i32>} : memref<40x128xf32, #tpu.memory_space<vmem>>, vector<16xf32>,
      tpu.vector_store %arg12[%swap3A_320, %swap3A_321], %exp3A_319 {strides = array<i32>} : memref<40x128xf32, #tpu.memory_space<vmem>>, vector<16xf32>,
      %masked_sort3A_323 = arith.constant dense<true> : vector<16xi1>
      %masked_sort3A_324 = arith.constant -2147483648 : i32
      %masked_sort3A_325 = vector.broadcast %masked_sort3A_324 : i32 to vector<16xi32>
      %masked_sort3A_326 = arith.xori %get3A_308, %masked_sort3A_325 : vector<16xi32>
      %masked_sort3A_327, %masked_sort3A_328, %masked_sort3A_329 = tpu.sort %masked_sort3A_326, %exp3A_319 masked %masked_sort3A_323 : (vector<16xi32>, vector<16xf32>, vector<16xi1>) -> (vector<16xi1>, vector<16xi32>, vector<16xf32>)
      %masked_sort3A_330 = arith.xori %masked_sort3A_328, %masked_sort3A_325 : vector<16xi32>
      %broadcast_in_dim3A_331 = vector.shape_cast %min3A_4 : vector<16xi32> to vector<16x1xi32>
      %gather3A_332 = vector.shape_cast %broadcast_in_dim3A_331 : vector<16x1xi32> to vector<16xi32>
      %gather3A_333 = tpu.dynamic_gather %masked_sort3A_330[%gather3A_332] in [0] : vector<16xi32>, vector<16xi32> -> vector<16xi32>
      %broadcast_in_dim3A_334 = vector.shape_cast %max3A_8 : vector<16xi32> to vector<16x1xi32>
      %gather3A_335 = vector.shape_cast %broadcast_in_dim3A_334 : vector<16x1xi32> to vector<16xi32>
      %gather3A_336 = tpu.dynamic_gather %masked_sort3A_330[%gather3A_335] in [0] : vector<16xi32>, vector<16xi32> -> vector<16xi32>
      %ne3A_337 = arith.cmpi ne, %masked_sort3A_330, %gather3A_333 : vector<16xi32>
      %eq3A_338 = arith.constant 15 : i32
      %eq3A_339 = vector.broadcast %eq3A_338 : i32 to vector<16xi32>
      %eq3A_340 = arith.cmpi eq, %iota3A, %eq3A_339 : vector<16xi32>
      %or3A_341 = arith.ori %ne3A_337, %eq3A_340 : vector<16xi1>
      %ne3A_342 = arith.cmpi ne, %masked_sort3A_330, %gather3A_336 : vector<16xi32>
      %eq3A_343 = arith.constant 0 : i32
      %eq3A_344 = vector.broadcast %eq3A_343 : i32 to vector<16xi32>
      %eq3A_345 = arith.cmpi eq, %iota3A, %eq3A_344 : vector<16xi32>
      %or3A_346 = arith.ori %ne3A_342, %eq3A_345 : vector<16xi1>
      %broadcast_in_dim3A_347 = arith.constant true
      %broadcast_in_dim3A_348 = vector.broadcast %broadcast_in_dim3A_347 : i1 to vector<16xi1>
      %masked_cumsum3A_349 = tpu.scan <sum>, %masked_sort3A_329 masked %broadcast_in_dim3A_348 : vector<16xf32>, vector<16xi1> -> vector<16xf32>
      %eq3A_350 = arith.constant 0 : i32
      %eq3A_351 = vector.broadcast %eq3A_350 : i32 to vector<16xi32>
      %eq3A_352 = arith.cmpi eq, %iota3A, %eq3A_351 : vector<16xi32>
      %broadcast_in_dim3A_353 = vector.shape_cast %max3A_8 : vector<16xi32> to vector<16x1xi32>
      %gather3A_354 = vector.shape_cast %broadcast_in_dim3A_353 : vector<16x1xi32> to vector<16xi32>
      %gather3A_355 = tpu.dynamic_gather %masked_cumsum3A_349[%gather3A_354] in [0] : vector<16xf32>, vector<16xi32> -> vector<16xf32>
      %jit3A_356 = arith.constant 0.000000e+00 : f32
      %broadcast_in_dim3A_357 = vector.broadcast %jit3A_356 : f32 to vector<16xf32>
      %select_n3A_358 = arith.select %eq3A_352, %broadcast_in_dim3A_357, %gather3A_355 : vector<16xi1>, vector<16xf32>
      tpu.vector_store_idx %arg13[%masked_sort3A_330], %masked_cumsum3A_349 masked %or3A_341 {add = true} : memref<10240xf32, #tpu.memory_space<vmem>>[vector<16xi32>], vector<16xf32>, vector<16xi1>
      %neg3A_359 = arith.constant 0.000000e+00 : f32
      %neg3A_360 = vector.broadcast %neg3A_359 : f32 to vector<16xf32>
      %neg3A_361 = arith.subf %neg3A_360, %select_n3A_358 : vector<16xf32>
      tpu.vector_store_idx %arg13[%masked_sort3A_330], %neg3A_361 masked %or3A_346 {add = true} : memref<10240xf32, #tpu.memory_space<vmem>>[vector<16xi32>], vector<16xf32>, vector<16xi1>
      %get3A_362 = arith.index_cast %scan3A_78 : i32 to index
      %get3A_363 = arith.constant 80 : index
      %get3A_364 = tpu.vector_load %arg10[%get3A_362, %get3A_363] {strides = array<i32>} : memref<40x128xi32, #tpu.memory_space<vmem>>, vector<16xi32>,
      %get3A_365 = arith.index_cast %scan3A_78 : i32 to index
      %get3A_366 = arith.constant 80 : index
      %get3A_367 = tpu.vector_load %arg11[%get3A_365, %get3A_366] {strides = array<i32>} : memref<40x128xi32, #tpu.memory_space<vmem>>, vector<16xi32>,
      %gather3A_368 = tpu.vector_load_idx %arg8[%get3A_364] : memref<10240xf32, #tpu.memory_space<vmem>>[vector<16xi32>], vector<16xf32>,
      %gather3A_369 = tpu.vector_load_idx %arg9[%get3A_367] : memref<10240xf32, #tpu.memory_space<vmem>>[vector<16xi32>], vector<16xf32>,
      %add3A_370 = arith.addf %gather3A_368, %gather3A_369 : vector<16xf32>
      %ge3A_371 = arith.constant 0.000000e+00 : f32
      %ge3A_372 = vector.broadcast %ge3A_371 : f32 to vector<16xf32>
      %ge3A_373 = arith.cmpf oge, %add3A_370, %ge3A_372 : vector<16xf32>
      %mul3A_374 = arith.constant 0.00999999977 : f32
      %mul3A_375 = vector.broadcast %mul3A_374 : f32 to vector<16xf32>
      %mul3A_376 = arith.mulf %add3A_370, %mul3A_375 : vector<16xf32>
      %select_n3A_377 = arith.select %ge3A_373, %add3A_370, %mul3A_376 : vector<16xi1>, vector<16xf32>
      %exp3A_378 = math.exp %select_n3A_377 : vector<16xf32>
      %swap3A_379 = arith.index_cast %scan3A_78 : i32 to index
      %swap3A_380 = arith.constant 80 : index
      %swap3A_381 = tpu.vector_load %arg12[%swap3A_379, %swap3A_380] {strides = array<i32>} : memref<40x128xf32, #tpu.memory_space<vmem>>, vector<16xf32>,
      tpu.vector_store %arg12[%swap3A_379, %swap3A_380], %exp3A_378 {strides = array<i32>} : memref<40x128xf32, #tpu.memory_space<vmem>>, vector<16xf32>,
      %masked_sort3A_382 = arith.constant dense<true> : vector<16xi1>
      %masked_sort3A_383 = arith.constant -2147483648 : i32
      %masked_sort3A_384 = vector.broadcast %masked_sort3A_383 : i32 to vector<16xi32>
      %masked_sort3A_385 = arith.xori %get3A_367, %masked_sort3A_384 : vector<16xi32>
      %masked_sort3A_386, %masked_sort3A_387, %masked_sort3A_388 = tpu.sort %masked_sort3A_385, %exp3A_378 masked %masked_sort3A_382 : (vector<16xi32>, vector<16xf32>, vector<16xi1>) -> (vector<16xi1>, vector<16xi32>, vector<16xf32>)
      %masked_sort3A_389 = arith.xori %masked_sort3A_387, %masked_sort3A_384 : vector<16xi32>
      %broadcast_in_dim3A_390 = vector.shape_cast %min3A_4 : vector<16xi32> to vector<16x1xi32>
      %gather3A_391 = vector.shape_cast %broadcast_in_dim3A_390 : vector<16x1xi32> to vector<16xi32>
      %gather3A_392 = tpu.dynamic_gather %masked_sort3A_389[%gather3A_391] in [0] : vector<16xi32>, vector<16xi32> -> vector<16xi32>
      %broadcast_in_dim3A_393 = vector.shape_cast %max3A_8 : vector<16xi32> to vector<16x1xi32>
      %gather3A_394 = vector.shape_cast %broadcast_in_dim3A_393 : vector<16x1xi32> to vector<16xi32>
      %gather3A_395 = tpu.dynamic_gather %masked_sort3A_389[%gather3A_394] in [0] : vector<16xi32>, vector<16xi32> -> vector<16xi32>
      %ne3A_396 = arith.cmpi ne, %masked_sort3A_389, %gather3A_392 : vector<16xi32>
      %eq3A_397 = arith.constant 15 : i32
      %eq3A_398 = vector.broadcast %eq3A_397 : i32 to vector<16xi32>
      %eq3A_399 = arith.cmpi eq, %iota3A, %eq3A_398 : vector<16xi32>
      %or3A_400 = arith.ori %ne3A_396, %eq3A_399 : vector<16xi1>
      %ne3A_401 = arith.cmpi ne, %masked_sort3A_389, %gather3A_395 : vector<16xi32>
      %eq3A_402 = arith.constant 0 : i32
      %eq3A_403 = vector.broadcast %eq3A_402 : i32 to vector<16xi32>
      %eq3A_404 = arith.cmpi eq, %iota3A, %eq3A_403 : vector<16xi32>
      %or3A_405 = arith.ori %ne3A_401, %eq3A_404 : vector<16xi1>
      %broadcast_in_dim3A_406 = arith.constant true
      %broadcast_in_dim3A_407 = vector.broadcast %broadcast_in_dim3A_406 : i1 to vector<16xi1>
      %masked_cumsum3A_408 = tpu.scan <sum>, %masked_sort3A_388 masked %broadcast_in_dim3A_407 : vector<16xf32>, vector<16xi1> -> vector<16xf32>
      %eq3A_409 = arith.constant 0 : i32
      %eq3A_410 = vector.broadcast %eq3A_409 : i32 to vector<16xi32>
      %eq3A_411 = arith.cmpi eq, %iota3A, %eq3A_410 : vector<16xi32>
      %broadcast_in_dim3A_412 = vector.shape_cast %max3A_8 : vector<16xi32> to vector<16x1xi32>
      %gather3A_413 = vector.shape_cast %broadcast_in_dim3A_412 : vector<16x1xi32> to vector<16xi32>
      %gather3A_414 = tpu.dynamic_gather %masked_cumsum3A_408[%gather3A_413] in [0] : vector<16xf32>, vector<16xi32> -> vector<16xf32>
      %jit3A_415 = arith.constant 0.000000e+00 : f32
      %broadcast_in_dim3A_416 = vector.broadcast %jit3A_415 : f32 to vector<16xf32>
      %select_n3A_417 = arith.select %eq3A_411, %broadcast_in_dim3A_416, %gather3A_414 : vector<16xi1>, vector<16xf32>
      tpu.vector_store_idx %arg13[%masked_sort3A_389], %masked_cumsum3A_408 masked %or3A_400 {add = true} : memref<10240xf32, #tpu.memory_space<vmem>>[vector<16xi32>], vector<16xf32>, vector<16xi1>
      %neg3A_418 = arith.constant 0.000000e+00 : f32
      %neg3A_419 = vector.broadcast %neg3A_418 : f32 to vector<16xf32>
      %neg3A_420 = arith.subf %neg3A_419, %select_n3A_417 : vector<16xf32>
      tpu.vector_store_idx %arg13[%masked_sort3A_389], %neg3A_420 masked %or3A_405 {add = true} : memref<10240xf32, #tpu.memory_space<vmem>>[vector<16xi32>], vector<16xf32>, vector<16xi1>
      %get3A_421 = arith.index_cast %scan3A_78 : i32 to index
      %get3A_422 = arith.constant 96 : index
      %get3A_423 = tpu.vector_load %arg10[%get3A_421, %get3A_422] {strides = array<i32>} : memref<40x128xi32, #tpu.memory_space<vmem>>, vector<16xi32>,
      %get3A_424 = arith.index_cast %scan3A_78 : i32 to index
      %get3A_425 = arith.constant 96 : index
      %get3A_426 = tpu.vector_load %arg11[%get3A_424, %get3A_425] {strides = array<i32>} : memref<40x128xi32, #tpu.memory_space<vmem>>, vector<16xi32>,
      %gather3A_427 = tpu.vector_load_idx %arg8[%get3A_423] : memref<10240xf32, #tpu.memory_space<vmem>>[vector<16xi32>], vector<16xf32>,
      %gather3A_428 = tpu.vector_load_idx %arg9[%get3A_426] : memref<10240xf32, #tpu.memory_space<vmem>>[vector<16xi32>], vector<16xf32>,
      %add3A_429 = arith.addf %gather3A_427, %gather3A_428 : vector<16xf32>
      %ge3A_430 = arith.constant 0.000000e+00 : f32
      %ge3A_431 = vector.broadcast %ge3A_430 : f32 to vector<16xf32>
      %ge3A_432 = arith.cmpf oge, %add3A_429, %ge3A_431 : vector<16xf32>
      %mul3A_433 = arith.constant 0.00999999977 : f32
      %mul3A_434 = vector.broadcast %mul3A_433 : f32 to vector<16xf32>
      %mul3A_435 = arith.mulf %add3A_429, %mul3A_434 : vector<16xf32>
      %select_n3A_436 = arith.select %ge3A_432, %add3A_429, %mul3A_435 : vector<16xi1>, vector<16xf32>
      %exp3A_437 = math.exp %select_n3A_436 : vector<16xf32>
      %swap3A_438 = arith.index_cast %scan3A_78 : i32 to index
      %swap3A_439 = arith.constant 96 : index
      %swap3A_440 = tpu.vector_load %arg12[%swap3A_438, %swap3A_439] {strides = array<i32>} : memref<40x128xf32, #tpu.memory_space<vmem>>, vector<16xf32>,
      tpu.vector_store %arg12[%swap3A_438, %swap3A_439], %exp3A_437 {strides = array<i32>} : memref<40x128xf32, #tpu.memory_space<vmem>>, vector<16xf32>,
      %masked_sort3A_441 = arith.constant dense<true> : vector<16xi1>
      %masked_sort3A_442 = arith.constant -2147483648 : i32
      %masked_sort3A_443 = vector.broadcast %masked_sort3A_442 : i32 to vector<16xi32>
      %masked_sort3A_444 = arith.xori %get3A_426, %masked_sort3A_443 : vector<16xi32>
      %masked_sort3A_445, %masked_sort3A_446, %masked_sort3A_447 = tpu.sort %masked_sort3A_444, %exp3A_437 masked %masked_sort3A_441 : (vector<16xi32>, vector<16xf32>, vector<16xi1>) -> (vector<16xi1>, vector<16xi32>, vector<16xf32>)
      %masked_sort3A_448 = arith.xori %masked_sort3A_446, %masked_sort3A_443 : vector<16xi32>
      %broadcast_in_dim3A_449 = vector.shape_cast %min3A_4 : vector<16xi32> to vector<16x1xi32>
      %gather3A_450 = vector.shape_cast %broadcast_in_dim3A_449 : vector<16x1xi32> to vector<16xi32>
      %gather3A_451 = tpu.dynamic_gather %masked_sort3A_448[%gather3A_450] in [0] : vector<16xi32>, vector<16xi32> -> vector<16xi32>
      %broadcast_in_dim3A_452 = vector.shape_cast %max3A_8 : vector<16xi32> to vector<16x1xi32>
      %gather3A_453 = vector.shape_cast %broadcast_in_dim3A_452 : vector<16x1xi32> to vector<16xi32>
      %gather3A_454 = tpu.dynamic_gather %masked_sort3A_448[%gather3A_453] in [0] : vector<16xi32>, vector<16xi32> -> vector<16xi32>
      %ne3A_455 = arith.cmpi ne, %masked_sort3A_448, %gather3A_451 : vector<16xi32>
      %eq3A_456 = arith.constant 15 : i32
      %eq3A_457 = vector.broadcast %eq3A_456 : i32 to vector<16xi32>
      %eq3A_458 = arith.cmpi eq, %iota3A, %eq3A_457 : vector<16xi32>
      %or3A_459 = arith.ori %ne3A_455, %eq3A_458 : vector<16xi1>
      %ne3A_460 = arith.cmpi ne, %masked_sort3A_448, %gather3A_454 : vector<16xi32>
      %eq3A_461 = arith.constant 0 : i32
      %eq3A_462 = vector.broadcast %eq3A_461 : i32 to vector<16xi32>
      %eq3A_463 = arith.cmpi eq, %iota3A, %eq3A_462 : vector<16xi32>
      %or3A_464 = arith.ori %ne3A_460, %eq3A_463 : vector<16xi1>
      %broadcast_in_dim3A_465 = arith.constant true
      %broadcast_in_dim3A_466 = vector.broadcast %broadcast_in_dim3A_465 : i1 to vector<16xi1>
      %masked_cumsum3A_467 = tpu.scan <sum>, %masked_sort3A_447 masked %broadcast_in_dim3A_466 : vector<16xf32>, vector<16xi1> -> vector<16xf32>
      %eq3A_468 = arith.constant 0 : i32
      %eq3A_469 = vector.broadcast %eq3A_468 : i32 to vector<16xi32>
      %eq3A_470 = arith.cmpi eq, %iota3A, %eq3A_469 : vector<16xi32>
      %broadcast_in_dim3A_471 = vector.shape_cast %max3A_8 : vector<16xi32> to vector<16x1xi32>
      %gather3A_472 = vector.shape_cast %broadcast_in_dim3A_471 : vector<16x1xi32> to vector<16xi32>
      %gather3A_473 = tpu.dynamic_gather %masked_cumsum3A_467[%gather3A_472] in [0] : vector<16xf32>, vector<16xi32> -> vector<16xf32>
      %jit3A_474 = arith.constant 0.000000e+00 : f32
      %broadcast_in_dim3A_475 = vector.broadcast %jit3A_474 : f32 to vector<16xf32>
      %select_n3A_476 = arith.select %eq3A_470, %broadcast_in_dim3A_475, %gather3A_473 : vector<16xi1>, vector<16xf32>
      tpu.vector_store_idx %arg13[%masked_sort3A_448], %masked_cumsum3A_467 masked %or3A_459 {add = true} : memref<10240xf32, #tpu.memory_space<vmem>>[vector<16xi32>], vector<16xf32>, vector<16xi1>
      %neg3A_477 = arith.constant 0.000000e+00 : f32
      %neg3A_478 = vector.broadcast %neg3A_477 : f32 to vector<16xf32>
      %neg3A_479 = arith.subf %neg3A_478, %select_n3A_476 : vector<16xf32>
      tpu.vector_store_idx %arg13[%masked_sort3A_448], %neg3A_479 masked %or3A_464 {add = true} : memref<10240xf32, #tpu.memory_space<vmem>>[vector<16xi32>], vector<16xf32>, vector<16xi1>
      %get3A_480 = arith.index_cast %scan3A_78 : i32 to index
      %get3A_481 = arith.constant 112 : index
      %get3A_482 = tpu.vector_load %arg10[%get3A_480, %get3A_481] {strides = array<i32>} : memref<40x128xi32, #tpu.memory_space<vmem>>, vector<16xi32>,
      %get3A_483 = arith.index_cast %scan3A_78 : i32 to index
      %get3A_484 = arith.constant 112 : index
      %get3A_485 = tpu.vector_load %arg11[%get3A_483, %get3A_484] {strides = array<i32>} : memref<40x128xi32, #tpu.memory_space<vmem>>, vector<16xi32>,
      %gather3A_486 = tpu.vector_load_idx %arg8[%get3A_482] : memref<10240xf32, #tpu.memory_space<vmem>>[vector<16xi32>], vector<16xf32>,
      %gather3A_487 = tpu.vector_load_idx %arg9[%get3A_485] : memref<10240xf32, #tpu.memory_space<vmem>>[vector<16xi32>], vector<16xf32>,
      %add3A_488 = arith.addf %gather3A_486, %gather3A_487 : vector<16xf32>
      %ge3A_489 = arith.constant 0.000000e+00 : f32
      %ge3A_490 = vector.broadcast %ge3A_489 : f32 to vector<16xf32>
      %ge3A_491 = arith.cmpf oge, %add3A_488, %ge3A_490 : vector<16xf32>
      %mul3A_492 = arith.constant 0.00999999977 : f32
      %mul3A_493 = vector.broadcast %mul3A_492 : f32 to vector<16xf32>
      %mul3A_494 = arith.mulf %add3A_488, %mul3A_493 : vector<16xf32>
      %select_n3A_495 = arith.select %ge3A_491, %add3A_488, %mul3A_494 : vector<16xi1>, vector<16xf32>
      %exp3A_496 = math.exp %select_n3A_495 : vector<16xf32>
      %swap3A_497 = arith.index_cast %scan3A_78 : i32 to index
      %swap3A_498 = arith.constant 112 : index
      %swap3A_499 = tpu.vector_load %arg12[%swap3A_497, %swap3A_498] {strides = array<i32>} : memref<40x128xf32, #tpu.memory_space<vmem>>, vector<16xf32>,
      tpu.vector_store %arg12[%swap3A_497, %swap3A_498], %exp3A_496 {strides = array<i32>} : memref<40x128xf32, #tpu.memory_space<vmem>>, vector<16xf32>,
      %masked_sort3A_500 = arith.constant dense<true> : vector<16xi1>
      %masked_sort3A_501 = arith.constant -2147483648 : i32
      %masked_sort3A_502 = vector.broadcast %masked_sort3A_501 : i32 to vector<16xi32>
      %masked_sort3A_503 = arith.xori %get3A_485, %masked_sort3A_502 : vector<16xi32>
      %masked_sort3A_504, %masked_sort3A_505, %masked_sort3A_506 = tpu.sort %masked_sort3A_503, %exp3A_496 masked %masked_sort3A_500 : (vector<16xi32>, vector<16xf32>, vector<16xi1>) -> (vector<16xi1>, vector<16xi32>, vector<16xf32>)
      %masked_sort3A_507 = arith.xori %masked_sort3A_505, %masked_sort3A_502 : vector<16xi32>
      %broadcast_in_dim3A_508 = vector.shape_cast %min3A_4 : vector<16xi32> to vector<16x1xi32>
      %gather3A_509 = vector.shape_cast %broadcast_in_dim3A_508 : vector<16x1xi32> to vector<16xi32>
      %gather3A_510 = tpu.dynamic_gather %masked_sort3A_507[%gather3A_509] in [0] : vector<16xi32>, vector<16xi32> -> vector<16xi32>
      %broadcast_in_dim3A_511 = vector.shape_cast %max3A_8 : vector<16xi32> to vector<16x1xi32>
      %gather3A_512 = vector.shape_cast %broadcast_in_dim3A_511 : vector<16x1xi32> to vector<16xi32>
      %gather3A_513 = tpu.dynamic_gather %masked_sort3A_507[%gather3A_512] in [0] : vector<16xi32>, vector<16xi32> -> vector<16xi32>
      %ne3A_514 = arith.cmpi ne, %masked_sort3A_507, %gather3A_510 : vector<16xi32>
      %eq3A_515 = arith.constant 15 : i32
      %eq3A_516 = vector.broadcast %eq3A_515 : i32 to vector<16xi32>
      %eq3A_517 = arith.cmpi eq, %iota3A, %eq3A_516 : vector<16xi32>
      %or3A_518 = arith.ori %ne3A_514, %eq3A_517 : vector<16xi1>
      %ne3A_519 = arith.cmpi ne, %masked_sort3A_507, %gather3A_513 : vector<16xi32>
      %eq3A_520 = arith.constant 0 : i32
      %eq3A_521 = vector.broadcast %eq3A_520 : i32 to vector<16xi32>
      %eq3A_522 = arith.cmpi eq, %iota3A, %eq3A_521 : vector<16xi32>
      %or3A_523 = arith.ori %ne3A_519, %eq3A_522 : vector<16xi1>
      %broadcast_in_dim3A_524 = arith.constant true
      %broadcast_in_dim3A_525 = vector.broadcast %broadcast_in_dim3A_524 : i1 to vector<16xi1>
      %masked_cumsum3A_526 = tpu.scan <sum>, %masked_sort3A_506 masked %broadcast_in_dim3A_525 : vector<16xf32>, vector<16xi1> -> vector<16xf32>
      %eq3A_527 = arith.constant 0 : i32
      %eq3A_528 = vector.broadcast %eq3A_527 : i32 to vector<16xi32>
      %eq3A_529 = arith.cmpi eq, %iota3A, %eq3A_528 : vector<16xi32>
      %broadcast_in_dim3A_530 = vector.shape_cast %max3A_8 : vector<16xi32> to vector<16x1xi32>
      %gather3A_531 = vector.shape_cast %broadcast_in_dim3A_530 : vector<16x1xi32> to vector<16xi32>
      %gather3A_532 = tpu.dynamic_gather %masked_cumsum3A_526[%gather3A_531] in [0] : vector<16xf32>, vector<16xi32> -> vector<16xf32>
      %jit3A_533 = arith.constant 0.000000e+00 : f32
      %broadcast_in_dim3A_534 = vector.broadcast %jit3A_533 : f32 to vector<16xf32>
      %select_n3A_535 = arith.select %eq3A_529, %broadcast_in_dim3A_534, %gather3A_532 : vector<16xi1>, vector<16xf32>
      tpu.vector_store_idx %arg13[%masked_sort3A_507], %masked_cumsum3A_526 masked %or3A_518 {add = true} : memref<10240xf32, #tpu.memory_space<vmem>>[vector<16xi32>], vector<16xf32>, vector<16xi1>
      %neg3A_536 = arith.constant 0.000000e+00 : f32
      %neg3A_537 = vector.broadcast %neg3A_536 : f32 to vector<16xf32>
      %neg3A_538 = arith.subf %neg3A_537, %select_n3A_535 : vector<16xf32>
      tpu.vector_store_idx %arg13[%masked_sort3A_507], %neg3A_538 masked %or3A_523 {add = true} : memref<10240xf32, #tpu.memory_space<vmem>>[vector<16xi32>], vector<16xf32>, vector<16xi1>
      %scan3A_539 = arith.constant 0 : i32
      scf.yield %scan3A_539 : i32
    }
    %scan3A_69 = arith.constant 40 : i32
    %add3A_70 = arith.constant 4 : i32
    %add3A_71 = arith.addi %add3A_70, %arg0 : i32
    %mul3A_72 = arith.constant 16 : i32
    %mul3A_73 = arith.muli %add3A_71, %mul3A_72 : i32
    %add3A_74 = arith.addi %mul3A_73, %arg1 : i32
    %run_scoped3A_75 = arith.constant 2 : i32
    "tpu.region"() ({
      %run_scoped3A_78 = tpu.sem_alloc : memref<!tpu.dma_semaphore, #tpu.memory_space<semaphore_mem>>
      %dma_start3A = arith.constant 0 : i32
      %dma_start3A_79 = arith.constant 0 : i32
      %dma_start3A_80 = tpu.memref_slice %arg6[%run_scoped3A_75, %arg0, %arg1, %dma_start3A, %dma_start3A_79] : memref<3x2x16x40x128xf32, #tpu.memory_space<hbm>> -> memref<1x1x1x40x128xf32, #tpu.memory_space<hbm>>
      %dma_start3A_81 = tpu.memref_squeeze %dma_start3A_80 : memref<1x1x1x40x128xf32, #tpu.memory_space<hbm>> -> memref<40x128xf32, #tpu.memory_space<hbm>>
      %dma_start3A_82 = arith.constant 0 : i32
      %dma_start3A_83 = arith.constant 0 : i32
      %dma_start3A_84 = tpu.memref_slice %arg6[%run_scoped3A_75, %arg0, %arg1, %dma_start3A_82, %dma_start3A_83] : memref<3x2x16x40x128xf32, #tpu.memory_space<hbm>> -> memref<1x1x1x40x128xf32, #tpu.memory_space<hbm>>
      %dma_start3A_85 = tpu.memref_squeeze %dma_start3A_84 : memref<1x1x1x40x128xf32, #tpu.memory_space<hbm>> -> memref<40x128xf32, #tpu.memory_space<hbm>>
      tpu.enqueue_dma source(%arg12 : memref<40x128xf32, #tpu.memory_space<vmem>>) target(%dma_start3A_85 : memref<40x128xf32, #tpu.memory_space<hbm>>) target_semaphore(%run_scoped3A_78 : memref<!tpu.dma_semaphore, #tpu.memory_space<semaphore_mem>>)
      %dma_wait3A = arith.constant 0 : i32
      %dma_wait3A_86 = arith.constant 0 : i32
      %dma_wait3A_87 = tpu.memref_slice %arg6[%run_scoped3A_75, %arg0, %arg1, %dma_wait3A, %dma_wait3A_86] : memref<3x2x16x40x128xf32, #tpu.memory_space<hbm>> -> memref<1x1x1x40x128xf32, #tpu.memory_space<hbm>>
      %dma_wait3A_88 = tpu.memref_squeeze %dma_wait3A_87 : memref<1x1x1x40x128xf32, #tpu.memory_space<hbm>> -> memref<40x128xf32, #tpu.memory_space<hbm>>
      %dma_wait3A_89 = arith.constant 0 : i32
      %dma_wait3A_90 = arith.constant 0 : i32
      %dma_wait3A_91 = tpu.memref_slice %arg6[%run_scoped3A_75, %arg0, %arg1, %dma_wait3A_89, %dma_wait3A_90] : memref<3x2x16x40x128xf32, #tpu.memory_space<hbm>> -> memref<1x1x1x40x128xf32, #tpu.memory_space<hbm>>
      %dma_wait3A_92 = tpu.memref_squeeze %dma_wait3A_91 : memref<1x1x1x40x128xf32, #tpu.memory_space<hbm>> -> memref<40x128xf32, #tpu.memory_space<hbm>>
      tpu.wait_dma2 semaphore(%run_scoped3A_78 : memref<!tpu.dma_semaphore, #tpu.memory_space<semaphore_mem>>) src(%arg12 : memref<40x128xf32, #tpu.memory_space<vmem>>) dst(%dma_wait3A_92 : memref<40x128xf32, #tpu.memory_space<hbm>>)
      tpu.yield
    }) : () -> ()
    %mul3A_76 = arith.constant 10240 : i32
    %mul3A_77 = arith.muli %add3A_74, %mul3A_76 : i32
    "tpu.region"() ({
      %run_scoped3A_78 = tpu.sem_alloc : memref<!tpu.dma_semaphore, #tpu.memory_space<semaphore_mem>>
      %dma_start3A = tpu.memref_slice %arg7[%mul3A_77] : memref<983040xf32, #tpu.memory_space<hbm>> -> memref<10240xf32, #tpu.memory_space<hbm>>
      %dma_start3A_79 = tpu.memref_slice %arg7[%mul3A_77] : memref<983040xf32, #tpu.memory_space<hbm>> -> memref<10240xf32, #tpu.memory_space<hbm>>
      tpu.enqueue_dma source(%arg13 : memref<10240xf32, #tpu.memory_space<vmem>>) target(%dma_start3A_79 : memref<10240xf32, #tpu.memory_space<hbm>>) target_semaphore(%run_scoped3A_78 : memref<!tpu.dma_semaphore, #tpu.memory_space<semaphore_mem>>)
      %dma_wait3A = tpu.memref_slice %arg7[%mul3A_77] : memref<983040xf32, #tpu.memory_space<hbm>> -> memref<10240xf32, #tpu.memory_space<hbm>>
      %dma_wait3A_80 = tpu.memref_slice %arg7[%mul3A_77] : memref<983040xf32, #tpu.memory_space<hbm>> -> memref<10240xf32, #tpu.memory_space<hbm>>
      tpu.wait_dma2 semaphore(%run_scoped3A_78 : memref<!tpu.dma_semaphore, #tpu.memory_space<semaphore_mem>>) src(%arg13 : memref<10240xf32, #tpu.memory_space<vmem>>) dst(%dma_wait3A_80 : memref<10240xf32, #tpu.memory_space<hbm>>)
      tpu.yield
    }) : () -> ()
    return
  }
}

#map = affine_map<(d0, d1) -> (0, 0)>
#map1 = affine_map<(d0, d1) -> (0, 0, 0, 0, 0)>
#map2 = affine_map<(d0, d1) -> (0)>
#map3 = affine_map<(d0, d1) -> (0, 0, 0, 0)>
module attributes {stable_mosaic.version = 14 : i64} {
  func.func @_sc2_body(%arg0: i32, %arg1: i32, %arg2: memref<10240x128xf32, #tpu.memory_space<hbm>>, %arg3: memref<3x2x16x40x128xi32, #tpu.memory_space<hbm>>, %arg4: memref<3x2x16x40x128xi32, #tpu.memory_space<hbm>>, %arg5: memref<491520xf32, #tpu.memory_space<hbm>>, %arg6: memref<3x2x10240x128xf32, #tpu.memory_space<hbm>>, %arg7: memref<40x128xi32, #tpu.memory_space<vmem>>, %arg8: memref<40x128xi32, #tpu.memory_space<vmem>>, %arg9: memref<5120xf32, #tpu.memory_space<vmem>>, %arg10: memref<128x128xf32, #tpu.memory_space<vmem>>, %arg11: memref<128x128xf32, #tpu.memory_space<vmem>>, %arg12: memref<10240x128xf32, #tpu.memory_space<vmem_shared>>, %arg13: memref<!tpu.dma_semaphore, #tpu.memory_space<semaphore_mem>>, %arg14: memref<!tpu.dma_semaphore, #tpu.memory_space<semaphore_mem>>, %arg15: memref<!tpu.dma_semaphore, #tpu.memory_space<semaphore_mem>>, %arg16: memref<!tpu.dma_semaphore, #tpu.memory_space<semaphore_mem>>) attributes {dimension_semantics = [#tpu.dimension_semantics<core_parallel>, #tpu.dimension_semantics<subcore_parallel>], iteration_bounds = array<i64: 2, 16>, scalar_prefetch = 0 : i64, scratch_operands = 10 : i64, tpu.core_type = #tpu.core_type<sc_vector_subcore>, window_params = [{transform_indices = #map}, {transform_indices = #map1}, {transform_indices = #map1}, {transform_indices = #map2}, {transform_indices = #map3}]} {
    %broadcast_in_dim3A = arith.constant 0.000000e+00 : f32
    %broadcast_in_dim3A_0 = vector.broadcast %broadcast_in_dim3A : f32 to vector<16xf32>
    %add3A = arith.constant 0 : i32
    %add3A_1 = arith.addi %add3A, %arg0 : i32
    %mul3A = arith.constant 16 : i32
    %mul3A_2 = arith.muli %add3A_1, %mul3A : i32
    %add3A_3 = arith.addi %mul3A_2, %arg1 : i32
    %run_scoped3A = arith.constant 0 : i32
    "tpu.region"() ({
      %run_scoped3A_189 = tpu.sem_alloc : memref<!tpu.dma_semaphore, #tpu.memory_space<semaphore_mem>>
      %dma_start3A_190 = arith.constant 0 : i32
      %dma_start3A_191 = arith.constant 0 : i32
      %dma_start3A_192 = tpu.memref_slice %arg3[%run_scoped3A, %arg0, %arg1, %dma_start3A_190, %dma_start3A_191] : memref<3x2x16x40x128xi32, #tpu.memory_space<hbm>> -> memref<1x1x1x40x128xi32, #tpu.memory_space<hbm>>
      %dma_start3A_193 = tpu.memref_squeeze %dma_start3A_192 : memref<1x1x1x40x128xi32, #tpu.memory_space<hbm>> -> memref<40x128xi32, #tpu.memory_space<hbm>>
      %dma_start3A_194 = arith.constant 0 : i32
      %dma_start3A_195 = arith.constant 0 : i32
      %dma_start3A_196 = tpu.memref_slice %arg3[%run_scoped3A, %arg0, %arg1, %dma_start3A_194, %dma_start3A_195] : memref<3x2x16x40x128xi32, #tpu.memory_space<hbm>> -> memref<1x1x1x40x128xi32, #tpu.memory_space<hbm>>
      %dma_start3A_197 = tpu.memref_squeeze %dma_start3A_196 : memref<1x1x1x40x128xi32, #tpu.memory_space<hbm>> -> memref<40x128xi32, #tpu.memory_space<hbm>>
      tpu.enqueue_dma source(%dma_start3A_197 : memref<40x128xi32, #tpu.memory_space<hbm>>) target(%arg7 : memref<40x128xi32, #tpu.memory_space<vmem>>) target_semaphore(%run_scoped3A_189 : memref<!tpu.dma_semaphore, #tpu.memory_space<semaphore_mem>>)
      %dma_wait3A_198 = arith.constant 0 : i32
      %dma_wait3A_199 = arith.constant 0 : i32
      %dma_wait3A_200 = tpu.memref_slice %arg3[%run_scoped3A, %arg0, %arg1, %dma_wait3A_198, %dma_wait3A_199] : memref<3x2x16x40x128xi32, #tpu.memory_space<hbm>> -> memref<1x1x1x40x128xi32, #tpu.memory_space<hbm>>
      %dma_wait3A_201 = tpu.memref_squeeze %dma_wait3A_200 : memref<1x1x1x40x128xi32, #tpu.memory_space<hbm>> -> memref<40x128xi32, #tpu.memory_space<hbm>>
      %dma_wait3A_202 = arith.constant 0 : i32
      %dma_wait3A_203 = arith.constant 0 : i32
      %dma_wait3A_204 = tpu.memref_slice %arg3[%run_scoped3A, %arg0, %arg1, %dma_wait3A_202, %dma_wait3A_203] : memref<3x2x16x40x128xi32, #tpu.memory_space<hbm>> -> memref<1x1x1x40x128xi32, #tpu.memory_space<hbm>>
      %dma_wait3A_205 = tpu.memref_squeeze %dma_wait3A_204 : memref<1x1x1x40x128xi32, #tpu.memory_space<hbm>> -> memref<40x128xi32, #tpu.memory_space<hbm>>
      tpu.wait_dma2 semaphore(%run_scoped3A_189 : memref<!tpu.dma_semaphore, #tpu.memory_space<semaphore_mem>>) src(%dma_wait3A_205 : memref<40x128xi32, #tpu.memory_space<hbm>>) dst(%arg7 : memref<40x128xi32, #tpu.memory_space<vmem>>)
      tpu.yield
    }) : () -> ()
    %run_scoped3A_4 = arith.constant 0 : i32
    "tpu.region"() ({
      %run_scoped3A_189 = tpu.sem_alloc : memref<!tpu.dma_semaphore, #tpu.memory_space<semaphore_mem>>
      %dma_start3A_190 = arith.constant 0 : i32
      %dma_start3A_191 = arith.constant 0 : i32
      %dma_start3A_192 = tpu.memref_slice %arg4[%run_scoped3A_4, %arg0, %arg1, %dma_start3A_190, %dma_start3A_191] : memref<3x2x16x40x128xi32, #tpu.memory_space<hbm>> -> memref<1x1x1x40x128xi32, #tpu.memory_space<hbm>>
      %dma_start3A_193 = tpu.memref_squeeze %dma_start3A_192 : memref<1x1x1x40x128xi32, #tpu.memory_space<hbm>> -> memref<40x128xi32, #tpu.memory_space<hbm>>
      %dma_start3A_194 = arith.constant 0 : i32
      %dma_start3A_195 = arith.constant 0 : i32
      %dma_start3A_196 = tpu.memref_slice %arg4[%run_scoped3A_4, %arg0, %arg1, %dma_start3A_194, %dma_start3A_195] : memref<3x2x16x40x128xi32, #tpu.memory_space<hbm>> -> memref<1x1x1x40x128xi32, #tpu.memory_space<hbm>>
      %dma_start3A_197 = tpu.memref_squeeze %dma_start3A_196 : memref<1x1x1x40x128xi32, #tpu.memory_space<hbm>> -> memref<40x128xi32, #tpu.memory_space<hbm>>
      tpu.enqueue_dma source(%dma_start3A_197 : memref<40x128xi32, #tpu.memory_space<hbm>>) target(%arg8 : memref<40x128xi32, #tpu.memory_space<vmem>>) target_semaphore(%run_scoped3A_189 : memref<!tpu.dma_semaphore, #tpu.memory_space<semaphore_mem>>)
      %dma_wait3A_198 = arith.constant 0 : i32
      %dma_wait3A_199 = arith.constant 0 : i32
      %dma_wait3A_200 = tpu.memref_slice %arg4[%run_scoped3A_4, %arg0, %arg1, %dma_wait3A_198, %dma_wait3A_199] : memref<3x2x16x40x128xi32, #tpu.memory_space<hbm>> -> memref<1x1x1x40x128xi32, #tpu.memory_space<hbm>>
      %dma_wait3A_201 = tpu.memref_squeeze %dma_wait3A_200 : memref<1x1x1x40x128xi32, #tpu.memory_space<hbm>> -> memref<40x128xi32, #tpu.memory_space<hbm>>
      %dma_wait3A_202 = arith.constant 0 : i32
      %dma_wait3A_203 = arith.constant 0 : i32
      %dma_wait3A_204 = tpu.memref_slice %arg4[%run_scoped3A_4, %arg0, %arg1, %dma_wait3A_202, %dma_wait3A_203] : memref<3x2x16x40x128xi32, #tpu.memory_space<hbm>> -> memref<1x1x1x40x128xi32, #tpu.memory_space<hbm>>
      %dma_wait3A_205 = tpu.memref_squeeze %dma_wait3A_204 : memref<1x1x1x40x128xi32, #tpu.memory_space<hbm>> -> memref<40x128xi32, #tpu.memory_space<hbm>>
      tpu.wait_dma2 semaphore(%run_scoped3A_189 : memref<!tpu.dma_semaphore, #tpu.memory_space<semaphore_mem>>) src(%dma_wait3A_205 : memref<40x128xi32, #tpu.memory_space<hbm>>) dst(%arg8 : memref<40x128xi32, #tpu.memory_space<vmem>>)
      tpu.yield
    }) : () -> ()
    %mul3A_5 = arith.constant 5120 : i32
    %mul3A_6 = arith.muli %add3A_3, %mul3A_5 : i32
    "tpu.region"() ({
      %run_scoped3A_189 = tpu.sem_alloc : memref<!tpu.dma_semaphore, #tpu.memory_space<semaphore_mem>>
      %dma_start3A_190 = tpu.memref_slice %arg5[%mul3A_6] : memref<491520xf32, #tpu.memory_space<hbm>> -> memref<5120xf32, #tpu.memory_space<hbm>>
      %dma_start3A_191 = tpu.memref_slice %arg5[%mul3A_6] : memref<491520xf32, #tpu.memory_space<hbm>> -> memref<5120xf32, #tpu.memory_space<hbm>>
      tpu.enqueue_dma source(%dma_start3A_191 : memref<5120xf32, #tpu.memory_space<hbm>>) target(%arg9 : memref<5120xf32, #tpu.memory_space<vmem>>) target_semaphore(%run_scoped3A_189 : memref<!tpu.dma_semaphore, #tpu.memory_space<semaphore_mem>>)
      %dma_wait3A_192 = tpu.memref_slice %arg5[%mul3A_6] : memref<491520xf32, #tpu.memory_space<hbm>> -> memref<5120xf32, #tpu.memory_space<hbm>>
      %dma_wait3A_193 = tpu.memref_slice %arg5[%mul3A_6] : memref<491520xf32, #tpu.memory_space<hbm>> -> memref<5120xf32, #tpu.memory_space<hbm>>
      tpu.wait_dma2 semaphore(%run_scoped3A_189 : memref<!tpu.dma_semaphore, #tpu.memory_space<semaphore_mem>>) src(%dma_wait3A_193 : memref<5120xf32, #tpu.memory_space<hbm>>) dst(%arg9 : memref<5120xf32, #tpu.memory_space<vmem>>)
      tpu.yield
    }) : () -> ()
    %scan3A = arith.constant 0 : i32
    %scan3A_7 = arith.constant 0 : i32
    %scan3A_8 = arith.constant 128 : i32
    %scan3A_9 = arith.addi %scan3A_7, %scan3A_8 : i32
    %scan3A_10 = arith.constant 1 : i32
    %scan3A_11 = scf.for %scan3A_189 = %scan3A_7 to %scan3A_9 step %scan3A_10 iter_args(%scan3A_190 = %scan3A) -> (i32)  : i32 {
      %swap3A = arith.index_cast %scan3A_189 : i32 to index
      %swap3A_191 = arith.constant 0 : index
      %swap3A_192 = tpu.vector_load %arg10[%swap3A, %swap3A_191] {strides = array<i32>} : memref<128x128xf32, #tpu.memory_space<vmem>>, vector<16xf32>,
      tpu.vector_store %arg10[%swap3A, %swap3A_191], %broadcast_in_dim3A_0 {strides = array<i32>} : memref<128x128xf32, #tpu.memory_space<vmem>>, vector<16xf32>,
      %swap3A_193 = arith.index_cast %scan3A_189 : i32 to index
      %swap3A_194 = arith.constant 16 : index
      %swap3A_195 = tpu.vector_load %arg10[%swap3A_193, %swap3A_194] {strides = array<i32>} : memref<128x128xf32, #tpu.memory_space<vmem>>, vector<16xf32>,
      tpu.vector_store %arg10[%swap3A_193, %swap3A_194], %broadcast_in_dim3A_0 {strides = array<i32>} : memref<128x128xf32, #tpu.memory_space<vmem>>, vector<16xf32>,
      %swap3A_196 = arith.index_cast %scan3A_189 : i32 to index
      %swap3A_197 = arith.constant 32 : index
      %swap3A_198 = tpu.vector_load %arg10[%swap3A_196, %swap3A_197] {strides = array<i32>} : memref<128x128xf32, #tpu.memory_space<vmem>>, vector<16xf32>,
      tpu.vector_store %arg10[%swap3A_196, %swap3A_197], %broadcast_in_dim3A_0 {strides = array<i32>} : memref<128x128xf32, #tpu.memory_space<vmem>>, vector<16xf32>,
      %swap3A_199 = arith.index_cast %scan3A_189 : i32 to index
      %swap3A_200 = arith.constant 48 : index
      %swap3A_201 = tpu.vector_load %arg10[%swap3A_199, %swap3A_200] {strides = array<i32>} : memref<128x128xf32, #tpu.memory_space<vmem>>, vector<16xf32>,
      tpu.vector_store %arg10[%swap3A_199, %swap3A_200], %broadcast_in_dim3A_0 {strides = array<i32>} : memref<128x128xf32, #tpu.memory_space<vmem>>, vector<16xf32>,
      %swap3A_202 = arith.index_cast %scan3A_189 : i32 to index
      %swap3A_203 = arith.constant 64 : index
      %swap3A_204 = tpu.vector_load %arg10[%swap3A_202, %swap3A_203] {strides = array<i32>} : memref<128x128xf32, #tpu.memory_space<vmem>>, vector<16xf32>,
      tpu.vector_store %arg10[%swap3A_202, %swap3A_203], %broadcast_in_dim3A_0 {strides = array<i32>} : memref<128x128xf32, #tpu.memory_space<vmem>>, vector<16xf32>,
      %swap3A_205 = arith.index_cast %scan3A_189 : i32 to index
      %swap3A_206 = arith.constant 80 : index
      %swap3A_207 = tpu.vector_load %arg10[%swap3A_205, %swap3A_206] {strides = array<i32>} : memref<128x128xf32, #tpu.memory_space<vmem>>, vector<16xf32>,
      tpu.vector_store %arg10[%swap3A_205, %swap3A_206], %broadcast_in_dim3A_0 {strides = array<i32>} : memref<128x128xf32, #tpu.memory_space<vmem>>, vector<16xf32>,
      %swap3A_208 = arith.index_cast %scan3A_189 : i32 to index
      %swap3A_209 = arith.constant 96 : index
      %swap3A_210 = tpu.vector_load %arg10[%swap3A_208, %swap3A_209] {strides = array<i32>} : memref<128x128xf32, #tpu.memory_space<vmem>>, vector<16xf32>,
      tpu.vector_store %arg10[%swap3A_208, %swap3A_209], %broadcast_in_dim3A_0 {strides = array<i32>} : memref<128x128xf32, #tpu.memory_space<vmem>>, vector<16xf32>,
      %swap3A_211 = arith.index_cast %scan3A_189 : i32 to index
      %swap3A_212 = arith.constant 112 : index
      %swap3A_213 = tpu.vector_load %arg10[%swap3A_211, %swap3A_212] {strides = array<i32>} : memref<128x128xf32, #tpu.memory_space<vmem>>, vector<16xf32>,
      tpu.vector_store %arg10[%swap3A_211, %swap3A_212], %broadcast_in_dim3A_0 {strides = array<i32>} : memref<128x128xf32, #tpu.memory_space<vmem>>, vector<16xf32>,
      %scan3A_214 = arith.constant 0 : i32
      scf.yield %scan3A_214 : i32
    }
    %scan3A_12 = arith.constant 128 : i32
    %mul3A_13 = arith.constant 640 : i32
    %mul3A_14 = arith.muli %arg1, %mul3A_13 : i32
    %add3A_15 = arith.constant 0 : i32
    %add3A_16 = arith.addi %mul3A_14, %add3A_15 : i32
    "tpu.region"() ({
      %run_scoped3A_189 = tpu.sem_alloc : memref<!tpu.dma_semaphore, #tpu.memory_space<semaphore_mem>>
      %dma_start3A_190 = arith.constant 0 : i32
      %dma_start3A_191 = tpu.memref_slice %arg12[%add3A_16, %dma_start3A_190] : memref<10240x128xf32, #tpu.memory_space<vmem_shared>> -> memref<128x128xf32, #tpu.memory_space<vmem_shared>>
      %dma_start3A_192 = arith.constant 0 : i32
      %dma_start3A_193 = tpu.memref_slice %arg12[%add3A_16, %dma_start3A_192] : memref<10240x128xf32, #tpu.memory_space<vmem_shared>> -> memref<128x128xf32, #tpu.memory_space<vmem_shared>>
      tpu.enqueue_dma source(%arg10 : memref<128x128xf32, #tpu.memory_space<vmem>>) target(%dma_start3A_193 : memref<128x128xf32, #tpu.memory_space<vmem_shared>>) target_semaphore(%run_scoped3A_189 : memref<!tpu.dma_semaphore, #tpu.memory_space<semaphore_mem>>)
      %dma_wait3A_194 = arith.constant 0 : i32
      %dma_wait3A_195 = tpu.memref_slice %arg12[%add3A_16, %dma_wait3A_194] : memref<10240x128xf32, #tpu.memory_space<vmem_shared>> -> memref<128x128xf32, #tpu.memory_space<vmem_shared>>
      %dma_wait3A_196 = arith.constant 0 : i32
      %dma_wait3A_197 = tpu.memref_slice %arg12[%add3A_16, %dma_wait3A_196] : memref<10240x128xf32, #tpu.memory_space<vmem_shared>> -> memref<128x128xf32, #tpu.memory_space<vmem_shared>>
      tpu.wait_dma2 semaphore(%run_scoped3A_189 : memref<!tpu.dma_semaphore, #tpu.memory_space<semaphore_mem>>) src(%arg10 : memref<128x128xf32, #tpu.memory_space<vmem>>) dst(%dma_wait3A_197 : memref<128x128xf32, #tpu.memory_space<vmem_shared>>)
      tpu.yield
    }) : () -> ()
    %mul3A_17 = arith.constant 640 : i32
    %mul3A_18 = arith.muli %arg1, %mul3A_17 : i32
    %add3A_19 = arith.constant 128 : i32
    %add3A_20 = arith.addi %mul3A_18, %add3A_19 : i32
    "tpu.region"() ({
      %run_scoped3A_189 = tpu.sem_alloc : memref<!tpu.dma_semaphore, #tpu.memory_space<semaphore_mem>>
      %dma_start3A_190 = arith.constant 0 : i32
      %dma_start3A_191 = tpu.memref_slice %arg12[%add3A_20, %dma_start3A_190] : memref<10240x128xf32, #tpu.memory_space<vmem_shared>> -> memref<128x128xf32, #tpu.memory_space<vmem_shared>>
      %dma_start3A_192 = arith.constant 0 : i32
      %dma_start3A_193 = tpu.memref_slice %arg12[%add3A_20, %dma_start3A_192] : memref<10240x128xf32, #tpu.memory_space<vmem_shared>> -> memref<128x128xf32, #tpu.memory_space<vmem_shared>>
      tpu.enqueue_dma source(%arg10 : memref<128x128xf32, #tpu.memory_space<vmem>>) target(%dma_start3A_193 : memref<128x128xf32, #tpu.memory_space<vmem_shared>>) target_semaphore(%run_scoped3A_189 : memref<!tpu.dma_semaphore, #tpu.memory_space<semaphore_mem>>)
      %dma_wait3A_194 = arith.constant 0 : i32
      %dma_wait3A_195 = tpu.memref_slice %arg12[%add3A_20, %dma_wait3A_194] : memref<10240x128xf32, #tpu.memory_space<vmem_shared>> -> memref<128x128xf32, #tpu.memory_space<vmem_shared>>
      %dma_wait3A_196 = arith.constant 0 : i32
      %dma_wait3A_197 = tpu.memref_slice %arg12[%add3A_20, %dma_wait3A_196] : memref<10240x128xf32, #tpu.memory_space<vmem_shared>> -> memref<128x128xf32, #tpu.memory_space<vmem_shared>>
      tpu.wait_dma2 semaphore(%run_scoped3A_189 : memref<!tpu.dma_semaphore, #tpu.memory_space<semaphore_mem>>) src(%arg10 : memref<128x128xf32, #tpu.memory_space<vmem>>) dst(%dma_wait3A_197 : memref<128x128xf32, #tpu.memory_space<vmem_shared>>)
      tpu.yield
    }) : () -> ()
    %mul3A_21 = arith.constant 640 : i32
    %mul3A_22 = arith.muli %arg1, %mul3A_21 : i32
    %add3A_23 = arith.constant 256 : i32
    %add3A_24 = arith.addi %mul3A_22, %add3A_23 : i32
    "tpu.region"() ({
      %run_scoped3A_189 = tpu.sem_alloc : memref<!tpu.dma_semaphore, #tpu.memory_space<semaphore_mem>>
      %dma_start3A_190 = arith.constant 0 : i32
      %dma_start3A_191 = tpu.memref_slice %arg12[%add3A_24, %dma_start3A_190] : memref<10240x128xf32, #tpu.memory_space<vmem_shared>> -> memref<128x128xf32, #tpu.memory_space<vmem_shared>>
      %dma_start3A_192 = arith.constant 0 : i32
      %dma_start3A_193 = tpu.memref_slice %arg12[%add3A_24, %dma_start3A_192] : memref<10240x128xf32, #tpu.memory_space<vmem_shared>> -> memref<128x128xf32, #tpu.memory_space<vmem_shared>>
      tpu.enqueue_dma source(%arg10 : memref<128x128xf32, #tpu.memory_space<vmem>>) target(%dma_start3A_193 : memref<128x128xf32, #tpu.memory_space<vmem_shared>>) target_semaphore(%run_scoped3A_189 : memref<!tpu.dma_semaphore, #tpu.memory_space<semaphore_mem>>)
      %dma_wait3A_194 = arith.constant 0 : i32
      %dma_wait3A_195 = tpu.memref_slice %arg12[%add3A_24, %dma_wait3A_194] : memref<10240x128xf32, #tpu.memory_space<vmem_shared>> -> memref<128x128xf32, #tpu.memory_space<vmem_shared>>
      %dma_wait3A_196 = arith.constant 0 : i32
      %dma_wait3A_197 = tpu.memref_slice %arg12[%add3A_24, %dma_wait3A_196] : memref<10240x128xf32, #tpu.memory_space<vmem_shared>> -> memref<128x128xf32, #tpu.memory_space<vmem_shared>>
      tpu.wait_dma2 semaphore(%run_scoped3A_189 : memref<!tpu.dma_semaphore, #tpu.memory_space<semaphore_mem>>) src(%arg10 : memref<128x128xf32, #tpu.memory_space<vmem>>) dst(%dma_wait3A_197 : memref<128x128xf32, #tpu.memory_space<vmem_shared>>)
      tpu.yield
    }) : () -> ()
    %mul3A_25 = arith.constant 640 : i32
    %mul3A_26 = arith.muli %arg1, %mul3A_25 : i32
    %add3A_27 = arith.constant 384 : i32
    %add3A_28 = arith.addi %mul3A_26, %add3A_27 : i32
    "tpu.region"() ({
      %run_scoped3A_189 = tpu.sem_alloc : memref<!tpu.dma_semaphore, #tpu.memory_space<semaphore_mem>>
      %dma_start3A_190 = arith.constant 0 : i32
      %dma_start3A_191 = tpu.memref_slice %arg12[%add3A_28, %dma_start3A_190] : memref<10240x128xf32, #tpu.memory_space<vmem_shared>> -> memref<128x128xf32, #tpu.memory_space<vmem_shared>>
      %dma_start3A_192 = arith.constant 0 : i32
      %dma_start3A_193 = tpu.memref_slice %arg12[%add3A_28, %dma_start3A_192] : memref<10240x128xf32, #tpu.memory_space<vmem_shared>> -> memref<128x128xf32, #tpu.memory_space<vmem_shared>>
      tpu.enqueue_dma source(%arg10 : memref<128x128xf32, #tpu.memory_space<vmem>>) target(%dma_start3A_193 : memref<128x128xf32, #tpu.memory_space<vmem_shared>>) target_semaphore(%run_scoped3A_189 : memref<!tpu.dma_semaphore, #tpu.memory_space<semaphore_mem>>)
      %dma_wait3A_194 = arith.constant 0 : i32
      %dma_wait3A_195 = tpu.memref_slice %arg12[%add3A_28, %dma_wait3A_194] : memref<10240x128xf32, #tpu.memory_space<vmem_shared>> -> memref<128x128xf32, #tpu.memory_space<vmem_shared>>
      %dma_wait3A_196 = arith.constant 0 : i32
      %dma_wait3A_197 = tpu.memref_slice %arg12[%add3A_28, %dma_wait3A_196] : memref<10240x128xf32, #tpu.memory_space<vmem_shared>> -> memref<128x128xf32, #tpu.memory_space<vmem_shared>>
      tpu.wait_dma2 semaphore(%run_scoped3A_189 : memref<!tpu.dma_semaphore, #tpu.memory_space<semaphore_mem>>) src(%arg10 : memref<128x128xf32, #tpu.memory_space<vmem>>) dst(%dma_wait3A_197 : memref<128x128xf32, #tpu.memory_space<vmem_shared>>)
      tpu.yield
    }) : () -> ()
    %mul3A_29 = arith.constant 640 : i32
    %mul3A_30 = arith.muli %arg1, %mul3A_29 : i32
    %add3A_31 = arith.constant 512 : i32
    %add3A_32 = arith.addi %mul3A_30, %add3A_31 : i32
    "tpu.region"() ({
      %run_scoped3A_189 = tpu.sem_alloc : memref<!tpu.dma_semaphore, #tpu.memory_space<semaphore_mem>>
      %dma_start3A_190 = arith.constant 0 : i32
      %dma_start3A_191 = tpu.memref_slice %arg12[%add3A_32, %dma_start3A_190] : memref<10240x128xf32, #tpu.memory_space<vmem_shared>> -> memref<128x128xf32, #tpu.memory_space<vmem_shared>>
      %dma_start3A_192 = arith.constant 0 : i32
      %dma_start3A_193 = tpu.memref_slice %arg12[%add3A_32, %dma_start3A_192] : memref<10240x128xf32, #tpu.memory_space<vmem_shared>> -> memref<128x128xf32, #tpu.memory_space<vmem_shared>>
      tpu.enqueue_dma source(%arg10 : memref<128x128xf32, #tpu.memory_space<vmem>>) target(%dma_start3A_193 : memref<128x128xf32, #tpu.memory_space<vmem_shared>>) target_semaphore(%run_scoped3A_189 : memref<!tpu.dma_semaphore, #tpu.memory_space<semaphore_mem>>)
      %dma_wait3A_194 = arith.constant 0 : i32
      %dma_wait3A_195 = tpu.memref_slice %arg12[%add3A_32, %dma_wait3A_194] : memref<10240x128xf32, #tpu.memory_space<vmem_shared>> -> memref<128x128xf32, #tpu.memory_space<vmem_shared>>
      %dma_wait3A_196 = arith.constant 0 : i32
      %dma_wait3A_197 = tpu.memref_slice %arg12[%add3A_32, %dma_wait3A_196] : memref<10240x128xf32, #tpu.memory_space<vmem_shared>> -> memref<128x128xf32, #tpu.memory_space<vmem_shared>>
      tpu.wait_dma2 semaphore(%run_scoped3A_189 : memref<!tpu.dma_semaphore, #tpu.memory_space<semaphore_mem>>) src(%arg10 : memref<128x128xf32, #tpu.memory_space<vmem>>) dst(%dma_wait3A_197 : memref<128x128xf32, #tpu.memory_space<vmem_shared>>)
      tpu.yield
    }) : () -> ()
    %barrier3A = arith.constant 0 : index
    tpu.barrier barrier_id(%barrier3A)
    %dma_start3A = arith.constant 0 : i32
    %dma_start3A_33 = arith.constant 0 : i32
    %dma_start3A_34 = tpu.memref_slice %arg7[%dma_start3A, %dma_start3A_33] : memref<40x128xi32, #tpu.memory_space<vmem>> -> memref<1x128xi32, #tpu.memory_space<vmem>>
    %dma_start3A_35 = tpu.memref_squeeze %dma_start3A_34 : memref<1x128xi32, #tpu.memory_space<vmem>> -> memref<128xi32, #tpu.memory_space<vmem>>
    %dma_start3A_36 = arith.constant 0 : i32
    %dma_start3A_37 = arith.constant 0 : i32
    %dma_start3A_38 = tpu.memref_slice %arg2[%dma_start3A_36, %dma_start3A_37] : memref<10240x128xf32, #tpu.memory_space<hbm>> -> memref<10240x128xf32, #tpu.memory_space<hbm>>
    tpu.enqueue_indirect_dma source(%dma_start3A_38 : memref<10240x128xf32, #tpu.memory_space<hbm>>) target(%arg10 : memref<128x128xf32, #tpu.memory_space<vmem>>) offsets(%dma_start3A_35 : memref<128xi32, #tpu.memory_space<vmem>>) semaphore(%arg13 : memref<!tpu.dma_semaphore, #tpu.memory_space<semaphore_mem>>)
    %scan3A_39 = arith.constant 0 : i32
    %scan3A_40 = arith.constant 0 : i32
    %scan3A_41 = arith.constant 20 : i32
    %scan3A_42 = arith.addi %scan3A_40, %scan3A_41 : i32
    %scan3A_43 = arith.constant 1 : i32
    %scan3A_44 = scf.for %scan3A_189 = %scan3A_40 to %scan3A_42 step %scan3A_43 iter_args(%scan3A_190 = %scan3A_39) -> (i32)  : i32 {
      %mul3A_191 = arith.constant 2 : i32
      %mul3A_192 = arith.muli %mul3A_191, %scan3A_189 : i32
      %add3A_193 = arith.constant 1 : i32
      %add3A_194 = arith.addi %mul3A_192, %add3A_193 : i32
      %gt3A = arith.constant 0 : i32
      %gt3A_195 = arith.cmpi sgt, %scan3A_189, %gt3A : i32
      %convert_element_type3A = arith.extui %gt3A_195 : i1 to i32
      %cond3A = arith.constant 0 : i32
      %cond3A_196 = arith.cmpi ne, %convert_element_type3A, %cond3A : i32
      scf.if %cond3A_196 {
        %dma_wait3A_244 = arith.constant 0 : i32
        %dma_wait3A_245 = arith.constant 0 : i32
        %dma_wait3A_246 = tpu.memref_slice %arg7[%dma_wait3A_244, %dma_wait3A_245] : memref<40x128xi32, #tpu.memory_space<vmem>> -> memref<1x128xi32, #tpu.memory_space<vmem>>
        %dma_wait3A_247 = tpu.memref_squeeze %dma_wait3A_246 : memref<1x128xi32, #tpu.memory_space<vmem>> -> memref<128xi32, #tpu.memory_space<vmem>>
        %dma_wait3A_248 = arith.constant 0 : i32
        %dma_wait3A_249 = arith.constant 0 : i32
        %dma_wait3A_250 = tpu.memref_slice %arg2[%dma_wait3A_248, %dma_wait3A_249] : memref<10240x128xf32, #tpu.memory_space<hbm>> -> memref<10240x128xf32, #tpu.memory_space<hbm>>
        tpu.wait_indirect_dma semaphore(%arg16 : memref<!tpu.dma_semaphore, #tpu.memory_space<semaphore_mem>>) src(%dma_wait3A_250 : memref<10240x128xf32, #tpu.memory_space<hbm>>) dst(%arg11 : memref<128x128xf32, #tpu.memory_space<vmem>>)
      } else {
      }
      %dma_start3A_197 = arith.constant 0 : i32
      %dma_start3A_198 = tpu.memref_slice %arg7[%add3A_194, %dma_start3A_197] : memref<40x128xi32, #tpu.memory_space<vmem>> -> memref<1x128xi32, #tpu.memory_space<vmem>>
      %dma_start3A_199 = tpu.memref_squeeze %dma_start3A_198 : memref<1x128xi32, #tpu.memory_space<vmem>> -> memref<128xi32, #tpu.memory_space<vmem>>
      %dma_start3A_200 = arith.constant 0 : i32
      %dma_start3A_201 = arith.constant 0 : i32
      %dma_start3A_202 = tpu.memref_slice %arg2[%dma_start3A_200, %dma_start3A_201] : memref<10240x128xf32, #tpu.memory_space<hbm>> -> memref<10240x128xf32, #tpu.memory_space<hbm>>
      tpu.enqueue_indirect_dma source(%dma_start3A_202 : memref<10240x128xf32, #tpu.memory_space<hbm>>) target(%arg11 : memref<128x128xf32, #tpu.memory_space<vmem>>) offsets(%dma_start3A_199 : memref<128xi32, #tpu.memory_space<vmem>>) semaphore(%arg14 : memref<!tpu.dma_semaphore, #tpu.memory_space<semaphore_mem>>)
      %dma_wait3A_203 = arith.constant 0 : i32
      %dma_wait3A_204 = tpu.memref_slice %arg7[%mul3A_192, %dma_wait3A_203] : memref<40x128xi32, #tpu.memory_space<vmem>> -> memref<1x128xi32, #tpu.memory_space<vmem>>
      %dma_wait3A_205 = tpu.memref_squeeze %dma_wait3A_204 : memref<1x128xi32, #tpu.memory_space<vmem>> -> memref<128xi32, #tpu.memory_space<vmem>>
      %dma_wait3A_206 = arith.constant 0 : i32
      %dma_wait3A_207 = arith.constant 0 : i32
      %dma_wait3A_208 = tpu.memref_slice %arg2[%dma_wait3A_206, %dma_wait3A_207] : memref<10240x128xf32, #tpu.memory_space<hbm>> -> memref<10240x128xf32, #tpu.memory_space<hbm>>
      tpu.wait_indirect_dma semaphore(%arg13 : memref<!tpu.dma_semaphore, #tpu.memory_space<semaphore_mem>>) src(%dma_wait3A_208 : memref<10240x128xf32, #tpu.memory_space<hbm>>) dst(%arg10 : memref<128x128xf32, #tpu.memory_space<vmem>>)
      %parallel_loop3A = arith.constant 0 : i32
      %parallel_loop3A_209 = arith.constant 128 : i32
      %parallel_loop3A_210 = arith.constant 1 : i32
      scf.for %parallel_loop3A_244 = %parallel_loop3A to %parallel_loop3A_209 step %parallel_loop3A_210  : i32 {
        %parallel_loop3A_245 = arith.constant 0 : i32
        %parallel_loop3A_246 = vector.broadcast %parallel_loop3A_245 : i32 to vector<16xi32>
        %parallel_loop3A_247 = arith.constant 128 : i32
        %parallel_loop3A_248 = arith.muli %mul3A_192, %parallel_loop3A_247 : i32
        %parallel_loop3A_249 = arith.addi %parallel_loop3A_248, %parallel_loop3A_244 : i32
        %parallel_loop3A_250 = vector.broadcast %parallel_loop3A_249 : i32 to vector<16xi32>
        %parallel_loop3A_251 = arith.addi %parallel_loop3A_246, %parallel_loop3A_250 : vector<16xi32>
        %parallel_loop3A_252 = tpu.vector_load_idx %arg9[%parallel_loop3A_251] : memref<5120xf32, #tpu.memory_space<vmem>>[vector<16xi32>], vector<16xf32>,
        %parallel_loop3A_253 = arith.index_cast %parallel_loop3A_244 : i32 to index
        %parallel_loop3A_254 = arith.constant 0 : index
        %parallel_loop3A_255 = tpu.vector_load %arg10[%parallel_loop3A_253, %parallel_loop3A_254] {strides = array<i32>} : memref<128x128xf32, #tpu.memory_space<vmem>>, vector<16xf32>,
        %parallel_loop3A_256 = arith.mulf %parallel_loop3A_255, %parallel_loop3A_252 : vector<16xf32>
        %parallel_loop3A_257 = arith.index_cast %parallel_loop3A_244 : i32 to index
        %parallel_loop3A_258 = arith.constant 0 : index
        %parallel_loop3A_259 = tpu.vector_load %arg10[%parallel_loop3A_257, %parallel_loop3A_258] {strides = array<i32>} : memref<128x128xf32, #tpu.memory_space<vmem>>, vector<16xf32>,
        tpu.vector_store %arg10[%parallel_loop3A_257, %parallel_loop3A_258], %parallel_loop3A_256 {strides = array<i32>} : memref<128x128xf32, #tpu.memory_space<vmem>>, vector<16xf32>,
        %parallel_loop3A_260 = arith.index_cast %parallel_loop3A_244 : i32 to index
        %parallel_loop3A_261 = arith.constant 16 : index
        %parallel_loop3A_262 = tpu.vector_load %arg10[%parallel_loop3A_260, %parallel_loop3A_261] {strides = array<i32>} : memref<128x128xf32, #tpu.memory_space<vmem>>, vector<16xf32>,
        %parallel_loop3A_263 = arith.mulf %parallel_loop3A_262, %parallel_loop3A_252 : vector<16xf32>
        %parallel_loop3A_264 = arith.index_cast %parallel_loop3A_244 : i32 to index
        %parallel_loop3A_265 = arith.constant 16 : index
        %parallel_loop3A_266 = tpu.vector_load %arg10[%parallel_loop3A_264, %parallel_loop3A_265] {strides = array<i32>} : memref<128x128xf32, #tpu.memory_space<vmem>>, vector<16xf32>,
        tpu.vector_store %arg10[%parallel_loop3A_264, %parallel_loop3A_265], %parallel_loop3A_263 {strides = array<i32>} : memref<128x128xf32, #tpu.memory_space<vmem>>, vector<16xf32>,
        %parallel_loop3A_267 = arith.index_cast %parallel_loop3A_244 : i32 to index
        %parallel_loop3A_268 = arith.constant 32 : index
        %parallel_loop3A_269 = tpu.vector_load %arg10[%parallel_loop3A_267, %parallel_loop3A_268] {strides = array<i32>} : memref<128x128xf32, #tpu.memory_space<vmem>>, vector<16xf32>,
        %parallel_loop3A_270 = arith.mulf %parallel_loop3A_269, %parallel_loop3A_252 : vector<16xf32>
        %parallel_loop3A_271 = arith.index_cast %parallel_loop3A_244 : i32 to index
        %parallel_loop3A_272 = arith.constant 32 : index
        %parallel_loop3A_273 = tpu.vector_load %arg10[%parallel_loop3A_271, %parallel_loop3A_272] {strides = array<i32>} : memref<128x128xf32, #tpu.memory_space<vmem>>, vector<16xf32>,
        tpu.vector_store %arg10[%parallel_loop3A_271, %parallel_loop3A_272], %parallel_loop3A_270 {strides = array<i32>} : memref<128x128xf32, #tpu.memory_space<vmem>>, vector<16xf32>,
        %parallel_loop3A_274 = arith.index_cast %parallel_loop3A_244 : i32 to index
        %parallel_loop3A_275 = arith.constant 48 : index
        %parallel_loop3A_276 = tpu.vector_load %arg10[%parallel_loop3A_274, %parallel_loop3A_275] {strides = array<i32>} : memref<128x128xf32, #tpu.memory_space<vmem>>, vector<16xf32>,
        %parallel_loop3A_277 = arith.mulf %parallel_loop3A_276, %parallel_loop3A_252 : vector<16xf32>
        %parallel_loop3A_278 = arith.index_cast %parallel_loop3A_244 : i32 to index
        %parallel_loop3A_279 = arith.constant 48 : index
        %parallel_loop3A_280 = tpu.vector_load %arg10[%parallel_loop3A_278, %parallel_loop3A_279] {strides = array<i32>} : memref<128x128xf32, #tpu.memory_space<vmem>>, vector<16xf32>,
        tpu.vector_store %arg10[%parallel_loop3A_278, %parallel_loop3A_279], %parallel_loop3A_277 {strides = array<i32>} : memref<128x128xf32, #tpu.memory_space<vmem>>, vector<16xf32>,
        %parallel_loop3A_281 = arith.index_cast %parallel_loop3A_244 : i32 to index
        %parallel_loop3A_282 = arith.constant 64 : index
        %parallel_loop3A_283 = tpu.vector_load %arg10[%parallel_loop3A_281, %parallel_loop3A_282] {strides = array<i32>} : memref<128x128xf32, #tpu.memory_space<vmem>>, vector<16xf32>,
        %parallel_loop3A_284 = arith.mulf %parallel_loop3A_283, %parallel_loop3A_252 : vector<16xf32>
        %parallel_loop3A_285 = arith.index_cast %parallel_loop3A_244 : i32 to index
        %parallel_loop3A_286 = arith.constant 64 : index
        %parallel_loop3A_287 = tpu.vector_load %arg10[%parallel_loop3A_285, %parallel_loop3A_286] {strides = array<i32>} : memref<128x128xf32, #tpu.memory_space<vmem>>, vector<16xf32>,
        tpu.vector_store %arg10[%parallel_loop3A_285, %parallel_loop3A_286], %parallel_loop3A_284 {strides = array<i32>} : memref<128x128xf32, #tpu.memory_space<vmem>>, vector<16xf32>,
        %parallel_loop3A_288 = arith.index_cast %parallel_loop3A_244 : i32 to index
        %parallel_loop3A_289 = arith.constant 80 : index
        %parallel_loop3A_290 = tpu.vector_load %arg10[%parallel_loop3A_288, %parallel_loop3A_289] {strides = array<i32>} : memref<128x128xf32, #tpu.memory_space<vmem>>, vector<16xf32>,
        %parallel_loop3A_291 = arith.mulf %parallel_loop3A_290, %parallel_loop3A_252 : vector<16xf32>
        %parallel_loop3A_292 = arith.index_cast %parallel_loop3A_244 : i32 to index
        %parallel_loop3A_293 = arith.constant 80 : index
        %parallel_loop3A_294 = tpu.vector_load %arg10[%parallel_loop3A_292, %parallel_loop3A_293] {strides = array<i32>} : memref<128x128xf32, #tpu.memory_space<vmem>>, vector<16xf32>,
        tpu.vector_store %arg10[%parallel_loop3A_292, %parallel_loop3A_293], %parallel_loop3A_291 {strides = array<i32>} : memref<128x128xf32, #tpu.memory_space<vmem>>, vector<16xf32>,
        %parallel_loop3A_295 = arith.index_cast %parallel_loop3A_244 : i32 to index
        %parallel_loop3A_296 = arith.constant 96 : index
        %parallel_loop3A_297 = tpu.vector_load %arg10[%parallel_loop3A_295, %parallel_loop3A_296] {strides = array<i32>} : memref<128x128xf32, #tpu.memory_space<vmem>>, vector<16xf32>,
        %parallel_loop3A_298 = arith.mulf %parallel_loop3A_297, %parallel_loop3A_252 : vector<16xf32>
        %parallel_loop3A_299 = arith.index_cast %parallel_loop3A_244 : i32 to index
        %parallel_loop3A_300 = arith.constant 96 : index
        %parallel_loop3A_301 = tpu.vector_load %arg10[%parallel_loop3A_299, %parallel_loop3A_300] {strides = array<i32>} : memref<128x128xf32, #tpu.memory_space<vmem>>, vector<16xf32>,
        tpu.vector_store %arg10[%parallel_loop3A_299, %parallel_loop3A_300], %parallel_loop3A_298 {strides = array<i32>} : memref<128x128xf32, #tpu.memory_space<vmem>>, vector<16xf32>,
        %parallel_loop3A_302 = arith.index_cast %parallel_loop3A_244 : i32 to index
        %parallel_loop3A_303 = arith.constant 112 : index
        %parallel_loop3A_304 = tpu.vector_load %arg10[%parallel_loop3A_302, %parallel_loop3A_303] {strides = array<i32>} : memref<128x128xf32, #tpu.memory_space<vmem>>, vector<16xf32>,
        %parallel_loop3A_305 = arith.mulf %parallel_loop3A_304, %parallel_loop3A_252 : vector<16xf32>
        %parallel_loop3A_306 = arith.index_cast %parallel_loop3A_244 : i32 to index
        %parallel_loop3A_307 = arith.constant 112 : index
        %parallel_loop3A_308 = tpu.vector_load %arg10[%parallel_loop3A_306, %parallel_loop3A_307] {strides = array<i32>} : memref<128x128xf32, #tpu.memory_space<vmem>>, vector<16xf32>,
        tpu.vector_store %arg10[%parallel_loop3A_306, %parallel_loop3A_307], %parallel_loop3A_305 {strides = array<i32>} : memref<128x128xf32, #tpu.memory_space<vmem>>, vector<16xf32>,
      } {sc.loop_unroll_factor = 2 : i64, sc.parallel_access}
      %dma_start3A_211 = arith.constant 0 : i32
      %dma_start3A_212 = tpu.memref_slice %arg8[%mul3A_192, %dma_start3A_211] : memref<40x128xi32, #tpu.memory_space<vmem>> -> memref<1x128xi32, #tpu.memory_space<vmem>>
      %dma_start3A_213 = tpu.memref_squeeze %dma_start3A_212 : memref<1x128xi32, #tpu.memory_space<vmem>> -> memref<128xi32, #tpu.memory_space<vmem>>
      %dma_start3A_214 = arith.constant 0 : i32
      %dma_start3A_215 = arith.constant 0 : i32
      %dma_start3A_216 = tpu.memref_slice %arg12[%dma_start3A_214, %dma_start3A_215] : memref<10240x128xf32, #tpu.memory_space<vmem_shared>> -> memref<10240x128xf32, #tpu.memory_space<vmem_shared>>
      tpu.enqueue_indirect_dma source(%arg10 : memref<128x128xf32, #tpu.memory_space<vmem>>) target(%dma_start3A_216 : memref<10240x128xf32, #tpu.memory_space<vmem_shared>>) offsets(%dma_start3A_213 : memref<128xi32, #tpu.memory_space<vmem>>) semaphore(%arg15 : memref<!tpu.dma_semaphore, #tpu.memory_space<semaphore_mem>>) {add = true}
      %dma_wait3A_217 = arith.constant 0 : i32
      %dma_wait3A_218 = tpu.memref_slice %arg7[%add3A_194, %dma_wait3A_217] : memref<40x128xi32, #tpu.memory_space<vmem>> -> memref<1x128xi32, #tpu.memory_space<vmem>>
      %dma_wait3A_219 = tpu.memref_squeeze %dma_wait3A_218 : memref<1x128xi32, #tpu.memory_space<vmem>> -> memref<128xi32, #tpu.memory_space<vmem>>
      %dma_wait3A_220 = arith.constant 0 : i32
      %dma_wait3A_221 = arith.constant 0 : i32
      %dma_wait3A_222 = tpu.memref_slice %arg2[%dma_wait3A_220, %dma_wait3A_221] : memref<10240x128xf32, #tpu.memory_space<hbm>> -> memref<10240x128xf32, #tpu.memory_space<hbm>>
      tpu.wait_indirect_dma semaphore(%arg14 : memref<!tpu.dma_semaphore, #tpu.memory_space<semaphore_mem>>) src(%dma_wait3A_222 : memref<10240x128xf32, #tpu.memory_space<hbm>>) dst(%arg11 : memref<128x128xf32, #tpu.memory_space<vmem>>)
      %parallel_loop3A_223 = arith.constant 0 : i32
      %parallel_loop3A_224 = arith.constant 128 : i32
      %parallel_loop3A_225 = arith.constant 1 : i32
      scf.for %parallel_loop3A_244 = %parallel_loop3A_223 to %parallel_loop3A_224 step %parallel_loop3A_225  : i32 {
        %parallel_loop3A_245 = arith.constant 0 : i32
        %parallel_loop3A_246 = vector.broadcast %parallel_loop3A_245 : i32 to vector<16xi32>
        %parallel_loop3A_247 = arith.constant 128 : i32
        %parallel_loop3A_248 = arith.muli %add3A_194, %parallel_loop3A_247 : i32
        %parallel_loop3A_249 = arith.addi %parallel_loop3A_248, %parallel_loop3A_244 : i32
        %parallel_loop3A_250 = vector.broadcast %parallel_loop3A_249 : i32 to vector<16xi32>
        %parallel_loop3A_251 = arith.addi %parallel_loop3A_246, %parallel_loop3A_250 : vector<16xi32>
        %parallel_loop3A_252 = tpu.vector_load_idx %arg9[%parallel_loop3A_251] : memref<5120xf32, #tpu.memory_space<vmem>>[vector<16xi32>], vector<16xf32>,
        %parallel_loop3A_253 = arith.index_cast %parallel_loop3A_244 : i32 to index
        %parallel_loop3A_254 = arith.constant 0 : index
        %parallel_loop3A_255 = tpu.vector_load %arg11[%parallel_loop3A_253, %parallel_loop3A_254] {strides = array<i32>} : memref<128x128xf32, #tpu.memory_space<vmem>>, vector<16xf32>,
        %parallel_loop3A_256 = arith.mulf %parallel_loop3A_255, %parallel_loop3A_252 : vector<16xf32>
        %parallel_loop3A_257 = arith.index_cast %parallel_loop3A_244 : i32 to index
        %parallel_loop3A_258 = arith.constant 0 : index
        %parallel_loop3A_259 = tpu.vector_load %arg11[%parallel_loop3A_257, %parallel_loop3A_258] {strides = array<i32>} : memref<128x128xf32, #tpu.memory_space<vmem>>, vector<16xf32>,
        tpu.vector_store %arg11[%parallel_loop3A_257, %parallel_loop3A_258], %parallel_loop3A_256 {strides = array<i32>} : memref<128x128xf32, #tpu.memory_space<vmem>>, vector<16xf32>,
        %parallel_loop3A_260 = arith.index_cast %parallel_loop3A_244 : i32 to index
        %parallel_loop3A_261 = arith.constant 16 : index
        %parallel_loop3A_262 = tpu.vector_load %arg11[%parallel_loop3A_260, %parallel_loop3A_261] {strides = array<i32>} : memref<128x128xf32, #tpu.memory_space<vmem>>, vector<16xf32>,
        %parallel_loop3A_263 = arith.mulf %parallel_loop3A_262, %parallel_loop3A_252 : vector<16xf32>
        %parallel_loop3A_264 = arith.index_cast %parallel_loop3A_244 : i32 to index
        %parallel_loop3A_265 = arith.constant 16 : index
        %parallel_loop3A_266 = tpu.vector_load %arg11[%parallel_loop3A_264, %parallel_loop3A_265] {strides = array<i32>} : memref<128x128xf32, #tpu.memory_space<vmem>>, vector<16xf32>,
        tpu.vector_store %arg11[%parallel_loop3A_264, %parallel_loop3A_265], %parallel_loop3A_263 {strides = array<i32>} : memref<128x128xf32, #tpu.memory_space<vmem>>, vector<16xf32>,
        %parallel_loop3A_267 = arith.index_cast %parallel_loop3A_244 : i32 to index
        %parallel_loop3A_268 = arith.constant 32 : index
        %parallel_loop3A_269 = tpu.vector_load %arg11[%parallel_loop3A_267, %parallel_loop3A_268] {strides = array<i32>} : memref<128x128xf32, #tpu.memory_space<vmem>>, vector<16xf32>,
        %parallel_loop3A_270 = arith.mulf %parallel_loop3A_269, %parallel_loop3A_252 : vector<16xf32>
        %parallel_loop3A_271 = arith.index_cast %parallel_loop3A_244 : i32 to index
        %parallel_loop3A_272 = arith.constant 32 : index
        %parallel_loop3A_273 = tpu.vector_load %arg11[%parallel_loop3A_271, %parallel_loop3A_272] {strides = array<i32>} : memref<128x128xf32, #tpu.memory_space<vmem>>, vector<16xf32>,
        tpu.vector_store %arg11[%parallel_loop3A_271, %parallel_loop3A_272], %parallel_loop3A_270 {strides = array<i32>} : memref<128x128xf32, #tpu.memory_space<vmem>>, vector<16xf32>,
        %parallel_loop3A_274 = arith.index_cast %parallel_loop3A_244 : i32 to index
        %parallel_loop3A_275 = arith.constant 48 : index
        %parallel_loop3A_276 = tpu.vector_load %arg11[%parallel_loop3A_274, %parallel_loop3A_275] {strides = array<i32>} : memref<128x128xf32, #tpu.memory_space<vmem>>, vector<16xf32>,
        %parallel_loop3A_277 = arith.mulf %parallel_loop3A_276, %parallel_loop3A_252 : vector<16xf32>
        %parallel_loop3A_278 = arith.index_cast %parallel_loop3A_244 : i32 to index
        %parallel_loop3A_279 = arith.constant 48 : index
        %parallel_loop3A_280 = tpu.vector_load %arg11[%parallel_loop3A_278, %parallel_loop3A_279] {strides = array<i32>} : memref<128x128xf32, #tpu.memory_space<vmem>>, vector<16xf32>,
        tpu.vector_store %arg11[%parallel_loop3A_278, %parallel_loop3A_279], %parallel_loop3A_277 {strides = array<i32>} : memref<128x128xf32, #tpu.memory_space<vmem>>, vector<16xf32>,
        %parallel_loop3A_281 = arith.index_cast %parallel_loop3A_244 : i32 to index
        %parallel_loop3A_282 = arith.constant 64 : index
        %parallel_loop3A_283 = tpu.vector_load %arg11[%parallel_loop3A_281, %parallel_loop3A_282] {strides = array<i32>} : memref<128x128xf32, #tpu.memory_space<vmem>>, vector<16xf32>,
        %parallel_loop3A_284 = arith.mulf %parallel_loop3A_283, %parallel_loop3A_252 : vector<16xf32>
        %parallel_loop3A_285 = arith.index_cast %parallel_loop3A_244 : i32 to index
        %parallel_loop3A_286 = arith.constant 64 : index
        %parallel_loop3A_287 = tpu.vector_load %arg11[%parallel_loop3A_285, %parallel_loop3A_286] {strides = array<i32>} : memref<128x128xf32, #tpu.memory_space<vmem>>, vector<16xf32>,
        tpu.vector_store %arg11[%parallel_loop3A_285, %parallel_loop3A_286], %parallel_loop3A_284 {strides = array<i32>} : memref<128x128xf32, #tpu.memory_space<vmem>>, vector<16xf32>,
        %parallel_loop3A_288 = arith.index_cast %parallel_loop3A_244 : i32 to index
        %parallel_loop3A_289 = arith.constant 80 : index
        %parallel_loop3A_290 = tpu.vector_load %arg11[%parallel_loop3A_288, %parallel_loop3A_289] {strides = array<i32>} : memref<128x128xf32, #tpu.memory_space<vmem>>, vector<16xf32>,
        %parallel_loop3A_291 = arith.mulf %parallel_loop3A_290, %parallel_loop3A_252 : vector<16xf32>
        %parallel_loop3A_292 = arith.index_cast %parallel_loop3A_244 : i32 to index
        %parallel_loop3A_293 = arith.constant 80 : index
        %parallel_loop3A_294 = tpu.vector_load %arg11[%parallel_loop3A_292, %parallel_loop3A_293] {strides = array<i32>} : memref<128x128xf32, #tpu.memory_space<vmem>>, vector<16xf32>,
        tpu.vector_store %arg11[%parallel_loop3A_292, %parallel_loop3A_293], %parallel_loop3A_291 {strides = array<i32>} : memref<128x128xf32, #tpu.memory_space<vmem>>, vector<16xf32>,
        %parallel_loop3A_295 = arith.index_cast %parallel_loop3A_244 : i32 to index
        %parallel_loop3A_296 = arith.constant 96 : index
        %parallel_loop3A_297 = tpu.vector_load %arg11[%parallel_loop3A_295, %parallel_loop3A_296] {strides = array<i32>} : memref<128x128xf32, #tpu.memory_space<vmem>>, vector<16xf32>,
        %parallel_loop3A_298 = arith.mulf %parallel_loop3A_297, %parallel_loop3A_252 : vector<16xf32>
        %parallel_loop3A_299 = arith.index_cast %parallel_loop3A_244 : i32 to index
        %parallel_loop3A_300 = arith.constant 96 : index
        %parallel_loop3A_301 = tpu.vector_load %arg11[%parallel_loop3A_299, %parallel_loop3A_300] {strides = array<i32>} : memref<128x128xf32, #tpu.memory_space<vmem>>, vector<16xf32>,
        tpu.vector_store %arg11[%parallel_loop3A_299, %parallel_loop3A_300], %parallel_loop3A_298 {strides = array<i32>} : memref<128x128xf32, #tpu.memory_space<vmem>>, vector<16xf32>,
        %parallel_loop3A_302 = arith.index_cast %parallel_loop3A_244 : i32 to index
        %parallel_loop3A_303 = arith.constant 112 : index
        %parallel_loop3A_304 = tpu.vector_load %arg11[%parallel_loop3A_302, %parallel_loop3A_303] {strides = array<i32>} : memref<128x128xf32, #tpu.memory_space<vmem>>, vector<16xf32>,
        %parallel_loop3A_305 = arith.mulf %parallel_loop3A_304, %parallel_loop3A_252 : vector<16xf32>
        %parallel_loop3A_306 = arith.index_cast %parallel_loop3A_244 : i32 to index
        %parallel_loop3A_307 = arith.constant 112 : index
        %parallel_loop3A_308 = tpu.vector_load %arg11[%parallel_loop3A_306, %parallel_loop3A_307] {strides = array<i32>} : memref<128x128xf32, #tpu.memory_space<vmem>>, vector<16xf32>,
        tpu.vector_store %arg11[%parallel_loop3A_306, %parallel_loop3A_307], %parallel_loop3A_305 {strides = array<i32>} : memref<128x128xf32, #tpu.memory_space<vmem>>, vector<16xf32>,
      } {sc.loop_unroll_factor = 2 : i64, sc.parallel_access}
      %dma_start3A_226 = arith.constant 0 : i32
      %dma_start3A_227 = tpu.memref_slice %arg8[%add3A_194, %dma_start3A_226] : memref<40x128xi32, #tpu.memory_space<vmem>> -> memref<1x128xi32, #tpu.memory_space<vmem>>
      %dma_start3A_228 = tpu.memref_squeeze %dma_start3A_227 : memref<1x128xi32, #tpu.memory_space<vmem>> -> memref<128xi32, #tpu.memory_space<vmem>>
      %dma_start3A_229 = arith.constant 0 : i32
      %dma_start3A_230 = arith.constant 0 : i32
      %dma_start3A_231 = tpu.memref_slice %arg12[%dma_start3A_229, %dma_start3A_230] : memref<10240x128xf32, #tpu.memory_space<vmem_shared>> -> memref<10240x128xf32, #tpu.memory_space<vmem_shared>>
      tpu.enqueue_indirect_dma source(%arg11 : memref<128x128xf32, #tpu.memory_space<vmem>>) target(%dma_start3A_231 : memref<10240x128xf32, #tpu.memory_space<vmem_shared>>) offsets(%dma_start3A_228 : memref<128xi32, #tpu.memory_space<vmem>>) semaphore(%arg16 : memref<!tpu.dma_semaphore, #tpu.memory_space<semaphore_mem>>) {add = true}
      %dma_wait3A_232 = arith.constant 0 : i32
      %dma_wait3A_233 = arith.constant 0 : i32
      %dma_wait3A_234 = tpu.memref_slice %arg7[%dma_wait3A_232, %dma_wait3A_233] : memref<40x128xi32, #tpu.memory_space<vmem>> -> memref<1x128xi32, #tpu.memory_space<vmem>>
      %dma_wait3A_235 = tpu.memref_squeeze %dma_wait3A_234 : memref<1x128xi32, #tpu.memory_space<vmem>> -> memref<128xi32, #tpu.memory_space<vmem>>
      %dma_wait3A_236 = arith.constant 0 : i32
      %dma_wait3A_237 = arith.constant 0 : i32
      %dma_wait3A_238 = tpu.memref_slice %arg2[%dma_wait3A_236, %dma_wait3A_237] : memref<10240x128xf32, #tpu.memory_space<hbm>> -> memref<10240x128xf32, #tpu.memory_space<hbm>>
      tpu.wait_indirect_dma semaphore(%arg15 : memref<!tpu.dma_semaphore, #tpu.memory_space<semaphore_mem>>) src(%dma_wait3A_238 : memref<10240x128xf32, #tpu.memory_space<hbm>>) dst(%arg10 : memref<128x128xf32, #tpu.memory_space<vmem>>)
      %lt3A = arith.constant 19 : i32
      %lt3A_239 = arith.cmpi slt, %scan3A_189, %lt3A : i32
      %convert_element_type3A_240 = arith.extui %lt3A_239 : i1 to i32
      %cond3A_241 = arith.constant 0 : i32
      %cond3A_242 = arith.cmpi ne, %convert_element_type3A_240, %cond3A_241 : i32
      scf.if %cond3A_242 {
        %add3A_244 = arith.constant 2 : i32
        %add3A_245 = arith.addi %mul3A_192, %add3A_244 : i32
        %dma_start3A_246 = arith.constant 0 : i32
        %dma_start3A_247 = tpu.memref_slice %arg7[%add3A_245, %dma_start3A_246] : memref<40x128xi32, #tpu.memory_space<vmem>> -> memref<1x128xi32, #tpu.memory_space<vmem>>
        %dma_start3A_248 = tpu.memref_squeeze %dma_start3A_247 : memref<1x128xi32, #tpu.memory_space<vmem>> -> memref<128xi32, #tpu.memory_space<vmem>>
        %dma_start3A_249 = arith.constant 0 : i32
        %dma_start3A_250 = arith.constant 0 : i32
        %dma_start3A_251 = tpu.memref_slice %arg2[%dma_start3A_249, %dma_start3A_250] : memref<10240x128xf32, #tpu.memory_space<hbm>> -> memref<10240x128xf32, #tpu.memory_space<hbm>>
        tpu.enqueue_indirect_dma source(%dma_start3A_251 : memref<10240x128xf32, #tpu.memory_space<hbm>>) target(%arg10 : memref<128x128xf32, #tpu.memory_space<vmem>>) offsets(%dma_start3A_248 : memref<128xi32, #tpu.memory_space<vmem>>) semaphore(%arg13 : memref<!tpu.dma_semaphore, #tpu.memory_space<semaphore_mem>>)
      } else {
      }
      %scan3A_243 = arith.constant 0 : i32
      scf.yield %scan3A_243 : i32
    }
    %scan3A_45 = arith.constant 20 : i32
    %dma_wait3A = arith.constant 0 : i32
    %dma_wait3A_46 = arith.constant 0 : i32
    %dma_wait3A_47 = tpu.memref_slice %arg7[%dma_wait3A, %dma_wait3A_46] : memref<40x128xi32, #tpu.memory_space<vmem>> -> memref<1x128xi32, #tpu.memory_space<vmem>>
    %dma_wait3A_48 = tpu.memref_squeeze %dma_wait3A_47 : memref<1x128xi32, #tpu.memory_space<vmem>> -> memref<128xi32, #tpu.memory_space<vmem>>
    %dma_wait3A_49 = arith.constant 0 : i32
    %dma_wait3A_50 = arith.constant 0 : i32
    %dma_wait3A_51 = tpu.memref_slice %arg2[%dma_wait3A_49, %dma_wait3A_50] : memref<10240x128xf32, #tpu.memory_space<hbm>> -> memref<10240x128xf32, #tpu.memory_space<hbm>>
    tpu.wait_indirect_dma semaphore(%arg16 : memref<!tpu.dma_semaphore, #tpu.memory_space<semaphore_mem>>) src(%dma_wait3A_51 : memref<10240x128xf32, #tpu.memory_space<hbm>>) dst(%arg11 : memref<128x128xf32, #tpu.memory_space<vmem>>)
    %barrier3A_52 = arith.constant 0 : index
    tpu.barrier barrier_id(%barrier3A_52)
    %mul3A_53 = arith.constant 640 : i32
    %mul3A_54 = arith.muli %arg1, %mul3A_53 : i32
    %mul3A_55 = arith.constant 640 : i32
    %mul3A_56 = arith.muli %arg1, %mul3A_55 : i32
    %run_scoped3A_57 = arith.constant 0 : i32
    "tpu.region"() ({
      %run_scoped3A_189 = tpu.sem_alloc : memref<!tpu.dma_semaphore, #tpu.memory_space<semaphore_mem>>
      %dma_start3A_190 = arith.constant 0 : i32
      %dma_start3A_191 = tpu.memref_slice %arg6[%run_scoped3A_57, %arg0, %mul3A_56, %dma_start3A_190] : memref<3x2x10240x128xf32, #tpu.memory_space<hbm>> -> memref<1x1x640x128xf32, #tpu.memory_space<hbm>>
      %dma_start3A_192 = tpu.memref_squeeze %dma_start3A_191 : memref<1x1x640x128xf32, #tpu.memory_space<hbm>> -> memref<640x128xf32, #tpu.memory_space<hbm>>
      %dma_start3A_193 = arith.constant 0 : i32
      %dma_start3A_194 = tpu.memref_slice %arg12[%mul3A_54, %dma_start3A_193] : memref<10240x128xf32, #tpu.memory_space<vmem_shared>> -> memref<640x128xf32, #tpu.memory_space<vmem_shared>>
      tpu.enqueue_dma source(%dma_start3A_194 : memref<640x128xf32, #tpu.memory_space<vmem_shared>>) target(%dma_start3A_192 : memref<640x128xf32, #tpu.memory_space<hbm>>) target_semaphore(%run_scoped3A_189 : memref<!tpu.dma_semaphore, #tpu.memory_space<semaphore_mem>>)
      %dma_wait3A_195 = arith.constant 0 : i32
      %dma_wait3A_196 = tpu.memref_slice %arg6[%run_scoped3A_57, %arg0, %mul3A_56, %dma_wait3A_195] : memref<3x2x10240x128xf32, #tpu.memory_space<hbm>> -> memref<1x1x640x128xf32, #tpu.memory_space<hbm>>
      %dma_wait3A_197 = tpu.memref_squeeze %dma_wait3A_196 : memref<1x1x640x128xf32, #tpu.memory_space<hbm>> -> memref<640x128xf32, #tpu.memory_space<hbm>>
      %dma_wait3A_198 = arith.constant 0 : i32
      %dma_wait3A_199 = tpu.memref_slice %arg12[%mul3A_54, %dma_wait3A_198] : memref<10240x128xf32, #tpu.memory_space<vmem_shared>> -> memref<640x128xf32, #tpu.memory_space<vmem_shared>>
      tpu.wait_dma2 semaphore(%run_scoped3A_189 : memref<!tpu.dma_semaphore, #tpu.memory_space<semaphore_mem>>) src(%dma_wait3A_199 : memref<640x128xf32, #tpu.memory_space<vmem_shared>>) dst(%dma_wait3A_197 : memref<640x128xf32, #tpu.memory_space<hbm>>)
      tpu.yield
    }) : () -> ()
    %barrier3A_58 = arith.constant 0 : index
    tpu.barrier barrier_id(%barrier3A_58)
    %add3A_59 = arith.constant 2 : i32
    %add3A_60 = arith.addi %add3A_59, %arg0 : i32
    %mul3A_61 = arith.constant 16 : i32
    %mul3A_62 = arith.muli %add3A_60, %mul3A_61 : i32
    %add3A_63 = arith.addi %mul3A_62, %arg1 : i32
    %run_scoped3A_64 = arith.constant 1 : i32
    "tpu.region"() ({
      %run_scoped3A_189 = tpu.sem_alloc : memref<!tpu.dma_semaphore, #tpu.memory_space<semaphore_mem>>
      %dma_start3A_190 = arith.constant 0 : i32
      %dma_start3A_191 = arith.constant 0 : i32
      %dma_start3A_192 = tpu.memref_slice %arg3[%run_scoped3A_64, %arg0, %arg1, %dma_start3A_190, %dma_start3A_191] : memref<3x2x16x40x128xi32, #tpu.memory_space<hbm>> -> memref<1x1x1x40x128xi32, #tpu.memory_space<hbm>>
      %dma_start3A_193 = tpu.memref_squeeze %dma_start3A_192 : memref<1x1x1x40x128xi32, #tpu.memory_space<hbm>> -> memref<40x128xi32, #tpu.memory_space<hbm>>
      %dma_start3A_194 = arith.constant 0 : i32
      %dma_start3A_195 = arith.constant 0 : i32
      %dma_start3A_196 = tpu.memref_slice %arg3[%run_scoped3A_64, %arg0, %arg1, %dma_start3A_194, %dma_start3A_195] : memref<3x2x16x40x128xi32, #tpu.memory_space<hbm>> -> memref<1x1x1x40x128xi32, #tpu.memory_space<hbm>>
      %dma_start3A_197 = tpu.memref_squeeze %dma_start3A_196 : memref<1x1x1x40x128xi32, #tpu.memory_space<hbm>> -> memref<40x128xi32, #tpu.memory_space<hbm>>
      tpu.enqueue_dma source(%dma_start3A_197 : memref<40x128xi32, #tpu.memory_space<hbm>>) target(%arg7 : memref<40x128xi32, #tpu.memory_space<vmem>>) target_semaphore(%run_scoped3A_189 : memref<!tpu.dma_semaphore, #tpu.memory_space<semaphore_mem>>)
      %dma_wait3A_198 = arith.constant 0 : i32
      %dma_wait3A_199 = arith.constant 0 : i32
      %dma_wait3A_200 = tpu.memref_slice %arg3[%run_scoped3A_64, %arg0, %arg1, %dma_wait3A_198, %dma_wait3A_199] : memref<3x2x16x40x128xi32, #tpu.memory_space<hbm>> -> memref<1x1x1x40x128xi32, #tpu.memory_space<hbm>>
      %dma_wait3A_201 = tpu.memref_squeeze %dma_wait3A_200 : memref<1x1x1x40x128xi32, #tpu.memory_space<hbm>> -> memref<40x128xi32, #tpu.memory_space<hbm>>
      %dma_wait3A_202 = arith.constant 0 : i32
      %dma_wait3A_203 = arith.constant 0 : i32
      %dma_wait3A_204 = tpu.memref_slice %arg3[%run_scoped3A_64, %arg0, %arg1, %dma_wait3A_202, %dma_wait3A_203] : memref<3x2x16x40x128xi32, #tpu.memory_space<hbm>> -> memref<1x1x1x40x128xi32, #tpu.memory_space<hbm>>
      %dma_wait3A_205 = tpu.memref_squeeze %dma_wait3A_204 : memref<1x1x1x40x128xi32, #tpu.memory_space<hbm>> -> memref<40x128xi32, #tpu.memory_space<hbm>>
      tpu.wait_dma2 semaphore(%run_scoped3A_189 : memref<!tpu.dma_semaphore, #tpu.memory_space<semaphore_mem>>) src(%dma_wait3A_205 : memref<40x128xi32, #tpu.memory_space<hbm>>) dst(%arg7 : memref<40x128xi32, #tpu.memory_space<vmem>>)
      tpu.yield
    }) : () -> ()
    %run_scoped3A_65 = arith.constant 1 : i32
    "tpu.region"() ({
      %run_scoped3A_189 = tpu.sem_alloc : memref<!tpu.dma_semaphore, #tpu.memory_space<semaphore_mem>>
      %dma_start3A_190 = arith.constant 0 : i32
      %dma_start3A_191 = arith.constant 0 : i32
      %dma_start3A_192 = tpu.memref_slice %arg4[%run_scoped3A_65, %arg0, %arg1, %dma_start3A_190, %dma_start3A_191] : memref<3x2x16x40x128xi32, #tpu.memory_space<hbm>> -> memref<1x1x1x40x128xi32, #tpu.memory_space<hbm>>
      %dma_start3A_193 = tpu.memref_squeeze %dma_start3A_192 : memref<1x1x1x40x128xi32, #tpu.memory_space<hbm>> -> memref<40x128xi32, #tpu.memory_space<hbm>>
      %dma_start3A_194 = arith.constant 0 : i32
      %dma_start3A_195 = arith.constant 0 : i32
      %dma_start3A_196 = tpu.memref_slice %arg4[%run_scoped3A_65, %arg0, %arg1, %dma_start3A_194, %dma_start3A_195] : memref<3x2x16x40x128xi32, #tpu.memory_space<hbm>> -> memref<1x1x1x40x128xi32, #tpu.memory_space<hbm>>
      %dma_start3A_197 = tpu.memref_squeeze %dma_start3A_196 : memref<1x1x1x40x128xi32, #tpu.memory_space<hbm>> -> memref<40x128xi32, #tpu.memory_space<hbm>>
      tpu.enqueue_dma source(%dma_start3A_197 : memref<40x128xi32, #tpu.memory_space<hbm>>) target(%arg8 : memref<40x128xi32, #tpu.memory_space<vmem>>) target_semaphore(%run_scoped3A_189 : memref<!tpu.dma_semaphore, #tpu.memory_space<semaphore_mem>>)
      %dma_wait3A_198 = arith.constant 0 : i32
      %dma_wait3A_199 = arith.constant 0 : i32
      %dma_wait3A_200 = tpu.memref_slice %arg4[%run_scoped3A_65, %arg0, %arg1, %dma_wait3A_198, %dma_wait3A_199] : memref<3x2x16x40x128xi32, #tpu.memory_space<hbm>> -> memref<1x1x1x40x128xi32, #tpu.memory_space<hbm>>
      %dma_wait3A_201 = tpu.memref_squeeze %dma_wait3A_200 : memref<1x1x1x40x128xi32, #tpu.memory_space<hbm>> -> memref<40x128xi32, #tpu.memory_space<hbm>>
      %dma_wait3A_202 = arith.constant 0 : i32
      %dma_wait3A_203 = arith.constant 0 : i32
      %dma_wait3A_204 = tpu.memref_slice %arg4[%run_scoped3A_65, %arg0, %arg1, %dma_wait3A_202, %dma_wait3A_203] : memref<3x2x16x40x128xi32, #tpu.memory_space<hbm>> -> memref<1x1x1x40x128xi32, #tpu.memory_space<hbm>>
      %dma_wait3A_205 = tpu.memref_squeeze %dma_wait3A_204 : memref<1x1x1x40x128xi32, #tpu.memory_space<hbm>> -> memref<40x128xi32, #tpu.memory_space<hbm>>
      tpu.wait_dma2 semaphore(%run_scoped3A_189 : memref<!tpu.dma_semaphore, #tpu.memory_space<semaphore_mem>>) src(%dma_wait3A_205 : memref<40x128xi32, #tpu.memory_space<hbm>>) dst(%arg8 : memref<40x128xi32, #tpu.memory_space<vmem>>)
      tpu.yield
    }) : () -> ()
    %mul3A_66 = arith.constant 5120 : i32
    %mul3A_67 = arith.muli %add3A_63, %mul3A_66 : i32
    "tpu.region"() ({
      %run_scoped3A_189 = tpu.sem_alloc : memref<!tpu.dma_semaphore, #tpu.memory_space<semaphore_mem>>
      %dma_start3A_190 = tpu.memref_slice %arg5[%mul3A_67] : memref<491520xf32, #tpu.memory_space<hbm>> -> memref<5120xf32, #tpu.memory_space<hbm>>
      %dma_start3A_191 = tpu.memref_slice %arg5[%mul3A_67] : memref<491520xf32, #tpu.memory_space<hbm>> -> memref<5120xf32, #tpu.memory_space<hbm>>
      tpu.enqueue_dma source(%dma_start3A_191 : memref<5120xf32, #tpu.memory_space<hbm>>) target(%arg9 : memref<5120xf32, #tpu.memory_space<vmem>>) target_semaphore(%run_scoped3A_189 : memref<!tpu.dma_semaphore, #tpu.memory_space<semaphore_mem>>)
      %dma_wait3A_192 = tpu.memref_slice %arg5[%mul3A_67] : memref<491520xf32, #tpu.memory_space<hbm>> -> memref<5120xf32, #tpu.memory_space<hbm>>
      %dma_wait3A_193 = tpu.memref_slice %arg5[%mul3A_67] : memref<491520xf32, #tpu.memory_space<hbm>> -> memref<5120xf32, #tpu.memory_space<hbm>>
      tpu.wait_dma2 semaphore(%run_scoped3A_189 : memref<!tpu.dma_semaphore, #tpu.memory_space<semaphore_mem>>) src(%dma_wait3A_193 : memref<5120xf32, #tpu.memory_space<hbm>>) dst(%arg9 : memref<5120xf32, #tpu.memory_space<vmem>>)
      tpu.yield
    }) : () -> ()
    %scan3A_68 = arith.constant 0 : i32
    %scan3A_69 = arith.constant 0 : i32
    %scan3A_70 = arith.constant 128 : i32
    %scan3A_71 = arith.addi %scan3A_69, %scan3A_70 : i32
    %scan3A_72 = arith.constant 1 : i32
    %scan3A_73 = scf.for %scan3A_189 = %scan3A_69 to %scan3A_71 step %scan3A_72 iter_args(%scan3A_190 = %scan3A_68) -> (i32)  : i32 {
      %swap3A = arith.index_cast %scan3A_189 : i32 to index
      %swap3A_191 = arith.constant 0 : index
      %swap3A_192 = tpu.vector_load %arg10[%swap3A, %swap3A_191] {strides = array<i32>} : memref<128x128xf32, #tpu.memory_space<vmem>>, vector<16xf32>,
      tpu.vector_store %arg10[%swap3A, %swap3A_191], %broadcast_in_dim3A_0 {strides = array<i32>} : memref<128x128xf32, #tpu.memory_space<vmem>>, vector<16xf32>,
      %swap3A_193 = arith.index_cast %scan3A_189 : i32 to index
      %swap3A_194 = arith.constant 16 : index
      %swap3A_195 = tpu.vector_load %arg10[%swap3A_193, %swap3A_194] {strides = array<i32>} : memref<128x128xf32, #tpu.memory_space<vmem>>, vector<16xf32>,
      tpu.vector_store %arg10[%swap3A_193, %swap3A_194], %broadcast_in_dim3A_0 {strides = array<i32>} : memref<128x128xf32, #tpu.memory_space<vmem>>, vector<16xf32>,
      %swap3A_196 = arith.index_cast %scan3A_189 : i32 to index
      %swap3A_197 = arith.constant 32 : index
      %swap3A_198 = tpu.vector_load %arg10[%swap3A_196, %swap3A_197] {strides = array<i32>} : memref<128x128xf32, #tpu.memory_space<vmem>>, vector<16xf32>,
      tpu.vector_store %arg10[%swap3A_196, %swap3A_197], %broadcast_in_dim3A_0 {strides = array<i32>} : memref<128x128xf32, #tpu.memory_space<vmem>>, vector<16xf32>,
      %swap3A_199 = arith.index_cast %scan3A_189 : i32 to index
      %swap3A_200 = arith.constant 48 : index
      %swap3A_201 = tpu.vector_load %arg10[%swap3A_199, %swap3A_200] {strides = array<i32>} : memref<128x128xf32, #tpu.memory_space<vmem>>, vector<16xf32>,
      tpu.vector_store %arg10[%swap3A_199, %swap3A_200], %broadcast_in_dim3A_0 {strides = array<i32>} : memref<128x128xf32, #tpu.memory_space<vmem>>, vector<16xf32>,
      %swap3A_202 = arith.index_cast %scan3A_189 : i32 to index
      %swap3A_203 = arith.constant 64 : index
      %swap3A_204 = tpu.vector_load %arg10[%swap3A_202, %swap3A_203] {strides = array<i32>} : memref<128x128xf32, #tpu.memory_space<vmem>>, vector<16xf32>,
      tpu.vector_store %arg10[%swap3A_202, %swap3A_203], %broadcast_in_dim3A_0 {strides = array<i32>} : memref<128x128xf32, #tpu.memory_space<vmem>>, vector<16xf32>,
      %swap3A_205 = arith.index_cast %scan3A_189 : i32 to index
      %swap3A_206 = arith.constant 80 : index
      %swap3A_207 = tpu.vector_load %arg10[%swap3A_205, %swap3A_206] {strides = array<i32>} : memref<128x128xf32, #tpu.memory_space<vmem>>, vector<16xf32>,
      tpu.vector_store %arg10[%swap3A_205, %swap3A_206], %broadcast_in_dim3A_0 {strides = array<i32>} : memref<128x128xf32, #tpu.memory_space<vmem>>, vector<16xf32>,
      %swap3A_208 = arith.index_cast %scan3A_189 : i32 to index
      %swap3A_209 = arith.constant 96 : index
      %swap3A_210 = tpu.vector_load %arg10[%swap3A_208, %swap3A_209] {strides = array<i32>} : memref<128x128xf32, #tpu.memory_space<vmem>>, vector<16xf32>,
      tpu.vector_store %arg10[%swap3A_208, %swap3A_209], %broadcast_in_dim3A_0 {strides = array<i32>} : memref<128x128xf32, #tpu.memory_space<vmem>>, vector<16xf32>,
      %swap3A_211 = arith.index_cast %scan3A_189 : i32 to index
      %swap3A_212 = arith.constant 112 : index
      %swap3A_213 = tpu.vector_load %arg10[%swap3A_211, %swap3A_212] {strides = array<i32>} : memref<128x128xf32, #tpu.memory_space<vmem>>, vector<16xf32>,
      tpu.vector_store %arg10[%swap3A_211, %swap3A_212], %broadcast_in_dim3A_0 {strides = array<i32>} : memref<128x128xf32, #tpu.memory_space<vmem>>, vector<16xf32>,
      %scan3A_214 = arith.constant 0 : i32
      scf.yield %scan3A_214 : i32
    }
    %scan3A_74 = arith.constant 128 : i32
    %mul3A_75 = arith.constant 640 : i32
    %mul3A_76 = arith.muli %arg1, %mul3A_75 : i32
    %add3A_77 = arith.constant 0 : i32
    %add3A_78 = arith.addi %mul3A_76, %add3A_77 : i32
    "tpu.region"() ({
      %run_scoped3A_189 = tpu.sem_alloc : memref<!tpu.dma_semaphore, #tpu.memory_space<semaphore_mem>>
      %dma_start3A_190 = arith.constant 0 : i32
      %dma_start3A_191 = tpu.memref_slice %arg12[%add3A_78, %dma_start3A_190] : memref<10240x128xf32, #tpu.memory_space<vmem_shared>> -> memref<128x128xf32, #tpu.memory_space<vmem_shared>>
      %dma_start3A_192 = arith.constant 0 : i32
      %dma_start3A_193 = tpu.memref_slice %arg12[%add3A_78, %dma_start3A_192] : memref<10240x128xf32, #tpu.memory_space<vmem_shared>> -> memref<128x128xf32, #tpu.memory_space<vmem_shared>>
      tpu.enqueue_dma source(%arg10 : memref<128x128xf32, #tpu.memory_space<vmem>>) target(%dma_start3A_193 : memref<128x128xf32, #tpu.memory_space<vmem_shared>>) target_semaphore(%run_scoped3A_189 : memref<!tpu.dma_semaphore, #tpu.memory_space<semaphore_mem>>)
      %dma_wait3A_194 = arith.constant 0 : i32
      %dma_wait3A_195 = tpu.memref_slice %arg12[%add3A_78, %dma_wait3A_194] : memref<10240x128xf32, #tpu.memory_space<vmem_shared>> -> memref<128x128xf32, #tpu.memory_space<vmem_shared>>
      %dma_wait3A_196 = arith.constant 0 : i32
      %dma_wait3A_197 = tpu.memref_slice %arg12[%add3A_78, %dma_wait3A_196] : memref<10240x128xf32, #tpu.memory_space<vmem_shared>> -> memref<128x128xf32, #tpu.memory_space<vmem_shared>>
      tpu.wait_dma2 semaphore(%run_scoped3A_189 : memref<!tpu.dma_semaphore, #tpu.memory_space<semaphore_mem>>) src(%arg10 : memref<128x128xf32, #tpu.memory_space<vmem>>) dst(%dma_wait3A_197 : memref<128x128xf32, #tpu.memory_space<vmem_shared>>)
      tpu.yield
    }) : () -> ()
    %mul3A_79 = arith.constant 640 : i32
    %mul3A_80 = arith.muli %arg1, %mul3A_79 : i32
    %add3A_81 = arith.constant 128 : i32
    %add3A_82 = arith.addi %mul3A_80, %add3A_81 : i32
    "tpu.region"() ({
      %run_scoped3A_189 = tpu.sem_alloc : memref<!tpu.dma_semaphore, #tpu.memory_space<semaphore_mem>>
      %dma_start3A_190 = arith.constant 0 : i32
      %dma_start3A_191 = tpu.memref_slice %arg12[%add3A_82, %dma_start3A_190] : memref<10240x128xf32, #tpu.memory_space<vmem_shared>> -> memref<128x128xf32, #tpu.memory_space<vmem_shared>>
      %dma_start3A_192 = arith.constant 0 : i32
      %dma_start3A_193 = tpu.memref_slice %arg12[%add3A_82, %dma_start3A_192] : memref<10240x128xf32, #tpu.memory_space<vmem_shared>> -> memref<128x128xf32, #tpu.memory_space<vmem_shared>>
      tpu.enqueue_dma source(%arg10 : memref<128x128xf32, #tpu.memory_space<vmem>>) target(%dma_start3A_193 : memref<128x128xf32, #tpu.memory_space<vmem_shared>>) target_semaphore(%run_scoped3A_189 : memref<!tpu.dma_semaphore, #tpu.memory_space<semaphore_mem>>)
      %dma_wait3A_194 = arith.constant 0 : i32
      %dma_wait3A_195 = tpu.memref_slice %arg12[%add3A_82, %dma_wait3A_194] : memref<10240x128xf32, #tpu.memory_space<vmem_shared>> -> memref<128x128xf32, #tpu.memory_space<vmem_shared>>
      %dma_wait3A_196 = arith.constant 0 : i32
      %dma_wait3A_197 = tpu.memref_slice %arg12[%add3A_82, %dma_wait3A_196] : memref<10240x128xf32, #tpu.memory_space<vmem_shared>> -> memref<128x128xf32, #tpu.memory_space<vmem_shared>>
      tpu.wait_dma2 semaphore(%run_scoped3A_189 : memref<!tpu.dma_semaphore, #tpu.memory_space<semaphore_mem>>) src(%arg10 : memref<128x128xf32, #tpu.memory_space<vmem>>) dst(%dma_wait3A_197 : memref<128x128xf32, #tpu.memory_space<vmem_shared>>)
      tpu.yield
    }) : () -> ()
    %mul3A_83 = arith.constant 640 : i32
    %mul3A_84 = arith.muli %arg1, %mul3A_83 : i32
    %add3A_85 = arith.constant 256 : i32
    %add3A_86 = arith.addi %mul3A_84, %add3A_85 : i32
    "tpu.region"() ({
      %run_scoped3A_189 = tpu.sem_alloc : memref<!tpu.dma_semaphore, #tpu.memory_space<semaphore_mem>>
      %dma_start3A_190 = arith.constant 0 : i32
      %dma_start3A_191 = tpu.memref_slice %arg12[%add3A_86, %dma_start3A_190] : memref<10240x128xf32, #tpu.memory_space<vmem_shared>> -> memref<128x128xf32, #tpu.memory_space<vmem_shared>>
      %dma_start3A_192 = arith.constant 0 : i32
      %dma_start3A_193 = tpu.memref_slice %arg12[%add3A_86, %dma_start3A_192] : memref<10240x128xf32, #tpu.memory_space<vmem_shared>> -> memref<128x128xf32, #tpu.memory_space<vmem_shared>>
      tpu.enqueue_dma source(%arg10 : memref<128x128xf32, #tpu.memory_space<vmem>>) target(%dma_start3A_193 : memref<128x128xf32, #tpu.memory_space<vmem_shared>>) target_semaphore(%run_scoped3A_189 : memref<!tpu.dma_semaphore, #tpu.memory_space<semaphore_mem>>)
      %dma_wait3A_194 = arith.constant 0 : i32
      %dma_wait3A_195 = tpu.memref_slice %arg12[%add3A_86, %dma_wait3A_194] : memref<10240x128xf32, #tpu.memory_space<vmem_shared>> -> memref<128x128xf32, #tpu.memory_space<vmem_shared>>
      %dma_wait3A_196 = arith.constant 0 : i32
      %dma_wait3A_197 = tpu.memref_slice %arg12[%add3A_86, %dma_wait3A_196] : memref<10240x128xf32, #tpu.memory_space<vmem_shared>> -> memref<128x128xf32, #tpu.memory_space<vmem_shared>>
      tpu.wait_dma2 semaphore(%run_scoped3A_189 : memref<!tpu.dma_semaphore, #tpu.memory_space<semaphore_mem>>) src(%arg10 : memref<128x128xf32, #tpu.memory_space<vmem>>) dst(%dma_wait3A_197 : memref<128x128xf32, #tpu.memory_space<vmem_shared>>)
      tpu.yield
    }) : () -> ()
    %mul3A_87 = arith.constant 640 : i32
    %mul3A_88 = arith.muli %arg1, %mul3A_87 : i32
    %add3A_89 = arith.constant 384 : i32
    %add3A_90 = arith.addi %mul3A_88, %add3A_89 : i32
    "tpu.region"() ({
      %run_scoped3A_189 = tpu.sem_alloc : memref<!tpu.dma_semaphore, #tpu.memory_space<semaphore_mem>>
      %dma_start3A_190 = arith.constant 0 : i32
      %dma_start3A_191 = tpu.memref_slice %arg12[%add3A_90, %dma_start3A_190] : memref<10240x128xf32, #tpu.memory_space<vmem_shared>> -> memref<128x128xf32, #tpu.memory_space<vmem_shared>>
      %dma_start3A_192 = arith.constant 0 : i32
      %dma_start3A_193 = tpu.memref_slice %arg12[%add3A_90, %dma_start3A_192] : memref<10240x128xf32, #tpu.memory_space<vmem_shared>> -> memref<128x128xf32, #tpu.memory_space<vmem_shared>>
      tpu.enqueue_dma source(%arg10 : memref<128x128xf32, #tpu.memory_space<vmem>>) target(%dma_start3A_193 : memref<128x128xf32, #tpu.memory_space<vmem_shared>>) target_semaphore(%run_scoped3A_189 : memref<!tpu.dma_semaphore, #tpu.memory_space<semaphore_mem>>)
      %dma_wait3A_194 = arith.constant 0 : i32
      %dma_wait3A_195 = tpu.memref_slice %arg12[%add3A_90, %dma_wait3A_194] : memref<10240x128xf32, #tpu.memory_space<vmem_shared>> -> memref<128x128xf32, #tpu.memory_space<vmem_shared>>
      %dma_wait3A_196 = arith.constant 0 : i32
      %dma_wait3A_197 = tpu.memref_slice %arg12[%add3A_90, %dma_wait3A_196] : memref<10240x128xf32, #tpu.memory_space<vmem_shared>> -> memref<128x128xf32, #tpu.memory_space<vmem_shared>>
      tpu.wait_dma2 semaphore(%run_scoped3A_189 : memref<!tpu.dma_semaphore, #tpu.memory_space<semaphore_mem>>) src(%arg10 : memref<128x128xf32, #tpu.memory_space<vmem>>) dst(%dma_wait3A_197 : memref<128x128xf32, #tpu.memory_space<vmem_shared>>)
      tpu.yield
    }) : () -> ()
    %mul3A_91 = arith.constant 640 : i32
    %mul3A_92 = arith.muli %arg1, %mul3A_91 : i32
    %add3A_93 = arith.constant 512 : i32
    %add3A_94 = arith.addi %mul3A_92, %add3A_93 : i32
    "tpu.region"() ({
      %run_scoped3A_189 = tpu.sem_alloc : memref<!tpu.dma_semaphore, #tpu.memory_space<semaphore_mem>>
      %dma_start3A_190 = arith.constant 0 : i32
      %dma_start3A_191 = tpu.memref_slice %arg12[%add3A_94, %dma_start3A_190] : memref<10240x128xf32, #tpu.memory_space<vmem_shared>> -> memref<128x128xf32, #tpu.memory_space<vmem_shared>>
      %dma_start3A_192 = arith.constant 0 : i32
      %dma_start3A_193 = tpu.memref_slice %arg12[%add3A_94, %dma_start3A_192] : memref<10240x128xf32, #tpu.memory_space<vmem_shared>> -> memref<128x128xf32, #tpu.memory_space<vmem_shared>>
      tpu.enqueue_dma source(%arg10 : memref<128x128xf32, #tpu.memory_space<vmem>>) target(%dma_start3A_193 : memref<128x128xf32, #tpu.memory_space<vmem_shared>>) target_semaphore(%run_scoped3A_189 : memref<!tpu.dma_semaphore, #tpu.memory_space<semaphore_mem>>)
      %dma_wait3A_194 = arith.constant 0 : i32
      %dma_wait3A_195 = tpu.memref_slice %arg12[%add3A_94, %dma_wait3A_194] : memref<10240x128xf32, #tpu.memory_space<vmem_shared>> -> memref<128x128xf32, #tpu.memory_space<vmem_shared>>
      %dma_wait3A_196 = arith.constant 0 : i32
      %dma_wait3A_197 = tpu.memref_slice %arg12[%add3A_94, %dma_wait3A_196] : memref<10240x128xf32, #tpu.memory_space<vmem_shared>> -> memref<128x128xf32, #tpu.memory_space<vmem_shared>>
      tpu.wait_dma2 semaphore(%run_scoped3A_189 : memref<!tpu.dma_semaphore, #tpu.memory_space<semaphore_mem>>) src(%arg10 : memref<128x128xf32, #tpu.memory_space<vmem>>) dst(%dma_wait3A_197 : memref<128x128xf32, #tpu.memory_space<vmem_shared>>)
      tpu.yield
    }) : () -> ()
    %barrier3A_95 = arith.constant 0 : index
    tpu.barrier barrier_id(%barrier3A_95)
    %dma_start3A_96 = arith.constant 0 : i32
    %dma_start3A_97 = arith.constant 0 : i32
    %dma_start3A_98 = tpu.memref_slice %arg7[%dma_start3A_96, %dma_start3A_97] : memref<40x128xi32, #tpu.memory_space<vmem>> -> memref<1x128xi32, #tpu.memory_space<vmem>>
    %dma_start3A_99 = tpu.memref_squeeze %dma_start3A_98 : memref<1x128xi32, #tpu.memory_space<vmem>> -> memref<128xi32, #tpu.memory_space<vmem>>
    %dma_start3A_100 = arith.constant 0 : i32
    %dma_start3A_101 = arith.constant 0 : i32
    %dma_start3A_102 = tpu.memref_slice %arg2[%dma_start3A_100, %dma_start3A_101] : memref<10240x128xf32, #tpu.memory_space<hbm>> -> memref<10240x128xf32, #tpu.memory_space<hbm>>
    tpu.enqueue_indirect_dma source(%dma_start3A_102 : memref<10240x128xf32, #tpu.memory_space<hbm>>) target(%arg10 : memref<128x128xf32, #tpu.memory_space<vmem>>) offsets(%dma_start3A_99 : memref<128xi32, #tpu.memory_space<vmem>>) semaphore(%arg13 : memref<!tpu.dma_semaphore, #tpu.memory_space<semaphore_mem>>)
    %scan3A_103 = arith.constant 0 : i32
    %scan3A_104 = arith.constant 0 : i32
    %scan3A_105 = arith.constant 20 : i32
    %scan3A_106 = arith.addi %scan3A_104, %scan3A_105 : i32
    %scan3A_107 = arith.constant 1 : i32
    %scan3A_108 = scf.for %scan3A_189 = %scan3A_104 to %scan3A_106 step %scan3A_107 iter_args(%scan3A_190 = %scan3A_103) -> (i32)  : i32 {
      %mul3A_191 = arith.constant 2 : i32
      %mul3A_192 = arith.muli %mul3A_191, %scan3A_189 : i32
      %add3A_193 = arith.constant 1 : i32
      %add3A_194 = arith.addi %mul3A_192, %add3A_193 : i32
      %gt3A = arith.constant 0 : i32
      %gt3A_195 = arith.cmpi sgt, %scan3A_189, %gt3A : i32
      %convert_element_type3A = arith.extui %gt3A_195 : i1 to i32
      %cond3A = arith.constant 0 : i32
      %cond3A_196 = arith.cmpi ne, %convert_element_type3A, %cond3A : i32
      scf.if %cond3A_196 {
        %dma_wait3A_244 = arith.constant 0 : i32
        %dma_wait3A_245 = arith.constant 0 : i32
        %dma_wait3A_246 = tpu.memref_slice %arg7[%dma_wait3A_244, %dma_wait3A_245] : memref<40x128xi32, #tpu.memory_space<vmem>> -> memref<1x128xi32, #tpu.memory_space<vmem>>
        %dma_wait3A_247 = tpu.memref_squeeze %dma_wait3A_246 : memref<1x128xi32, #tpu.memory_space<vmem>> -> memref<128xi32, #tpu.memory_space<vmem>>
        %dma_wait3A_248 = arith.constant 0 : i32
        %dma_wait3A_249 = arith.constant 0 : i32
        %dma_wait3A_250 = tpu.memref_slice %arg2[%dma_wait3A_248, %dma_wait3A_249] : memref<10240x128xf32, #tpu.memory_space<hbm>> -> memref<10240x128xf32, #tpu.memory_space<hbm>>
        tpu.wait_indirect_dma semaphore(%arg16 : memref<!tpu.dma_semaphore, #tpu.memory_space<semaphore_mem>>) src(%dma_wait3A_250 : memref<10240x128xf32, #tpu.memory_space<hbm>>) dst(%arg11 : memref<128x128xf32, #tpu.memory_space<vmem>>)
      } else {
      }
      %dma_start3A_197 = arith.constant 0 : i32
      %dma_start3A_198 = tpu.memref_slice %arg7[%add3A_194, %dma_start3A_197] : memref<40x128xi32, #tpu.memory_space<vmem>> -> memref<1x128xi32, #tpu.memory_space<vmem>>
      %dma_start3A_199 = tpu.memref_squeeze %dma_start3A_198 : memref<1x128xi32, #tpu.memory_space<vmem>> -> memref<128xi32, #tpu.memory_space<vmem>>
      %dma_start3A_200 = arith.constant 0 : i32
      %dma_start3A_201 = arith.constant 0 : i32
      %dma_start3A_202 = tpu.memref_slice %arg2[%dma_start3A_200, %dma_start3A_201] : memref<10240x128xf32, #tpu.memory_space<hbm>> -> memref<10240x128xf32, #tpu.memory_space<hbm>>
      tpu.enqueue_indirect_dma source(%dma_start3A_202 : memref<10240x128xf32, #tpu.memory_space<hbm>>) target(%arg11 : memref<128x128xf32, #tpu.memory_space<vmem>>) offsets(%dma_start3A_199 : memref<128xi32, #tpu.memory_space<vmem>>) semaphore(%arg14 : memref<!tpu.dma_semaphore, #tpu.memory_space<semaphore_mem>>)
      %dma_wait3A_203 = arith.constant 0 : i32
      %dma_wait3A_204 = tpu.memref_slice %arg7[%mul3A_192, %dma_wait3A_203] : memref<40x128xi32, #tpu.memory_space<vmem>> -> memref<1x128xi32, #tpu.memory_space<vmem>>
      %dma_wait3A_205 = tpu.memref_squeeze %dma_wait3A_204 : memref<1x128xi32, #tpu.memory_space<vmem>> -> memref<128xi32, #tpu.memory_space<vmem>>
      %dma_wait3A_206 = arith.constant 0 : i32
      %dma_wait3A_207 = arith.constant 0 : i32
      %dma_wait3A_208 = tpu.memref_slice %arg2[%dma_wait3A_206, %dma_wait3A_207] : memref<10240x128xf32, #tpu.memory_space<hbm>> -> memref<10240x128xf32, #tpu.memory_space<hbm>>
      tpu.wait_indirect_dma semaphore(%arg13 : memref<!tpu.dma_semaphore, #tpu.memory_space<semaphore_mem>>) src(%dma_wait3A_208 : memref<10240x128xf32, #tpu.memory_space<hbm>>) dst(%arg10 : memref<128x128xf32, #tpu.memory_space<vmem>>)
      %parallel_loop3A = arith.constant 0 : i32
      %parallel_loop3A_209 = arith.constant 128 : i32
      %parallel_loop3A_210 = arith.constant 1 : i32
      scf.for %parallel_loop3A_244 = %parallel_loop3A to %parallel_loop3A_209 step %parallel_loop3A_210  : i32 {
        %parallel_loop3A_245 = arith.constant 0 : i32
        %parallel_loop3A_246 = vector.broadcast %parallel_loop3A_245 : i32 to vector<16xi32>
        %parallel_loop3A_247 = arith.constant 128 : i32
        %parallel_loop3A_248 = arith.muli %mul3A_192, %parallel_loop3A_247 : i32
        %parallel_loop3A_249 = arith.addi %parallel_loop3A_248, %parallel_loop3A_244 : i32
        %parallel_loop3A_250 = vector.broadcast %parallel_loop3A_249 : i32 to vector<16xi32>
        %parallel_loop3A_251 = arith.addi %parallel_loop3A_246, %parallel_loop3A_250 : vector<16xi32>
        %parallel_loop3A_252 = tpu.vector_load_idx %arg9[%parallel_loop3A_251] : memref<5120xf32, #tpu.memory_space<vmem>>[vector<16xi32>], vector<16xf32>,
        %parallel_loop3A_253 = arith.index_cast %parallel_loop3A_244 : i32 to index
        %parallel_loop3A_254 = arith.constant 0 : index
        %parallel_loop3A_255 = tpu.vector_load %arg10[%parallel_loop3A_253, %parallel_loop3A_254] {strides = array<i32>} : memref<128x128xf32, #tpu.memory_space<vmem>>, vector<16xf32>,
        %parallel_loop3A_256 = arith.mulf %parallel_loop3A_255, %parallel_loop3A_252 : vector<16xf32>
        %parallel_loop3A_257 = arith.index_cast %parallel_loop3A_244 : i32 to index
        %parallel_loop3A_258 = arith.constant 0 : index
        %parallel_loop3A_259 = tpu.vector_load %arg10[%parallel_loop3A_257, %parallel_loop3A_258] {strides = array<i32>} : memref<128x128xf32, #tpu.memory_space<vmem>>, vector<16xf32>,
        tpu.vector_store %arg10[%parallel_loop3A_257, %parallel_loop3A_258], %parallel_loop3A_256 {strides = array<i32>} : memref<128x128xf32, #tpu.memory_space<vmem>>, vector<16xf32>,
        %parallel_loop3A_260 = arith.index_cast %parallel_loop3A_244 : i32 to index
        %parallel_loop3A_261 = arith.constant 16 : index
        %parallel_loop3A_262 = tpu.vector_load %arg10[%parallel_loop3A_260, %parallel_loop3A_261] {strides = array<i32>} : memref<128x128xf32, #tpu.memory_space<vmem>>, vector<16xf32>,
        %parallel_loop3A_263 = arith.mulf %parallel_loop3A_262, %parallel_loop3A_252 : vector<16xf32>
        %parallel_loop3A_264 = arith.index_cast %parallel_loop3A_244 : i32 to index
        %parallel_loop3A_265 = arith.constant 16 : index
        %parallel_loop3A_266 = tpu.vector_load %arg10[%parallel_loop3A_264, %parallel_loop3A_265] {strides = array<i32>} : memref<128x128xf32, #tpu.memory_space<vmem>>, vector<16xf32>,
        tpu.vector_store %arg10[%parallel_loop3A_264, %parallel_loop3A_265], %parallel_loop3A_263 {strides = array<i32>} : memref<128x128xf32, #tpu.memory_space<vmem>>, vector<16xf32>,
        %parallel_loop3A_267 = arith.index_cast %parallel_loop3A_244 : i32 to index
        %parallel_loop3A_268 = arith.constant 32 : index
        %parallel_loop3A_269 = tpu.vector_load %arg10[%parallel_loop3A_267, %parallel_loop3A_268] {strides = array<i32>} : memref<128x128xf32, #tpu.memory_space<vmem>>, vector<16xf32>,
        %parallel_loop3A_270 = arith.mulf %parallel_loop3A_269, %parallel_loop3A_252 : vector<16xf32>
        %parallel_loop3A_271 = arith.index_cast %parallel_loop3A_244 : i32 to index
        %parallel_loop3A_272 = arith.constant 32 : index
        %parallel_loop3A_273 = tpu.vector_load %arg10[%parallel_loop3A_271, %parallel_loop3A_272] {strides = array<i32>} : memref<128x128xf32, #tpu.memory_space<vmem>>, vector<16xf32>,
        tpu.vector_store %arg10[%parallel_loop3A_271, %parallel_loop3A_272], %parallel_loop3A_270 {strides = array<i32>} : memref<128x128xf32, #tpu.memory_space<vmem>>, vector<16xf32>,
        %parallel_loop3A_274 = arith.index_cast %parallel_loop3A_244 : i32 to index
        %parallel_loop3A_275 = arith.constant 48 : index
        %parallel_loop3A_276 = tpu.vector_load %arg10[%parallel_loop3A_274, %parallel_loop3A_275] {strides = array<i32>} : memref<128x128xf32, #tpu.memory_space<vmem>>, vector<16xf32>,
        %parallel_loop3A_277 = arith.mulf %parallel_loop3A_276, %parallel_loop3A_252 : vector<16xf32>
        %parallel_loop3A_278 = arith.index_cast %parallel_loop3A_244 : i32 to index
        %parallel_loop3A_279 = arith.constant 48 : index
        %parallel_loop3A_280 = tpu.vector_load %arg10[%parallel_loop3A_278, %parallel_loop3A_279] {strides = array<i32>} : memref<128x128xf32, #tpu.memory_space<vmem>>, vector<16xf32>,
        tpu.vector_store %arg10[%parallel_loop3A_278, %parallel_loop3A_279], %parallel_loop3A_277 {strides = array<i32>} : memref<128x128xf32, #tpu.memory_space<vmem>>, vector<16xf32>,
        %parallel_loop3A_281 = arith.index_cast %parallel_loop3A_244 : i32 to index
        %parallel_loop3A_282 = arith.constant 64 : index
        %parallel_loop3A_283 = tpu.vector_load %arg10[%parallel_loop3A_281, %parallel_loop3A_282] {strides = array<i32>} : memref<128x128xf32, #tpu.memory_space<vmem>>, vector<16xf32>,
        %parallel_loop3A_284 = arith.mulf %parallel_loop3A_283, %parallel_loop3A_252 : vector<16xf32>
        %parallel_loop3A_285 = arith.index_cast %parallel_loop3A_244 : i32 to index
        %parallel_loop3A_286 = arith.constant 64 : index
        %parallel_loop3A_287 = tpu.vector_load %arg10[%parallel_loop3A_285, %parallel_loop3A_286] {strides = array<i32>} : memref<128x128xf32, #tpu.memory_space<vmem>>, vector<16xf32>,
        tpu.vector_store %arg10[%parallel_loop3A_285, %parallel_loop3A_286], %parallel_loop3A_284 {strides = array<i32>} : memref<128x128xf32, #tpu.memory_space<vmem>>, vector<16xf32>,
        %parallel_loop3A_288 = arith.index_cast %parallel_loop3A_244 : i32 to index
        %parallel_loop3A_289 = arith.constant 80 : index
        %parallel_loop3A_290 = tpu.vector_load %arg10[%parallel_loop3A_288, %parallel_loop3A_289] {strides = array<i32>} : memref<128x128xf32, #tpu.memory_space<vmem>>, vector<16xf32>,
        %parallel_loop3A_291 = arith.mulf %parallel_loop3A_290, %parallel_loop3A_252 : vector<16xf32>
        %parallel_loop3A_292 = arith.index_cast %parallel_loop3A_244 : i32 to index
        %parallel_loop3A_293 = arith.constant 80 : index
        %parallel_loop3A_294 = tpu.vector_load %arg10[%parallel_loop3A_292, %parallel_loop3A_293] {strides = array<i32>} : memref<128x128xf32, #tpu.memory_space<vmem>>, vector<16xf32>,
        tpu.vector_store %arg10[%parallel_loop3A_292, %parallel_loop3A_293], %parallel_loop3A_291 {strides = array<i32>} : memref<128x128xf32, #tpu.memory_space<vmem>>, vector<16xf32>,
        %parallel_loop3A_295 = arith.index_cast %parallel_loop3A_244 : i32 to index
        %parallel_loop3A_296 = arith.constant 96 : index
        %parallel_loop3A_297 = tpu.vector_load %arg10[%parallel_loop3A_295, %parallel_loop3A_296] {strides = array<i32>} : memref<128x128xf32, #tpu.memory_space<vmem>>, vector<16xf32>,
        %parallel_loop3A_298 = arith.mulf %parallel_loop3A_297, %parallel_loop3A_252 : vector<16xf32>
        %parallel_loop3A_299 = arith.index_cast %parallel_loop3A_244 : i32 to index
        %parallel_loop3A_300 = arith.constant 96 : index
        %parallel_loop3A_301 = tpu.vector_load %arg10[%parallel_loop3A_299, %parallel_loop3A_300] {strides = array<i32>} : memref<128x128xf32, #tpu.memory_space<vmem>>, vector<16xf32>,
        tpu.vector_store %arg10[%parallel_loop3A_299, %parallel_loop3A_300], %parallel_loop3A_298 {strides = array<i32>} : memref<128x128xf32, #tpu.memory_space<vmem>>, vector<16xf32>,
        %parallel_loop3A_302 = arith.index_cast %parallel_loop3A_244 : i32 to index
        %parallel_loop3A_303 = arith.constant 112 : index
        %parallel_loop3A_304 = tpu.vector_load %arg10[%parallel_loop3A_302, %parallel_loop3A_303] {strides = array<i32>} : memref<128x128xf32, #tpu.memory_space<vmem>>, vector<16xf32>,
        %parallel_loop3A_305 = arith.mulf %parallel_loop3A_304, %parallel_loop3A_252 : vector<16xf32>
        %parallel_loop3A_306 = arith.index_cast %parallel_loop3A_244 : i32 to index
        %parallel_loop3A_307 = arith.constant 112 : index
        %parallel_loop3A_308 = tpu.vector_load %arg10[%parallel_loop3A_306, %parallel_loop3A_307] {strides = array<i32>} : memref<128x128xf32, #tpu.memory_space<vmem>>, vector<16xf32>,
        tpu.vector_store %arg10[%parallel_loop3A_306, %parallel_loop3A_307], %parallel_loop3A_305 {strides = array<i32>} : memref<128x128xf32, #tpu.memory_space<vmem>>, vector<16xf32>,
      } {sc.loop_unroll_factor = 2 : i64, sc.parallel_access}
      %dma_start3A_211 = arith.constant 0 : i32
      %dma_start3A_212 = tpu.memref_slice %arg8[%mul3A_192, %dma_start3A_211] : memref<40x128xi32, #tpu.memory_space<vmem>> -> memref<1x128xi32, #tpu.memory_space<vmem>>
      %dma_start3A_213 = tpu.memref_squeeze %dma_start3A_212 : memref<1x128xi32, #tpu.memory_space<vmem>> -> memref<128xi32, #tpu.memory_space<vmem>>
      %dma_start3A_214 = arith.constant 0 : i32
      %dma_start3A_215 = arith.constant 0 : i32
      %dma_start3A_216 = tpu.memref_slice %arg12[%dma_start3A_214, %dma_start3A_215] : memref<10240x128xf32, #tpu.memory_space<vmem_shared>> -> memref<10240x128xf32, #tpu.memory_space<vmem_shared>>
      tpu.enqueue_indirect_dma source(%arg10 : memref<128x128xf32, #tpu.memory_space<vmem>>) target(%dma_start3A_216 : memref<10240x128xf32, #tpu.memory_space<vmem_shared>>) offsets(%dma_start3A_213 : memref<128xi32, #tpu.memory_space<vmem>>) semaphore(%arg15 : memref<!tpu.dma_semaphore, #tpu.memory_space<semaphore_mem>>) {add = true}
      %dma_wait3A_217 = arith.constant 0 : i32
      %dma_wait3A_218 = tpu.memref_slice %arg7[%add3A_194, %dma_wait3A_217] : memref<40x128xi32, #tpu.memory_space<vmem>> -> memref<1x128xi32, #tpu.memory_space<vmem>>
      %dma_wait3A_219 = tpu.memref_squeeze %dma_wait3A_218 : memref<1x128xi32, #tpu.memory_space<vmem>> -> memref<128xi32, #tpu.memory_space<vmem>>
      %dma_wait3A_220 = arith.constant 0 : i32
      %dma_wait3A_221 = arith.constant 0 : i32
      %dma_wait3A_222 = tpu.memref_slice %arg2[%dma_wait3A_220, %dma_wait3A_221] : memref<10240x128xf32, #tpu.memory_space<hbm>> -> memref<10240x128xf32, #tpu.memory_space<hbm>>
      tpu.wait_indirect_dma semaphore(%arg14 : memref<!tpu.dma_semaphore, #tpu.memory_space<semaphore_mem>>) src(%dma_wait3A_222 : memref<10240x128xf32, #tpu.memory_space<hbm>>) dst(%arg11 : memref<128x128xf32, #tpu.memory_space<vmem>>)
      %parallel_loop3A_223 = arith.constant 0 : i32
      %parallel_loop3A_224 = arith.constant 128 : i32
      %parallel_loop3A_225 = arith.constant 1 : i32
      scf.for %parallel_loop3A_244 = %parallel_loop3A_223 to %parallel_loop3A_224 step %parallel_loop3A_225  : i32 {
        %parallel_loop3A_245 = arith.constant 0 : i32
        %parallel_loop3A_246 = vector.broadcast %parallel_loop3A_245 : i32 to vector<16xi32>
        %parallel_loop3A_247 = arith.constant 128 : i32
        %parallel_loop3A_248 = arith.muli %add3A_194, %parallel_loop3A_247 : i32
        %parallel_loop3A_249 = arith.addi %parallel_loop3A_248, %parallel_loop3A_244 : i32
        %parallel_loop3A_250 = vector.broadcast %parallel_loop3A_249 : i32 to vector<16xi32>
        %parallel_loop3A_251 = arith.addi %parallel_loop3A_246, %parallel_loop3A_250 : vector<16xi32>
        %parallel_loop3A_252 = tpu.vector_load_idx %arg9[%parallel_loop3A_251] : memref<5120xf32, #tpu.memory_space<vmem>>[vector<16xi32>], vector<16xf32>,
        %parallel_loop3A_253 = arith.index_cast %parallel_loop3A_244 : i32 to index
        %parallel_loop3A_254 = arith.constant 0 : index
        %parallel_loop3A_255 = tpu.vector_load %arg11[%parallel_loop3A_253, %parallel_loop3A_254] {strides = array<i32>} : memref<128x128xf32, #tpu.memory_space<vmem>>, vector<16xf32>,
        %parallel_loop3A_256 = arith.mulf %parallel_loop3A_255, %parallel_loop3A_252 : vector<16xf32>
        %parallel_loop3A_257 = arith.index_cast %parallel_loop3A_244 : i32 to index
        %parallel_loop3A_258 = arith.constant 0 : index
        %parallel_loop3A_259 = tpu.vector_load %arg11[%parallel_loop3A_257, %parallel_loop3A_258] {strides = array<i32>} : memref<128x128xf32, #tpu.memory_space<vmem>>, vector<16xf32>,
        tpu.vector_store %arg11[%parallel_loop3A_257, %parallel_loop3A_258], %parallel_loop3A_256 {strides = array<i32>} : memref<128x128xf32, #tpu.memory_space<vmem>>, vector<16xf32>,
        %parallel_loop3A_260 = arith.index_cast %parallel_loop3A_244 : i32 to index
        %parallel_loop3A_261 = arith.constant 16 : index
        %parallel_loop3A_262 = tpu.vector_load %arg11[%parallel_loop3A_260, %parallel_loop3A_261] {strides = array<i32>} : memref<128x128xf32, #tpu.memory_space<vmem>>, vector<16xf32>,
        %parallel_loop3A_263 = arith.mulf %parallel_loop3A_262, %parallel_loop3A_252 : vector<16xf32>
        %parallel_loop3A_264 = arith.index_cast %parallel_loop3A_244 : i32 to index
        %parallel_loop3A_265 = arith.constant 16 : index
        %parallel_loop3A_266 = tpu.vector_load %arg11[%parallel_loop3A_264, %parallel_loop3A_265] {strides = array<i32>} : memref<128x128xf32, #tpu.memory_space<vmem>>, vector<16xf32>,
        tpu.vector_store %arg11[%parallel_loop3A_264, %parallel_loop3A_265], %parallel_loop3A_263 {strides = array<i32>} : memref<128x128xf32, #tpu.memory_space<vmem>>, vector<16xf32>,
        %parallel_loop3A_267 = arith.index_cast %parallel_loop3A_244 : i32 to index
        %parallel_loop3A_268 = arith.constant 32 : index
        %parallel_loop3A_269 = tpu.vector_load %arg11[%parallel_loop3A_267, %parallel_loop3A_268] {strides = array<i32>} : memref<128x128xf32, #tpu.memory_space<vmem>>, vector<16xf32>,
        %parallel_loop3A_270 = arith.mulf %parallel_loop3A_269, %parallel_loop3A_252 : vector<16xf32>
        %parallel_loop3A_271 = arith.index_cast %parallel_loop3A_244 : i32 to index
        %parallel_loop3A_272 = arith.constant 32 : index
        %parallel_loop3A_273 = tpu.vector_load %arg11[%parallel_loop3A_271, %parallel_loop3A_272] {strides = array<i32>} : memref<128x128xf32, #tpu.memory_space<vmem>>, vector<16xf32>,
        tpu.vector_store %arg11[%parallel_loop3A_271, %parallel_loop3A_272], %parallel_loop3A_270 {strides = array<i32>} : memref<128x128xf32, #tpu.memory_space<vmem>>, vector<16xf32>,
        %parallel_loop3A_274 = arith.index_cast %parallel_loop3A_244 : i32 to index
        %parallel_loop3A_275 = arith.constant 48 : index
        %parallel_loop3A_276 = tpu.vector_load %arg11[%parallel_loop3A_274, %parallel_loop3A_275] {strides = array<i32>} : memref<128x128xf32, #tpu.memory_space<vmem>>, vector<16xf32>,
        %parallel_loop3A_277 = arith.mulf %parallel_loop3A_276, %parallel_loop3A_252 : vector<16xf32>
        %parallel_loop3A_278 = arith.index_cast %parallel_loop3A_244 : i32 to index
        %parallel_loop3A_279 = arith.constant 48 : index
        %parallel_loop3A_280 = tpu.vector_load %arg11[%parallel_loop3A_278, %parallel_loop3A_279] {strides = array<i32>} : memref<128x128xf32, #tpu.memory_space<vmem>>, vector<16xf32>,
        tpu.vector_store %arg11[%parallel_loop3A_278, %parallel_loop3A_279], %parallel_loop3A_277 {strides = array<i32>} : memref<128x128xf32, #tpu.memory_space<vmem>>, vector<16xf32>,
        %parallel_loop3A_281 = arith.index_cast %parallel_loop3A_244 : i32 to index
        %parallel_loop3A_282 = arith.constant 64 : index
        %parallel_loop3A_283 = tpu.vector_load %arg11[%parallel_loop3A_281, %parallel_loop3A_282] {strides = array<i32>} : memref<128x128xf32, #tpu.memory_space<vmem>>, vector<16xf32>,
        %parallel_loop3A_284 = arith.mulf %parallel_loop3A_283, %parallel_loop3A_252 : vector<16xf32>
        %parallel_loop3A_285 = arith.index_cast %parallel_loop3A_244 : i32 to index
        %parallel_loop3A_286 = arith.constant 64 : index
        %parallel_loop3A_287 = tpu.vector_load %arg11[%parallel_loop3A_285, %parallel_loop3A_286] {strides = array<i32>} : memref<128x128xf32, #tpu.memory_space<vmem>>, vector<16xf32>,
        tpu.vector_store %arg11[%parallel_loop3A_285, %parallel_loop3A_286], %parallel_loop3A_284 {strides = array<i32>} : memref<128x128xf32, #tpu.memory_space<vmem>>, vector<16xf32>,
        %parallel_loop3A_288 = arith.index_cast %parallel_loop3A_244 : i32 to index
        %parallel_loop3A_289 = arith.constant 80 : index
        %parallel_loop3A_290 = tpu.vector_load %arg11[%parallel_loop3A_288, %parallel_loop3A_289] {strides = array<i32>} : memref<128x128xf32, #tpu.memory_space<vmem>>, vector<16xf32>,
        %parallel_loop3A_291 = arith.mulf %parallel_loop3A_290, %parallel_loop3A_252 : vector<16xf32>
        %parallel_loop3A_292 = arith.index_cast %parallel_loop3A_244 : i32 to index
        %parallel_loop3A_293 = arith.constant 80 : index
        %parallel_loop3A_294 = tpu.vector_load %arg11[%parallel_loop3A_292, %parallel_loop3A_293] {strides = array<i32>} : memref<128x128xf32, #tpu.memory_space<vmem>>, vector<16xf32>,
        tpu.vector_store %arg11[%parallel_loop3A_292, %parallel_loop3A_293], %parallel_loop3A_291 {strides = array<i32>} : memref<128x128xf32, #tpu.memory_space<vmem>>, vector<16xf32>,
        %parallel_loop3A_295 = arith.index_cast %parallel_loop3A_244 : i32 to index
        %parallel_loop3A_296 = arith.constant 96 : index
        %parallel_loop3A_297 = tpu.vector_load %arg11[%parallel_loop3A_295, %parallel_loop3A_296] {strides = array<i32>} : memref<128x128xf32, #tpu.memory_space<vmem>>, vector<16xf32>,
        %parallel_loop3A_298 = arith.mulf %parallel_loop3A_297, %parallel_loop3A_252 : vector<16xf32>
        %parallel_loop3A_299 = arith.index_cast %parallel_loop3A_244 : i32 to index
        %parallel_loop3A_300 = arith.constant 96 : index
        %parallel_loop3A_301 = tpu.vector_load %arg11[%parallel_loop3A_299, %parallel_loop3A_300] {strides = array<i32>} : memref<128x128xf32, #tpu.memory_space<vmem>>, vector<16xf32>,
        tpu.vector_store %arg11[%parallel_loop3A_299, %parallel_loop3A_300], %parallel_loop3A_298 {strides = array<i32>} : memref<128x128xf32, #tpu.memory_space<vmem>>, vector<16xf32>,
        %parallel_loop3A_302 = arith.index_cast %parallel_loop3A_244 : i32 to index
        %parallel_loop3A_303 = arith.constant 112 : index
        %parallel_loop3A_304 = tpu.vector_load %arg11[%parallel_loop3A_302, %parallel_loop3A_303] {strides = array<i32>} : memref<128x128xf32, #tpu.memory_space<vmem>>, vector<16xf32>,
        %parallel_loop3A_305 = arith.mulf %parallel_loop3A_304, %parallel_loop3A_252 : vector<16xf32>
        %parallel_loop3A_306 = arith.index_cast %parallel_loop3A_244 : i32 to index
        %parallel_loop3A_307 = arith.constant 112 : index
        %parallel_loop3A_308 = tpu.vector_load %arg11[%parallel_loop3A_306, %parallel_loop3A_307] {strides = array<i32>} : memref<128x128xf32, #tpu.memory_space<vmem>>, vector<16xf32>,
        tpu.vector_store %arg11[%parallel_loop3A_306, %parallel_loop3A_307], %parallel_loop3A_305 {strides = array<i32>} : memref<128x128xf32, #tpu.memory_space<vmem>>, vector<16xf32>,
      } {sc.loop_unroll_factor = 2 : i64, sc.parallel_access}
      %dma_start3A_226 = arith.constant 0 : i32
      %dma_start3A_227 = tpu.memref_slice %arg8[%add3A_194, %dma_start3A_226] : memref<40x128xi32, #tpu.memory_space<vmem>> -> memref<1x128xi32, #tpu.memory_space<vmem>>
      %dma_start3A_228 = tpu.memref_squeeze %dma_start3A_227 : memref<1x128xi32, #tpu.memory_space<vmem>> -> memref<128xi32, #tpu.memory_space<vmem>>
      %dma_start3A_229 = arith.constant 0 : i32
      %dma_start3A_230 = arith.constant 0 : i32
      %dma_start3A_231 = tpu.memref_slice %arg12[%dma_start3A_229, %dma_start3A_230] : memref<10240x128xf32, #tpu.memory_space<vmem_shared>> -> memref<10240x128xf32, #tpu.memory_space<vmem_shared>>
      tpu.enqueue_indirect_dma source(%arg11 : memref<128x128xf32, #tpu.memory_space<vmem>>) target(%dma_start3A_231 : memref<10240x128xf32, #tpu.memory_space<vmem_shared>>) offsets(%dma_start3A_228 : memref<128xi32, #tpu.memory_space<vmem>>) semaphore(%arg16 : memref<!tpu.dma_semaphore, #tpu.memory_space<semaphore_mem>>) {add = true}
      %dma_wait3A_232 = arith.constant 0 : i32
      %dma_wait3A_233 = arith.constant 0 : i32
      %dma_wait3A_234 = tpu.memref_slice %arg7[%dma_wait3A_232, %dma_wait3A_233] : memref<40x128xi32, #tpu.memory_space<vmem>> -> memref<1x128xi32, #tpu.memory_space<vmem>>
      %dma_wait3A_235 = tpu.memref_squeeze %dma_wait3A_234 : memref<1x128xi32, #tpu.memory_space<vmem>> -> memref<128xi32, #tpu.memory_space<vmem>>
      %dma_wait3A_236 = arith.constant 0 : i32
      %dma_wait3A_237 = arith.constant 0 : i32
      %dma_wait3A_238 = tpu.memref_slice %arg2[%dma_wait3A_236, %dma_wait3A_237] : memref<10240x128xf32, #tpu.memory_space<hbm>> -> memref<10240x128xf32, #tpu.memory_space<hbm>>
      tpu.wait_indirect_dma semaphore(%arg15 : memref<!tpu.dma_semaphore, #tpu.memory_space<semaphore_mem>>) src(%dma_wait3A_238 : memref<10240x128xf32, #tpu.memory_space<hbm>>) dst(%arg10 : memref<128x128xf32, #tpu.memory_space<vmem>>)
      %lt3A = arith.constant 19 : i32
      %lt3A_239 = arith.cmpi slt, %scan3A_189, %lt3A : i32
      %convert_element_type3A_240 = arith.extui %lt3A_239 : i1 to i32
      %cond3A_241 = arith.constant 0 : i32
      %cond3A_242 = arith.cmpi ne, %convert_element_type3A_240, %cond3A_241 : i32
      scf.if %cond3A_242 {
        %add3A_244 = arith.constant 2 : i32
        %add3A_245 = arith.addi %mul3A_192, %add3A_244 : i32
        %dma_start3A_246 = arith.constant 0 : i32
        %dma_start3A_247 = tpu.memref_slice %arg7[%add3A_245, %dma_start3A_246] : memref<40x128xi32, #tpu.memory_space<vmem>> -> memref<1x128xi32, #tpu.memory_space<vmem>>
        %dma_start3A_248 = tpu.memref_squeeze %dma_start3A_247 : memref<1x128xi32, #tpu.memory_space<vmem>> -> memref<128xi32, #tpu.memory_space<vmem>>
        %dma_start3A_249 = arith.constant 0 : i32
        %dma_start3A_250 = arith.constant 0 : i32
        %dma_start3A_251 = tpu.memref_slice %arg2[%dma_start3A_249, %dma_start3A_250] : memref<10240x128xf32, #tpu.memory_space<hbm>> -> memref<10240x128xf32, #tpu.memory_space<hbm>>
        tpu.enqueue_indirect_dma source(%dma_start3A_251 : memref<10240x128xf32, #tpu.memory_space<hbm>>) target(%arg10 : memref<128x128xf32, #tpu.memory_space<vmem>>) offsets(%dma_start3A_248 : memref<128xi32, #tpu.memory_space<vmem>>) semaphore(%arg13 : memref<!tpu.dma_semaphore, #tpu.memory_space<semaphore_mem>>)
      } else {
      }
      %scan3A_243 = arith.constant 0 : i32
      scf.yield %scan3A_243 : i32
    }
    %scan3A_109 = arith.constant 20 : i32
    %dma_wait3A_110 = arith.constant 0 : i32
    %dma_wait3A_111 = arith.constant 0 : i32
    %dma_wait3A_112 = tpu.memref_slice %arg7[%dma_wait3A_110, %dma_wait3A_111] : memref<40x128xi32, #tpu.memory_space<vmem>> -> memref<1x128xi32, #tpu.memory_space<vmem>>
    %dma_wait3A_113 = tpu.memref_squeeze %dma_wait3A_112 : memref<1x128xi32, #tpu.memory_space<vmem>> -> memref<128xi32, #tpu.memory_space<vmem>>
    %dma_wait3A_114 = arith.constant 0 : i32
    %dma_wait3A_115 = arith.constant 0 : i32
    %dma_wait3A_116 = tpu.memref_slice %arg2[%dma_wait3A_114, %dma_wait3A_115] : memref<10240x128xf32, #tpu.memory_space<hbm>> -> memref<10240x128xf32, #tpu.memory_space<hbm>>
    tpu.wait_indirect_dma semaphore(%arg16 : memref<!tpu.dma_semaphore, #tpu.memory_space<semaphore_mem>>) src(%dma_wait3A_116 : memref<10240x128xf32, #tpu.memory_space<hbm>>) dst(%arg11 : memref<128x128xf32, #tpu.memory_space<vmem>>)
    %barrier3A_117 = arith.constant 0 : index
    tpu.barrier barrier_id(%barrier3A_117)
    %mul3A_118 = arith.constant 640 : i32
    %mul3A_119 = arith.muli %arg1, %mul3A_118 : i32
    %mul3A_120 = arith.constant 640 : i32
    %mul3A_121 = arith.muli %arg1, %mul3A_120 : i32
    %run_scoped3A_122 = arith.constant 1 : i32
    "tpu.region"() ({
      %run_scoped3A_189 = tpu.sem_alloc : memref<!tpu.dma_semaphore, #tpu.memory_space<semaphore_mem>>
      %dma_start3A_190 = arith.constant 0 : i32
      %dma_start3A_191 = tpu.memref_slice %arg6[%run_scoped3A_122, %arg0, %mul3A_121, %dma_start3A_190] : memref<3x2x10240x128xf32, #tpu.memory_space<hbm>> -> memref<1x1x640x128xf32, #tpu.memory_space<hbm>>
      %dma_start3A_192 = tpu.memref_squeeze %dma_start3A_191 : memref<1x1x640x128xf32, #tpu.memory_space<hbm>> -> memref<640x128xf32, #tpu.memory_space<hbm>>
      %dma_start3A_193 = arith.constant 0 : i32
      %dma_start3A_194 = tpu.memref_slice %arg12[%mul3A_119, %dma_start3A_193] : memref<10240x128xf32, #tpu.memory_space<vmem_shared>> -> memref<640x128xf32, #tpu.memory_space<vmem_shared>>
      tpu.enqueue_dma source(%dma_start3A_194 : memref<640x128xf32, #tpu.memory_space<vmem_shared>>) target(%dma_start3A_192 : memref<640x128xf32, #tpu.memory_space<hbm>>) target_semaphore(%run_scoped3A_189 : memref<!tpu.dma_semaphore, #tpu.memory_space<semaphore_mem>>)
      %dma_wait3A_195 = arith.constant 0 : i32
      %dma_wait3A_196 = tpu.memref_slice %arg6[%run_scoped3A_122, %arg0, %mul3A_121, %dma_wait3A_195] : memref<3x2x10240x128xf32, #tpu.memory_space<hbm>> -> memref<1x1x640x128xf32, #tpu.memory_space<hbm>>
      %dma_wait3A_197 = tpu.memref_squeeze %dma_wait3A_196 : memref<1x1x640x128xf32, #tpu.memory_space<hbm>> -> memref<640x128xf32, #tpu.memory_space<hbm>>
      %dma_wait3A_198 = arith.constant 0 : i32
      %dma_wait3A_199 = tpu.memref_slice %arg12[%mul3A_119, %dma_wait3A_198] : memref<10240x128xf32, #tpu.memory_space<vmem_shared>> -> memref<640x128xf32, #tpu.memory_space<vmem_shared>>
      tpu.wait_dma2 semaphore(%run_scoped3A_189 : memref<!tpu.dma_semaphore, #tpu.memory_space<semaphore_mem>>) src(%dma_wait3A_199 : memref<640x128xf32, #tpu.memory_space<vmem_shared>>) dst(%dma_wait3A_197 : memref<640x128xf32, #tpu.memory_space<hbm>>)
      tpu.yield
    }) : () -> ()
    %barrier3A_123 = arith.constant 0 : index
    tpu.barrier barrier_id(%barrier3A_123)
    %add3A_124 = arith.constant 4 : i32
    %add3A_125 = arith.addi %add3A_124, %arg0 : i32
    %mul3A_126 = arith.constant 16 : i32
    %mul3A_127 = arith.muli %add3A_125, %mul3A_126 : i32
    %add3A_128 = arith.addi %mul3A_127, %arg1 : i32
    %run_scoped3A_129 = arith.constant 2 : i32
    "tpu.region"() ({
      %run_scoped3A_189 = tpu.sem_alloc : memref<!tpu.dma_semaphore, #tpu.memory_space<semaphore_mem>>
      %dma_start3A_190 = arith.constant 0 : i32
      %dma_start3A_191 = arith.constant 0 : i32
      %dma_start3A_192 = tpu.memref_slice %arg3[%run_scoped3A_129, %arg0, %arg1, %dma_start3A_190, %dma_start3A_191] : memref<3x2x16x40x128xi32, #tpu.memory_space<hbm>> -> memref<1x1x1x40x128xi32, #tpu.memory_space<hbm>>
      %dma_start3A_193 = tpu.memref_squeeze %dma_start3A_192 : memref<1x1x1x40x128xi32, #tpu.memory_space<hbm>> -> memref<40x128xi32, #tpu.memory_space<hbm>>
      %dma_start3A_194 = arith.constant 0 : i32
      %dma_start3A_195 = arith.constant 0 : i32
      %dma_start3A_196 = tpu.memref_slice %arg3[%run_scoped3A_129, %arg0, %arg1, %dma_start3A_194, %dma_start3A_195] : memref<3x2x16x40x128xi32, #tpu.memory_space<hbm>> -> memref<1x1x1x40x128xi32, #tpu.memory_space<hbm>>
      %dma_start3A_197 = tpu.memref_squeeze %dma_start3A_196 : memref<1x1x1x40x128xi32, #tpu.memory_space<hbm>> -> memref<40x128xi32, #tpu.memory_space<hbm>>
      tpu.enqueue_dma source(%dma_start3A_197 : memref<40x128xi32, #tpu.memory_space<hbm>>) target(%arg7 : memref<40x128xi32, #tpu.memory_space<vmem>>) target_semaphore(%run_scoped3A_189 : memref<!tpu.dma_semaphore, #tpu.memory_space<semaphore_mem>>)
      %dma_wait3A_198 = arith.constant 0 : i32
      %dma_wait3A_199 = arith.constant 0 : i32
      %dma_wait3A_200 = tpu.memref_slice %arg3[%run_scoped3A_129, %arg0, %arg1, %dma_wait3A_198, %dma_wait3A_199] : memref<3x2x16x40x128xi32, #tpu.memory_space<hbm>> -> memref<1x1x1x40x128xi32, #tpu.memory_space<hbm>>
      %dma_wait3A_201 = tpu.memref_squeeze %dma_wait3A_200 : memref<1x1x1x40x128xi32, #tpu.memory_space<hbm>> -> memref<40x128xi32, #tpu.memory_space<hbm>>
      %dma_wait3A_202 = arith.constant 0 : i32
      %dma_wait3A_203 = arith.constant 0 : i32
      %dma_wait3A_204 = tpu.memref_slice %arg3[%run_scoped3A_129, %arg0, %arg1, %dma_wait3A_202, %dma_wait3A_203] : memref<3x2x16x40x128xi32, #tpu.memory_space<hbm>> -> memref<1x1x1x40x128xi32, #tpu.memory_space<hbm>>
      %dma_wait3A_205 = tpu.memref_squeeze %dma_wait3A_204 : memref<1x1x1x40x128xi32, #tpu.memory_space<hbm>> -> memref<40x128xi32, #tpu.memory_space<hbm>>
      tpu.wait_dma2 semaphore(%run_scoped3A_189 : memref<!tpu.dma_semaphore, #tpu.memory_space<semaphore_mem>>) src(%dma_wait3A_205 : memref<40x128xi32, #tpu.memory_space<hbm>>) dst(%arg7 : memref<40x128xi32, #tpu.memory_space<vmem>>)
      tpu.yield
    }) : () -> ()
    %run_scoped3A_130 = arith.constant 2 : i32
    "tpu.region"() ({
      %run_scoped3A_189 = tpu.sem_alloc : memref<!tpu.dma_semaphore, #tpu.memory_space<semaphore_mem>>
      %dma_start3A_190 = arith.constant 0 : i32
      %dma_start3A_191 = arith.constant 0 : i32
      %dma_start3A_192 = tpu.memref_slice %arg4[%run_scoped3A_130, %arg0, %arg1, %dma_start3A_190, %dma_start3A_191] : memref<3x2x16x40x128xi32, #tpu.memory_space<hbm>> -> memref<1x1x1x40x128xi32, #tpu.memory_space<hbm>>
      %dma_start3A_193 = tpu.memref_squeeze %dma_start3A_192 : memref<1x1x1x40x128xi32, #tpu.memory_space<hbm>> -> memref<40x128xi32, #tpu.memory_space<hbm>>
      %dma_start3A_194 = arith.constant 0 : i32
      %dma_start3A_195 = arith.constant 0 : i32
      %dma_start3A_196 = tpu.memref_slice %arg4[%run_scoped3A_130, %arg0, %arg1, %dma_start3A_194, %dma_start3A_195] : memref<3x2x16x40x128xi32, #tpu.memory_space<hbm>> -> memref<1x1x1x40x128xi32, #tpu.memory_space<hbm>>
      %dma_start3A_197 = tpu.memref_squeeze %dma_start3A_196 : memref<1x1x1x40x128xi32, #tpu.memory_space<hbm>> -> memref<40x128xi32, #tpu.memory_space<hbm>>
      tpu.enqueue_dma source(%dma_start3A_197 : memref<40x128xi32, #tpu.memory_space<hbm>>) target(%arg8 : memref<40x128xi32, #tpu.memory_space<vmem>>) target_semaphore(%run_scoped3A_189 : memref<!tpu.dma_semaphore, #tpu.memory_space<semaphore_mem>>)
      %dma_wait3A_198 = arith.constant 0 : i32
      %dma_wait3A_199 = arith.constant 0 : i32
      %dma_wait3A_200 = tpu.memref_slice %arg4[%run_scoped3A_130, %arg0, %arg1, %dma_wait3A_198, %dma_wait3A_199] : memref<3x2x16x40x128xi32, #tpu.memory_space<hbm>> -> memref<1x1x1x40x128xi32, #tpu.memory_space<hbm>>
      %dma_wait3A_201 = tpu.memref_squeeze %dma_wait3A_200 : memref<1x1x1x40x128xi32, #tpu.memory_space<hbm>> -> memref<40x128xi32, #tpu.memory_space<hbm>>
      %dma_wait3A_202 = arith.constant 0 : i32
      %dma_wait3A_203 = arith.constant 0 : i32
      %dma_wait3A_204 = tpu.memref_slice %arg4[%run_scoped3A_130, %arg0, %arg1, %dma_wait3A_202, %dma_wait3A_203] : memref<3x2x16x40x128xi32, #tpu.memory_space<hbm>> -> memref<1x1x1x40x128xi32, #tpu.memory_space<hbm>>
      %dma_wait3A_205 = tpu.memref_squeeze %dma_wait3A_204 : memref<1x1x1x40x128xi32, #tpu.memory_space<hbm>> -> memref<40x128xi32, #tpu.memory_space<hbm>>
      tpu.wait_dma2 semaphore(%run_scoped3A_189 : memref<!tpu.dma_semaphore, #tpu.memory_space<semaphore_mem>>) src(%dma_wait3A_205 : memref<40x128xi32, #tpu.memory_space<hbm>>) dst(%arg8 : memref<40x128xi32, #tpu.memory_space<vmem>>)
      tpu.yield
    }) : () -> ()
    %mul3A_131 = arith.constant 5120 : i32
    %mul3A_132 = arith.muli %add3A_128, %mul3A_131 : i32
    "tpu.region"() ({
      %run_scoped3A_189 = tpu.sem_alloc : memref<!tpu.dma_semaphore, #tpu.memory_space<semaphore_mem>>
      %dma_start3A_190 = tpu.memref_slice %arg5[%mul3A_132] : memref<491520xf32, #tpu.memory_space<hbm>> -> memref<5120xf32, #tpu.memory_space<hbm>>
      %dma_start3A_191 = tpu.memref_slice %arg5[%mul3A_132] : memref<491520xf32, #tpu.memory_space<hbm>> -> memref<5120xf32, #tpu.memory_space<hbm>>
      tpu.enqueue_dma source(%dma_start3A_191 : memref<5120xf32, #tpu.memory_space<hbm>>) target(%arg9 : memref<5120xf32, #tpu.memory_space<vmem>>) target_semaphore(%run_scoped3A_189 : memref<!tpu.dma_semaphore, #tpu.memory_space<semaphore_mem>>)
      %dma_wait3A_192 = tpu.memref_slice %arg5[%mul3A_132] : memref<491520xf32, #tpu.memory_space<hbm>> -> memref<5120xf32, #tpu.memory_space<hbm>>
      %dma_wait3A_193 = tpu.memref_slice %arg5[%mul3A_132] : memref<491520xf32, #tpu.memory_space<hbm>> -> memref<5120xf32, #tpu.memory_space<hbm>>
      tpu.wait_dma2 semaphore(%run_scoped3A_189 : memref<!tpu.dma_semaphore, #tpu.memory_space<semaphore_mem>>) src(%dma_wait3A_193 : memref<5120xf32, #tpu.memory_space<hbm>>) dst(%arg9 : memref<5120xf32, #tpu.memory_space<vmem>>)
      tpu.yield
    }) : () -> ()
    %scan3A_133 = arith.constant 0 : i32
    %scan3A_134 = arith.constant 0 : i32
    %scan3A_135 = arith.constant 128 : i32
    %scan3A_136 = arith.addi %scan3A_134, %scan3A_135 : i32
    %scan3A_137 = arith.constant 1 : i32
    %scan3A_138 = scf.for %scan3A_189 = %scan3A_134 to %scan3A_136 step %scan3A_137 iter_args(%scan3A_190 = %scan3A_133) -> (i32)  : i32 {
      %swap3A = arith.index_cast %scan3A_189 : i32 to index
      %swap3A_191 = arith.constant 0 : index
      %swap3A_192 = tpu.vector_load %arg10[%swap3A, %swap3A_191] {strides = array<i32>} : memref<128x128xf32, #tpu.memory_space<vmem>>, vector<16xf32>,
      tpu.vector_store %arg10[%swap3A, %swap3A_191], %broadcast_in_dim3A_0 {strides = array<i32>} : memref<128x128xf32, #tpu.memory_space<vmem>>, vector<16xf32>,
      %swap3A_193 = arith.index_cast %scan3A_189 : i32 to index
      %swap3A_194 = arith.constant 16 : index
      %swap3A_195 = tpu.vector_load %arg10[%swap3A_193, %swap3A_194] {strides = array<i32>} : memref<128x128xf32, #tpu.memory_space<vmem>>, vector<16xf32>,
      tpu.vector_store %arg10[%swap3A_193, %swap3A_194], %broadcast_in_dim3A_0 {strides = array<i32>} : memref<128x128xf32, #tpu.memory_space<vmem>>, vector<16xf32>,
      %swap3A_196 = arith.index_cast %scan3A_189 : i32 to index
      %swap3A_197 = arith.constant 32 : index
      %swap3A_198 = tpu.vector_load %arg10[%swap3A_196, %swap3A_197] {strides = array<i32>} : memref<128x128xf32, #tpu.memory_space<vmem>>, vector<16xf32>,
      tpu.vector_store %arg10[%swap3A_196, %swap3A_197], %broadcast_in_dim3A_0 {strides = array<i32>} : memref<128x128xf32, #tpu.memory_space<vmem>>, vector<16xf32>,
      %swap3A_199 = arith.index_cast %scan3A_189 : i32 to index
      %swap3A_200 = arith.constant 48 : index
      %swap3A_201 = tpu.vector_load %arg10[%swap3A_199, %swap3A_200] {strides = array<i32>} : memref<128x128xf32, #tpu.memory_space<vmem>>, vector<16xf32>,
      tpu.vector_store %arg10[%swap3A_199, %swap3A_200], %broadcast_in_dim3A_0 {strides = array<i32>} : memref<128x128xf32, #tpu.memory_space<vmem>>, vector<16xf32>,
      %swap3A_202 = arith.index_cast %scan3A_189 : i32 to index
      %swap3A_203 = arith.constant 64 : index
      %swap3A_204 = tpu.vector_load %arg10[%swap3A_202, %swap3A_203] {strides = array<i32>} : memref<128x128xf32, #tpu.memory_space<vmem>>, vector<16xf32>,
      tpu.vector_store %arg10[%swap3A_202, %swap3A_203], %broadcast_in_dim3A_0 {strides = array<i32>} : memref<128x128xf32, #tpu.memory_space<vmem>>, vector<16xf32>,
      %swap3A_205 = arith.index_cast %scan3A_189 : i32 to index
      %swap3A_206 = arith.constant 80 : index
      %swap3A_207 = tpu.vector_load %arg10[%swap3A_205, %swap3A_206] {strides = array<i32>} : memref<128x128xf32, #tpu.memory_space<vmem>>, vector<16xf32>,
      tpu.vector_store %arg10[%swap3A_205, %swap3A_206], %broadcast_in_dim3A_0 {strides = array<i32>} : memref<128x128xf32, #tpu.memory_space<vmem>>, vector<16xf32>,
      %swap3A_208 = arith.index_cast %scan3A_189 : i32 to index
      %swap3A_209 = arith.constant 96 : index
      %swap3A_210 = tpu.vector_load %arg10[%swap3A_208, %swap3A_209] {strides = array<i32>} : memref<128x128xf32, #tpu.memory_space<vmem>>, vector<16xf32>,
      tpu.vector_store %arg10[%swap3A_208, %swap3A_209], %broadcast_in_dim3A_0 {strides = array<i32>} : memref<128x128xf32, #tpu.memory_space<vmem>>, vector<16xf32>,
      %swap3A_211 = arith.index_cast %scan3A_189 : i32 to index
      %swap3A_212 = arith.constant 112 : index
      %swap3A_213 = tpu.vector_load %arg10[%swap3A_211, %swap3A_212] {strides = array<i32>} : memref<128x128xf32, #tpu.memory_space<vmem>>, vector<16xf32>,
      tpu.vector_store %arg10[%swap3A_211, %swap3A_212], %broadcast_in_dim3A_0 {strides = array<i32>} : memref<128x128xf32, #tpu.memory_space<vmem>>, vector<16xf32>,
      %scan3A_214 = arith.constant 0 : i32
      scf.yield %scan3A_214 : i32
    }
    %scan3A_139 = arith.constant 128 : i32
    %mul3A_140 = arith.constant 640 : i32
    %mul3A_141 = arith.muli %arg1, %mul3A_140 : i32
    %add3A_142 = arith.constant 0 : i32
    %add3A_143 = arith.addi %mul3A_141, %add3A_142 : i32
    "tpu.region"() ({
      %run_scoped3A_189 = tpu.sem_alloc : memref<!tpu.dma_semaphore, #tpu.memory_space<semaphore_mem>>
      %dma_start3A_190 = arith.constant 0 : i32
      %dma_start3A_191 = tpu.memref_slice %arg12[%add3A_143, %dma_start3A_190] : memref<10240x128xf32, #tpu.memory_space<vmem_shared>> -> memref<128x128xf32, #tpu.memory_space<vmem_shared>>
      %dma_start3A_192 = arith.constant 0 : i32
      %dma_start3A_193 = tpu.memref_slice %arg12[%add3A_143, %dma_start3A_192] : memref<10240x128xf32, #tpu.memory_space<vmem_shared>> -> memref<128x128xf32, #tpu.memory_space<vmem_shared>>
      tpu.enqueue_dma source(%arg10 : memref<128x128xf32, #tpu.memory_space<vmem>>) target(%dma_start3A_193 : memref<128x128xf32, #tpu.memory_space<vmem_shared>>) target_semaphore(%run_scoped3A_189 : memref<!tpu.dma_semaphore, #tpu.memory_space<semaphore_mem>>)
      %dma_wait3A_194 = arith.constant 0 : i32
      %dma_wait3A_195 = tpu.memref_slice %arg12[%add3A_143, %dma_wait3A_194] : memref<10240x128xf32, #tpu.memory_space<vmem_shared>> -> memref<128x128xf32, #tpu.memory_space<vmem_shared>>
      %dma_wait3A_196 = arith.constant 0 : i32
      %dma_wait3A_197 = tpu.memref_slice %arg12[%add3A_143, %dma_wait3A_196] : memref<10240x128xf32, #tpu.memory_space<vmem_shared>> -> memref<128x128xf32, #tpu.memory_space<vmem_shared>>
      tpu.wait_dma2 semaphore(%run_scoped3A_189 : memref<!tpu.dma_semaphore, #tpu.memory_space<semaphore_mem>>) src(%arg10 : memref<128x128xf32, #tpu.memory_space<vmem>>) dst(%dma_wait3A_197 : memref<128x128xf32, #tpu.memory_space<vmem_shared>>)
      tpu.yield
    }) : () -> ()
    %mul3A_144 = arith.constant 640 : i32
    %mul3A_145 = arith.muli %arg1, %mul3A_144 : i32
    %add3A_146 = arith.constant 128 : i32
    %add3A_147 = arith.addi %mul3A_145, %add3A_146 : i32
    "tpu.region"() ({
      %run_scoped3A_189 = tpu.sem_alloc : memref<!tpu.dma_semaphore, #tpu.memory_space<semaphore_mem>>
      %dma_start3A_190 = arith.constant 0 : i32
      %dma_start3A_191 = tpu.memref_slice %arg12[%add3A_147, %dma_start3A_190] : memref<10240x128xf32, #tpu.memory_space<vmem_shared>> -> memref<128x128xf32, #tpu.memory_space<vmem_shared>>
      %dma_start3A_192 = arith.constant 0 : i32
      %dma_start3A_193 = tpu.memref_slice %arg12[%add3A_147, %dma_start3A_192] : memref<10240x128xf32, #tpu.memory_space<vmem_shared>> -> memref<128x128xf32, #tpu.memory_space<vmem_shared>>
      tpu.enqueue_dma source(%arg10 : memref<128x128xf32, #tpu.memory_space<vmem>>) target(%dma_start3A_193 : memref<128x128xf32, #tpu.memory_space<vmem_shared>>) target_semaphore(%run_scoped3A_189 : memref<!tpu.dma_semaphore, #tpu.memory_space<semaphore_mem>>)
      %dma_wait3A_194 = arith.constant 0 : i32
      %dma_wait3A_195 = tpu.memref_slice %arg12[%add3A_147, %dma_wait3A_194] : memref<10240x128xf32, #tpu.memory_space<vmem_shared>> -> memref<128x128xf32, #tpu.memory_space<vmem_shared>>
      %dma_wait3A_196 = arith.constant 0 : i32
      %dma_wait3A_197 = tpu.memref_slice %arg12[%add3A_147, %dma_wait3A_196] : memref<10240x128xf32, #tpu.memory_space<vmem_shared>> -> memref<128x128xf32, #tpu.memory_space<vmem_shared>>
      tpu.wait_dma2 semaphore(%run_scoped3A_189 : memref<!tpu.dma_semaphore, #tpu.memory_space<semaphore_mem>>) src(%arg10 : memref<128x128xf32, #tpu.memory_space<vmem>>) dst(%dma_wait3A_197 : memref<128x128xf32, #tpu.memory_space<vmem_shared>>)
      tpu.yield
    }) : () -> ()
    %mul3A_148 = arith.constant 640 : i32
    %mul3A_149 = arith.muli %arg1, %mul3A_148 : i32
    %add3A_150 = arith.constant 256 : i32
    %add3A_151 = arith.addi %mul3A_149, %add3A_150 : i32
    "tpu.region"() ({
      %run_scoped3A_189 = tpu.sem_alloc : memref<!tpu.dma_semaphore, #tpu.memory_space<semaphore_mem>>
      %dma_start3A_190 = arith.constant 0 : i32
      %dma_start3A_191 = tpu.memref_slice %arg12[%add3A_151, %dma_start3A_190] : memref<10240x128xf32, #tpu.memory_space<vmem_shared>> -> memref<128x128xf32, #tpu.memory_space<vmem_shared>>
      %dma_start3A_192 = arith.constant 0 : i32
      %dma_start3A_193 = tpu.memref_slice %arg12[%add3A_151, %dma_start3A_192] : memref<10240x128xf32, #tpu.memory_space<vmem_shared>> -> memref<128x128xf32, #tpu.memory_space<vmem_shared>>
      tpu.enqueue_dma source(%arg10 : memref<128x128xf32, #tpu.memory_space<vmem>>) target(%dma_start3A_193 : memref<128x128xf32, #tpu.memory_space<vmem_shared>>) target_semaphore(%run_scoped3A_189 : memref<!tpu.dma_semaphore, #tpu.memory_space<semaphore_mem>>)
      %dma_wait3A_194 = arith.constant 0 : i32
      %dma_wait3A_195 = tpu.memref_slice %arg12[%add3A_151, %dma_wait3A_194] : memref<10240x128xf32, #tpu.memory_space<vmem_shared>> -> memref<128x128xf32, #tpu.memory_space<vmem_shared>>
      %dma_wait3A_196 = arith.constant 0 : i32
      %dma_wait3A_197 = tpu.memref_slice %arg12[%add3A_151, %dma_wait3A_196] : memref<10240x128xf32, #tpu.memory_space<vmem_shared>> -> memref<128x128xf32, #tpu.memory_space<vmem_shared>>
      tpu.wait_dma2 semaphore(%run_scoped3A_189 : memref<!tpu.dma_semaphore, #tpu.memory_space<semaphore_mem>>) src(%arg10 : memref<128x128xf32, #tpu.memory_space<vmem>>) dst(%dma_wait3A_197 : memref<128x128xf32, #tpu.memory_space<vmem_shared>>)
      tpu.yield
    }) : () -> ()
    %mul3A_152 = arith.constant 640 : i32
    %mul3A_153 = arith.muli %arg1, %mul3A_152 : i32
    %add3A_154 = arith.constant 384 : i32
    %add3A_155 = arith.addi %mul3A_153, %add3A_154 : i32
    "tpu.region"() ({
      %run_scoped3A_189 = tpu.sem_alloc : memref<!tpu.dma_semaphore, #tpu.memory_space<semaphore_mem>>
      %dma_start3A_190 = arith.constant 0 : i32
      %dma_start3A_191 = tpu.memref_slice %arg12[%add3A_155, %dma_start3A_190] : memref<10240x128xf32, #tpu.memory_space<vmem_shared>> -> memref<128x128xf32, #tpu.memory_space<vmem_shared>>
      %dma_start3A_192 = arith.constant 0 : i32
      %dma_start3A_193 = tpu.memref_slice %arg12[%add3A_155, %dma_start3A_192] : memref<10240x128xf32, #tpu.memory_space<vmem_shared>> -> memref<128x128xf32, #tpu.memory_space<vmem_shared>>
      tpu.enqueue_dma source(%arg10 : memref<128x128xf32, #tpu.memory_space<vmem>>) target(%dma_start3A_193 : memref<128x128xf32, #tpu.memory_space<vmem_shared>>) target_semaphore(%run_scoped3A_189 : memref<!tpu.dma_semaphore, #tpu.memory_space<semaphore_mem>>)
      %dma_wait3A_194 = arith.constant 0 : i32
      %dma_wait3A_195 = tpu.memref_slice %arg12[%add3A_155, %dma_wait3A_194] : memref<10240x128xf32, #tpu.memory_space<vmem_shared>> -> memref<128x128xf32, #tpu.memory_space<vmem_shared>>
      %dma_wait3A_196 = arith.constant 0 : i32
      %dma_wait3A_197 = tpu.memref_slice %arg12[%add3A_155, %dma_wait3A_196] : memref<10240x128xf32, #tpu.memory_space<vmem_shared>> -> memref<128x128xf32, #tpu.memory_space<vmem_shared>>
      tpu.wait_dma2 semaphore(%run_scoped3A_189 : memref<!tpu.dma_semaphore, #tpu.memory_space<semaphore_mem>>) src(%arg10 : memref<128x128xf32, #tpu.memory_space<vmem>>) dst(%dma_wait3A_197 : memref<128x128xf32, #tpu.memory_space<vmem_shared>>)
      tpu.yield
    }) : () -> ()
    %mul3A_156 = arith.constant 640 : i32
    %mul3A_157 = arith.muli %arg1, %mul3A_156 : i32
    %add3A_158 = arith.constant 512 : i32
    %add3A_159 = arith.addi %mul3A_157, %add3A_158 : i32
    "tpu.region"() ({
      %run_scoped3A_189 = tpu.sem_alloc : memref<!tpu.dma_semaphore, #tpu.memory_space<semaphore_mem>>
      %dma_start3A_190 = arith.constant 0 : i32
      %dma_start3A_191 = tpu.memref_slice %arg12[%add3A_159, %dma_start3A_190] : memref<10240x128xf32, #tpu.memory_space<vmem_shared>> -> memref<128x128xf32, #tpu.memory_space<vmem_shared>>
      %dma_start3A_192 = arith.constant 0 : i32
      %dma_start3A_193 = tpu.memref_slice %arg12[%add3A_159, %dma_start3A_192] : memref<10240x128xf32, #tpu.memory_space<vmem_shared>> -> memref<128x128xf32, #tpu.memory_space<vmem_shared>>
      tpu.enqueue_dma source(%arg10 : memref<128x128xf32, #tpu.memory_space<vmem>>) target(%dma_start3A_193 : memref<128x128xf32, #tpu.memory_space<vmem_shared>>) target_semaphore(%run_scoped3A_189 : memref<!tpu.dma_semaphore, #tpu.memory_space<semaphore_mem>>)
      %dma_wait3A_194 = arith.constant 0 : i32
      %dma_wait3A_195 = tpu.memref_slice %arg12[%add3A_159, %dma_wait3A_194] : memref<10240x128xf32, #tpu.memory_space<vmem_shared>> -> memref<128x128xf32, #tpu.memory_space<vmem_shared>>
      %dma_wait3A_196 = arith.constant 0 : i32
      %dma_wait3A_197 = tpu.memref_slice %arg12[%add3A_159, %dma_wait3A_196] : memref<10240x128xf32, #tpu.memory_space<vmem_shared>> -> memref<128x128xf32, #tpu.memory_space<vmem_shared>>
      tpu.wait_dma2 semaphore(%run_scoped3A_189 : memref<!tpu.dma_semaphore, #tpu.memory_space<semaphore_mem>>) src(%arg10 : memref<128x128xf32, #tpu.memory_space<vmem>>) dst(%dma_wait3A_197 : memref<128x128xf32, #tpu.memory_space<vmem_shared>>)
      tpu.yield
    }) : () -> ()
    %barrier3A_160 = arith.constant 0 : index
    tpu.barrier barrier_id(%barrier3A_160)
    %dma_start3A_161 = arith.constant 0 : i32
    %dma_start3A_162 = arith.constant 0 : i32
    %dma_start3A_163 = tpu.memref_slice %arg7[%dma_start3A_161, %dma_start3A_162] : memref<40x128xi32, #tpu.memory_space<vmem>> -> memref<1x128xi32, #tpu.memory_space<vmem>>
    %dma_start3A_164 = tpu.memref_squeeze %dma_start3A_163 : memref<1x128xi32, #tpu.memory_space<vmem>> -> memref<128xi32, #tpu.memory_space<vmem>>
    %dma_start3A_165 = arith.constant 0 : i32
    %dma_start3A_166 = arith.constant 0 : i32
    %dma_start3A_167 = tpu.memref_slice %arg2[%dma_start3A_165, %dma_start3A_166] : memref<10240x128xf32, #tpu.memory_space<hbm>> -> memref<10240x128xf32, #tpu.memory_space<hbm>>
    tpu.enqueue_indirect_dma source(%dma_start3A_167 : memref<10240x128xf32, #tpu.memory_space<hbm>>) target(%arg10 : memref<128x128xf32, #tpu.memory_space<vmem>>) offsets(%dma_start3A_164 : memref<128xi32, #tpu.memory_space<vmem>>) semaphore(%arg13 : memref<!tpu.dma_semaphore, #tpu.memory_space<semaphore_mem>>)
    %scan3A_168 = arith.constant 0 : i32
    %scan3A_169 = arith.constant 0 : i32
    %scan3A_170 = arith.constant 20 : i32
    %scan3A_171 = arith.addi %scan3A_169, %scan3A_170 : i32
    %scan3A_172 = arith.constant 1 : i32
    %scan3A_173 = scf.for %scan3A_189 = %scan3A_169 to %scan3A_171 step %scan3A_172 iter_args(%scan3A_190 = %scan3A_168) -> (i32)  : i32 {
      %mul3A_191 = arith.constant 2 : i32
      %mul3A_192 = arith.muli %mul3A_191, %scan3A_189 : i32
      %add3A_193 = arith.constant 1 : i32
      %add3A_194 = arith.addi %mul3A_192, %add3A_193 : i32
      %gt3A = arith.constant 0 : i32
      %gt3A_195 = arith.cmpi sgt, %scan3A_189, %gt3A : i32
      %convert_element_type3A = arith.extui %gt3A_195 : i1 to i32
      %cond3A = arith.constant 0 : i32
      %cond3A_196 = arith.cmpi ne, %convert_element_type3A, %cond3A : i32
      scf.if %cond3A_196 {
        %dma_wait3A_244 = arith.constant 0 : i32
        %dma_wait3A_245 = arith.constant 0 : i32
        %dma_wait3A_246 = tpu.memref_slice %arg7[%dma_wait3A_244, %dma_wait3A_245] : memref<40x128xi32, #tpu.memory_space<vmem>> -> memref<1x128xi32, #tpu.memory_space<vmem>>
        %dma_wait3A_247 = tpu.memref_squeeze %dma_wait3A_246 : memref<1x128xi32, #tpu.memory_space<vmem>> -> memref<128xi32, #tpu.memory_space<vmem>>
        %dma_wait3A_248 = arith.constant 0 : i32
        %dma_wait3A_249 = arith.constant 0 : i32
        %dma_wait3A_250 = tpu.memref_slice %arg2[%dma_wait3A_248, %dma_wait3A_249] : memref<10240x128xf32, #tpu.memory_space<hbm>> -> memref<10240x128xf32, #tpu.memory_space<hbm>>
        tpu.wait_indirect_dma semaphore(%arg16 : memref<!tpu.dma_semaphore, #tpu.memory_space<semaphore_mem>>) src(%dma_wait3A_250 : memref<10240x128xf32, #tpu.memory_space<hbm>>) dst(%arg11 : memref<128x128xf32, #tpu.memory_space<vmem>>)
      } else {
      }
      %dma_start3A_197 = arith.constant 0 : i32
      %dma_start3A_198 = tpu.memref_slice %arg7[%add3A_194, %dma_start3A_197] : memref<40x128xi32, #tpu.memory_space<vmem>> -> memref<1x128xi32, #tpu.memory_space<vmem>>
      %dma_start3A_199 = tpu.memref_squeeze %dma_start3A_198 : memref<1x128xi32, #tpu.memory_space<vmem>> -> memref<128xi32, #tpu.memory_space<vmem>>
      %dma_start3A_200 = arith.constant 0 : i32
      %dma_start3A_201 = arith.constant 0 : i32
      %dma_start3A_202 = tpu.memref_slice %arg2[%dma_start3A_200, %dma_start3A_201] : memref<10240x128xf32, #tpu.memory_space<hbm>> -> memref<10240x128xf32, #tpu.memory_space<hbm>>
      tpu.enqueue_indirect_dma source(%dma_start3A_202 : memref<10240x128xf32, #tpu.memory_space<hbm>>) target(%arg11 : memref<128x128xf32, #tpu.memory_space<vmem>>) offsets(%dma_start3A_199 : memref<128xi32, #tpu.memory_space<vmem>>) semaphore(%arg14 : memref<!tpu.dma_semaphore, #tpu.memory_space<semaphore_mem>>)
      %dma_wait3A_203 = arith.constant 0 : i32
      %dma_wait3A_204 = tpu.memref_slice %arg7[%mul3A_192, %dma_wait3A_203] : memref<40x128xi32, #tpu.memory_space<vmem>> -> memref<1x128xi32, #tpu.memory_space<vmem>>
      %dma_wait3A_205 = tpu.memref_squeeze %dma_wait3A_204 : memref<1x128xi32, #tpu.memory_space<vmem>> -> memref<128xi32, #tpu.memory_space<vmem>>
      %dma_wait3A_206 = arith.constant 0 : i32
      %dma_wait3A_207 = arith.constant 0 : i32
      %dma_wait3A_208 = tpu.memref_slice %arg2[%dma_wait3A_206, %dma_wait3A_207] : memref<10240x128xf32, #tpu.memory_space<hbm>> -> memref<10240x128xf32, #tpu.memory_space<hbm>>
      tpu.wait_indirect_dma semaphore(%arg13 : memref<!tpu.dma_semaphore, #tpu.memory_space<semaphore_mem>>) src(%dma_wait3A_208 : memref<10240x128xf32, #tpu.memory_space<hbm>>) dst(%arg10 : memref<128x128xf32, #tpu.memory_space<vmem>>)
      %parallel_loop3A = arith.constant 0 : i32
      %parallel_loop3A_209 = arith.constant 128 : i32
      %parallel_loop3A_210 = arith.constant 1 : i32
      scf.for %parallel_loop3A_244 = %parallel_loop3A to %parallel_loop3A_209 step %parallel_loop3A_210  : i32 {
        %parallel_loop3A_245 = arith.constant 0 : i32
        %parallel_loop3A_246 = vector.broadcast %parallel_loop3A_245 : i32 to vector<16xi32>
        %parallel_loop3A_247 = arith.constant 128 : i32
        %parallel_loop3A_248 = arith.muli %mul3A_192, %parallel_loop3A_247 : i32
        %parallel_loop3A_249 = arith.addi %parallel_loop3A_248, %parallel_loop3A_244 : i32
        %parallel_loop3A_250 = vector.broadcast %parallel_loop3A_249 : i32 to vector<16xi32>
        %parallel_loop3A_251 = arith.addi %parallel_loop3A_246, %parallel_loop3A_250 : vector<16xi32>
        %parallel_loop3A_252 = tpu.vector_load_idx %arg9[%parallel_loop3A_251] : memref<5120xf32, #tpu.memory_space<vmem>>[vector<16xi32>], vector<16xf32>,
        %parallel_loop3A_253 = arith.index_cast %parallel_loop3A_244 : i32 to index
        %parallel_loop3A_254 = arith.constant 0 : index
        %parallel_loop3A_255 = tpu.vector_load %arg10[%parallel_loop3A_253, %parallel_loop3A_254] {strides = array<i32>} : memref<128x128xf32, #tpu.memory_space<vmem>>, vector<16xf32>,
        %parallel_loop3A_256 = arith.mulf %parallel_loop3A_255, %parallel_loop3A_252 : vector<16xf32>
        %parallel_loop3A_257 = arith.index_cast %parallel_loop3A_244 : i32 to index
        %parallel_loop3A_258 = arith.constant 0 : index
        %parallel_loop3A_259 = tpu.vector_load %arg10[%parallel_loop3A_257, %parallel_loop3A_258] {strides = array<i32>} : memref<128x128xf32, #tpu.memory_space<vmem>>, vector<16xf32>,
        tpu.vector_store %arg10[%parallel_loop3A_257, %parallel_loop3A_258], %parallel_loop3A_256 {strides = array<i32>} : memref<128x128xf32, #tpu.memory_space<vmem>>, vector<16xf32>,
        %parallel_loop3A_260 = arith.index_cast %parallel_loop3A_244 : i32 to index
        %parallel_loop3A_261 = arith.constant 16 : index
        %parallel_loop3A_262 = tpu.vector_load %arg10[%parallel_loop3A_260, %parallel_loop3A_261] {strides = array<i32>} : memref<128x128xf32, #tpu.memory_space<vmem>>, vector<16xf32>,
        %parallel_loop3A_263 = arith.mulf %parallel_loop3A_262, %parallel_loop3A_252 : vector<16xf32>
        %parallel_loop3A_264 = arith.index_cast %parallel_loop3A_244 : i32 to index
        %parallel_loop3A_265 = arith.constant 16 : index
        %parallel_loop3A_266 = tpu.vector_load %arg10[%parallel_loop3A_264, %parallel_loop3A_265] {strides = array<i32>} : memref<128x128xf32, #tpu.memory_space<vmem>>, vector<16xf32>,
        tpu.vector_store %arg10[%parallel_loop3A_264, %parallel_loop3A_265], %parallel_loop3A_263 {strides = array<i32>} : memref<128x128xf32, #tpu.memory_space<vmem>>, vector<16xf32>,
        %parallel_loop3A_267 = arith.index_cast %parallel_loop3A_244 : i32 to index
        %parallel_loop3A_268 = arith.constant 32 : index
        %parallel_loop3A_269 = tpu.vector_load %arg10[%parallel_loop3A_267, %parallel_loop3A_268] {strides = array<i32>} : memref<128x128xf32, #tpu.memory_space<vmem>>, vector<16xf32>,
        %parallel_loop3A_270 = arith.mulf %parallel_loop3A_269, %parallel_loop3A_252 : vector<16xf32>
        %parallel_loop3A_271 = arith.index_cast %parallel_loop3A_244 : i32 to index
        %parallel_loop3A_272 = arith.constant 32 : index
        %parallel_loop3A_273 = tpu.vector_load %arg10[%parallel_loop3A_271, %parallel_loop3A_272] {strides = array<i32>} : memref<128x128xf32, #tpu.memory_space<vmem>>, vector<16xf32>,
        tpu.vector_store %arg10[%parallel_loop3A_271, %parallel_loop3A_272], %parallel_loop3A_270 {strides = array<i32>} : memref<128x128xf32, #tpu.memory_space<vmem>>, vector<16xf32>,
        %parallel_loop3A_274 = arith.index_cast %parallel_loop3A_244 : i32 to index
        %parallel_loop3A_275 = arith.constant 48 : index
        %parallel_loop3A_276 = tpu.vector_load %arg10[%parallel_loop3A_274, %parallel_loop3A_275] {strides = array<i32>} : memref<128x128xf32, #tpu.memory_space<vmem>>, vector<16xf32>,
        %parallel_loop3A_277 = arith.mulf %parallel_loop3A_276, %parallel_loop3A_252 : vector<16xf32>
        %parallel_loop3A_278 = arith.index_cast %parallel_loop3A_244 : i32 to index
        %parallel_loop3A_279 = arith.constant 48 : index
        %parallel_loop3A_280 = tpu.vector_load %arg10[%parallel_loop3A_278, %parallel_loop3A_279] {strides = array<i32>} : memref<128x128xf32, #tpu.memory_space<vmem>>, vector<16xf32>,
        tpu.vector_store %arg10[%parallel_loop3A_278, %parallel_loop3A_279], %parallel_loop3A_277 {strides = array<i32>} : memref<128x128xf32, #tpu.memory_space<vmem>>, vector<16xf32>,
        %parallel_loop3A_281 = arith.index_cast %parallel_loop3A_244 : i32 to index
        %parallel_loop3A_282 = arith.constant 64 : index
        %parallel_loop3A_283 = tpu.vector_load %arg10[%parallel_loop3A_281, %parallel_loop3A_282] {strides = array<i32>} : memref<128x128xf32, #tpu.memory_space<vmem>>, vector<16xf32>,
        %parallel_loop3A_284 = arith.mulf %parallel_loop3A_283, %parallel_loop3A_252 : vector<16xf32>
        %parallel_loop3A_285 = arith.index_cast %parallel_loop3A_244 : i32 to index
        %parallel_loop3A_286 = arith.constant 64 : index
        %parallel_loop3A_287 = tpu.vector_load %arg10[%parallel_loop3A_285, %parallel_loop3A_286] {strides = array<i32>} : memref<128x128xf32, #tpu.memory_space<vmem>>, vector<16xf32>,
        tpu.vector_store %arg10[%parallel_loop3A_285, %parallel_loop3A_286], %parallel_loop3A_284 {strides = array<i32>} : memref<128x128xf32, #tpu.memory_space<vmem>>, vector<16xf32>,
        %parallel_loop3A_288 = arith.index_cast %parallel_loop3A_244 : i32 to index
        %parallel_loop3A_289 = arith.constant 80 : index
        %parallel_loop3A_290 = tpu.vector_load %arg10[%parallel_loop3A_288, %parallel_loop3A_289] {strides = array<i32>} : memref<128x128xf32, #tpu.memory_space<vmem>>, vector<16xf32>,
        %parallel_loop3A_291 = arith.mulf %parallel_loop3A_290, %parallel_loop3A_252 : vector<16xf32>
        %parallel_loop3A_292 = arith.index_cast %parallel_loop3A_244 : i32 to index
        %parallel_loop3A_293 = arith.constant 80 : index
        %parallel_loop3A_294 = tpu.vector_load %arg10[%parallel_loop3A_292, %parallel_loop3A_293] {strides = array<i32>} : memref<128x128xf32, #tpu.memory_space<vmem>>, vector<16xf32>,
        tpu.vector_store %arg10[%parallel_loop3A_292, %parallel_loop3A_293], %parallel_loop3A_291 {strides = array<i32>} : memref<128x128xf32, #tpu.memory_space<vmem>>, vector<16xf32>,
        %parallel_loop3A_295 = arith.index_cast %parallel_loop3A_244 : i32 to index
        %parallel_loop3A_296 = arith.constant 96 : index
        %parallel_loop3A_297 = tpu.vector_load %arg10[%parallel_loop3A_295, %parallel_loop3A_296] {strides = array<i32>} : memref<128x128xf32, #tpu.memory_space<vmem>>, vector<16xf32>,
        %parallel_loop3A_298 = arith.mulf %parallel_loop3A_297, %parallel_loop3A_252 : vector<16xf32>
        %parallel_loop3A_299 = arith.index_cast %parallel_loop3A_244 : i32 to index
        %parallel_loop3A_300 = arith.constant 96 : index
        %parallel_loop3A_301 = tpu.vector_load %arg10[%parallel_loop3A_299, %parallel_loop3A_300] {strides = array<i32>} : memref<128x128xf32, #tpu.memory_space<vmem>>, vector<16xf32>,
        tpu.vector_store %arg10[%parallel_loop3A_299, %parallel_loop3A_300], %parallel_loop3A_298 {strides = array<i32>} : memref<128x128xf32, #tpu.memory_space<vmem>>, vector<16xf32>,
        %parallel_loop3A_302 = arith.index_cast %parallel_loop3A_244 : i32 to index
        %parallel_loop3A_303 = arith.constant 112 : index
        %parallel_loop3A_304 = tpu.vector_load %arg10[%parallel_loop3A_302, %parallel_loop3A_303] {strides = array<i32>} : memref<128x128xf32, #tpu.memory_space<vmem>>, vector<16xf32>,
        %parallel_loop3A_305 = arith.mulf %parallel_loop3A_304, %parallel_loop3A_252 : vector<16xf32>
        %parallel_loop3A_306 = arith.index_cast %parallel_loop3A_244 : i32 to index
        %parallel_loop3A_307 = arith.constant 112 : index
        %parallel_loop3A_308 = tpu.vector_load %arg10[%parallel_loop3A_306, %parallel_loop3A_307] {strides = array<i32>} : memref<128x128xf32, #tpu.memory_space<vmem>>, vector<16xf32>,
        tpu.vector_store %arg10[%parallel_loop3A_306, %parallel_loop3A_307], %parallel_loop3A_305 {strides = array<i32>} : memref<128x128xf32, #tpu.memory_space<vmem>>, vector<16xf32>,
      } {sc.loop_unroll_factor = 2 : i64, sc.parallel_access}
      %dma_start3A_211 = arith.constant 0 : i32
      %dma_start3A_212 = tpu.memref_slice %arg8[%mul3A_192, %dma_start3A_211] : memref<40x128xi32, #tpu.memory_space<vmem>> -> memref<1x128xi32, #tpu.memory_space<vmem>>
      %dma_start3A_213 = tpu.memref_squeeze %dma_start3A_212 : memref<1x128xi32, #tpu.memory_space<vmem>> -> memref<128xi32, #tpu.memory_space<vmem>>
      %dma_start3A_214 = arith.constant 0 : i32
      %dma_start3A_215 = arith.constant 0 : i32
      %dma_start3A_216 = tpu.memref_slice %arg12[%dma_start3A_214, %dma_start3A_215] : memref<10240x128xf32, #tpu.memory_space<vmem_shared>> -> memref<10240x128xf32, #tpu.memory_space<vmem_shared>>
      tpu.enqueue_indirect_dma source(%arg10 : memref<128x128xf32, #tpu.memory_space<vmem>>) target(%dma_start3A_216 : memref<10240x128xf32, #tpu.memory_space<vmem_shared>>) offsets(%dma_start3A_213 : memref<128xi32, #tpu.memory_space<vmem>>) semaphore(%arg15 : memref<!tpu.dma_semaphore, #tpu.memory_space<semaphore_mem>>) {add = true}
      %dma_wait3A_217 = arith.constant 0 : i32
      %dma_wait3A_218 = tpu.memref_slice %arg7[%add3A_194, %dma_wait3A_217] : memref<40x128xi32, #tpu.memory_space<vmem>> -> memref<1x128xi32, #tpu.memory_space<vmem>>
      %dma_wait3A_219 = tpu.memref_squeeze %dma_wait3A_218 : memref<1x128xi32, #tpu.memory_space<vmem>> -> memref<128xi32, #tpu.memory_space<vmem>>
      %dma_wait3A_220 = arith.constant 0 : i32
      %dma_wait3A_221 = arith.constant 0 : i32
      %dma_wait3A_222 = tpu.memref_slice %arg2[%dma_wait3A_220, %dma_wait3A_221] : memref<10240x128xf32, #tpu.memory_space<hbm>> -> memref<10240x128xf32, #tpu.memory_space<hbm>>
      tpu.wait_indirect_dma semaphore(%arg14 : memref<!tpu.dma_semaphore, #tpu.memory_space<semaphore_mem>>) src(%dma_wait3A_222 : memref<10240x128xf32, #tpu.memory_space<hbm>>) dst(%arg11 : memref<128x128xf32, #tpu.memory_space<vmem>>)
      %parallel_loop3A_223 = arith.constant 0 : i32
      %parallel_loop3A_224 = arith.constant 128 : i32
      %parallel_loop3A_225 = arith.constant 1 : i32
      scf.for %parallel_loop3A_244 = %parallel_loop3A_223 to %parallel_loop3A_224 step %parallel_loop3A_225  : i32 {
        %parallel_loop3A_245 = arith.constant 0 : i32
        %parallel_loop3A_246 = vector.broadcast %parallel_loop3A_245 : i32 to vector<16xi32>
        %parallel_loop3A_247 = arith.constant 128 : i32
        %parallel_loop3A_248 = arith.muli %add3A_194, %parallel_loop3A_247 : i32
        %parallel_loop3A_249 = arith.addi %parallel_loop3A_248, %parallel_loop3A_244 : i32
        %parallel_loop3A_250 = vector.broadcast %parallel_loop3A_249 : i32 to vector<16xi32>
        %parallel_loop3A_251 = arith.addi %parallel_loop3A_246, %parallel_loop3A_250 : vector<16xi32>
        %parallel_loop3A_252 = tpu.vector_load_idx %arg9[%parallel_loop3A_251] : memref<5120xf32, #tpu.memory_space<vmem>>[vector<16xi32>], vector<16xf32>,
        %parallel_loop3A_253 = arith.index_cast %parallel_loop3A_244 : i32 to index
        %parallel_loop3A_254 = arith.constant 0 : index
        %parallel_loop3A_255 = tpu.vector_load %arg11[%parallel_loop3A_253, %parallel_loop3A_254] {strides = array<i32>} : memref<128x128xf32, #tpu.memory_space<vmem>>, vector<16xf32>,
        %parallel_loop3A_256 = arith.mulf %parallel_loop3A_255, %parallel_loop3A_252 : vector<16xf32>
        %parallel_loop3A_257 = arith.index_cast %parallel_loop3A_244 : i32 to index
        %parallel_loop3A_258 = arith.constant 0 : index
        %parallel_loop3A_259 = tpu.vector_load %arg11[%parallel_loop3A_257, %parallel_loop3A_258] {strides = array<i32>} : memref<128x128xf32, #tpu.memory_space<vmem>>, vector<16xf32>,
        tpu.vector_store %arg11[%parallel_loop3A_257, %parallel_loop3A_258], %parallel_loop3A_256 {strides = array<i32>} : memref<128x128xf32, #tpu.memory_space<vmem>>, vector<16xf32>,
        %parallel_loop3A_260 = arith.index_cast %parallel_loop3A_244 : i32 to index
        %parallel_loop3A_261 = arith.constant 16 : index
        %parallel_loop3A_262 = tpu.vector_load %arg11[%parallel_loop3A_260, %parallel_loop3A_261] {strides = array<i32>} : memref<128x128xf32, #tpu.memory_space<vmem>>, vector<16xf32>,
        %parallel_loop3A_263 = arith.mulf %parallel_loop3A_262, %parallel_loop3A_252 : vector<16xf32>
        %parallel_loop3A_264 = arith.index_cast %parallel_loop3A_244 : i32 to index
        %parallel_loop3A_265 = arith.constant 16 : index
        %parallel_loop3A_266 = tpu.vector_load %arg11[%parallel_loop3A_264, %parallel_loop3A_265] {strides = array<i32>} : memref<128x128xf32, #tpu.memory_space<vmem>>, vector<16xf32>,
        tpu.vector_store %arg11[%parallel_loop3A_264, %parallel_loop3A_265], %parallel_loop3A_263 {strides = array<i32>} : memref<128x128xf32, #tpu.memory_space<vmem>>, vector<16xf32>,
        %parallel_loop3A_267 = arith.index_cast %parallel_loop3A_244 : i32 to index
        %parallel_loop3A_268 = arith.constant 32 : index
        %parallel_loop3A_269 = tpu.vector_load %arg11[%parallel_loop3A_267, %parallel_loop3A_268] {strides = array<i32>} : memref<128x128xf32, #tpu.memory_space<vmem>>, vector<16xf32>,
        %parallel_loop3A_270 = arith.mulf %parallel_loop3A_269, %parallel_loop3A_252 : vector<16xf32>
        %parallel_loop3A_271 = arith.index_cast %parallel_loop3A_244 : i32 to index
        %parallel_loop3A_272 = arith.constant 32 : index
        %parallel_loop3A_273 = tpu.vector_load %arg11[%parallel_loop3A_271, %parallel_loop3A_272] {strides = array<i32>} : memref<128x128xf32, #tpu.memory_space<vmem>>, vector<16xf32>,
        tpu.vector_store %arg11[%parallel_loop3A_271, %parallel_loop3A_272], %parallel_loop3A_270 {strides = array<i32>} : memref<128x128xf32, #tpu.memory_space<vmem>>, vector<16xf32>,
        %parallel_loop3A_274 = arith.index_cast %parallel_loop3A_244 : i32 to index
        %parallel_loop3A_275 = arith.constant 48 : index
        %parallel_loop3A_276 = tpu.vector_load %arg11[%parallel_loop3A_274, %parallel_loop3A_275] {strides = array<i32>} : memref<128x128xf32, #tpu.memory_space<vmem>>, vector<16xf32>,
        %parallel_loop3A_277 = arith.mulf %parallel_loop3A_276, %parallel_loop3A_252 : vector<16xf32>
        %parallel_loop3A_278 = arith.index_cast %parallel_loop3A_244 : i32 to index
        %parallel_loop3A_279 = arith.constant 48 : index
        %parallel_loop3A_280 = tpu.vector_load %arg11[%parallel_loop3A_278, %parallel_loop3A_279] {strides = array<i32>} : memref<128x128xf32, #tpu.memory_space<vmem>>, vector<16xf32>,
        tpu.vector_store %arg11[%parallel_loop3A_278, %parallel_loop3A_279], %parallel_loop3A_277 {strides = array<i32>} : memref<128x128xf32, #tpu.memory_space<vmem>>, vector<16xf32>,
        %parallel_loop3A_281 = arith.index_cast %parallel_loop3A_244 : i32 to index
        %parallel_loop3A_282 = arith.constant 64 : index
        %parallel_loop3A_283 = tpu.vector_load %arg11[%parallel_loop3A_281, %parallel_loop3A_282] {strides = array<i32>} : memref<128x128xf32, #tpu.memory_space<vmem>>, vector<16xf32>,
        %parallel_loop3A_284 = arith.mulf %parallel_loop3A_283, %parallel_loop3A_252 : vector<16xf32>
        %parallel_loop3A_285 = arith.index_cast %parallel_loop3A_244 : i32 to index
        %parallel_loop3A_286 = arith.constant 64 : index
        %parallel_loop3A_287 = tpu.vector_load %arg11[%parallel_loop3A_285, %parallel_loop3A_286] {strides = array<i32>} : memref<128x128xf32, #tpu.memory_space<vmem>>, vector<16xf32>,
        tpu.vector_store %arg11[%parallel_loop3A_285, %parallel_loop3A_286], %parallel_loop3A_284 {strides = array<i32>} : memref<128x128xf32, #tpu.memory_space<vmem>>, vector<16xf32>,
        %parallel_loop3A_288 = arith.index_cast %parallel_loop3A_244 : i32 to index
        %parallel_loop3A_289 = arith.constant 80 : index
        %parallel_loop3A_290 = tpu.vector_load %arg11[%parallel_loop3A_288, %parallel_loop3A_289] {strides = array<i32>} : memref<128x128xf32, #tpu.memory_space<vmem>>, vector<16xf32>,
        %parallel_loop3A_291 = arith.mulf %parallel_loop3A_290, %parallel_loop3A_252 : vector<16xf32>
        %parallel_loop3A_292 = arith.index_cast %parallel_loop3A_244 : i32 to index
        %parallel_loop3A_293 = arith.constant 80 : index
        %parallel_loop3A_294 = tpu.vector_load %arg11[%parallel_loop3A_292, %parallel_loop3A_293] {strides = array<i32>} : memref<128x128xf32, #tpu.memory_space<vmem>>, vector<16xf32>,
        tpu.vector_store %arg11[%parallel_loop3A_292, %parallel_loop3A_293], %parallel_loop3A_291 {strides = array<i32>} : memref<128x128xf32, #tpu.memory_space<vmem>>, vector<16xf32>,
        %parallel_loop3A_295 = arith.index_cast %parallel_loop3A_244 : i32 to index
        %parallel_loop3A_296 = arith.constant 96 : index
        %parallel_loop3A_297 = tpu.vector_load %arg11[%parallel_loop3A_295, %parallel_loop3A_296] {strides = array<i32>} : memref<128x128xf32, #tpu.memory_space<vmem>>, vector<16xf32>,
        %parallel_loop3A_298 = arith.mulf %parallel_loop3A_297, %parallel_loop3A_252 : vector<16xf32>
        %parallel_loop3A_299 = arith.index_cast %parallel_loop3A_244 : i32 to index
        %parallel_loop3A_300 = arith.constant 96 : index
        %parallel_loop3A_301 = tpu.vector_load %arg11[%parallel_loop3A_299, %parallel_loop3A_300] {strides = array<i32>} : memref<128x128xf32, #tpu.memory_space<vmem>>, vector<16xf32>,
        tpu.vector_store %arg11[%parallel_loop3A_299, %parallel_loop3A_300], %parallel_loop3A_298 {strides = array<i32>} : memref<128x128xf32, #tpu.memory_space<vmem>>, vector<16xf32>,
        %parallel_loop3A_302 = arith.index_cast %parallel_loop3A_244 : i32 to index
        %parallel_loop3A_303 = arith.constant 112 : index
        %parallel_loop3A_304 = tpu.vector_load %arg11[%parallel_loop3A_302, %parallel_loop3A_303] {strides = array<i32>} : memref<128x128xf32, #tpu.memory_space<vmem>>, vector<16xf32>,
        %parallel_loop3A_305 = arith.mulf %parallel_loop3A_304, %parallel_loop3A_252 : vector<16xf32>
        %parallel_loop3A_306 = arith.index_cast %parallel_loop3A_244 : i32 to index
        %parallel_loop3A_307 = arith.constant 112 : index
        %parallel_loop3A_308 = tpu.vector_load %arg11[%parallel_loop3A_306, %parallel_loop3A_307] {strides = array<i32>} : memref<128x128xf32, #tpu.memory_space<vmem>>, vector<16xf32>,
        tpu.vector_store %arg11[%parallel_loop3A_306, %parallel_loop3A_307], %parallel_loop3A_305 {strides = array<i32>} : memref<128x128xf32, #tpu.memory_space<vmem>>, vector<16xf32>,
      } {sc.loop_unroll_factor = 2 : i64, sc.parallel_access}
      %dma_start3A_226 = arith.constant 0 : i32
      %dma_start3A_227 = tpu.memref_slice %arg8[%add3A_194, %dma_start3A_226] : memref<40x128xi32, #tpu.memory_space<vmem>> -> memref<1x128xi32, #tpu.memory_space<vmem>>
      %dma_start3A_228 = tpu.memref_squeeze %dma_start3A_227 : memref<1x128xi32, #tpu.memory_space<vmem>> -> memref<128xi32, #tpu.memory_space<vmem>>
      %dma_start3A_229 = arith.constant 0 : i32
      %dma_start3A_230 = arith.constant 0 : i32
      %dma_start3A_231 = tpu.memref_slice %arg12[%dma_start3A_229, %dma_start3A_230] : memref<10240x128xf32, #tpu.memory_space<vmem_shared>> -> memref<10240x128xf32, #tpu.memory_space<vmem_shared>>
      tpu.enqueue_indirect_dma source(%arg11 : memref<128x128xf32, #tpu.memory_space<vmem>>) target(%dma_start3A_231 : memref<10240x128xf32, #tpu.memory_space<vmem_shared>>) offsets(%dma_start3A_228 : memref<128xi32, #tpu.memory_space<vmem>>) semaphore(%arg16 : memref<!tpu.dma_semaphore, #tpu.memory_space<semaphore_mem>>) {add = true}
      %dma_wait3A_232 = arith.constant 0 : i32
      %dma_wait3A_233 = arith.constant 0 : i32
      %dma_wait3A_234 = tpu.memref_slice %arg7[%dma_wait3A_232, %dma_wait3A_233] : memref<40x128xi32, #tpu.memory_space<vmem>> -> memref<1x128xi32, #tpu.memory_space<vmem>>
      %dma_wait3A_235 = tpu.memref_squeeze %dma_wait3A_234 : memref<1x128xi32, #tpu.memory_space<vmem>> -> memref<128xi32, #tpu.memory_space<vmem>>
      %dma_wait3A_236 = arith.constant 0 : i32
      %dma_wait3A_237 = arith.constant 0 : i32
      %dma_wait3A_238 = tpu.memref_slice %arg2[%dma_wait3A_236, %dma_wait3A_237] : memref<10240x128xf32, #tpu.memory_space<hbm>> -> memref<10240x128xf32, #tpu.memory_space<hbm>>
      tpu.wait_indirect_dma semaphore(%arg15 : memref<!tpu.dma_semaphore, #tpu.memory_space<semaphore_mem>>) src(%dma_wait3A_238 : memref<10240x128xf32, #tpu.memory_space<hbm>>) dst(%arg10 : memref<128x128xf32, #tpu.memory_space<vmem>>)
      %lt3A = arith.constant 19 : i32
      %lt3A_239 = arith.cmpi slt, %scan3A_189, %lt3A : i32
      %convert_element_type3A_240 = arith.extui %lt3A_239 : i1 to i32
      %cond3A_241 = arith.constant 0 : i32
      %cond3A_242 = arith.cmpi ne, %convert_element_type3A_240, %cond3A_241 : i32
      scf.if %cond3A_242 {
        %add3A_244 = arith.constant 2 : i32
        %add3A_245 = arith.addi %mul3A_192, %add3A_244 : i32
        %dma_start3A_246 = arith.constant 0 : i32
        %dma_start3A_247 = tpu.memref_slice %arg7[%add3A_245, %dma_start3A_246] : memref<40x128xi32, #tpu.memory_space<vmem>> -> memref<1x128xi32, #tpu.memory_space<vmem>>
        %dma_start3A_248 = tpu.memref_squeeze %dma_start3A_247 : memref<1x128xi32, #tpu.memory_space<vmem>> -> memref<128xi32, #tpu.memory_space<vmem>>
        %dma_start3A_249 = arith.constant 0 : i32
        %dma_start3A_250 = arith.constant 0 : i32
        %dma_start3A_251 = tpu.memref_slice %arg2[%dma_start3A_249, %dma_start3A_250] : memref<10240x128xf32, #tpu.memory_space<hbm>> -> memref<10240x128xf32, #tpu.memory_space<hbm>>
        tpu.enqueue_indirect_dma source(%dma_start3A_251 : memref<10240x128xf32, #tpu.memory_space<hbm>>) target(%arg10 : memref<128x128xf32, #tpu.memory_space<vmem>>) offsets(%dma_start3A_248 : memref<128xi32, #tpu.memory_space<vmem>>) semaphore(%arg13 : memref<!tpu.dma_semaphore, #tpu.memory_space<semaphore_mem>>)
      } else {
      }
      %scan3A_243 = arith.constant 0 : i32
      scf.yield %scan3A_243 : i32
    }
    %scan3A_174 = arith.constant 20 : i32
    %dma_wait3A_175 = arith.constant 0 : i32
    %dma_wait3A_176 = arith.constant 0 : i32
    %dma_wait3A_177 = tpu.memref_slice %arg7[%dma_wait3A_175, %dma_wait3A_176] : memref<40x128xi32, #tpu.memory_space<vmem>> -> memref<1x128xi32, #tpu.memory_space<vmem>>
    %dma_wait3A_178 = tpu.memref_squeeze %dma_wait3A_177 : memref<1x128xi32, #tpu.memory_space<vmem>> -> memref<128xi32, #tpu.memory_space<vmem>>
    %dma_wait3A_179 = arith.constant 0 : i32
    %dma_wait3A_180 = arith.constant 0 : i32
    %dma_wait3A_181 = tpu.memref_slice %arg2[%dma_wait3A_179, %dma_wait3A_180] : memref<10240x128xf32, #tpu.memory_space<hbm>> -> memref<10240x128xf32, #tpu.memory_space<hbm>>
    tpu.wait_indirect_dma semaphore(%arg16 : memref<!tpu.dma_semaphore, #tpu.memory_space<semaphore_mem>>) src(%dma_wait3A_181 : memref<10240x128xf32, #tpu.memory_space<hbm>>) dst(%arg11 : memref<128x128xf32, #tpu.memory_space<vmem>>)
    %barrier3A_182 = arith.constant 0 : index
    tpu.barrier barrier_id(%barrier3A_182)
    %mul3A_183 = arith.constant 640 : i32
    %mul3A_184 = arith.muli %arg1, %mul3A_183 : i32
    %mul3A_185 = arith.constant 640 : i32
    %mul3A_186 = arith.muli %arg1, %mul3A_185 : i32
    %run_scoped3A_187 = arith.constant 2 : i32
    "tpu.region"() ({
      %run_scoped3A_189 = tpu.sem_alloc : memref<!tpu.dma_semaphore, #tpu.memory_space<semaphore_mem>>
      %dma_start3A_190 = arith.constant 0 : i32
      %dma_start3A_191 = tpu.memref_slice %arg6[%run_scoped3A_187, %arg0, %mul3A_186, %dma_start3A_190] : memref<3x2x10240x128xf32, #tpu.memory_space<hbm>> -> memref<1x1x640x128xf32, #tpu.memory_space<hbm>>
      %dma_start3A_192 = tpu.memref_squeeze %dma_start3A_191 : memref<1x1x640x128xf32, #tpu.memory_space<hbm>> -> memref<640x128xf32, #tpu.memory_space<hbm>>
      %dma_start3A_193 = arith.constant 0 : i32
      %dma_start3A_194 = tpu.memref_slice %arg12[%mul3A_184, %dma_start3A_193] : memref<10240x128xf32, #tpu.memory_space<vmem_shared>> -> memref<640x128xf32, #tpu.memory_space<vmem_shared>>
      tpu.enqueue_dma source(%dma_start3A_194 : memref<640x128xf32, #tpu.memory_space<vmem_shared>>) target(%dma_start3A_192 : memref<640x128xf32, #tpu.memory_space<hbm>>) target_semaphore(%run_scoped3A_189 : memref<!tpu.dma_semaphore, #tpu.memory_space<semaphore_mem>>)
      %dma_wait3A_195 = arith.constant 0 : i32
      %dma_wait3A_196 = tpu.memref_slice %arg6[%run_scoped3A_187, %arg0, %mul3A_186, %dma_wait3A_195] : memref<3x2x10240x128xf32, #tpu.memory_space<hbm>> -> memref<1x1x640x128xf32, #tpu.memory_space<hbm>>
      %dma_wait3A_197 = tpu.memref_squeeze %dma_wait3A_196 : memref<1x1x640x128xf32, #tpu.memory_space<hbm>> -> memref<640x128xf32, #tpu.memory_space<hbm>>
      %dma_wait3A_198 = arith.constant 0 : i32
      %dma_wait3A_199 = tpu.memref_slice %arg12[%mul3A_184, %dma_wait3A_198] : memref<10240x128xf32, #tpu.memory_space<vmem_shared>> -> memref<640x128xf32, #tpu.memory_space<vmem_shared>>
      tpu.wait_dma2 semaphore(%run_scoped3A_189 : memref<!tpu.dma_semaphore, #tpu.memory_space<semaphore_mem>>) src(%dma_wait3A_199 : memref<640x128xf32, #tpu.memory_space<vmem_shared>>) dst(%dma_wait3A_197 : memref<640x128xf32, #tpu.memory_space<hbm>>)
      tpu.yield
    }) : () -> ()
    %barrier3A_188 = arith.constant 0 : index
    tpu.barrier barrier_id(%barrier3A_188)
    return
  }
}

module attributes {stable_mosaic.version = 14 : i64} {
  func.func @_k1_body(%arg0: i32, %arg1: memref<1280x128xf32, #tpu.memory_space<vmem>>, %arg2: memref<128x128xf32, #tpu.memory_space<vmem>>, %arg3: memref<1280x128xf32, #tpu.memory_space<vmem>>) attributes {dimension_semantics = [#tpu.dimension_semantics<arbitrary>], iteration_bounds = array<i64: 8>, scalar_prefetch = 0 : i64, scratch_operands = 0 : i64, tpu.core_type = #tpu.core_type<tc>, window_params = [{transform_indices = @transform_0, window_bounds = array<i64: 1280, 128>}, {pipeline_mode = #tpu.pipeline_mode<synchronous>, transform_indices = @transform_1, window_bounds = array<i64: 128, 128>}, {transform_indices = @transform_2, window_bounds = array<i64: 1280, 128>}]} {
    %get3A = arith.constant 0 : index
    %get3A_0 = arith.constant 0 : index
    %get3A_1 = vector.load %arg1[%get3A, %get3A_0] : memref<1280x128xf32, #tpu.memory_space<vmem>>, vector<1280x128xf32>
    %get3A_2 = arith.constant 0 : index
    %get3A_3 = arith.constant 0 : index
    %get3A_4 = vector.load %arg2[%get3A_2, %get3A_3] : memref<128x128xf32, #tpu.memory_space<vmem>>, vector<128x128xf32>
    %dot_general3A = arith.constant dense<0.000000e+00> : vector<1280x128xf32>
    %dot_general3A_5 = tpu.matmul %get3A_1, %get3A_4, %dot_general3A {dimension_numbers = #tpu.dot_dimension_numbers<[1], [0], [0], [1], [0, 0, 1, 1], [], []>, transpose_lhs_hint = false} : vector<1280x128xf32>, vector<128x128xf32>, vector<1280x128xf32> -> vector<1280x128xf32>
    %swap3A = arith.constant 0 : index
    %swap3A_6 = arith.constant 0 : index
    %swap3A_7 = vector.load %arg3[%swap3A, %swap3A_6] : memref<1280x128xf32, #tpu.memory_space<vmem>>, vector<1280x128xf32>
    tpu.vector_store %arg3[%swap3A, %swap3A_6], %dot_general3A_5 {strides = array<i32>} : memref<1280x128xf32, #tpu.memory_space<vmem>>, vector<1280x128xf32>,
    return
  }
  func.func @transform_0(%arg0: i32) -> (i32, i32) {
    %c0_i32 = arith.constant 0 : i32
    %c0_i32_0 = arith.constant 0 : i32
    return %arg0, %c0_i32 : i32, i32
  }
  func.func @transform_1(%arg0: i32) -> (i32, i32) {
    %c0_i32 = arith.constant 0 : i32
    %c0_i32_0 = arith.constant 0 : i32
    %c0_i32_1 = arith.constant 0 : i32
    return %c0_i32, %c0_i32_0 : i32, i32
  }
  func.func @transform_2(%arg0: i32) -> (i32, i32) {
    %c0_i32 = arith.constant 0 : i32
    %c0_i32_0 = arith.constant 0 : i32
    return %arg0, %c0_i32 : i32, i32
  }
}

module attributes {stable_mosaic.version = 14 : i64} {
  func.func @_k2b_body(%arg0: i32, %arg1: memref<3x1280x128xf32, #tpu.memory_space<vmem>>, %arg2: memref<3x128xf32, #tpu.memory_space<vmem>>, %arg3: memref<1280x128xf32, #tpu.memory_space<vmem>>) attributes {dimension_semantics = [#tpu.dimension_semantics<arbitrary>], iteration_bounds = array<i64: 8>, scalar_prefetch = 0 : i64, scratch_operands = 0 : i64, tpu.core_type = #tpu.core_type<tc>, window_params = [{transform_indices = @transform_0, window_bounds = array<i64: 3, 1280, 128>}, {pipeline_mode = #tpu.pipeline_mode<synchronous>, transform_indices = @transform_1, window_bounds = array<i64: 3, 128>}, {transform_indices = @transform_2, window_bounds = array<i64: 1280, 128>}]} {
    %get3A = arith.constant 0 : index
    %get3A_0 = arith.constant 0 : index
    %get3A_1 = arith.constant 0 : index
    %get3A_2 = vector.load %arg1[%get3A, %get3A_0, %get3A_1] : memref<3x1280x128xf32, #tpu.memory_space<vmem>>, vector<1x1280x128xf32>
    %get3A_3 = vector.shape_cast %get3A_2 : vector<1x1280x128xf32> to vector<1280x128xf32>
    %get3A_4 = arith.constant 0 : index
    %get3A_5 = arith.constant 0 : index
    %get3A_6 = vector.load %arg2[%get3A_4, %get3A_5] : memref<3x128xf32, #tpu.memory_space<vmem>>, vector<1x128xf32>
    %mul3A = vector.broadcast %get3A_6 : vector<1x128xf32> to vector<1280x128xf32>
    %mul3A_7 = arith.mulf %get3A_3, %mul3A : vector<1280x128xf32>
    %get3A_8 = arith.constant 1 : index
    %get3A_9 = arith.constant 0 : index
    %get3A_10 = arith.constant 0 : index
    %get3A_11 = vector.load %arg1[%get3A_8, %get3A_9, %get3A_10] : memref<3x1280x128xf32, #tpu.memory_space<vmem>>, vector<1x1280x128xf32>
    %get3A_12 = vector.shape_cast %get3A_11 : vector<1x1280x128xf32> to vector<1280x128xf32>
    %get3A_13 = arith.constant 1 : index
    %get3A_14 = arith.constant 0 : index
    %get3A_15 = vector.load %arg2[%get3A_13, %get3A_14] : memref<3x128xf32, #tpu.memory_space<vmem>>, vector<1x128xf32>
    %mul3A_16 = vector.broadcast %get3A_15 : vector<1x128xf32> to vector<1280x128xf32>
    %mul3A_17 = arith.mulf %get3A_12, %mul3A_16 : vector<1280x128xf32>
    %add3A = arith.addf %mul3A_7, %mul3A_17 : vector<1280x128xf32>
    %get3A_18 = arith.constant 2 : index
    %get3A_19 = arith.constant 0 : index
    %get3A_20 = arith.constant 0 : index
    %get3A_21 = vector.load %arg1[%get3A_18, %get3A_19, %get3A_20] : memref<3x1280x128xf32, #tpu.memory_space<vmem>>, vector<1x1280x128xf32>
    %get3A_22 = vector.shape_cast %get3A_21 : vector<1x1280x128xf32> to vector<1280x128xf32>
    %get3A_23 = arith.constant 2 : index
    %get3A_24 = arith.constant 0 : index
    %get3A_25 = vector.load %arg2[%get3A_23, %get3A_24] : memref<3x128xf32, #tpu.memory_space<vmem>>, vector<1x128xf32>
    %mul3A_26 = vector.broadcast %get3A_25 : vector<1x128xf32> to vector<1280x128xf32>
    %mul3A_27 = arith.mulf %get3A_22, %mul3A_26 : vector<1280x128xf32>
    %add3A_28 = arith.addf %add3A, %mul3A_27 : vector<1280x128xf32>
    %swap3A = arith.constant 0 : index
    %swap3A_29 = arith.constant 0 : index
    %swap3A_30 = vector.load %arg3[%swap3A, %swap3A_29] : memref<1280x128xf32, #tpu.memory_space<vmem>>, vector<1280x128xf32>
    tpu.vector_store %arg3[%swap3A, %swap3A_29], %add3A_28 {strides = array<i32>} : memref<1280x128xf32, #tpu.memory_space<vmem>>, vector<1280x128xf32>,
    return
  }
  func.func @transform_0(%arg0: i32) -> (i32, i32, i32) {
    %c0_i32 = arith.constant 0 : i32
    %c0_i32_0 = arith.constant 0 : i32
    %c0_i32_1 = arith.constant 0 : i32
    return %c0_i32, %arg0, %c0_i32_0 : i32, i32, i32
  }
  func.func @transform_1(%arg0: i32) -> (i32, i32) {
    %c0_i32 = arith.constant 0 : i32
    %c0_i32_0 = arith.constant 0 : i32
    %c0_i32_1 = arith.constant 0 : i32
    return %c0_i32, %c0_i32_0 : i32, i32
  }
  func.func @transform_2(%arg0: i32) -> (i32, i32) {
    %c0_i32 = arith.constant 0 : i32
    %c0_i32_0 = arith.constant 0 : i32
    return %arg0, %c0_i32 : i32, i32
  }
}

module attributes {stable_mosaic.version = 14 : i64} {
  func.func @_k2a_body(%arg0: i32, %arg1: memref<3x2x1280x128xf32, #tpu.memory_space<vmem>>, %arg2: memref<3x1280x32xf32, #tpu.memory_space<vmem>>, %arg3: memref<3x128xf32, #tpu.memory_space<vmem>>, %arg4: memref<128x128xf32, #tpu.memory_space<vmem>>, %arg5: memref<1x128xf32, #tpu.memory_space<vmem>>, %arg6: memref<128x1xf32, #tpu.memory_space<vmem>>, %arg7: memref<3x1280x128xf32, #tpu.memory_space<vmem>>, %arg8: memref<1x1x128xf32, #tpu.memory_space<vmem>>) attributes {dimension_semantics = [#tpu.dimension_semantics<arbitrary>], iteration_bounds = array<i64: 8>, scalar_prefetch = 0 : i64, scratch_operands = 0 : i64, tpu.core_type = #tpu.core_type<tc>, window_params = [{transform_indices = @transform_0, window_bounds = array<i64: 3, 2, 1280, 128>}, {transform_indices = @transform_1, window_bounds = array<i64: 3, 1280, 32>}, {pipeline_mode = #tpu.pipeline_mode<synchronous>, transform_indices = @transform_2, window_bounds = array<i64: 3, 128>}, {pipeline_mode = #tpu.pipeline_mode<synchronous>, transform_indices = @transform_3, window_bounds = array<i64: 128, 128>}, {pipeline_mode = #tpu.pipeline_mode<synchronous>, transform_indices = @transform_4, window_bounds = array<i64: 1, 128>}, {pipeline_mode = #tpu.pipeline_mode<synchronous>, transform_indices = @transform_5, window_bounds = array<i64: 128, 1>}, {transform_indices = @transform_6, window_bounds = array<i64: 3, 1280, 128>}, {transform_indices = @transform_7, window_bounds = array<i64: 1, 1, 128>}]} {
    %iota3A = tpu.iota {dimensions = array<i32: 1>} : vector<1x128xi32>
    %iota3A_0 = tpu.iota {dimensions = array<i32: 0>} : vector<1280x1xi32>
    %mul3A = arith.constant 1280 : i32
    %mul3A_1 = arith.muli %arg0, %mul3A : i32
    %add3A = vector.broadcast %mul3A_1 : i32 to vector<1280x1xi32>
    %add3A_2 = arith.addi %iota3A_0, %add3A : vector<1280x1xi32>
    %lt3A = arith.constant 10000 : i32
    %lt3A_3 = vector.broadcast %lt3A : i32 to vector<1280x1xi32>
    %lt3A_4 = arith.cmpi slt, %add3A_2, %lt3A_3 : vector<1280x1xi32>
    %convert_element_type3A = arith.extui %lt3A_4 : vector<1280x1xi1> to vector<1280x1xi32>
    %convert_element_type3A_5 = arith.sitofp %convert_element_type3A : vector<1280x1xi32> to vector<1280x1xf32>
    %broadcast_in_dim3A = arith.constant 0.000000e+00 : f32
    %broadcast_in_dim3A_6 = vector.broadcast %broadcast_in_dim3A : f32 to vector<1x1x128xf32>
    %get3A = arith.constant 0 : index
    %get3A_7 = arith.constant 0 : index
    %get3A_8 = arith.constant 0 : index
    %get3A_9 = arith.constant 0 : index
    %get3A_10 = vector.load %arg1[%get3A, %get3A_7, %get3A_8, %get3A_9] : memref<3x2x1280x128xf32, #tpu.memory_space<vmem>>, vector<1x1x1280x128xf32>
    %get3A_11 = vector.shape_cast %get3A_10 : vector<1x1x1280x128xf32> to vector<1280x128xf32>
    %get3A_12 = arith.constant 0 : index
    %get3A_13 = arith.constant 1 : index
    %get3A_14 = arith.constant 0 : index
    %get3A_15 = arith.constant 0 : index
    %get3A_16 = vector.load %arg1[%get3A_12, %get3A_13, %get3A_14, %get3A_15] : memref<3x2x1280x128xf32, #tpu.memory_space<vmem>>, vector<1x1x1280x128xf32>
    %get3A_17 = vector.shape_cast %get3A_16 : vector<1x1x1280x128xf32> to vector<1280x128xf32>
    %add3A_18 = arith.addf %get3A_11, %get3A_17 : vector<1280x128xf32>
    %get3A_19 = arith.constant 0 : index
    %get3A_20 = arith.constant 0 : index
    %get3A_21 = arith.constant 0 : index
    %get3A_22 = vector.load %arg2[%get3A_19, %get3A_20, %get3A_21] : memref<3x1280x32xf32, #tpu.memory_space<vmem>>, vector<1x1280x32xf32>
    %get3A_23 = vector.shape_cast %get3A_22 : vector<1x1280x32xf32> to vector<1280x32xf32>
    %reduce_sum3A = arith.constant dense<0.000000e+00> : vector<1280xf32>
    %reduce_sum3A_24 = vector.multi_reduction <add>, %get3A_23, %reduce_sum3A [1] : vector<1280x32xf32> to vector<1280xf32>
    %broadcast_in_dim3A_25 = vector.shape_cast %reduce_sum3A_24 : vector<1280xf32> to vector<1280x1xf32>
    %add3A_26 = arith.constant 1.000000e-16 : f32
    %add3A_27 = vector.broadcast %add3A_26 : f32 to vector<1280x1xf32>
    %add3A_28 = arith.addf %broadcast_in_dim3A_25, %add3A_27 : vector<1280x1xf32>
    %div3A = vector.broadcast %add3A_28 : vector<1280x1xf32> to vector<1280x128xf32>
    %div3A_29 = arith.divf %add3A_18, %div3A : vector<1280x128xf32>
    %get3A_30 = arith.constant 0 : index
    %get3A_31 = arith.constant 0 : index
    %get3A_32 = vector.load %arg3[%get3A_30, %get3A_31] : memref<3x128xf32, #tpu.memory_space<vmem>>, vector<1x128xf32>
    %add3A_33 = vector.broadcast %get3A_32 : vector<1x128xf32> to vector<1280x128xf32>
    %add3A_34 = arith.addf %div3A_29, %add3A_33 : vector<1280x128xf32>
    %swap3A = arith.constant 0 : index
    %swap3A_35 = arith.constant 0 : index
    %swap3A_36 = arith.constant 0 : index
    %swap3A_37 = vector.load %arg7[%swap3A, %swap3A_35, %swap3A_36] : memref<3x1280x128xf32, #tpu.memory_space<vmem>>, vector<1x1280x128xf32>
    %swap3A_38 = vector.shape_cast %swap3A_37 : vector<1x1280x128xf32> to vector<1280x128xf32>
    %swap3A_39 = vector.shape_cast %add3A_34 : vector<1280x128xf32> to vector<1x1280x128xf32>
    tpu.vector_store %arg7[%swap3A, %swap3A_35, %swap3A_36], %swap3A_39 {strides = array<i32>} : memref<3x1280x128xf32, #tpu.memory_space<vmem>>, vector<1x1280x128xf32>,
    %get3A_40 = arith.constant 0 : index
    %get3A_41 = arith.constant 0 : index
    %get3A_42 = vector.load %arg4[%get3A_40, %get3A_41] : memref<128x128xf32, #tpu.memory_space<vmem>>, vector<128x128xf32>
    %dot_general3A = arith.constant dense<0.000000e+00> : vector<1280x128xf32>
    %dot_general3A_43 = tpu.matmul %add3A_34, %get3A_42, %dot_general3A {dimension_numbers = #tpu.dot_dimension_numbers<[1], [0], [0], [1], [0, 0, 1, 1], [], []>, transpose_lhs_hint = false} : vector<1280x128xf32>, vector<128x128xf32>, vector<1280x128xf32> -> vector<1280x128xf32>
    %get3A_44 = arith.constant 0 : index
    %get3A_45 = arith.constant 0 : index
    %get3A_46 = vector.load %arg5[%get3A_44, %get3A_45] : memref<1x128xf32, #tpu.memory_space<vmem>>, vector<1x128xf32>
    %add3A_47 = vector.broadcast %get3A_46 : vector<1x128xf32> to vector<1280x128xf32>
    %add3A_48 = arith.addf %dot_general3A_43, %add3A_47 : vector<1280x128xf32>
    %tanh3A = math.tanh %add3A_48 : vector<1280x128xf32>
    %get3A_49 = arith.constant 0 : index
    %get3A_50 = arith.constant 0 : index
    %get3A_51 = vector.load %arg6[%get3A_49, %get3A_50] : memref<128x1xf32, #tpu.memory_space<vmem>>, vector<128x1xf32>
    %dot_general3A_52 = arith.constant dense<0.000000e+00> : vector<1280x1xf32>
    %dot_general3A_53 = tpu.matmul %tanh3A, %get3A_51, %dot_general3A_52 {dimension_numbers = #tpu.dot_dimension_numbers<[1], [0], [0], [1], [0, 0, 1, 1], [], []>, transpose_lhs_hint = false} : vector<1280x128xf32>, vector<128x1xf32>, vector<1280x1xf32> -> vector<1280x1xf32>
    %mul3A_54 = arith.mulf %dot_general3A_53, %convert_element_type3A_5 : vector<1280x1xf32>
    %reduce_sum3A_55 = vector.shape_cast %mul3A_54 : vector<1280x1xf32> to vector<1x1280x1xf32>
    %reduce_sum3A_56 = arith.constant dense<0.000000e+00> : vector<1xf32>
    %reduce_sum3A_57 = vector.multi_reduction <add>, %reduce_sum3A_55, %reduce_sum3A_56 [1, 2] : vector<1x1280x1xf32> to vector<1xf32>
    %reduce_sum3A_58 = vector.shape_cast %reduce_sum3A_57 : vector<1xf32> to vector<1x1x1xf32>
    %reduce_sum3A_59 = vector.extract %reduce_sum3A_58[0, 0, 0] : f32 from vector<1x1x1xf32>
    %eq3A = arith.constant 0 : i32
    %eq3A_60 = vector.broadcast %eq3A : i32 to vector<1x128xi32>
    %eq3A_61 = arith.cmpi eq, %iota3A, %eq3A_60 : vector<1x128xi32>
    %jit3A = arith.constant 0.000000e+00 : f32
    %broadcast_in_dim3A_62 = vector.broadcast %reduce_sum3A_59 : f32 to vector<1x128xf32>
    %broadcast_in_dim3A_63 = vector.broadcast %jit3A : f32 to vector<1x128xf32>
    %select_n3A = arith.select %eq3A_61, %broadcast_in_dim3A_62, %broadcast_in_dim3A_63 : vector<1x128xi1>, vector<1x128xf32>
    %broadcast_in_dim3A_64 = vector.shape_cast %select_n3A : vector<1x128xf32> to vector<1x1x128xf32>
    %add3A_65 = arith.addf %broadcast_in_dim3A_6, %broadcast_in_dim3A_64 : vector<1x1x128xf32>
    %get3A_66 = arith.constant 1 : index
    %get3A_67 = arith.constant 0 : index
    %get3A_68 = arith.constant 0 : index
    %get3A_69 = arith.constant 0 : index
    %get3A_70 = vector.load %arg1[%get3A_66, %get3A_67, %get3A_68, %get3A_69] : memref<3x2x1280x128xf32, #tpu.memory_space<vmem>>, vector<1x1x1280x128xf32>
    %get3A_71 = vector.shape_cast %get3A_70 : vector<1x1x1280x128xf32> to vector<1280x128xf32>
    %get3A_72 = arith.constant 1 : index
    %get3A_73 = arith.constant 1 : index
    %get3A_74 = arith.constant 0 : index
    %get3A_75 = arith.constant 0 : index
    %get3A_76 = vector.load %arg1[%get3A_72, %get3A_73, %get3A_74, %get3A_75] : memref<3x2x1280x128xf32, #tpu.memory_space<vmem>>, vector<1x1x1280x128xf32>
    %get3A_77 = vector.shape_cast %get3A_76 : vector<1x1x1280x128xf32> to vector<1280x128xf32>
    %add3A_78 = arith.addf %get3A_71, %get3A_77 : vector<1280x128xf32>
    %get3A_79 = arith.constant 1 : index
    %get3A_80 = arith.constant 0 : index
    %get3A_81 = arith.constant 0 : index
    %get3A_82 = vector.load %arg2[%get3A_79, %get3A_80, %get3A_81] : memref<3x1280x32xf32, #tpu.memory_space<vmem>>, vector<1x1280x32xf32>
    %get3A_83 = vector.shape_cast %get3A_82 : vector<1x1280x32xf32> to vector<1280x32xf32>
    %reduce_sum3A_84 = arith.constant dense<0.000000e+00> : vector<1280xf32>
    %reduce_sum3A_85 = vector.multi_reduction <add>, %get3A_83, %reduce_sum3A_84 [1] : vector<1280x32xf32> to vector<1280xf32>
    %broadcast_in_dim3A_86 = vector.shape_cast %reduce_sum3A_85 : vector<1280xf32> to vector<1280x1xf32>
    %add3A_87 = arith.constant 1.000000e-16 : f32
    %add3A_88 = vector.broadcast %add3A_87 : f32 to vector<1280x1xf32>
    %add3A_89 = arith.addf %broadcast_in_dim3A_86, %add3A_88 : vector<1280x1xf32>
    %div3A_90 = vector.broadcast %add3A_89 : vector<1280x1xf32> to vector<1280x128xf32>
    %div3A_91 = arith.divf %add3A_78, %div3A_90 : vector<1280x128xf32>
    %get3A_92 = arith.constant 1 : index
    %get3A_93 = arith.constant 0 : index
    %get3A_94 = vector.load %arg3[%get3A_92, %get3A_93] : memref<3x128xf32, #tpu.memory_space<vmem>>, vector<1x128xf32>
    %add3A_95 = vector.broadcast %get3A_94 : vector<1x128xf32> to vector<1280x128xf32>
    %add3A_96 = arith.addf %div3A_91, %add3A_95 : vector<1280x128xf32>
    %swap3A_97 = arith.constant 1 : index
    %swap3A_98 = arith.constant 0 : index
    %swap3A_99 = arith.constant 0 : index
    %swap3A_100 = vector.load %arg7[%swap3A_97, %swap3A_98, %swap3A_99] : memref<3x1280x128xf32, #tpu.memory_space<vmem>>, vector<1x1280x128xf32>
    %swap3A_101 = vector.shape_cast %swap3A_100 : vector<1x1280x128xf32> to vector<1280x128xf32>
    %swap3A_102 = vector.shape_cast %add3A_96 : vector<1280x128xf32> to vector<1x1280x128xf32>
    tpu.vector_store %arg7[%swap3A_97, %swap3A_98, %swap3A_99], %swap3A_102 {strides = array<i32>} : memref<3x1280x128xf32, #tpu.memory_space<vmem>>, vector<1x1280x128xf32>,
    %get3A_103 = arith.constant 0 : index
    %get3A_104 = arith.constant 0 : index
    %get3A_105 = vector.load %arg4[%get3A_103, %get3A_104] : memref<128x128xf32, #tpu.memory_space<vmem>>, vector<128x128xf32>
    %dot_general3A_106 = arith.constant dense<0.000000e+00> : vector<1280x128xf32>
    %dot_general3A_107 = tpu.matmul %add3A_96, %get3A_105, %dot_general3A_106 {dimension_numbers = #tpu.dot_dimension_numbers<[1], [0], [0], [1], [0, 0, 1, 1], [], []>, transpose_lhs_hint = false} : vector<1280x128xf32>, vector<128x128xf32>, vector<1280x128xf32> -> vector<1280x128xf32>
    %get3A_108 = arith.constant 0 : index
    %get3A_109 = arith.constant 0 : index
    %get3A_110 = vector.load %arg5[%get3A_108, %get3A_109] : memref<1x128xf32, #tpu.memory_space<vmem>>, vector<1x128xf32>
    %add3A_111 = vector.broadcast %get3A_110 : vector<1x128xf32> to vector<1280x128xf32>
    %add3A_112 = arith.addf %dot_general3A_107, %add3A_111 : vector<1280x128xf32>
    %tanh3A_113 = math.tanh %add3A_112 : vector<1280x128xf32>
    %get3A_114 = arith.constant 0 : index
    %get3A_115 = arith.constant 0 : index
    %get3A_116 = vector.load %arg6[%get3A_114, %get3A_115] : memref<128x1xf32, #tpu.memory_space<vmem>>, vector<128x1xf32>
    %dot_general3A_117 = arith.constant dense<0.000000e+00> : vector<1280x1xf32>
    %dot_general3A_118 = tpu.matmul %tanh3A_113, %get3A_116, %dot_general3A_117 {dimension_numbers = #tpu.dot_dimension_numbers<[1], [0], [0], [1], [0, 0, 1, 1], [], []>, transpose_lhs_hint = false} : vector<1280x128xf32>, vector<128x1xf32>, vector<1280x1xf32> -> vector<1280x1xf32>
    %mul3A_119 = arith.mulf %dot_general3A_118, %convert_element_type3A_5 : vector<1280x1xf32>
    %reduce_sum3A_120 = vector.shape_cast %mul3A_119 : vector<1280x1xf32> to vector<1x1280x1xf32>
    %reduce_sum3A_121 = arith.constant dense<0.000000e+00> : vector<1xf32>
    %reduce_sum3A_122 = vector.multi_reduction <add>, %reduce_sum3A_120, %reduce_sum3A_121 [1, 2] : vector<1x1280x1xf32> to vector<1xf32>
    %reduce_sum3A_123 = vector.shape_cast %reduce_sum3A_122 : vector<1xf32> to vector<1x1x1xf32>
    %reduce_sum3A_124 = vector.extract %reduce_sum3A_123[0, 0, 0] : f32 from vector<1x1x1xf32>
    %eq3A_125 = arith.constant 1 : i32
    %eq3A_126 = vector.broadcast %eq3A_125 : i32 to vector<1x128xi32>
    %eq3A_127 = arith.cmpi eq, %iota3A, %eq3A_126 : vector<1x128xi32>
    %jit3A_128 = arith.constant 0.000000e+00 : f32
    %broadcast_in_dim3A_129 = vector.broadcast %reduce_sum3A_124 : f32 to vector<1x128xf32>
    %broadcast_in_dim3A_130 = vector.broadcast %jit3A_128 : f32 to vector<1x128xf32>
    %select_n3A_131 = arith.select %eq3A_127, %broadcast_in_dim3A_129, %broadcast_in_dim3A_130 : vector<1x128xi1>, vector<1x128xf32>
    %broadcast_in_dim3A_132 = vector.shape_cast %select_n3A_131 : vector<1x128xf32> to vector<1x1x128xf32>
    %add3A_133 = arith.addf %add3A_65, %broadcast_in_dim3A_132 : vector<1x1x128xf32>
    %get3A_134 = arith.constant 2 : index
    %get3A_135 = arith.constant 0 : index
    %get3A_136 = arith.constant 0 : index
    %get3A_137 = arith.constant 0 : index
    %get3A_138 = vector.load %arg1[%get3A_134, %get3A_135, %get3A_136, %get3A_137] : memref<3x2x1280x128xf32, #tpu.memory_space<vmem>>, vector<1x1x1280x128xf32>
    %get3A_139 = vector.shape_cast %get3A_138 : vector<1x1x1280x128xf32> to vector<1280x128xf32>
    %get3A_140 = arith.constant 2 : index
    %get3A_141 = arith.constant 1 : index
    %get3A_142 = arith.constant 0 : index
    %get3A_143 = arith.constant 0 : index
    %get3A_144 = vector.load %arg1[%get3A_140, %get3A_141, %get3A_142, %get3A_143] : memref<3x2x1280x128xf32, #tpu.memory_space<vmem>>, vector<1x1x1280x128xf32>
    %get3A_145 = vector.shape_cast %get3A_144 : vector<1x1x1280x128xf32> to vector<1280x128xf32>
    %add3A_146 = arith.addf %get3A_139, %get3A_145 : vector<1280x128xf32>
    %get3A_147 = arith.constant 2 : index
    %get3A_148 = arith.constant 0 : index
    %get3A_149 = arith.constant 0 : index
    %get3A_150 = vector.load %arg2[%get3A_147, %get3A_148, %get3A_149] : memref<3x1280x32xf32, #tpu.memory_space<vmem>>, vector<1x1280x32xf32>
    %get3A_151 = vector.shape_cast %get3A_150 : vector<1x1280x32xf32> to vector<1280x32xf32>
    %reduce_sum3A_152 = arith.constant dense<0.000000e+00> : vector<1280xf32>
    %reduce_sum3A_153 = vector.multi_reduction <add>, %get3A_151, %reduce_sum3A_152 [1] : vector<1280x32xf32> to vector<1280xf32>
    %broadcast_in_dim3A_154 = vector.shape_cast %reduce_sum3A_153 : vector<1280xf32> to vector<1280x1xf32>
    %add3A_155 = arith.constant 1.000000e-16 : f32
    %add3A_156 = vector.broadcast %add3A_155 : f32 to vector<1280x1xf32>
    %add3A_157 = arith.addf %broadcast_in_dim3A_154, %add3A_156 : vector<1280x1xf32>
    %div3A_158 = vector.broadcast %add3A_157 : vector<1280x1xf32> to vector<1280x128xf32>
    %div3A_159 = arith.divf %add3A_146, %div3A_158 : vector<1280x128xf32>
    %get3A_160 = arith.constant 2 : index
    %get3A_161 = arith.constant 0 : index
    %get3A_162 = vector.load %arg3[%get3A_160, %get3A_161] : memref<3x128xf32, #tpu.memory_space<vmem>>, vector<1x128xf32>
    %add3A_163 = vector.broadcast %get3A_162 : vector<1x128xf32> to vector<1280x128xf32>
    %add3A_164 = arith.addf %div3A_159, %add3A_163 : vector<1280x128xf32>
    %swap3A_165 = arith.constant 2 : index
    %swap3A_166 = arith.constant 0 : index
    %swap3A_167 = arith.constant 0 : index
    %swap3A_168 = vector.load %arg7[%swap3A_165, %swap3A_166, %swap3A_167] : memref<3x1280x128xf32, #tpu.memory_space<vmem>>, vector<1x1280x128xf32>
    %swap3A_169 = vector.shape_cast %swap3A_168 : vector<1x1280x128xf32> to vector<1280x128xf32>
    %swap3A_170 = vector.shape_cast %add3A_164 : vector<1280x128xf32> to vector<1x1280x128xf32>
    tpu.vector_store %arg7[%swap3A_165, %swap3A_166, %swap3A_167], %swap3A_170 {strides = array<i32>} : memref<3x1280x128xf32, #tpu.memory_space<vmem>>, vector<1x1280x128xf32>,
    %get3A_171 = arith.constant 0 : index
    %get3A_172 = arith.constant 0 : index
    %get3A_173 = vector.load %arg4[%get3A_171, %get3A_172] : memref<128x128xf32, #tpu.memory_space<vmem>>, vector<128x128xf32>
    %dot_general3A_174 = arith.constant dense<0.000000e+00> : vector<1280x128xf32>
    %dot_general3A_175 = tpu.matmul %add3A_164, %get3A_173, %dot_general3A_174 {dimension_numbers = #tpu.dot_dimension_numbers<[1], [0], [0], [1], [0, 0, 1, 1], [], []>, transpose_lhs_hint = false} : vector<1280x128xf32>, vector<128x128xf32>, vector<1280x128xf32> -> vector<1280x128xf32>
    %get3A_176 = arith.constant 0 : index
    %get3A_177 = arith.constant 0 : index
    %get3A_178 = vector.load %arg5[%get3A_176, %get3A_177] : memref<1x128xf32, #tpu.memory_space<vmem>>, vector<1x128xf32>
    %add3A_179 = vector.broadcast %get3A_178 : vector<1x128xf32> to vector<1280x128xf32>
    %add3A_180 = arith.addf %dot_general3A_175, %add3A_179 : vector<1280x128xf32>
    %tanh3A_181 = math.tanh %add3A_180 : vector<1280x128xf32>
    %get3A_182 = arith.constant 0 : index
    %get3A_183 = arith.constant 0 : index
    %get3A_184 = vector.load %arg6[%get3A_182, %get3A_183] : memref<128x1xf32, #tpu.memory_space<vmem>>, vector<128x1xf32>
    %dot_general3A_185 = arith.constant dense<0.000000e+00> : vector<1280x1xf32>
    %dot_general3A_186 = tpu.matmul %tanh3A_181, %get3A_184, %dot_general3A_185 {dimension_numbers = #tpu.dot_dimension_numbers<[1], [0], [0], [1], [0, 0, 1, 1], [], []>, transpose_lhs_hint = false} : vector<1280x128xf32>, vector<128x1xf32>, vector<1280x1xf32> -> vector<1280x1xf32>
    %mul3A_187 = arith.mulf %dot_general3A_186, %convert_element_type3A_5 : vector<1280x1xf32>
    %reduce_sum3A_188 = vector.shape_cast %mul3A_187 : vector<1280x1xf32> to vector<1x1280x1xf32>
    %reduce_sum3A_189 = arith.constant dense<0.000000e+00> : vector<1xf32>
    %reduce_sum3A_190 = vector.multi_reduction <add>, %reduce_sum3A_188, %reduce_sum3A_189 [1, 2] : vector<1x1280x1xf32> to vector<1xf32>
    %reduce_sum3A_191 = vector.shape_cast %reduce_sum3A_190 : vector<1xf32> to vector<1x1x1xf32>
    %reduce_sum3A_192 = vector.extract %reduce_sum3A_191[0, 0, 0] : f32 from vector<1x1x1xf32>
    %eq3A_193 = arith.constant 2 : i32
    %eq3A_194 = vector.broadcast %eq3A_193 : i32 to vector<1x128xi32>
    %eq3A_195 = arith.cmpi eq, %iota3A, %eq3A_194 : vector<1x128xi32>
    %jit3A_196 = arith.constant 0.000000e+00 : f32
    %broadcast_in_dim3A_197 = vector.broadcast %reduce_sum3A_192 : f32 to vector<1x128xf32>
    %broadcast_in_dim3A_198 = vector.broadcast %jit3A_196 : f32 to vector<1x128xf32>
    %select_n3A_199 = arith.select %eq3A_195, %broadcast_in_dim3A_197, %broadcast_in_dim3A_198 : vector<1x128xi1>, vector<1x128xf32>
    %broadcast_in_dim3A_200 = vector.shape_cast %select_n3A_199 : vector<1x128xf32> to vector<1x1x128xf32>
    %add3A_201 = arith.addf %add3A_133, %broadcast_in_dim3A_200 : vector<1x1x128xf32>
    %swap3A_202 = arith.constant 0 : index
    %swap3A_203 = arith.constant 0 : index
    %swap3A_204 = arith.constant 0 : index
    %swap3A_205 = vector.load %arg8[%swap3A_202, %swap3A_203, %swap3A_204] : memref<1x1x128xf32, #tpu.memory_space<vmem>>, vector<1x1x128xf32>
    tpu.vector_store %arg8[%swap3A_202, %swap3A_203, %swap3A_204], %add3A_201 {strides = array<i32>} : memref<1x1x128xf32, #tpu.memory_space<vmem>>, vector<1x1x128xf32>,
    return
  }
  func.func @transform_0(%arg0: i32) -> (i32, i32, i32, i32) {
    %c0_i32 = arith.constant 0 : i32
    %c0_i32_0 = arith.constant 0 : i32
    %c0_i32_1 = arith.constant 0 : i32
    %c0_i32_2 = arith.constant 0 : i32
    return %c0_i32, %c0_i32_0, %arg0, %c0_i32_1 : i32, i32, i32, i32
  }
  func.func @transform_1(%arg0: i32) -> (i32, i32, i32) {
    %c0_i32 = arith.constant 0 : i32
    %c0_i32_0 = arith.constant 0 : i32
    %c0_i32_1 = arith.constant 0 : i32
    return %c0_i32, %arg0, %c0_i32_0 : i32, i32, i32
  }
  func.func @transform_2(%arg0: i32) -> (i32, i32) {
    %c0_i32 = arith.constant 0 : i32
    %c0_i32_0 = arith.constant 0 : i32
    %c0_i32_1 = arith.constant 0 : i32
    return %c0_i32, %c0_i32_0 : i32, i32
  }
  func.func @transform_3(%arg0: i32) -> (i32, i32) {
    %c0_i32 = arith.constant 0 : i32
    %c0_i32_0 = arith.constant 0 : i32
    %c0_i32_1 = arith.constant 0 : i32
    return %c0_i32, %c0_i32_0 : i32, i32
  }
  func.func @transform_4(%arg0: i32) -> (i32, i32) {
    %c0_i32 = arith.constant 0 : i32
    %c0_i32_0 = arith.constant 0 : i32
    %c0_i32_1 = arith.constant 0 : i32
    return %c0_i32, %c0_i32_0 : i32, i32
  }
  func.func @transform_5(%arg0: i32) -> (i32, i32) {
    %c0_i32 = arith.constant 0 : i32
    %c0_i32_0 = arith.constant 0 : i32
    %c0_i32_1 = arith.constant 0 : i32
    return %c0_i32, %c0_i32_0 : i32, i32
  }
  func.func @transform_6(%arg0: i32) -> (i32, i32, i32) {
    %c0_i32 = arith.constant 0 : i32
    %c0_i32_0 = arith.constant 0 : i32
    %c0_i32_1 = arith.constant 0 : i32
    return %c0_i32, %arg0, %c0_i32_0 : i32, i32, i32
  }
  func.func @transform_7(%arg0: i32) -> (i32, i32, i32) {
    %c0_i32 = arith.constant 0 : i32
    %c0_i32_0 = arith.constant 0 : i32
    %c0_i32_1 = arith.constant 0 : i32
    return %arg0, %c0_i32, %c0_i32_0 : i32, i32, i32
  }
}

</mosaic_0001>

<sc_bundles>
// kernel: kernel.10.cloned.1.call-start
scs
__scs_entry_jumppad:
0x0: {  	(pc) =	sbr.rel $0x88, $3  }
0x1: {  	(tag) =	ssettag $0x0;
	lr =	simm.s32 $0x1  }
0x2: {  	[smem:$0x3F97] =	sst lr;
	_ =	strace $0xD0000000  }
0x3: {  	_ = 	snop  }
0x4: {  	_ = 	snop  }
0x5: {  	_ = 	snop  }
0x6: {  	_ = 	snop  }
0x7: {  	_ = 	snop  }
__scs_overlays_trampoline_lowered:
0x8: {  	[smem:$0x3FA6] =	sst s0  }
0x9: {  	[smem:$0x3FA7] =	sst s1  }
0xa: {  	[smem:$0x3FA8] =	sst s2  }
0xb: {  	[smem:$0x3FA9] =	sst s3  }
0xc: {  	[smem:$0x3FAA] =	sst s4  }
0xd: {  	[smem:$0x3FAB] =	sst s5  }
0xe: {  	[smem:$0x3FAC] =	sst s6  }
0xf: {  	[smem:$0x3FAD] =	sst s7  }
0x10: {  	[smem:$0x3FAE] =	sst s8  }
0x11: {  	[smem:$0x3FAF] =	sst s9;
	s0 =	simm.s32 @!p0 $0x0  }
0x12: {  	s1 =	sld [smem:$0x3F95];
	s0 =	simm.s32 @p0 $0x1  }
0x13: {  	[smem:$0x3FB0] =	sst s0;
	s0 =	simm.s32 @!p1 $0x0  }
0x14: {  	s2 =	sld [smem:$0x3F94];
	s0 =	simm.s32 @p1 $0x1  }
0x15: {  	[smem:$0x3FB1] =	sst s0;
	s0 =	simm.s32 @!p2 $0x0  }
0x16: {  	s3 =	sld [smem:$0x3FDB];
	s0 =	simm.s32 @p2 $0x1  }
0x17: {  	s4 =	simm.s32 $0x1BF5;
	[smem:$0x3FB3] =	sst s0  }
0x18: {  	s0 =	sld [smem:$0x3F96];
	_ =	swait.ge [sflag:s4], $0x0  }
0x19: {  	s7 =	sld [smem:$0x3F97]  }
0x1a: {  	s8 =	sadd.s32 $0xFFFFE003, lr  }
0x1b: {  	s9 =	sadd.s32 $0xFFFFFEF7, lr;
	s5 =	simm.s32 $0xFFFFFFFF;
	p2 =	slt.u32 s8, $0xFFFFF086  }
0x1c: {  	p1 =	slt.u32 s9, $0xF7A;
	s5 =	simm.s32 @!p2 $0x0  }
0x1d: {  	s5 =	simm.s32 @p1 $0x1;
	p0 =	seq.s32 s7, s2  }
0x1e: {  	s7 =	smul.u32 @!p0 $0xF7A, s2;
	p2 =	seq.s32 @!p0 s5, $0x0  }
0x1f: {  	s9 =	smul.u32 $0xF7A, s1;
	s8 =	simm.s32 @!p0 $0x1BF5;
	p2 =	por !p2, p0  }
0x20: {  	[sflag:s8] =	ssyncset.s32 @!p0 $0xFFFFF086;
	s6 =	sadd.s32 @!p0 s3, s7;
	s7 =	simm.s32 @!p0 $0x108  }
0x21: {  	s3 =	sadd.s32 s3, s9;
	s6 =	sadd.s32 @!p0 $0x88, s6;
	s7 =	simm.s32 @p2 $0x1082  }
0x22: {  	[simem:s7], [sflag:s8] =	dma.local @!p0 [hbm:s6], $0xF7A  }
0x23: {  	s9 =	sor.u32 $0xD0000000, s2;
	s6 =	simm.s32 $0x108;
	_ =	swait.ge @!p0 [sflag:s8], $0x0  }
0x24: {  	s3 =	sadd.s32 $0x88, s3;
	s6 =	simm.s32 @!p1 $0x1082;
	[sflag:s4] =	ssyncset.s32 $0xFFFFF086  }
0x25: {  	[simem:s6], [sflag:s4] =	dma.local [hbm:s3], $0xF7A  }
0x26: {  	[smem:$0x3F97] =	sst s1;
	(tag) =	ssettag s2;
	_ =	strace s9  }
0x27: {  	s1 =	sld [smem:$0x3FA7]  }
0x28: {  	s2 =	sld [smem:$0x3FA8]  }
0x29: {  	s4 =	sld [smem:$0x3FAA]  }
0x2a: {  	p0 =	seq.s32 s5, $0x0;
	s5 =	sld [smem:$0x3FAB]  }
0x2b: {  	s6 =	sld [smem:$0x3FAC]  }
0x2c: {  	s7 =	sld [smem:$0x3FAD]  }
0x2d: {  	s3 =	simm.s32 $0x108;
	s8 =	sld [smem:$0x3FAE]  }
0x2e: {  	s3 =	simm.s32 @!p0 $0x1082;
	s9 =	sld [smem:$0x3FAF]  }
0x2f: {  	lr =	sadd.s32 s0, s3;
	s0 =	sld [smem:$0x3FA6]  }
0x30: {  	s3 =	sld [smem:$0x3FA9]  }
0x31: {  	[smem:$0x3FB2] =	sst s10  }
0x32: {  	s10 =	sld [smem:$0x3FB0];
	_ =	sdelay $0x3  }
0x33: {  	p0 =	seq.s32 s10, $0x1;
	s10 =	sld [smem:$0x3FB2];
	_ =	sdelay $0x3  }
0x34: {  	[smem:$0x3FB2] =	sst s10  }
0x35: {  	s10 =	sld [smem:$0x3FB1];
	_ =	sdelay $0x3  }
0x36: {  	p1 =	seq.s32 s10, $0x1;
	s10 =	sld [smem:$0x3FB2];
	_ =	sdelay $0x3  }
0x37: {  	[smem:$0x3FB2] =	sst s10  }
0x38: {  	s10 =	sld [smem:$0x3FB3]  }
0x39: {  	_ = 	snop;
	(pc) =	sbr.ind lr, $3  }
0x3a: {  	_ = 	snop  }
0x3b: {  	_ = 	snop  }
0x3c: {  	p2 =	seq.s32 s10, $0x1;
	s10 =	sld [smem:$0x3FB2]  }
0x3d: {  	_ =	shalt  }
0x3e: {  	_ =	shalt  }
0x3f: {  	_ =	shalt  }
0x40: {  	_ =	shalt  }
0x41: {  	_ =	shalt  }
0x42: {  	_ =	shalt  }
0x43: {  	_ =	shalt  }
0x44: {  	_ =	shalt  }
0x45: {  	_ =	shalt  }
0x46: {  	_ =	shalt  }
0x47: {  	_ =	shalt  }
0x48: {  	_ =	shalt  }
0x49: {  	_ =	shalt  }
0x4a: {  	_ =	shalt  }
0x4b: {  	_ =	shalt  }
0x4c: {  	_ =	shalt  }
0x4d: {  	_ =	shalt  }
0x4e: {  	_ =	shalt  }
0x4f: {  	_ =	shalt  }
0x50: {  	_ =	shalt  }
0x51: {  	_ =	shalt  }
0x52: {  	_ =	shalt  }
0x53: {  	_ =	shalt  }
0x54: {  	_ =	shalt  }
0x55: {  	_ =	shalt  }
0x56: {  	_ =	shalt  }
0x57: {  	_ =	shalt  }
0x58: {  	_ =	shalt  }
0x59: {  	_ =	shalt  }
0x5a: {  	_ =	shalt  }
0x5b: {  	_ =	shalt  }
0x5c: {  	_ =	shalt  }
0x5d: {  	_ =	shalt  }
0x5e: {  	_ =	shalt  }
0x5f: {  	_ =	shalt  }
0x60: {  	_ =	shalt  }
0x61: {  	_ =	shalt  }
0x62: {  	_ =	shalt  }
0x63: {  	_ =	shalt  }
0x64: {  	_ =	shalt  }
0x65: {  	_ =	shalt  }
0x66: {  	_ =	shalt  }
0x67: {  	_ =	shalt  }
0x68: {  	_ =	shalt  }
0x69: {  	_ =	shalt  }
0x6a: {  	_ =	shalt  }
0x6b: {  	_ =	shalt  }
0x6c: {  	_ =	shalt  }
0x6d: {  	_ =	shalt  }
0x6e: {  	_ =	shalt  }
0x6f: {  	_ =	shalt  }
0x70: {  	_ =	shalt  }
0x71: {  	_ =	shalt  }
0x72: {  	_ =	shalt  }
0x73: {  	_ =	shalt  }
0x74: {  	_ =	shalt  }
0x75: {  	_ =	shalt  }
0x76: {  	_ =	shalt  }
0x77: {  	_ =	shalt  }
0x78: {  	_ =	shalt  }
0x79: {  	_ =	shalt  }
0x7a: {  	_ =	shalt  }
0x7b: {  	_ =	shalt  }
0x7c: {  	_ =	shalt  }
0x7d: {  	_ =	shalt  }
0x7e: {  	_ =	shalt  }
0x7f: {  	_ =	shalt  }
0x80: {  	_ =	shalt  }
0x81: {  	_ =	shalt  }
0x82: {  	_ =	shalt  }
0x83: {  	_ =	shalt  }
0x84: {  	_ =	shalt  }
0x85: {  	_ =	shalt  }
0x86: {  	_ =	shalt  }
0x87: {  	_ =	shalt  }
.Lfunc_end0:
.L_simem_size_0:
called_computation.1_lowered:
.L_overlay_start_0:
0x88: {  	s2 =	sld [smem:$0x3FD9]  }
0x89: {  	s3 =	sld [smem:$0x3FFE];
	_ =	sdelay $0x1  }
0x8a: {  	s1 =	srdreg.scid  }
0x8b: {  	s0 =	sand.u32 $0x1, s1  }
0x8c: {  	s16 =	sshll.u32 s0, $0xA;
	s2 =	sadd.s32 s3, s2  }
0x8d: {  	s2 =	sadd.s32 s2, s16  }
0x8e: {  	[smem:$0x3FBE] =	sst s2  }
0x8f: {  	_ = 	snop  }
0x90: {  	(tm) =	ssettm $0x1  }
0x91: {  	s17 =	sld [smem:$0x3FFB];
	_ =	sdelay $0x3  }
0x92: {  	_ =	strace s17  }
0x93: {  	s2 =	sld [smem:$0x3FFC];
	_ =	sdelay $0x3  }
0x94: {  	_ =	strace s2  }
0x95: {  	s2 =	sld [smem:$0x3FFD];
	_ =	sdelay $0x3  }
0x96: {  	_ =	strace s2  }
0x97: {  	_ =	strace $0x8FFFFFFF  }
0x98: {  	s18 =	sld [smem:$0x3FDB];
	_ =	sdelay $0x1  }
0x99: {  	s19 =	simm.s32 $_scs_section_size  }
0x9a: {  	s4 =	simm.s32 $_size__tile_overlayer_lowered;
	s5 =	simm.s32 $_tile_overlayer_lowered  }
0x9b: {  	s22 =	simm.s32 $0x1BFF;
	s21 =	sshll.u32 s5, $0x1;
	s2 =	sadd.s32 s19, s18  }
0x9c: {  	s6 =	simm.s32 $0x0;
	s20 =	sshll.u32 s4, $0x1;
	s4 =	sadd.s32 s21, s2  }
0x9d: {  	[timem:s6], [sflag:s22] =	dma.local [hbm:s4], s20  }
0x9e: {  	_ =	swait.ge [sflag:s22], s20  }
0x9f: {  	s3 =	ssub.s32 $0x0, s20;
	[sflag:s22] =	ssyncset.done $0x0  }
0xa0: {  	[sflag:s22] =	ssyncadd.s32 s3;
	_ =	sdelay $0x1  }
0xa1: {  	s23 =	simm.s32 $0x1B8B  }
0xa2: {  	_ =	swait.ge [sflag:s23], $0x1  }
0xa3: {  	[sflag:s23] =	ssyncset.done $0x0  }
0xa4: {  	s25 =	simm.s32 $0x1B8E;
	s24 =	sld [smem:$0x3FFE];
	[sflag:s23] =	ssyncadd.s32 $0xFFFFFFFF  }
0xa5: {  	s26 =	simm.s32 $execute0_lowered;
	[smem:$0x3FD2] =	sst s25  }
0xa6: {  	s4 =	sshll.u32 s26, $0x1;
	_ =	strace $0x80000049;
	[dreg:$0x1] =	wrdreg $0xFFFFFFFF  }
0xa7: {  	s28 =	simm.s32 $_size_execute0_lowered;
	s2 =	sadd.s32 s2, s4;
	[dreg:$0x0] =	wrdreg $0x0  }
0xa8: {  	s4 =	sshll.u32 s28, $0x1;
	[dreg:$0x2] =	wrdreg s2  }
0xa9: {  	[dreg:$0x3] =	wrdreg s4  }
0xaa: {  	[dreg:$0x4] =	wrdreg $0xC0  }
0xab: {  	_ =	task [dreg:s6], $0x5FFFF  }
0xac: {  	[dreg:$0x1] =	wrdreg $0xFFFFFFFF  }
0xad: {  	[dreg:$0x0] =	wrdreg $0x60  }
0xae: {  	[dreg:$0x2] =	wrdreg s24  }
0xaf: {  	[dreg:$0x3] =	wrdreg $0xBC000  }
0xb0: {  	[dreg:$0x4] =	wrdreg $0x9  }
0xb1: {  	_ =	task.clear_ibuf [dreg:s6], $0x5FFFF;
	_ =	strace $0x90000049  }
0xb2: {  	s29 =	simm.s32 $0x9;
	_ =	strace $0x8000004B  }
0xb3: {  	_ =	swait.ge [sflag:s29], $0x1  }
0xb4: {  	[sflag:s29] =	ssyncadd.s32 $0xFFFFFFFF  }
0xb5: {  	_ =	strace $0x9000004B  }
0xb6: {  	_ =	sfence  }
0xb7: {  	s30 =	sld [smem:$0x0];
	_ =	sdelay $0x2  }
0xb8: {  	s31 =	sshll.u32 s1, $0xD;
	s1 =	sshrl.u32 s1, $0x2  }
0xb9: {  	s3 =	sand.u32 $0x4000, s31;
	s1 =	sadd.s32 s1, s30  }
0xba: {  	s0 =	sor.u32 s3, s0;
	s1 =	sshll.u32 s1, $0x11  }
0xbb: {  	s0 =	sor.u32 s1, s0  }
0xbc: {  	s0 =	sadd.s32 $0x8F2B, s0  }
0xbd: {  	[sflag:s0] =	ssyncadd.remote.s32 $0x1  }
0xbe: {  	_ =	sfence.sel $0xFFFF  }
0xbf: {  	[dreg:$0x0] =	wrdreg $0xFFFFFFFF;
	(pc) =	sbr.abs _section_cstart, $3  }
0xc0: {  	[dreg:$0x1] =	wrdreg $0xFFFFFFFF  }
0xc1: {  	_ =	task.clear_ibuf [dreg:s6], $0x2FFFF;
	_ =	strace $0x9FFFFFFF  }
0xc2: {  	(tm) =	ssettm $0x7FFFFFFF  }
0xc3: {  	_ =	shalt  }
tec
execute0_lowered:
.L_overlay_start_1:
0x0: {  	(tag) =	ssettag $0x1  }
0x1: {  	s0 =	srdreg.scid  }
0x2: {  	s8 =	stileid.u32;
	s2 =	rddreg [dreg:$0x0]  }
0x3: {  	s3 =	rddreg [dreg:$0x1];
	s4 =	simm.s32 $0x0;
	s28 =	simm.s32 $0x80  }
0x4: {  	s29 =	simm.s32 $0x7C00;
	s30 =	simm.s32 $0x1;
	s6 =	smul.u32 $0x14000, s8  }
0x5: {  	s31 =	simm.s32 $0x2;
	s0 =	sand.u32 $0x1, s0;
	s15 =	smul.u32 $0x1400, s8  }
0x6: {  	[smem:$0x7FF] =	sst s4;
	s13 =	sadd.s32 $0x2A000, s2;
	s16 =	smul.u32 $0x50000, s8  }
0x7: {  	s14 =	sadd.s32 $0x39000, s2;
	s1 =	sshll.u32 s0, $0x4;
	s5 =	smul.u32 $0x140000, s0  }
0x8: {  	s7 =	smul.u32 $0x14000, s0;
	s0 =	ssub.s32 $0x2, s0;
	s1 =	sor.u32 s8, s1  }
0x9: {  	_ =	strace $0x8000004A;
	s17 =	sshrl.u32 s0, $0x1;
	s1 =	smul.u32 $0x280, s1  }
0xa: {  	s5 =	sadd.s32 s6, s5;
	s6 =	sadd.s32 s15, s7;
	s0 =	ssub.s32 s0, s17  }
0xb: {  	s7 =	sshrl.u32 s16, $0x2;
	s5 =	sshrl.u32 s5, $0x3;
	s6 =	sshrl.u32 s6, $0x3  }
0xc: {  	s8 =	sadd.s32 s7, s3;
	s1 =	sadd.s32 s1, s2;
	s18 =	sadd.s32 s13, s6  }
0xd: {  	s5 =	sadd.s32 s5, s2;
	s19 =	sadd.s32 s14, s6;
	[dreg:$0x3] =	wrdreg s18  }
0xe: {  	s9 =	sadd.s32 $0x4000, s8;
	[dreg:$0x4] =	wrdreg s19;
	s20 =	sadd.s32 $0x48000, s1  }
0xf: {  	s22 =	sadd.s32 $0x5000, s6;
	s21 =	sadd.s32 $0x57000, s5;
	[dreg:$0x5] =	wrdreg s20  }
0x10: {  	s10 =	sadd.s32 $0x8000, s8;
	s15 =	sadd.s32 s13, s22;
	[dreg:$0x6] =	wrdreg s21  }
0x11: {  	s11 =	sadd.s32 $0xC000, s8;
	s7 =	sadd.s32 s14, s22;
	[dreg:$0x7] =	wrdreg s15  }
0x12: {  	s12 =	sadd.s32 $0x10000, s8;
	s23 =	sadd.s32 $0x4D000, s1;
	[dreg:$0x8] =	wrdreg s7  }
0x13: {  	s6 =	sadd.s32 $0xA000, s6;
	s24 =	sadd.s32 $0xA7000, s5;
	[dreg:$0x9] =	wrdreg s23  }
0x14: {  	s25 =	sadd.s32 s13, s6;
	s6 =	sadd.s32 s14, s6;
	[dreg:$0xa] =	wrdreg s24  }
.Ltmp0:
0x15: {  	s1 =	sadd.s32 $0x52000, s1;
	[dreg:$0xb] =	wrdreg s25;
	(pc) =	sbr.rel .LBB2_1-.Ltmp0, $4  }
0x16: {  	s26 =	sadd.s32 $0xF7000, s5;
	s22 =	smax.u32 s0, $0x1;
	[dreg:$0xc] =	wrdreg s6  }
0x17: {  	s0 =	simm.s32 $0x4;
	s5 =	simm.s32 $0x0;
	[dreg:$0xd] =	wrdreg s1  }
0x18: {  	[dreg:$0xe] =	wrdreg s26;
	s23 =	simm.s32 $0x5;
	s24 =	simm.s32 $0x1400  }
0x19: {  	v0 =	vimm.f32 $0.0e+00;
	s25 =	simm.s32 $0x2800;
	s26 =	simm.s32 $0x3C00;
	s1 =	simm.s32 $0x3  }
.LBB2_28:
0x1a: {  	_ =	swait.ge [sflag:s0], $0x4000  }
0x1b: {  	[sflag:s0] =	ssyncset.done $0x0  }
0x1c: {  	[sflag:s0] =	ssyncadd.s32 $0xFFFFC000  }
0x1d: {  	s5 =	sadd.s32 $0x1, s5;
	[bflag:$0x0] =	sbarrier.arrive $0xFFFF  }
0x1e: {  	p0 =	sne.s32 s5, s22;
	s13 =	rddreg [dreg:$0xe]  }
0x1f: {  	[hbm:s13], [sflag:s6] =	dma.local [spmem:s7], $0x2800  }
.Ltmp1:
0x20: {  	_ =	swait.ge [sflag:s23], $0x2800;
	(pc) =	sbr.rel @!p0 .LBB2_29-.Ltmp1, $3  }
0x21: {  	[sflag:s23] =	ssyncset.done $0x0  }
0x22: {  	[sflag:s23] =	ssyncadd.s32 $0xFFFFD800  }
0x23: {  	[bflag:$0x0] =	sbarrier.arrive $0xFFFF;
	_ =	sdelay $0x1  }
.LBB2_1:
0x24: {  	s6 =	rddreg [dreg:$0x3]  }
0x25: {  	[tilespmem:s4], [sflag:$0x5] =	stream.linear.gather [hbm4b:s6+s4], $0x1400, $0x38;
	[tilespmem:$0x1FC00] =	vst v63  }
0x26: {  	_ =	swait.ge [sflag:s23], $0x1400  }
0x27: {  	[sflag:s23] =	ssyncset.done $0x0  }
0x28: {  	s20 =	rddreg [dreg:$0x4];
	[sflag:s23] =	ssyncadd.s32 $0xFFFFEC00  }
0x29: {  	[tilespmem:s24], [sflag:$0x5] =	stream.linear.gather [hbm4b:s20+s4], $0x1400, $0x38;
	[tilespmem:$0x1FC00] =	vst v63  }
0x2a: {  	_ =	swait.ge [sflag:s23], $0x1400  }
0x2b: {  	[sflag:s23] =	ssyncset.done $0x0  }
0x2c: {  	s21 =	rddreg [dreg:$0x5];
	[sflag:s23] =	ssyncadd.s32 $0xFFFFEC00  }
0x2d: {  	[tilespmem:s25], [sflag:$0x5] =	stream.linear.gather [hbm4b:s21+s4], $0x1400, $0x38;
	[tilespmem:$0x1FC00] =	vst v63  }
0x2e: {  	_ =	swait.ge [sflag:s23], $0x1400  }
0x2f: {  	[sflag:s23] =	ssyncset.done $0x0  }
0x30: {  	s7 =	simm.s32 $0x200;
	s6 =	simm.s32 $0x0;
	[sflag:s23] =	ssyncadd.s32 $0xFFFFEC00  }
.LBB2_2:
0x31: {  	p0 =	sne.s32 s7, $0xFE00;
	[tilespmem:s6+$0x3C70] =	vst v0  }
0x32: {  	[tilespmem:s6+$0x3C00] =	vst v0  }
0x33: {  	[tilespmem:s6+$0x3C10] =	vst v0  }
.Ltmp2:
0x34: {  	[tilespmem:s6+$0x3C20] =	vst v0;
	(pc) =	sbr.rel @p0 .LBB2_2-.Ltmp2, $4  }
0x35: {  	[tilespmem:s6+$0x3C30] =	vst v0  }
0x36: {  	[tilespmem:s6+$0x3C40] =	vst v0  }
0x37: {  	[tilespmem:s6+$0x3C50] =	vst v0  }
0x38: {  	[tilespmem:s6+$0x3C60] =	vst v0;
	s6 =	sshra.s32 s7, $0x2;
	s7 =	sadd.s32 $0x200, s7  }
0x39: {  	[tilespmem:s6+$0x3C70] =	vst v0  }
0x3a: {  	[tilespmem:s6+$0x3C00] =	vst v0  }
0x3b: {  	[tilespmem:s6+$0x3C10] =	vst v0  }
0x3c: {  	[tilespmem:s6+$0x3C20] =	vst v0  }
0x3d: {  	[tilespmem:s6+$0x3C30] =	vst v0  }
0x3e: {  	[tilespmem:s6+$0x3C40] =	vst v0  }
0x3f: {  	[tilespmem:s6+$0x3C50] =	vst v0  }
0x40: {  	[tilespmem:s6+$0x3C60] =	vst v0  }
0x41: {  	[spmem:s8] =	stream.linear.scatter [tilespmem:s26], [sflag:$0x5], $0x4000, $0x38;
	[tilespmem:$0x1FC00] =	vst v63  }
0x42: {  	_ =	swait.ge [sflag:s23], $0x4000  }
0x43: {  	[sflag:s23] =	ssyncset.done $0x0  }
0x44: {  	[sflag:s23] =	ssyncadd.s32 $0xFFFFC000  }
0x45: {  	[spmem:s9] =	stream.linear.scatter [tilespmem:s26], [sflag:$0x5], $0x4000, $0x38;
	[tilespmem:$0x1FC00] =	vst v63  }
0x46: {  	_ =	swait.ge [sflag:s23], $0x4000  }
0x47: {  	[sflag:s23] =	ssyncset.done $0x0  }
0x48: {  	[sflag:s23] =	ssyncadd.s32 $0xFFFFC000  }
0x49: {  	[spmem:s10] =	stream.linear.scatter [tilespmem:s26], [sflag:$0x5], $0x4000, $0x38;
	[tilespmem:$0x1FC00] =	vst v63  }
0x4a: {  	_ =	swait.ge [sflag:s23], $0x4000  }
0x4b: {  	[sflag:s23] =	ssyncset.done $0x0  }
0x4c: {  	[sflag:s23] =	ssyncadd.s32 $0xFFFFC000  }
0x4d: {  	[spmem:s11] =	stream.linear.scatter [tilespmem:s26], [sflag:$0x5], $0x4000, $0x38;
	[tilespmem:$0x1FC00] =	vst v63  }
0x4e: {  	_ =	swait.ge [sflag:s23], $0x4000  }
0x4f: {  	[sflag:s23] =	ssyncset.done $0x0  }
0x50: {  	[sflag:s23] =	ssyncadd.s32 $0xFFFFC000  }
0x51: {  	[spmem:s12] =	stream.linear.scatter [tilespmem:s26], [sflag:$0x5], $0x4000, $0x38;
	[tilespmem:$0x1FC00] =	vst v63  }
0x52: {  	_ =	swait.ge [sflag:s23], $0x4000  }
0x53: {  	[sflag:s23] =	ssyncset.done $0x0  }
0x54: {  	[sflag:s23] =	ssyncadd.s32 $0xFFFFC000  }
0x55: {  	s6 =	simm.s32 $0x0;
	s7 =	simm.s32 $0x0;
	[bflag:$0x0] =	sbarrier.arrive $0xFFFF  }
0x56: {  	[tilespmem:s26], [sflag:$0x1] =	stream.indirect.gather [hbm4b:s2+s28], $0x80, s6, s28, $0xb8;
	[tilespmem:$0x1FC00] =	vst v63  }
.LBB2_4:
0x57: {  	p0 =	seq.s32 s7, $0x0  }
0x58: {  	s13 =	sadd.s32 $0xFFFFFFFE, s6;
	s14 =	simm.s32 @!p0 $0x4  }
0x59: {  	s15 =	sadd.s32 $0x2, s13;
	_ =	swait.ge @!p0 [sflag:s14], $0x4000  }
0x5a: {  	s21 =	sshll.u32 s7, $0x8;
	s16 =	sadd.s32 $0x3, s13;
	v1 =	vmov s15;
	[sflag:s14] =	ssyncset.done @!p0 $0x0  }
0x5b: {  	s13 =	sor.u32 $0x80, s21;
	v2 =	vmov s16;
	v1 =	vand.u32 $0xFFFFFFFE, v1;
	[sflag:s14] =	ssyncadd.s32 @!p0 $0xFFFFC000  }
0x5c: {  	v3 =	vbroadcast v1, $0x0;
	[tilespmem:s29], [sflag:$0x2] =	stream.indirect.gather [hbm4b:s2+s28], $0x80, s13, s28, $0xb8;
	[tilespmem:$0x1FC00] =	vst v63  }
0x5d: {  	_ =	swait.ge [sflag:s30], $0x4000  }
0x5e: {  	[sflag:s30] =	ssyncset.done $0x0  }
0x5f: {  	[sflag:s30] =	ssyncadd.s32 $0xFFFFC000  }
0x60: {  	s14 =	simm.s32 $0x3C80;
	v1 =	vld.idx.msk [tilespmem:v2+s25+$0x0], $0xffff  }
0x61: {  	v4 =	vld [tilespmem:s14+$0xFFFFFFF0]  }
0x62: {  	v2 =	vld.idx.msk [tilespmem:v3+s25+$0x0], $0xffff  }
0x63: {  	v8 =	vld [tilespmem:s14+$0xFFFFFF80]  }
0x64: {  	v7 =	vld [tilespmem:s14+$0xFFFFFF90]  }
0x65: {  	v6 =	vld [tilespmem:s14+$0xFFFFFFA0]  }
0x66: {  	v5 =	vld [tilespmem:s14+$0xFFFFFFB0]  }
0x67: {  	v3 =	vld [tilespmem:s14+$0xFFFFFFC0];
	v9 =	vmul.f32 v4, v2  }
0x68: {  	s16 =	simm.s32 $0x0;
	s15 =	simm.s32 $0x3C80;
	v8 =	vmul.f32 v8, v2;
	v4 =	vld [tilespmem:s14+$0xFFFFFFD0]  }
.LBB2_5:
0x69: {  	s17 =	sadd.s32 s16, s6;
	s16 =	sadd.s32 $0x2, s16;
	v7 =	vmul.f32 v7, v2;
	v10 =	vld [tilespmem:s14+$0xFFFFFFE0];
	[tilespmem:s14+$0xFFFFFFF0] =	vst v9  }
0x6a: {  	s18 =	sadd.s32 $0x2, s17;
	s17 =	sadd.s32 $0x3, s17;
	p0 =	slt.u32 s16, $0x7E;
	[tilespmem:s14+$0xFFFFFF80] =	vst v8;
	v6 =	vmul.f32 v6, v2;
	v8 =	vld [tilespmem:s14+$0x0]  }
0x6b: {  	v9 =	vmov s18;
	v11 =	vmov s17;
	[tilespmem:s14+$0xFFFFFF90] =	vst v7;
	v5 =	vmul.f32 v5, v2;
	v7 =	vld [tilespmem:s14+$0x10]  }
0x6c: {  	v9 =	vand.u32 $0xFFFFFFFE, v9;
	[tilespmem:s14+$0xFFFFFFA0] =	vst v6;
	v3 =	vmul.f32 v3, v2;
	v6 =	vld [tilespmem:s14+$0x20]  }
0x6d: {  	v9 =	vbroadcast v9, $0x0;
	[tilespmem:s14+$0xFFFFFFB0] =	vst v5;
	v4 =	vmul.f32 v4, v2;
	v5 =	vld [tilespmem:s14+$0x30]  }
0x6e: {  	[tilespmem:s14+$0xFFFFFFC0] =	vst v3;
	v2 =	vmul.f32 v10, v2;
	v3 =	vld [tilespmem:s14+$0x40]  }
0x6f: {  	[tilespmem:s14+$0xFFFFFFD0] =	vst v4;
	v4 =	vmul.f32 v8, v1;
	v8 =	vld [tilespmem:s14+$0x50]  }
0x70: {  	v10 =	vld.idx.msk [tilespmem:v11+s25+$0x0], $0xffff;
	[tilespmem:s14+$0xFFFFFFE0] =	vst v2;
	v2 =	vmul.f32 v7, v1  }
0x71: {  	[tilespmem:s14+$0x0] =	vst v4;
	v4 =	vmul.f32 v6, v1;
	v6 =	vld [tilespmem:s14+$0x60]  }
0x72: {  	[tilespmem:s14+$0x10] =	vst v2;
	v5 =	vmul.f32 v5, v1;
	v11 =	vld [tilespmem:s14+$0x70]  }
0x73: {  	s14 =	sadd.s32 $0x100, s14;
	v2 =	vld.idx.msk [tilespmem:v9+s25+$0x0], $0xffff;
	[tilespmem:s15+$0x20] =	vst v4;
	v3 =	vmul.f32 v3, v1  }
0x74: {  	v4 =	vld [tilespmem:s14+$0xFFFFFFF0];
	[tilespmem:s15+$0x30] =	vst v5;
	v5 =	vmul.f32 v8, v1  }
0x75: {  	v8 =	vld [tilespmem:s14+$0xFFFFFF80];
	[tilespmem:s15+$0x40] =	vst v3  }
.Ltmp3:
0x76: {  	v7 =	vld [tilespmem:s14+$0xFFFFFF90];
	[tilespmem:s15+$0x50] =	vst v5;
	v3 =	vmul.f32 v6, v1;
	(pc) =	sbr.rel @p0 .LBB2_5-.Ltmp3, $4  }
0x77: {  	v6 =	vld [tilespmem:s14+$0xFFFFFFA0];
	v11 =	vmul.f32 v11, v1;
	v1 =	vmov v10  }
0x78: {  	v5 =	vld [tilespmem:s14+$0xFFFFFFB0];
	[tilespmem:s15+$0x60] =	vst v3  }
0x79: {  	v3 =	vld [tilespmem:s14+$0xFFFFFFC0];
	v9 =	vmul.f32 v4, v2;
	[tilespmem:s15+$0x70] =	vst v11;
	s15 =	smov.u32 s14  }
0x7a: {  	v8 =	vmul.f32 v8, v2;
	v4 =	vld [tilespmem:s14+$0xFFFFFFD0]  }
0x7b: {  	v10 =	vld [tilespmem:s14+$0x0];
	v7 =	vmul.f32 v7, v2;
	[tilespmem:s14+$0xFFFFFFF0] =	vst v9  }
0x7c: {  	v9 =	vld [tilespmem:s14+$0x10];
	[tilespmem:s14+$0xFFFFFF80] =	vst v8;
	v6 =	vmul.f32 v6, v2  }
0x7d: {  	v11 =	vld [tilespmem:s14+$0xFFFFFFE0];
	[tilespmem:s14+$0xFFFFFF90] =	vst v7;
	v5 =	vmul.f32 v5, v2  }
0x7e: {  	v8 =	vld [tilespmem:s14+$0x20];
	[tilespmem:s14+$0xFFFFFFA0] =	vst v6;
	v3 =	vmul.f32 v3, v2  }
0x7f: {  	v7 =	vld [tilespmem:s14+$0x30];
	[tilespmem:s14+$0xFFFFFFB0] =	vst v5;
	v4 =	vmul.f32 v4, v2  }
0x80: {  	v6 =	vld [tilespmem:s14+$0x40];
	v10 =	vmul.f32 v10, v1;
	[tilespmem:s14+$0xFFFFFFC0] =	vst v3  }
0x81: {  	v5 =	vld [tilespmem:s14+$0x50];
	v9 =	vmul.f32 v9, v1;
	[tilespmem:s14+$0xFFFFFFD0] =	vst v4  }
0x82: {  	v3 =	vld [tilespmem:s14+$0x60];
	v2 =	vmul.f32 v11, v2;
	[tilespmem:s14+$0x0] =	vst v10  }
0x83: {  	v4 =	vmul.f32 v8, v1;
	v8 =	vld [tilespmem:s14+$0x70];
	[tilespmem:s14+$0x10] =	vst v9  }
0x84: {  	[tilespmem:s14+$0xFFFFFFE0] =	vst v2;
	v2 =	vmul.f32 v7, v1  }
0x85: {  	[tilespmem:s15+$0x20] =	vst v4;
	v4 =	vmul.f32 v6, v1  }
0x86: {  	[tilespmem:s15+$0x30] =	vst v2;
	v2 =	vmul.f32 v5, v1  }
0x87: {  	s16 =	sadd.s32 $0xFFFFFFFE, s6;
	[tilespmem:s15+$0x40] =	vst v4;
	v3 =	vmul.f32 v3, v1  }
0x88: {  	s17 =	sshll.u32 s7, $0xA;
	s20 =	sadd.s32 $0x82, s16;
	[tilespmem:s15+$0x50] =	vst v2;
	v1 =	vmul.f32 v8, v1  }
0x89: {  	s16 =	sadd.s32 $0x83, s16;
	s14 =	sshrl.u32 s17, $0x2;
	v2 =	vmov s20;
	[tilespmem:s15+$0x60] =	vst v3  }
0x8a: {  	s21 =	sadd.s32 $0x1400, s14;
	v2 =	vand.u32 $0xFFFFFFFE, v2;
	[tilespmem:s15+$0x70] =	vst v1;
	v1 =	vmov s16  }
0x8b: {  	v2 =	vbroadcast v2, $0x0;
	[spmem:s3] =	stream.indirect.scatter.add.f32 [tilespmem:s26], [sflag:$0x3], $0x80, s21, s28, $0xb8;
	[tilespmem:$0x1FC00] =	vst v63  }
0x8c: {  	_ =	swait.ge [sflag:s31], $0x4000  }
0x8d: {  	[sflag:s31] =	ssyncset.done $0x0  }
0x8e: {  	[sflag:s31] =	ssyncadd.s32 $0xFFFFC000  }
0x8f: {  	s15 =	simm.s32 $0x7C80;
	v1 =	vld.idx.msk [tilespmem:v1+s25+$0x0], $0xffff  }
0x90: {  	v4 =	vld [tilespmem:s15+$0xFFFFFFF0]  }
0x91: {  	v2 =	vld.idx.msk [tilespmem:v2+s25+$0x0], $0xffff  }
0x92: {  	v8 =	vld [tilespmem:s15+$0xFFFFFF80]  }
0x93: {  	v7 =	vld [tilespmem:s15+$0xFFFFFF90]  }
0x94: {  	v6 =	vld [tilespmem:s15+$0xFFFFFFA0]  }
0x95: {  	v5 =	vld [tilespmem:s15+$0xFFFFFFB0]  }
0x96: {  	v3 =	vld [tilespmem:s15+$0xFFFFFFC0];
	v9 =	vmul.f32 v4, v2  }
0x97: {  	s17 =	simm.s32 $0x0;
	s16 =	simm.s32 $0x7C80;
	v8 =	vmul.f32 v8, v2;
	v4 =	vld [tilespmem:s15+$0xFFFFFFD0]  }
.LBB2_7:
0x98: {  	s18 =	sadd.s32 s17, s6;
	s17 =	sadd.s32 $0x2, s17;
	v7 =	vmul.f32 v7, v2;
	v10 =	vld [tilespmem:s15+$0xFFFFFFE0];
	[tilespmem:s15+$0xFFFFFFF0] =	vst v9  }
0x99: {  	s19 =	sadd.s32 $0x82, s18;
	s18 =	sadd.s32 $0x83, s18;
	p0 =	slt.u32 s17, $0x7E;
	[tilespmem:s15+$0xFFFFFF80] =	vst v8;
	v6 =	vmul.f32 v6, v2;
	v8 =	vld [tilespmem:s15+$0x0]  }
0x9a: {  	v9 =	vmov s19;
	v11 =	vmov s18;
	[tilespmem:s15+$0xFFFFFF90] =	vst v7;
	v5 =	vmul.f32 v5, v2;
	v7 =	vld [tilespmem:s15+$0x10]  }
0x9b: {  	v9 =	vand.u32 $0xFFFFFFFE, v9;
	[tilespmem:s15+$0xFFFFFFA0] =	vst v6;
	v3 =	vmul.f32 v3, v2;
	v6 =	vld [tilespmem:s15+$0x20]  }
0x9c: {  	v9 =	vbroadcast v9, $0x0;
	[tilespmem:s15+$0xFFFFFFB0] =	vst v5;
	v4 =	vmul.f32 v4, v2;
	v5 =	vld [tilespmem:s15+$0x30]  }
0x9d: {  	[tilespmem:s15+$0xFFFFFFC0] =	vst v3;
	v2 =	vmul.f32 v10, v2;
	v3 =	vld [tilespmem:s15+$0x40]  }
0x9e: {  	[tilespmem:s15+$0xFFFFFFD0] =	vst v4;
	v4 =	vmul.f32 v8, v1;
	v8 =	vld [tilespmem:s15+$0x50]  }
0x9f: {  	v10 =	vld.idx.msk [tilespmem:v11+s25+$0x0], $0xffff;
	[tilespmem:s15+$0xFFFFFFE0] =	vst v2;
	v2 =	vmul.f32 v7, v1  }
0xa0: {  	[tilespmem:s15+$0x0] =	vst v4;
	v4 =	vmul.f32 v6, v1;
	v6 =	vld [tilespmem:s15+$0x60]  }
0xa1: {  	[tilespmem:s15+$0x10] =	vst v2;
	v5 =	vmul.f32 v5, v1;
	v11 =	vld [tilespmem:s15+$0x70]  }
0xa2: {  	s15 =	sadd.s32 $0x100, s15;
	v2 =	vld.idx.msk [tilespmem:v9+s25+$0x0], $0xffff;
	[tilespmem:s16+$0x20] =	vst v4;
	v3 =	vmul.f32 v3, v1  }
0xa3: {  	v4 =	vld [tilespmem:s15+$0xFFFFFFF0];
	[tilespmem:s16+$0x30] =	vst v5;
	v5 =	vmul.f32 v8, v1  }
0xa4: {  	v8 =	vld [tilespmem:s15+$0xFFFFFF80];
	[tilespmem:s16+$0x40] =	vst v3  }
.Ltmp4:
0xa5: {  	v7 =	vld [tilespmem:s15+$0xFFFFFF90];
	[tilespmem:s16+$0x50] =	vst v5;
	v3 =	vmul.f32 v6, v1;
	(pc) =	sbr.rel @p0 .LBB2_7-.Ltmp4, $4  }
0xa6: {  	v6 =	vld [tilespmem:s15+$0xFFFFFFA0];
	v11 =	vmul.f32 v11, v1;
	v1 =	vmov v10  }
0xa7: {  	v5 =	vld [tilespmem:s15+$0xFFFFFFB0];
	[tilespmem:s16+$0x60] =	vst v3  }
0xa8: {  	v3 =	vld [tilespmem:s15+$0xFFFFFFC0];
	v9 =	vmul.f32 v4, v2;
	[tilespmem:s16+$0x70] =	vst v11;
	s16 =	smov.u32 s15  }
0xa9: {  	v8 =	vmul.f32 v8, v2;
	v4 =	vld [tilespmem:s15+$0xFFFFFFD0]  }
0xaa: {  	v10 =	vld [tilespmem:s15+$0x0];
	v7 =	vmul.f32 v7, v2;
	[tilespmem:s15+$0xFFFFFFF0] =	vst v9  }
0xab: {  	v56 =	vld [tilespmem:s15+$0x10];
	[tilespmem:s15+$0xFFFFFF80] =	vst v8;
	v6 =	vmul.f32 v6, v2  }
0xac: {  	v11 =	vld [tilespmem:s15+$0xFFFFFFE0];
	[tilespmem:s15+$0xFFFFFF90] =	vst v7;
	v5 =	vmul.f32 v5, v2  }
0xad: {  	v57 =	vld [tilespmem:s15+$0x20];
	[tilespmem:s15+$0xFFFFFFA0] =	vst v6;
	v3 =	vmul.f32 v3, v2  }
0xae: {  	v58 =	vld [tilespmem:s15+$0x30];
	[tilespmem:s15+$0xFFFFFFB0] =	vst v5;
	v4 =	vmul.f32 v4, v2  }
0xaf: {  	v59 =	vld [tilespmem:s15+$0x40];
	v10 =	vmul.f32 v10, v1;
	[tilespmem:s15+$0xFFFFFFC0] =	vst v3  }
0xb0: {  	v60 =	vld [tilespmem:s15+$0x50];
	v9 =	vmul.f32 v56, v1;
	[tilespmem:s15+$0xFFFFFFD0] =	vst v4  }
0xb1: {  	v3 =	vld [tilespmem:s15+$0x60];
	v2 =	vmul.f32 v11, v2;
	[tilespmem:s15+$0x0] =	vst v10  }
0xb2: {  	v62 =	vld [tilespmem:s15+$0x70];
	v61 =	vmul.f32 v57, v1;
	[tilespmem:s15+$0x10] =	vst v9  }
0xb3: {  	[tilespmem:s15+$0xFFFFFFE0] =	vst v2;
	v2 =	vmul.f32 v58, v1  }
0xb4: {  	v63 =	vmul.f32 v59, v1;
	[tilespmem:s16+$0x20] =	vst v61  }
0xb5: {  	[tilespmem:s16+$0x30] =	vst v2;
	v2 =	vmul.f32 v60, v1  }
0xb6: {  	[tilespmem:s16+$0x40] =	vst v63;
	v3 =	vmul.f32 v3, v1  }
0xb7: {  	v1 =	vmul.f32 v62, v1;
	[tilespmem:s16+$0x50] =	vst v2  }
0xb8: {  	p0 =	seq.s32 s7, $0x13;
	[tilespmem:s16+$0x60] =	vst v3  }
.Ltmp5:
0xb9: {  	s13 =	sadd.s32 $0x1400, s13;
	[tilespmem:s16+$0x70] =	vst v1;
	(pc) =	sbr.rel @p0 .LBB2_10-.Ltmp5, $4  }
0xba: {  	[spmem:s3] =	stream.indirect.scatter.add.f32 [tilespmem:s29], [sflag:$0x4], $0x80, s13, s28, $0xb8;
	[tilespmem:$0x1FC00] =	vst v63  }
0xbb: {  	_ =	swait.ge [sflag:s1], $0x4000  }
0xbc: {  	[sflag:s1] =	ssyncset.done $0x0  }
0xbd: {  	[sflag:s1] =	ssyncadd.s32 $0xFFFFC000  }
.Ltmp6:
0xbe: {  	(pc) =	sbr.rel .LBB2_4-.Ltmp6, $3  }
0xbf: {  	_ =	sdelay $0x1  }
0xc0: {  	s13 =	sadd.s32 $0x100, s14;
	s7 =	sadd.s32 $0x1, s7;
	s6 =	sadd.s32 $0x100, s6  }
0xc1: {  	[tilespmem:s26], [sflag:$0x1] =	stream.indirect.gather [hbm4b:s2+s28], $0x80, s13, s28, $0xb8;
	[tilespmem:$0x1FC00] =	vst v63  }
.LBB2_10:
0xc2: {  	_ =	swait.ge [sflag:s0], $0x4000  }
0xc3: {  	[sflag:s0] =	ssyncset.done $0x0  }
0xc4: {  	s6 =	stileid.u32;
	[sflag:s0] =	ssyncadd.s32 $0xFFFFC000  }
0xc5: {  	s6 =	sshll.u32 s6, $0x6;
	[bflag:$0x0] =	sbarrier.arrive $0xFFFF  }
0xc6: {  	s7 =	sshrl.u32 s8, $0x3;
	s6 =	sor.u32 $0x1C05, s6;
	s13 =	rddreg [dreg:$0x6]  }
0xc7: {  	[hbm:s13], [sflag:s6] =	dma.local [spmem:s7], $0x2800  }
0xc8: {  	_ =	swait.ge [sflag:s23], $0x2800  }
0xc9: {  	[sflag:s23] =	ssyncset.done $0x0  }
0xca: {  	[sflag:s23] =	ssyncadd.s32 $0xFFFFD800  }
0xcb: {  	[bflag:$0x0] =	sbarrier.arrive $0xFFFF  }
0xcc: {  	s19 =	simm.s32 $0x0;
	s14 =	rddreg [dreg:$0x7]  }
0xcd: {  	[tilespmem:s19], [sflag:$0x5] =	stream.linear.gather [hbm4b:s14+s19], $0x1400, $0x38;
	[tilespmem:$0x1FC00] =	vst v63  }
0xce: {  	_ =	swait.ge [sflag:s23], $0x1400  }
0xcf: {  	[sflag:s23] =	ssyncset.done $0x0  }
0xd0: {  	s20 =	rddreg [dreg:$0x8];
	[sflag:s23] =	ssyncadd.s32 $0xFFFFEC00  }
0xd1: {  	[tilespmem:s24], [sflag:$0x5] =	stream.linear.gather [hbm4b:s20+s19], $0x1400, $0x38;
	[tilespmem:$0x1FC00] =	vst v63  }
0xd2: {  	_ =	swait.ge [sflag:s23], $0x1400  }
0xd3: {  	[sflag:s23] =	ssyncset.done $0x0  }
0xd4: {  	s21 =	rddreg [dreg:$0x9];
	[sflag:s23] =	ssyncadd.s32 $0xFFFFEC00  }
0xd5: {  	[tilespmem:s25], [sflag:$0x5] =	stream.linear.gather [hbm4b:s21+s19], $0x1400, $0x38;
	[tilespmem:$0x1FC00] =	vst v63  }
0xd6: {  	_ =	swait.ge [sflag:s23], $0x1400  }
0xd7: {  	[sflag:s23] =	ssyncset.done $0x0  }
0xd8: {  	s13 =	simm.s32 $0x0;
	s14 =	simm.s32 $0x200;
	[sflag:s23] =	ssyncadd.s32 $0xFFFFEC00  }
.LBB2_11:
0xd9: {  	p0 =	sne.s32 s14, $0xFE00;
	[tilespmem:s13+$0x3C70] =	vst v0  }
0xda: {  	[tilespmem:s13+$0x3C00] =	vst v0  }
0xdb: {  	[tilespmem:s13+$0x3C10] =	vst v0  }
.Ltmp7:
0xdc: {  	[tilespmem:s13+$0x3C20] =	vst v0;
	(pc) =	sbr.rel @p0 .LBB2_11-.Ltmp7, $4  }
0xdd: {  	[tilespmem:s13+$0x3C30] =	vst v0  }
0xde: {  	[tilespmem:s13+$0x3C40] =	vst v0  }
0xdf: {  	[tilespmem:s13+$0x3C50] =	vst v0  }
0xe0: {  	[tilespmem:s13+$0x3C60] =	vst v0;
	s13 =	sshra.s32 s14, $0x2;
	s14 =	sadd.s32 $0x200, s14  }
0xe1: {  	[tilespmem:s13+$0x3C70] =	vst v0  }
0xe2: {  	[tilespmem:s13+$0x3C00] =	vst v0  }
0xe3: {  	[tilespmem:s13+$0x3C10] =	vst v0  }
0xe4: {  	[tilespmem:s13+$0x3C20] =	vst v0  }
0xe5: {  	[tilespmem:s13+$0x3C30] =	vst v0  }
0xe6: {  	[tilespmem:s13+$0x3C40] =	vst v0  }
0xe7: {  	[tilespmem:s13+$0x3C50] =	vst v0  }
0xe8: {  	[tilespmem:s13+$0x3C60] =	vst v0  }
0xe9: {  	[spmem:s8] =	stream.linear.scatter [tilespmem:s26], [sflag:$0x5], $0x4000, $0x38;
	[tilespmem:$0x1FC00] =	vst v63  }
0xea: {  	_ =	swait.ge [sflag:s23], $0x4000  }
0xeb: {  	[sflag:s23] =	ssyncset.done $0x0  }
0xec: {  	[sflag:s23] =	ssyncadd.s32 $0xFFFFC000  }
0xed: {  	[spmem:s9] =	stream.linear.scatter [tilespmem:s26], [sflag:$0x5], $0x4000, $0x38;
	[tilespmem:$0x1FC00] =	vst v63  }
0xee: {  	_ =	swait.ge [sflag:s23], $0x4000  }
0xef: {  	[sflag:s23] =	ssyncset.done $0x0  }
0xf0: {  	[sflag:s23] =	ssyncadd.s32 $0xFFFFC000  }
0xf1: {  	[spmem:s10] =	stream.linear.scatter [tilespmem:s26], [sflag:$0x5], $0x4000, $0x38;
	[tilespmem:$0x1FC00] =	vst v63  }
0xf2: {  	_ =	swait.ge [sflag:s23], $0x4000  }
0xf3: {  	[sflag:s23] =	ssyncset.done $0x0  }
0xf4: {  	[sflag:s23] =	ssyncadd.s32 $0xFFFFC000  }
0xf5: {  	[spmem:s11] =	stream.linear.scatter [tilespmem:s26], [sflag:$0x5], $0x4000, $0x38;
	[tilespmem:$0x1FC00] =	vst v63  }
0xf6: {  	_ =	swait.ge [sflag:s23], $0x4000  }
0xf7: {  	[sflag:s23] =	ssyncset.done $0x0  }
0xf8: {  	[sflag:s23] =	ssyncadd.s32 $0xFFFFC000  }
0xf9: {  	[spmem:s12] =	stream.linear.scatter [tilespmem:s26], [sflag:$0x5], $0x4000, $0x38;
	[tilespmem:$0x1FC00] =	vst v63  }
0xfa: {  	_ =	swait.ge [sflag:s23], $0x4000  }
0xfb: {  	[sflag:s23] =	ssyncset.done $0x0  }
0xfc: {  	[sflag:s23] =	ssyncadd.s32 $0xFFFFC000  }
0xfd: {  	s13 =	simm.s32 $0x0;
	s14 =	simm.s32 $0x0;
	[bflag:$0x0] =	sbarrier.arrive $0xFFFF  }
0xfe: {  	[tilespmem:s26], [sflag:$0x1] =	stream.indirect.gather [hbm4b:s2+s28], $0x80, s13, s28, $0xb8;
	[tilespmem:$0x1FC00] =	vst v63  }
.LBB2_13:
0xff: {  	p0 =	seq.s32 s14, $0x0  }
0x100: {  	s15 =	sadd.s32 $0xFFFFFFFE, s13;
	s16 =	simm.s32 @!p0 $0x4  }
0x101: {  	s17 =	sadd.s32 $0x2, s15;
	_ =	swait.ge @!p0 [sflag:s16], $0x4000  }
0x102: {  	s21 =	sshll.u32 s14, $0x8;
	s18 =	sadd.s32 $0x3, s15;
	v1 =	vmov s17;
	[sflag:s16] =	ssyncset.done @!p0 $0x0  }
0x103: {  	s15 =	sor.u32 $0x80, s21;
	v2 =	vmov s18;
	v1 =	vand.u32 $0xFFFFFFFE, v1;
	[sflag:s16] =	ssyncadd.s32 @!p0 $0xFFFFC000  }
0x104: {  	v3 =	vbroadcast v1, $0x0;
	[tilespmem:s29], [sflag:$0x2] =	stream.indirect.gather [hbm4b:s2+s28], $0x80, s15, s28, $0xb8;
	[tilespmem:$0x1FC00] =	vst v63  }
0x105: {  	_ =	swait.ge [sflag:s30], $0x4000  }
0x106: {  	[sflag:s30] =	ssyncset.done $0x0  }
0x107: {  	[sflag:s30] =	ssyncadd.s32 $0xFFFFC000  }
0x108: {  	s16 =	simm.s32 $0x3C80;
	v1 =	vld.idx.msk [tilespmem:v2+s25+$0x0], $0xffff  }
0x109: {  	v4 =	vld [tilespmem:s16+$0xFFFFFFF0]  }
0x10a: {  	v2 =	vld.idx.msk [tilespmem:v3+s25+$0x0], $0xffff  }
0x10b: {  	v8 =	vld [tilespmem:s16+$0xFFFFFF80]  }
0x10c: {  	v7 =	vld [tilespmem:s16+$0xFFFFFF90]  }
0x10d: {  	v6 =	vld [tilespmem:s16+$0xFFFFFFA0]  }
0x10e: {  	v5 =	vld [tilespmem:s16+$0xFFFFFFB0]  }
0x10f: {  	v3 =	vld [tilespmem:s16+$0xFFFFFFC0];
	v9 =	vmul.f32 v4, v2  }
0x110: {  	s18 =	simm.s32 $0x0;
	s17 =	simm.s32 $0x3C80;
	v8 =	vmul.f32 v8, v2;
	v4 =	vld [tilespmem:s16+$0xFFFFFFD0]  }
.LBB2_14:
0x111: {  	s19 =	sadd.s32 s18, s13;
	s18 =	sadd.s32 $0x2, s18;
	v7 =	vmul.f32 v7, v2;
	v10 =	vld [tilespmem:s16+$0xFFFFFFE0];
	[tilespmem:s16+$0xFFFFFFF0] =	vst v9  }
0x112: {  	s20 =	sadd.s32 $0x2, s19;
	s19 =	sadd.s32 $0x3, s19;
	p0 =	slt.u32 s18, $0x7E;
	[tilespmem:s16+$0xFFFFFF80] =	vst v8;
	v6 =	vmul.f32 v6, v2;
	v8 =	vld [tilespmem:s16+$0x0]  }
0x113: {  	v9 =	vmov s20;
	v11 =	vmov s19;
	[tilespmem:s16+$0xFFFFFF90] =	vst v7;
	v5 =	vmul.f32 v5, v2;
	v7 =	vld [tilespmem:s16+$0x10]  }
0x114: {  	v9 =	vand.u32 $0xFFFFFFFE, v9;
	[tilespmem:s16+$0xFFFFFFA0] =	vst v6;
	v3 =	vmul.f32 v3, v2;
	v6 =	vld [tilespmem:s16+$0x20]  }
0x115: {  	v9 =	vbroadcast v9, $0x0;
	[tilespmem:s16+$0xFFFFFFB0] =	vst v5;
	v4 =	vmul.f32 v4, v2;
	v5 =	vld [tilespmem:s16+$0x30]  }
0x116: {  	[tilespmem:s16+$0xFFFFFFC0] =	vst v3;
	v2 =	vmul.f32 v10, v2;
	v3 =	vld [tilespmem:s16+$0x40]  }
0x117: {  	[tilespmem:s16+$0xFFFFFFD0] =	vst v4;
	v4 =	vmul.f32 v8, v1;
	v8 =	vld [tilespmem:s16+$0x50]  }
0x118: {  	v10 =	vld.idx.msk [tilespmem:v11+s25+$0x0], $0xffff;
	[tilespmem:s16+$0xFFFFFFE0] =	vst v2;
	v2 =	vmul.f32 v7, v1  }
0x119: {  	[tilespmem:s16+$0x0] =	vst v4;
	v4 =	vmul.f32 v6, v1;
	v6 =	vld [tilespmem:s16+$0x60]  }
0x11a: {  	[tilespmem:s16+$0x10] =	vst v2;
	v5 =	vmul.f32 v5, v1;
	v11 =	vld [tilespmem:s16+$0x70]  }
0x11b: {  	s16 =	sadd.s32 $0x100, s16;
	v2 =	vld.idx.msk [tilespmem:v9+s25+$0x0], $0xffff;
	[tilespmem:s17+$0x20] =	vst v4;
	v3 =	vmul.f32 v3, v1  }
0x11c: {  	v4 =	vld [tilespmem:s16+$0xFFFFFFF0];
	[tilespmem:s17+$0x30] =	vst v5;
	v5 =	vmul.f32 v8, v1  }
0x11d: {  	v8 =	vld [tilespmem:s16+$0xFFFFFF80];
	[tilespmem:s17+$0x40] =	vst v3  }
.Ltmp8:
0x11e: {  	v7 =	vld [tilespmem:s16+$0xFFFFFF90];
	[tilespmem:s17+$0x50] =	vst v5;
	v3 =	vmul.f32 v6, v1;
	(pc) =	sbr.rel @p0 .LBB2_14-.Ltmp8, $4  }
0x11f: {  	v6 =	vld [tilespmem:s16+$0xFFFFFFA0];
	v11 =	vmul.f32 v11, v1;
	v1 =	vmov v10  }
0x120: {  	v5 =	vld [tilespmem:s16+$0xFFFFFFB0];
	[tilespmem:s17+$0x60] =	vst v3  }
0x121: {  	v3 =	vld [tilespmem:s16+$0xFFFFFFC0];
	v9 =	vmul.f32 v4, v2;
	[tilespmem:s17+$0x70] =	vst v11;
	s17 =	smov.u32 s16  }
0x122: {  	v8 =	vmul.f32 v8, v2;
	v4 =	vld [tilespmem:s16+$0xFFFFFFD0]  }
0x123: {  	v10 =	vld [tilespmem:s16+$0x0];
	v7 =	vmul.f32 v7, v2;
	[tilespmem:s16+$0xFFFFFFF0] =	vst v9  }
0x124: {  	v9 =	vld [tilespmem:s16+$0x10];
	[tilespmem:s16+$0xFFFFFF80] =	vst v8;
	v6 =	vmul.f32 v6, v2  }
0x125: {  	v11 =	vld [tilespmem:s16+$0xFFFFFFE0];
	[tilespmem:s16+$0xFFFFFF90] =	vst v7;
	v5 =	vmul.f32 v5, v2  }
0x126: {  	v8 =	vld [tilespmem:s16+$0x20];
	[tilespmem:s16+$0xFFFFFFA0] =	vst v6;
	v3 =	vmul.f32 v3, v2  }
0x127: {  	v7 =	vld [tilespmem:s16+$0x30];
	[tilespmem:s16+$0xFFFFFFB0] =	vst v5;
	v4 =	vmul.f32 v4, v2  }
0x128: {  	v6 =	vld [tilespmem:s16+$0x40];
	v10 =	vmul.f32 v10, v1;
	[tilespmem:s16+$0xFFFFFFC0] =	vst v3  }
0x129: {  	v5 =	vld [tilespmem:s16+$0x50];
	v9 =	vmul.f32 v9, v1;
	[tilespmem:s16+$0xFFFFFFD0] =	vst v4  }
0x12a: {  	v3 =	vld [tilespmem:s16+$0x60];
	v2 =	vmul.f32 v11, v2;
	[tilespmem:s16+$0x0] =	vst v10  }
0x12b: {  	v4 =	vmul.f32 v8, v1;
	v8 =	vld [tilespmem:s16+$0x70];
	[tilespmem:s16+$0x10] =	vst v9  }
0x12c: {  	[tilespmem:s16+$0xFFFFFFE0] =	vst v2;
	v2 =	vmul.f32 v7, v1  }
0x12d: {  	[tilespmem:s17+$0x20] =	vst v4;
	v4 =	vmul.f32 v6, v1  }
0x12e: {  	[tilespmem:s17+$0x30] =	vst v2;
	v2 =	vmul.f32 v5, v1  }
0x12f: {  	s18 =	sadd.s32 $0xFFFFFFFE, s13;
	[tilespmem:s17+$0x40] =	vst v4;
	v3 =	vmul.f32 v3, v1  }
0x130: {  	s19 =	sshll.u32 s14, $0xA;
	s20 =	sadd.s32 $0x82, s18;
	[tilespmem:s17+$0x50] =	vst v2;
	v1 =	vmul.f32 v8, v1  }
0x131: {  	s18 =	sadd.s32 $0x83, s18;
	s16 =	sshrl.u32 s19, $0x2;
	v2 =	vmov s20;
	[tilespmem:s17+$0x60] =	vst v3  }
0x132: {  	s21 =	sadd.s32 $0x1400, s16;
	v2 =	vand.u32 $0xFFFFFFFE, v2;
	[tilespmem:s17+$0x70] =	vst v1;
	v1 =	vmov s18  }
0x133: {  	v2 =	vbroadcast v2, $0x0;
	[spmem:s3] =	stream.indirect.scatter.add.f32 [tilespmem:s26], [sflag:$0x3], $0x80, s21, s28, $0xb8;
	[tilespmem:$0x1FC00] =	vst v63  }
0x134: {  	_ =	swait.ge [sflag:s31], $0x4000  }
0x135: {  	[sflag:s31] =	ssyncset.done $0x0  }
0x136: {  	[sflag:s31] =	ssyncadd.s32 $0xFFFFC000  }
0x137: {  	s17 =	simm.s32 $0x7C80;
	v1 =	vld.idx.msk [tilespmem:v1+s25+$0x0], $0xffff  }
0x138: {  	v4 =	vld [tilespmem:s17+$0xFFFFFFF0]  }
0x139: {  	v2 =	vld.idx.msk [tilespmem:v2+s25+$0x0], $0xffff  }
0x13a: {  	v8 =	vld [tilespmem:s17+$0xFFFFFF80]  }
0x13b: {  	v7 =	vld [tilespmem:s17+$0xFFFFFF90]  }
0x13c: {  	v6 =	vld [tilespmem:s17+$0xFFFFFFA0]  }
0x13d: {  	v5 =	vld [tilespmem:s17+$0xFFFFFFB0]  }
0x13e: {  	v3 =	vld [tilespmem:s17+$0xFFFFFFC0];
	v9 =	vmul.f32 v4, v2  }
0x13f: {  	s19 =	simm.s32 $0x0;
	s18 =	simm.s32 $0x7C80;
	v8 =	vmul.f32 v8, v2;
	v4 =	vld [tilespmem:s17+$0xFFFFFFD0]  }
.LBB2_16:
0x140: {  	s20 =	sadd.s32 s19, s13;
	s19 =	sadd.s32 $0x2, s19;
	v7 =	vmul.f32 v7, v2;
	v10 =	vld [tilespmem:s17+$0xFFFFFFE0];
	[tilespmem:s17+$0xFFFFFFF0] =	vst v9  }
0x141: {  	s21 =	sadd.s32 $0x82, s20;
	s20 =	sadd.s32 $0x83, s20;
	p0 =	slt.u32 s19, $0x7E;
	[tilespmem:s17+$0xFFFFFF80] =	vst v8;
	v6 =	vmul.f32 v6, v2;
	v8 =	vld [tilespmem:s17+$0x0]  }
0x142: {  	v9 =	vmov s21;
	v11 =	vmov s20;
	[tilespmem:s17+$0xFFFFFF90] =	vst v7;
	v5 =	vmul.f32 v5, v2;
	v7 =	vld [tilespmem:s17+$0x10]  }
0x143: {  	v9 =	vand.u32 $0xFFFFFFFE, v9;
	[tilespmem:s17+$0xFFFFFFA0] =	vst v6;
	v3 =	vmul.f32 v3, v2;
	v6 =	vld [tilespmem:s17+$0x20]  }
0x144: {  	v9 =	vbroadcast v9, $0x0;
	[tilespmem:s17+$0xFFFFFFB0] =	vst v5;
	v4 =	vmul.f32 v4, v2;
	v5 =	vld [tilespmem:s17+$0x30]  }
0x145: {  	[tilespmem:s17+$0xFFFFFFC0] =	vst v3;
	v2 =	vmul.f32 v10, v2;
	v3 =	vld [tilespmem:s17+$0x40]  }
0x146: {  	[tilespmem:s17+$0xFFFFFFD0] =	vst v4;
	v4 =	vmul.f32 v8, v1;
	v8 =	vld [tilespmem:s17+$0x50]  }
0x147: {  	v10 =	vld.idx.msk [tilespmem:v11+s25+$0x0], $0xffff;
	[tilespmem:s17+$0xFFFFFFE0] =	vst v2;
	v2 =	vmul.f32 v7, v1  }
0x148: {  	[tilespmem:s17+$0x0] =	vst v4;
	v4 =	vmul.f32 v6, v1;
	v6 =	vld [tilespmem:s17+$0x60]  }
0x149: {  	[tilespmem:s17+$0x10] =	vst v2;
	v5 =	vmul.f32 v5, v1;
	v11 =	vld [tilespmem:s17+$0x70]  }
0x14a: {  	s17 =	sadd.s32 $0x100, s17;
	v2 =	vld.idx.msk [tilespmem:v9+s25+$0x0], $0xffff;
	[tilespmem:s18+$0x20] =	vst v4;
	v3 =	vmul.f32 v3, v1  }
0x14b: {  	v4 =	vld [tilespmem:s17+$0xFFFFFFF0];
	[tilespmem:s18+$0x30] =	vst v5;
	v5 =	vmul.f32 v8, v1  }
0x14c: {  	v8 =	vld [tilespmem:s17+$0xFFFFFF80];
	[tilespmem:s18+$0x40] =	vst v3  }
.Ltmp9:
0x14d: {  	v7 =	vld [tilespmem:s17+$0xFFFFFF90];
	[tilespmem:s18+$0x50] =	vst v5;
	v3 =	vmul.f32 v6, v1;
	(pc) =	sbr.rel @p0 .LBB2_16-.Ltmp9, $4  }
0x14e: {  	v6 =	vld [tilespmem:s17+$0xFFFFFFA0];
	v11 =	vmul.f32 v11, v1;
	v1 =	vmov v10  }
0x14f: {  	v5 =	vld [tilespmem:s17+$0xFFFFFFB0];
	[tilespmem:s18+$0x60] =	vst v3  }
0x150: {  	v3 =	vld [tilespmem:s17+$0xFFFFFFC0];
	v9 =	vmul.f32 v4, v2;
	[tilespmem:s18+$0x70] =	vst v11;
	s18 =	smov.u32 s17  }
0x151: {  	v8 =	vmul.f32 v8, v2;
	v4 =	vld [tilespmem:s17+$0xFFFFFFD0]  }
0x152: {  	v10 =	vld [tilespmem:s17+$0x0];
	v7 =	vmul.f32 v7, v2;
	[tilespmem:s17+$0xFFFFFFF0] =	vst v9  }
0x153: {  	v56 =	vld [tilespmem:s17+$0x10];
	[tilespmem:s17+$0xFFFFFF80] =	vst v8;
	v6 =	vmul.f32 v6, v2  }
0x154: {  	v11 =	vld [tilespmem:s17+$0xFFFFFFE0];
	[tilespmem:s17+$0xFFFFFF90] =	vst v7;
	v5 =	vmul.f32 v5, v2  }
0x155: {  	v57 =	vld [tilespmem:s17+$0x20];
	[tilespmem:s17+$0xFFFFFFA0] =	vst v6;
	v3 =	vmul.f32 v3, v2  }
0x156: {  	v58 =	vld [tilespmem:s17+$0x30];
	[tilespmem:s17+$0xFFFFFFB0] =	vst v5;
	v4 =	vmul.f32 v4, v2  }
0x157: {  	v59 =	vld [tilespmem:s17+$0x40];
	v10 =	vmul.f32 v10, v1;
	[tilespmem:s17+$0xFFFFFFC0] =	vst v3  }
0x158: {  	v60 =	vld [tilespmem:s17+$0x50];
	v9 =	vmul.f32 v56, v1;
	[tilespmem:s17+$0xFFFFFFD0] =	vst v4  }
0x159: {  	v3 =	vld [tilespmem:s17+$0x60];
	v2 =	vmul.f32 v11, v2;
	[tilespmem:s17+$0x0] =	vst v10  }
0x15a: {  	v62 =	vld [tilespmem:s17+$0x70];
	v61 =	vmul.f32 v57, v1;
	[tilespmem:s17+$0x10] =	vst v9  }
0x15b: {  	[tilespmem:s17+$0xFFFFFFE0] =	vst v2;
	v2 =	vmul.f32 v58, v1  }
0x15c: {  	v63 =	vmul.f32 v59, v1;
	[tilespmem:s18+$0x20] =	vst v61  }
0x15d: {  	[tilespmem:s18+$0x30] =	vst v2;
	v2 =	vmul.f32 v60, v1  }
0x15e: {  	[tilespmem:s18+$0x40] =	vst v63;
	v3 =	vmul.f32 v3, v1  }
0x15f: {  	v1 =	vmul.f32 v62, v1;
	[tilespmem:s18+$0x50] =	vst v2  }
0x160: {  	p0 =	seq.s32 s14, $0x13;
	[tilespmem:s18+$0x60] =	vst v3  }
.Ltmp10:
0x161: {  	s15 =	sadd.s32 $0x1400, s15;
	[tilespmem:s18+$0x70] =	vst v1;
	(pc) =	sbr.rel @p0 .LBB2_19-.Ltmp10, $4  }
0x162: {  	[spmem:s3] =	stream.indirect.scatter.add.f32 [tilespmem:s29], [sflag:$0x4], $0x80, s15, s28, $0xb8;
	[tilespmem:$0x1FC00] =	vst v63  }
0x163: {  	_ =	swait.ge [sflag:s1], $0x4000  }
0x164: {  	[sflag:s1] =	ssyncset.done $0x0  }
0x165: {  	[sflag:s1] =	ssyncadd.s32 $0xFFFFC000  }
.Ltmp11:
0x166: {  	(pc) =	sbr.rel .LBB2_13-.Ltmp11, $3  }
0x167: {  	_ =	sdelay $0x1  }
0x168: {  	s15 =	sadd.s32 $0x100, s16;
	s14 =	sadd.s32 $0x1, s14;
	s13 =	sadd.s32 $0x100, s13  }
0x169: {  	[tilespmem:s26], [sflag:$0x1] =	stream.indirect.gather [hbm4b:s2+s28], $0x80, s15, s28, $0xb8;
	[tilespmem:$0x1FC00] =	vst v63  }
.LBB2_19:
0x16a: {  	_ =	swait.ge [sflag:s0], $0x4000  }
0x16b: {  	[sflag:s0] =	ssyncset.done $0x0  }
0x16c: {  	[sflag:s0] =	ssyncadd.s32 $0xFFFFC000  }
0x16d: {  	[bflag:$0x0] =	sbarrier.arrive $0xFFFF  }
0x16e: {  	s13 =	rddreg [dreg:$0xa]  }
0x16f: {  	[hbm:s13], [sflag:s6] =	dma.local [spmem:s7], $0x2800  }
0x170: {  	_ =	swait.ge [sflag:s23], $0x2800  }
0x171: {  	[sflag:s23] =	ssyncset.done $0x0  }
0x172: {  	[sflag:s23] =	ssyncadd.s32 $0xFFFFD800  }
0x173: {  	[bflag:$0x0] =	sbarrier.arrive $0xFFFF  }
0x174: {  	s19 =	simm.s32 $0x0;
	s14 =	rddreg [dreg:$0xb]  }
0x175: {  	[tilespmem:s19], [sflag:$0x5] =	stream.linear.gather [hbm4b:s14+s19], $0x1400, $0x38;
	[tilespmem:$0x1FC00] =	vst v63  }
0x176: {  	_ =	swait.ge [sflag:s23], $0x1400  }
0x177: {  	[sflag:s23] =	ssyncset.done $0x0  }
0x178: {  	s20 =	rddreg [dreg:$0xc];
	[sflag:s23] =	ssyncadd.s32 $0xFFFFEC00  }
0x179: {  	[tilespmem:s24], [sflag:$0x5] =	stream.linear.gather [hbm4b:s20+s19], $0x1400, $0x38;
	[tilespmem:$0x1FC00] =	vst v63  }
0x17a: {  	_ =	swait.ge [sflag:s23], $0x1400  }
0x17b: {  	[sflag:s23] =	ssyncset.done $0x0  }
0x17c: {  	s21 =	rddreg [dreg:$0xd];
	[sflag:s23] =	ssyncadd.s32 $0xFFFFEC00  }
0x17d: {  	[tilespmem:s25], [sflag:$0x5] =	stream.linear.gather [hbm4b:s21+s19], $0x1400, $0x38;
	[tilespmem:$0x1FC00] =	vst v63  }
0x17e: {  	_ =	swait.ge [sflag:s23], $0x1400  }
0x17f: {  	[sflag:s23] =	ssyncset.done $0x0  }
0x180: {  	s13 =	simm.s32 $0x0;
	s14 =	simm.s32 $0x200;
	[sflag:s23] =	ssyncadd.s32 $0xFFFFEC00  }
.LBB2_20:
0x181: {  	p0 =	sne.s32 s14, $0xFE00;
	[tilespmem:s13+$0x3C70] =	vst v0  }
0x182: {  	[tilespmem:s13+$0x3C00] =	vst v0  }
0x183: {  	[tilespmem:s13+$0x3C10] =	vst v0  }
.Ltmp12:
0x184: {  	[tilespmem:s13+$0x3C20] =	vst v0;
	(pc) =	sbr.rel @p0 .LBB2_20-.Ltmp12, $4  }
0x185: {  	[tilespmem:s13+$0x3C30] =	vst v0  }
0x186: {  	[tilespmem:s13+$0x3C40] =	vst v0  }
0x187: {  	[tilespmem:s13+$0x3C50] =	vst v0  }
0x188: {  	[tilespmem:s13+$0x3C60] =	vst v0;
	s13 =	sshra.s32 s14, $0x2;
	s14 =	sadd.s32 $0x200, s14  }
0x189: {  	[tilespmem:s13+$0x3C70] =	vst v0  }
0x18a: {  	[tilespmem:s13+$0x3C00] =	vst v0  }
0x18b: {  	[tilespmem:s13+$0x3C10] =	vst v0  }
0x18c: {  	[tilespmem:s13+$0x3C20] =	vst v0  }
0x18d: {  	[tilespmem:s13+$0x3C30] =	vst v0  }
0x18e: {  	[tilespmem:s13+$0x3C40] =	vst v0  }
0x18f: {  	[tilespmem:s13+$0x3C50] =	vst v0  }
0x190: {  	[tilespmem:s13+$0x3C60] =	vst v0  }
0x191: {  	[spmem:s8] =	stream.linear.scatter [tilespmem:s26], [sflag:$0x5], $0x4000, $0x38;
	[tilespmem:$0x1FC00] =	vst v63  }
0x192: {  	_ =	swait.ge [sflag:s23], $0x4000  }
0x193: {  	[sflag:s23] =	ssyncset.done $0x0  }
0x194: {  	[sflag:s23] =	ssyncadd.s32 $0xFFFFC000  }
0x195: {  	[spmem:s9] =	stream.linear.scatter [tilespmem:s26], [sflag:$0x5], $0x4000, $0x38;
	[tilespmem:$0x1FC00] =	vst v63  }
0x196: {  	_ =	swait.ge [sflag:s23], $0x4000  }
0x197: {  	[sflag:s23] =	ssyncset.done $0x0  }
0x198: {  	[sflag:s23] =	ssyncadd.s32 $0xFFFFC000  }
0x199: {  	[spmem:s10] =	stream.linear.scatter [tilespmem:s26], [sflag:$0x5], $0x4000, $0x38;
	[tilespmem:$0x1FC00] =	vst v63  }
0x19a: {  	_ =	swait.ge [sflag:s23], $0x4000  }
0x19b: {  	[sflag:s23] =	ssyncset.done $0x0  }
0x19c: {  	[sflag:s23] =	ssyncadd.s32 $0xFFFFC000  }
0x19d: {  	[spmem:s11] =	stream.linear.scatter [tilespmem:s26], [sflag:$0x5], $0x4000, $0x38;
	[tilespmem:$0x1FC00] =	vst v63  }
0x19e: {  	_ =	swait.ge [sflag:s23], $0x4000  }
0x19f: {  	[sflag:s23] =	ssyncset.done $0x0  }
0x1a0: {  	[sflag:s23] =	ssyncadd.s32 $0xFFFFC000  }
0x1a1: {  	[spmem:s12] =	stream.linear.scatter [tilespmem:s26], [sflag:$0x5], $0x4000, $0x38;
	[tilespmem:$0x1FC00] =	vst v63  }
0x1a2: {  	_ =	swait.ge [sflag:s23], $0x4000  }
0x1a3: {  	[sflag:s23] =	ssyncset.done $0x0  }
0x1a4: {  	[sflag:s23] =	ssyncadd.s32 $0xFFFFC000  }
0x1a5: {  	s13 =	simm.s32 $0x0;
	s14 =	simm.s32 $0x0;
	[bflag:$0x0] =	sbarrier.arrive $0xFFFF  }
0x1a6: {  	[tilespmem:s26], [sflag:$0x1] =	stream.indirect.gather [hbm4b:s2+s28], $0x80, s13, s28, $0xb8;
	[tilespmem:$0x1FC00] =	vst v63  }
.LBB2_22:
0x1a7: {  	p0 =	seq.s32 s14, $0x0  }
0x1a8: {  	s15 =	sadd.s32 $0xFFFFFFFE, s13;
	s16 =	simm.s32 @!p0 $0x4  }
0x1a9: {  	s17 =	sadd.s32 $0x2, s15;
	_ =	swait.ge @!p0 [sflag:s16], $0x4000  }
0x1aa: {  	s21 =	sshll.u32 s14, $0x8;
	s18 =	sadd.s32 $0x3, s15;
	v1 =	vmov s17;
	[sflag:s16] =	ssyncset.done @!p0 $0x0  }
0x1ab: {  	s15 =	sor.u32 $0x80, s21;
	v2 =	vmov s18;
	v1 =	vand.u32 $0xFFFFFFFE, v1;
	[sflag:s16] =	ssyncadd.s32 @!p0 $0xFFFFC000  }
0x1ac: {  	v3 =	vbroadcast v1, $0x0;
	[tilespmem:s29], [sflag:$0x2] =	stream.indirect.gather [hbm4b:s2+s28], $0x80, s15, s28, $0xb8;
	[tilespmem:$0x1FC00] =	vst v63  }
0x1ad: {  	_ =	swait.ge [sflag:s30], $0x4000  }
0x1ae: {  	[sflag:s30] =	ssyncset.done $0x0  }
0x1af: {  	[sflag:s30] =	ssyncadd.s32 $0xFFFFC000  }
0x1b0: {  	s16 =	simm.s32 $0x3C80;
	v1 =	vld.idx.msk [tilespmem:v2+s25+$0x0], $0xffff  }
0x1b1: {  	v4 =	vld [tilespmem:s16+$0xFFFFFFF0]  }
0x1b2: {  	v2 =	vld.idx.msk [tilespmem:v3+s25+$0x0], $0xffff  }
0x1b3: {  	v8 =	vld [tilespmem:s16+$0xFFFFFF80]  }
0x1b4: {  	v7 =	vld [tilespmem:s16+$0xFFFFFF90]  }
0x1b5: {  	v6 =	vld [tilespmem:s16+$0xFFFFFFA0]  }
0x1b6: {  	v5 =	vld [tilespmem:s16+$0xFFFFFFB0]  }
0x1b7: {  	v3 =	vld [tilespmem:s16+$0xFFFFFFC0];
	v9 =	vmul.f32 v4, v2  }
0x1b8: {  	s18 =	simm.s32 $0x0;
	s17 =	simm.s32 $0x3C80;
	v8 =	vmul.f32 v8, v2;
	v4 =	vld [tilespmem:s16+$0xFFFFFFD0]  }
.LBB2_23:
0x1b9: {  	s19 =	sadd.s32 s18, s13;
	s18 =	sadd.s32 $0x2, s18;
	v7 =	vmul.f32 v7, v2;
	v10 =	vld [tilespmem:s16+$0xFFFFFFE0];
	[tilespmem:s16+$0xFFFFFFF0] =	vst v9  }
0x1ba: {  	s20 =	sadd.s32 $0x2, s19;
	s19 =	sadd.s32 $0x3, s19;
	p0 =	slt.u32 s18, $0x7E;
	[tilespmem:s16+$0xFFFFFF80] =	vst v8;
	v6 =	vmul.f32 v6, v2;
	v8 =	vld [tilespmem:s16+$0x0]  }
0x1bb: {  	v9 =	vmov s20;
	v11 =	vmov s19;
	[tilespmem:s16+$0xFFFFFF90] =	vst v7;
	v5 =	vmul.f32 v5, v2;
	v7 =	vld [tilespmem:s16+$0x10]  }
0x1bc: {  	v9 =	vand.u32 $0xFFFFFFFE, v9;
	[tilespmem:s16+$0xFFFFFFA0] =	vst v6;
	v3 =	vmul.f32 v3, v2;
	v6 =	vld [tilespmem:s16+$0x20]  }
0x1bd: {  	v9 =	vbroadcast v9, $0x0;
	[tilespmem:s16+$0xFFFFFFB0] =	vst v5;
	v4 =	vmul.f32 v4, v2;
	v5 =	vld [tilespmem:s16+$0x30]  }
0x1be: {  	[tilespmem:s16+$0xFFFFFFC0] =	vst v3;
	v2 =	vmul.f32 v10, v2;
	v3 =	vld [tilespmem:s16+$0x40]  }
0x1bf: {  	[tilespmem:s16+$0xFFFFFFD0] =	vst v4;
	v4 =	vmul.f32 v8, v1;
	v8 =	vld [tilespmem:s16+$0x50]  }
0x1c0: {  	v10 =	vld.idx.msk [tilespmem:v11+s25+$0x0], $0xffff;
	[tilespmem:s16+$0xFFFFFFE0] =	vst v2;
	v2 =	vmul.f32 v7, v1  }
0x1c1: {  	[tilespmem:s16+$0x0] =	vst v4;
	v4 =	vmul.f32 v6, v1;
	v6 =	vld [tilespmem:s16+$0x60]  }
0x1c2: {  	[tilespmem:s16+$0x10] =	vst v2;
	v5 =	vmul.f32 v5, v1;
	v11 =	vld [tilespmem:s16+$0x70]  }
0x1c3: {  	s16 =	sadd.s32 $0x100, s16;
	v2 =	vld.idx.msk [tilespmem:v9+s25+$0x0], $0xffff;
	[tilespmem:s17+$0x20] =	vst v4;
	v3 =	vmul.f32 v3, v1  }
0x1c4: {  	v4 =	vld [tilespmem:s16+$0xFFFFFFF0];
	[tilespmem:s17+$0x30] =	vst v5;
	v5 =	vmul.f32 v8, v1  }
0x1c5: {  	v8 =	vld [tilespmem:s16+$0xFFFFFF80];
	[tilespmem:s17+$0x40] =	vst v3  }
.Ltmp13:
0x1c6: {  	v7 =	vld [tilespmem:s16+$0xFFFFFF90];
	[tilespmem:s17+$0x50] =	vst v5;
	v3 =	vmul.f32 v6, v1;
	(pc) =	sbr.rel @p0 .LBB2_23-.Ltmp13, $4  }
0x1c7: {  	v6 =	vld [tilespmem:s16+$0xFFFFFFA0];
	v11 =	vmul.f32 v11, v1;
	v1 =	vmov v10  }
0x1c8: {  	v5 =	vld [tilespmem:s16+$0xFFFFFFB0];
	[tilespmem:s17+$0x60] =	vst v3  }
0x1c9: {  	v3 =	vld [tilespmem:s16+$0xFFFFFFC0];
	v9 =	vmul.f32 v4, v2;
	[tilespmem:s17+$0x70] =	vst v11;
	s17 =	smov.u32 s16  }
0x1ca: {  	v8 =	vmul.f32 v8, v2;
	v4 =	vld [tilespmem:s16+$0xFFFFFFD0]  }
0x1cb: {  	v10 =	vld [tilespmem:s16+$0x0];
	v7 =	vmul.f32 v7, v2;
	[tilespmem:s16+$0xFFFFFFF0] =	vst v9  }
0x1cc: {  	v9 =	vld [tilespmem:s16+$0x10];
	[tilespmem:s16+$0xFFFFFF80] =	vst v8;
	v6 =	vmul.f32 v6, v2  }
0x1cd: {  	v11 =	vld [tilespmem:s16+$0xFFFFFFE0];
	[tilespmem:s16+$0xFFFFFF90] =	vst v7;
	v5 =	vmul.f32 v5, v2  }
0x1ce: {  	v8 =	vld [tilespmem:s16+$0x20];
	[tilespmem:s16+$0xFFFFFFA0] =	vst v6;
	v3 =	vmul.f32 v3, v2  }
0x1cf: {  	v7 =	vld [tilespmem:s16+$0x30];
	[tilespmem:s16+$0xFFFFFFB0] =	vst v5;
	v4 =	vmul.f32 v4, v2  }
0x1d0: {  	v6 =	vld [tilespmem:s16+$0x40];
	v10 =	vmul.f32 v10, v1;
	[tilespmem:s16+$0xFFFFFFC0] =	vst v3  }
0x1d1: {  	v5 =	vld [tilespmem:s16+$0x50];
	v9 =	vmul.f32 v9, v1;
	[tilespmem:s16+$0xFFFFFFD0] =	vst v4  }
0x1d2: {  	v3 =	vld [tilespmem:s16+$0x60];
	v2 =	vmul.f32 v11, v2;
	[tilespmem:s16+$0x0] =	vst v10  }
0x1d3: {  	v4 =	vmul.f32 v8, v1;
	v8 =	vld [tilespmem:s16+$0x70];
	[tilespmem:s16+$0x10] =	vst v9  }
0x1d4: {  	[tilespmem:s16+$0xFFFFFFE0] =	vst v2;
	v2 =	vmul.f32 v7, v1  }
0x1d5: {  	[tilespmem:s17+$0x20] =	vst v4;
	v4 =	vmul.f32 v6, v1  }
0x1d6: {  	[tilespmem:s17+$0x30] =	vst v2;
	v2 =	vmul.f32 v5, v1  }
0x1d7: {  	s18 =	sadd.s32 $0xFFFFFFFE, s13;
	[tilespmem:s17+$0x40] =	vst v4;
	v3 =	vmul.f32 v3, v1  }
0x1d8: {  	s19 =	sshll.u32 s14, $0xA;
	s20 =	sadd.s32 $0x82, s18;
	[tilespmem:s17+$0x50] =	vst v2;
	v1 =	vmul.f32 v8, v1  }
0x1d9: {  	s18 =	sadd.s32 $0x83, s18;
	s16 =	sshrl.u32 s19, $0x2;
	v2 =	vmov s20;
	[tilespmem:s17+$0x60] =	vst v3  }
0x1da: {  	s21 =	sadd.s32 $0x1400, s16;
	v2 =	vand.u32 $0xFFFFFFFE, v2;
	[tilespmem:s17+$0x70] =	vst v1;
	v1 =	vmov s18  }
0x1db: {  	v2 =	vbroadcast v2, $0x0;
	[spmem:s3] =	stream.indirect.scatter.add.f32 [tilespmem:s26], [sflag:$0x3], $0x80, s21, s28, $0xb8;
	[tilespmem:$0x1FC00] =	vst v63  }
0x1dc: {  	_ =	swait.ge [sflag:s31], $0x4000  }
0x1dd: {  	[sflag:s31] =	ssyncset.done $0x0  }
0x1de: {  	[sflag:s31] =	ssyncadd.s32 $0xFFFFC000  }
0x1df: {  	s17 =	simm.s32 $0x7C80;
	v1 =	vld.idx.msk [tilespmem:v1+s25+$0x0], $0xffff  }
0x1e0: {  	v4 =	vld [tilespmem:s17+$0xFFFFFFF0]  }
0x1e1: {  	v2 =	vld.idx.msk [tilespmem:v2+s25+$0x0], $0xffff  }
0x1e2: {  	v8 =	vld [tilespmem:s17+$0xFFFFFF80]  }
0x1e3: {  	v7 =	vld [tilespmem:s17+$0xFFFFFF90]  }
0x1e4: {  	v6 =	vld [tilespmem:s17+$0xFFFFFFA0]  }
0x1e5: {  	v5 =	vld [tilespmem:s17+$0xFFFFFFB0]  }
0x1e6: {  	v3 =	vld [tilespmem:s17+$0xFFFFFFC0];
	v9 =	vmul.f32 v4, v2  }
0x1e7: {  	s19 =	simm.s32 $0x0;
	s18 =	simm.s32 $0x7C80;
	v8 =	vmul.f32 v8, v2;
	v4 =	vld [tilespmem:s17+$0xFFFFFFD0]  }
.LBB2_25:
0x1e8: {  	s20 =	sadd.s32 s19, s13;
	s19 =	sadd.s32 $0x2, s19;
	v7 =	vmul.f32 v7, v2;
	v10 =	vld [tilespmem:s17+$0xFFFFFFE0];
	[tilespmem:s17+$0xFFFFFFF0] =	vst v9  }
0x1e9: {  	s21 =	sadd.s32 $0x82, s20;
	s20 =	sadd.s32 $0x83, s20;
	p0 =	slt.u32 s19, $0x7E;
	[tilespmem:s17+$0xFFFFFF80] =	vst v8;
	v6 =	vmul.f32 v6, v2;
	v8 =	vld [tilespmem:s17+$0x0]  }
0x1ea: {  	v9 =	vmov s21;
	v11 =	vmov s20;
	[tilespmem:s17+$0xFFFFFF90] =	vst v7;
	v5 =	vmul.f32 v5, v2;
	v7 =	vld [tilespmem:s17+$0x10]  }
0x1eb: {  	v9 =	vand.u32 $0xFFFFFFFE, v9;
	[tilespmem:s17+$0xFFFFFFA0] =	vst v6;
	v3 =	vmul.f32 v3, v2;
	v6 =	vld [tilespmem:s17+$0x20]  }
0x1ec: {  	v9 =	vbroadcast v9, $0x0;
	[tilespmem:s17+$0xFFFFFFB0] =	vst v5;
	v4 =	vmul.f32 v4, v2;
	v5 =	vld [tilespmem:s17+$0x30]  }
0x1ed: {  	[tilespmem:s17+$0xFFFFFFC0] =	vst v3;
	v2 =	vmul.f32 v10, v2;
	v3 =	vld [tilespmem:s17+$0x40]  }
0x1ee: {  	[tilespmem:s17+$0xFFFFFFD0] =	vst v4;
	v4 =	vmul.f32 v8, v1;
	v8 =	vld [tilespmem:s17+$0x50]  }
0x1ef: {  	v10 =	vld.idx.msk [tilespmem:v11+s25+$0x0], $0xffff;
	[tilespmem:s17+$0xFFFFFFE0] =	vst v2;
	v2 =	vmul.f32 v7, v1  }
0x1f0: {  	[tilespmem:s17+$0x0] =	vst v4;
	v4 =	vmul.f32 v6, v1;
	v6 =	vld [tilespmem:s17+$0x60]  }
0x1f1: {  	[tilespmem:s17+$0x10] =	vst v2;
	v5 =	vmul.f32 v5, v1;
	v11 =	vld [tilespmem:s17+$0x70]  }
0x1f2: {  	s17 =	sadd.s32 $0x100, s17;
	v2 =	vld.idx.msk [tilespmem:v9+s25+$0x0], $0xffff;
	[tilespmem:s18+$0x20] =	vst v4;
	v3 =	vmul.f32 v3, v1  }
0x1f3: {  	v4 =	vld [tilespmem:s17+$0xFFFFFFF0];
	[tilespmem:s18+$0x30] =	vst v5;
	v5 =	vmul.f32 v8, v1  }
0x1f4: {  	v8 =	vld [tilespmem:s17+$0xFFFFFF80];
	[tilespmem:s18+$0x40] =	vst v3  }
.Ltmp14:
0x1f5: {  	v7 =	vld [tilespmem:s17+$0xFFFFFF90];
	[tilespmem:s18+$0x50] =	vst v5;
	v3 =	vmul.f32 v6, v1;
	(pc) =	sbr.rel @p0 .LBB2_25-.Ltmp14, $4  }
0x1f6: {  	v6 =	vld [tilespmem:s17+$0xFFFFFFA0];
	v11 =	vmul.f32 v11, v1;
	v1 =	vmov v10  }
0x1f7: {  	v5 =	vld [tilespmem:s17+$0xFFFFFFB0];
	[tilespmem:s18+$0x60] =	vst v3  }
0x1f8: {  	v3 =	vld [tilespmem:s17+$0xFFFFFFC0];
	v9 =	vmul.f32 v4, v2;
	[tilespmem:s18+$0x70] =	vst v11;
	s18 =	smov.u32 s17  }
0x1f9: {  	v8 =	vmul.f32 v8, v2;
	v4 =	vld [tilespmem:s17+$0xFFFFFFD0]  }
0x1fa: {  	v10 =	vld [tilespmem:s17+$0x0];
	v7 =	vmul.f32 v7, v2;
	[tilespmem:s17+$0xFFFFFFF0] =	vst v9  }
0x1fb: {  	v56 =	vld [tilespmem:s17+$0x10];
	[tilespmem:s17+$0xFFFFFF80] =	vst v8;
	v6 =	vmul.f32 v6, v2  }
0x1fc: {  	v11 =	vld [tilespmem:s17+$0xFFFFFFE0];
	[tilespmem:s17+$0xFFFFFF90] =	vst v7;
	v5 =	vmul.f32 v5, v2  }
0x1fd: {  	v57 =	vld [tilespmem:s17+$0x20];
	[tilespmem:s17+$0xFFFFFFA0] =	vst v6;
	v3 =	vmul.f32 v3, v2  }
0x1fe: {  	v58 =	vld [tilespmem:s17+$0x30];
	[tilespmem:s17+$0xFFFFFFB0] =	vst v5;
	v4 =	vmul.f32 v4, v2  }
0x1ff: {  	v59 =	vld [tilespmem:s17+$0x40];
	v10 =	vmul.f32 v10, v1;
	[tilespmem:s17+$0xFFFFFFC0] =	vst v3  }
0x200: {  	v60 =	vld [tilespmem:s17+$0x50];
	v9 =	vmul.f32 v56, v1;
	[tilespmem:s17+$0xFFFFFFD0] =	vst v4  }
0x201: {  	v3 =	vld [tilespmem:s17+$0x60];
	v2 =	vmul.f32 v11, v2;
	[tilespmem:s17+$0x0] =	vst v10  }
0x202: {  	v62 =	vld [tilespmem:s17+$0x70];
	v61 =	vmul.f32 v57, v1;
	[tilespmem:s17+$0x10] =	vst v9  }
0x203: {  	[tilespmem:s17+$0xFFFFFFE0] =	vst v2;
	v2 =	vmul.f32 v58, v1  }
0x204: {  	v63 =	vmul.f32 v59, v1;
	[tilespmem:s18+$0x20] =	vst v61  }
0x205: {  	[tilespmem:s18+$0x30] =	vst v2;
	v2 =	vmul.f32 v60, v1  }
0x206: {  	[tilespmem:s18+$0x40] =	vst v63;
	v3 =	vmul.f32 v3, v1  }
0x207: {  	v1 =	vmul.f32 v62, v1;
	[tilespmem:s18+$0x50] =	vst v2  }
0x208: {  	p0 =	seq.s32 s14, $0x13;
	[tilespmem:s18+$0x60] =	vst v3  }
.Ltmp15:
0x209: {  	s15 =	sadd.s32 $0x1400, s15;
	[tilespmem:s18+$0x70] =	vst v1;
	(pc) =	sbr.rel @p0 .LBB2_28-.Ltmp15, $4  }
0x20a: {  	[spmem:s3] =	stream.indirect.scatter.add.f32 [tilespmem:s29], [sflag:$0x4], $0x80, s15, s28, $0xb8;
	[tilespmem:$0x1FC00] =	vst v63  }
0x20b: {  	_ =	swait.ge [sflag:s1], $0x4000  }
0x20c: {  	[sflag:s1] =	ssyncset.done $0x0  }
0x20d: {  	[sflag:s1] =	ssyncadd.s32 $0xFFFFC000  }
.Ltmp16:
0x20e: {  	(pc) =	sbr.rel .LBB2_22-.Ltmp16, $3  }
0x20f: {  	_ =	sdelay $0x1  }
0x210: {  	s15 =	sadd.s32 $0x100, s16;
	s14 =	sadd.s32 $0x1, s14;
	s13 =	sadd.s32 $0x100, s13  }
0x211: {  	[tilespmem:s26], [sflag:$0x1] =	stream.indirect.gather [hbm4b:s2+s28], $0x80, s15, s28, $0xb8;
	[tilespmem:$0x1FC00] =	vst v63  }
.LBB2_29:
0x212: {  	_ =	sfence.sel $0x180000  }
0x213: {  	[bflag:$0x0] =	sbarrier.arrive $0xFFFF  }
0x214: {  	_ =	strace $0x9000004A  }
0x215: {  	s0 =	stileid.u32;
	[bflag:$0x2] =	sbarrier.arrive $0xFFFF  }
0x216: {  	p0 =	sne.s32 s0, $0x0;
	s0 =	rddreg [dreg:$0x2]  }
0x217: {  	s0 =	sadd.s32 @!p0 $0x100000, s0  }
0x218: {  	[sflag:s0] =	ssyncadd.tile.s32 @!p0 $0x1;
	_ =	shalt  }
.Lfunc_end2:
_tile_overlayer_lowered:
.L_overlay_start_2:
0x219: {  	(tag) =	ssettag $0x2  }
0x21a: {  	s0 =	rddreg [dreg:$0x0];
	s2 =	stileid.u32  }
0x21b: {  	s1 =	rddreg [dreg:$0x1];
	p0 =	sne.s32 s2, $0x0  }
0x21c: {  	s3 =	rddreg [dreg:$0x2];
	[bflag:$0x3] =	sbarrier.arrive $0xFFFF;
	s2 =	simm.s32 @!p0 $0x1C05  }
0x21d: {  	[timem:s3], [sflag:s2] =	dma.local @!p0 [hbm:s0], s1  }
0x21e: {  	s0 =	simm.s32 @!p0 $0x5  }
0x21f: {  	_ =	swait.ge @!p0 [sflag:s0], s1  }
0x220: {  	s1 =	ssub.s32 @!p0 $0x0, s1;
	[sflag:s0] =	ssyncset.done @!p0 $0x0  }
0x221: {  	[sflag:s0] =	ssyncadd.s32 @!p0 s1  }
0x222: {  	[bflag:$0x3] =	sbarrier.arrive $0xFFFF  }
0x223: {  	_ =	shalt  }

// kernel: kernel.7.cloned.1.call-start
scs
__scs_entry_jumppad:
0x0: {  	(pc) =	sbr.rel $0x88, $3  }
0x1: {  	(tag) =	ssettag $0x0;
	lr =	simm.s32 $0x1  }
0x2: {  	[smem:$0x3F97] =	sst lr;
	_ =	strace $0xD0000000  }
0x3: {  	_ = 	snop  }
0x4: {  	_ = 	snop  }
0x5: {  	_ = 	snop  }
0x6: {  	_ = 	snop  }
0x7: {  	_ = 	snop  }
__scs_overlays_trampoline_lowered:
0x8: {  	[smem:$0x3FA6] =	sst s0  }
0x9: {  	[smem:$0x3FA7] =	sst s1  }
0xa: {  	[smem:$0x3FA8] =	sst s2  }
0xb: {  	[smem:$0x3FA9] =	sst s3  }
0xc: {  	[smem:$0x3FAA] =	sst s4  }
0xd: {  	[smem:$0x3FAB] =	sst s5  }
0xe: {  	[smem:$0x3FAC] =	sst s6  }
0xf: {  	[smem:$0x3FAD] =	sst s7  }
0x10: {  	[smem:$0x3FAE] =	sst s8  }
0x11: {  	[smem:$0x3FAF] =	sst s9;
	s0 =	simm.s32 @!p0 $0x0  }
0x12: {  	s1 =	sld [smem:$0x3F95];
	s0 =	simm.s32 @p0 $0x1  }
0x13: {  	[smem:$0x3FB0] =	sst s0;
	s0 =	simm.s32 @!p1 $0x0  }
0x14: {  	s2 =	sld [smem:$0x3F94];
	s0 =	simm.s32 @p1 $0x1  }
0x15: {  	[smem:$0x3FB1] =	sst s0;
	s0 =	simm.s32 @!p2 $0x0  }
0x16: {  	s3 =	sld [smem:$0x3FDB];
	s0 =	simm.s32 @p2 $0x1  }
0x17: {  	s4 =	simm.s32 $0x1BF5;
	[smem:$0x3FB3] =	sst s0  }
0x18: {  	s0 =	sld [smem:$0x3F96];
	_ =	swait.ge [sflag:s4], $0x0  }
0x19: {  	s7 =	sld [smem:$0x3F97]  }
0x1a: {  	s8 =	sadd.s32 $0xFFFFE003, lr  }
0x1b: {  	s9 =	sadd.s32 $0xFFFFFEF7, lr;
	s5 =	simm.s32 $0xFFFFFFFF;
	p2 =	slt.u32 s8, $0xFFFFF086  }
0x1c: {  	p1 =	slt.u32 s9, $0xF7A;
	s5 =	simm.s32 @!p2 $0x0  }
0x1d: {  	s5 =	simm.s32 @p1 $0x1;
	p0 =	seq.s32 s7, s2  }
0x1e: {  	s7 =	smul.u32 @!p0 $0xF7A, s2;
	p2 =	seq.s32 @!p0 s5, $0x0  }
0x1f: {  	s9 =	smul.u32 $0xF7A, s1;
	s8 =	simm.s32 @!p0 $0x1BF5;
	p2 =	por !p2, p0  }
0x20: {  	[sflag:s8] =	ssyncset.s32 @!p0 $0xFFFFF086;
	s6 =	sadd.s32 @!p0 s3, s7;
	s7 =	simm.s32 @!p0 $0x108  }
0x21: {  	s3 =	sadd.s32 s3, s9;
	s6 =	sadd.s32 @!p0 $0x88, s6;
	s7 =	simm.s32 @p2 $0x1082  }
0x22: {  	[simem:s7], [sflag:s8] =	dma.local @!p0 [hbm:s6], $0xF7A  }
0x23: {  	s9 =	sor.u32 $0xD0000000, s2;
	s6 =	simm.s32 $0x108;
	_ =	swait.ge @!p0 [sflag:s8], $0x0  }
0x24: {  	s3 =	sadd.s32 $0x88, s3;
	s6 =	simm.s32 @!p1 $0x1082;
	[sflag:s4] =	ssyncset.s32 $0xFFFFF086  }
0x25: {  	[simem:s6], [sflag:s4] =	dma.local [hbm:s3], $0xF7A  }
0x26: {  	[smem:$0x3F97] =	sst s1;
	(tag) =	ssettag s2;
	_ =	strace s9  }
0x27: {  	s1 =	sld [smem:$0x3FA7]  }
0x28: {  	s2 =	sld [smem:$0x3FA8]  }
0x29: {  	s4 =	sld [smem:$0x3FAA]  }
0x2a: {  	p0 =	seq.s32 s5, $0x0;
	s5 =	sld [smem:$0x3FAB]  }
0x2b: {  	s6 =	sld [smem:$0x3FAC]  }
0x2c: {  	s7 =	sld [smem:$0x3FAD]  }
0x2d: {  	s3 =	simm.s32 $0x108;
	s8 =	sld [smem:$0x3FAE]  }
0x2e: {  	s3 =	simm.s32 @!p0 $0x1082;
	s9 =	sld [smem:$0x3FAF]  }
0x2f: {  	lr =	sadd.s32 s0, s3;
	s0 =	sld [smem:$0x3FA6]  }
0x30: {  	s3 =	sld [smem:$0x3FA9]  }
0x31: {  	[smem:$0x3FB2] =	sst s10  }
0x32: {  	s10 =	sld [smem:$0x3FB0];
	_ =	sdelay $0x3  }
0x33: {  	p0 =	seq.s32 s10, $0x1;
	s10 =	sld [smem:$0x3FB2];
	_ =	sdelay $0x3  }
0x34: {  	[smem:$0x3FB2] =	sst s10  }
0x35: {  	s10 =	sld [smem:$0x3FB1];
	_ =	sdelay $0x3  }
0x36: {  	p1 =	seq.s32 s10, $0x1;
	s10 =	sld [smem:$0x3FB2];
	_ =	sdelay $0x3  }
0x37: {  	[smem:$0x3FB2] =	sst s10  }
0x38: {  	s10 =	sld [smem:$0x3FB3]  }
0x39: {  	_ = 	snop;
	(pc) =	sbr.ind lr, $3  }
0x3a: {  	_ = 	snop  }
0x3b: {  	_ = 	snop  }
0x3c: {  	p2 =	seq.s32 s10, $0x1;
	s10 =	sld [smem:$0x3FB2]  }
0x3d: {  	_ =	shalt  }
0x3e: {  	_ =	shalt  }
0x3f: {  	_ =	shalt  }
0x40: {  	_ =	shalt  }
0x41: {  	_ =	shalt  }
0x42: {  	_ =	shalt  }
0x43: {  	_ =	shalt  }
0x44: {  	_ =	shalt  }
0x45: {  	_ =	shalt  }
0x46: {  	_ =	shalt  }
0x47: {  	_ =	shalt  }
0x48: {  	_ =	shalt  }
0x49: {  	_ =	shalt  }
0x4a: {  	_ =	shalt  }
0x4b: {  	_ =	shalt  }
0x4c: {  	_ =	shalt  }
0x4d: {  	_ =	shalt  }
0x4e: {  	_ =	shalt  }
0x4f: {  	_ =	shalt  }
0x50: {  	_ =	shalt  }
0x51: {  	_ =	shalt  }
0x52: {  	_ =	shalt  }
0x53: {  	_ =	shalt  }
0x54: {  	_ =	shalt  }
0x55: {  	_ =	shalt  }
0x56: {  	_ =	shalt  }
0x57: {  	_ =	shalt  }
0x58: {  	_ =	shalt  }
0x59: {  	_ =	shalt  }
0x5a: {  	_ =	shalt  }
0x5b: {  	_ =	shalt  }
0x5c: {  	_ =	shalt  }
0x5d: {  	_ =	shalt  }
0x5e: {  	_ =	shalt  }
0x5f: {  	_ =	shalt  }
0x60: {  	_ =	shalt  }
0x61: {  	_ =	shalt  }
0x62: {  	_ =	shalt  }
0x63: {  	_ =	shalt  }
0x64: {  	_ =	shalt  }
0x65: {  	_ =	shalt  }
0x66: {  	_ =	shalt  }
0x67: {  	_ =	shalt  }
0x68: {  	_ =	shalt  }
0x69: {  	_ =	shalt  }
0x6a: {  	_ =	shalt  }
0x6b: {  	_ =	shalt  }
0x6c: {  	_ =	shalt  }
0x6d: {  	_ =	shalt  }
0x6e: {  	_ =	shalt  }
0x6f: {  	_ =	shalt  }
0x70: {  	_ =	shalt  }
0x71: {  	_ =	shalt  }
0x72: {  	_ =	shalt  }
0x73: {  	_ =	shalt  }
0x74: {  	_ =	shalt  }
0x75: {  	_ =	shalt  }
0x76: {  	_ =	shalt  }
0x77: {  	_ =	shalt  }
0x78: {  	_ =	shalt  }
0x79: {  	_ =	shalt  }
0x7a: {  	_ =	shalt  }
0x7b: {  	_ =	shalt  }
0x7c: {  	_ =	shalt  }
0x7d: {  	_ =	shalt  }
0x7e: {  	_ =	shalt  }
0x7f: {  	_ =	shalt  }
0x80: {  	_ =	shalt  }
0x81: {  	_ =	shalt  }
0x82: {  	_ =	shalt  }
0x83: {  	_ =	shalt  }
0x84: {  	_ =	shalt  }
0x85: {  	_ =	shalt  }
0x86: {  	_ =	shalt  }
0x87: {  	_ =	shalt  }
.Lfunc_end0:
.L_simem_size_0:
called_computation_lowered:
.L_overlay_start_0:
0x88: {  	s2 =	sld [smem:$0x3FD9]  }
0x89: {  	s3 =	sld [smem:$0x3FFE];
	_ =	sdelay $0x1  }
0x8a: {  	s1 =	srdreg.scid  }
0x8b: {  	s0 =	sand.u32 $0x1, s1  }
0x8c: {  	s17 =	sshll.u32 s0, $0xA;
	s2 =	sadd.s32 s3, s2  }
0x8d: {  	s2 =	sadd.s32 s2, s17  }
0x8e: {  	[smem:$0x3FBE] =	sst s2  }
0x8f: {  	_ = 	snop  }
0x90: {  	s2 =	sld [smem:$0x3FD0];
	(tm) =	ssettm $0x1  }
0x91: {  	s18 =	sld [smem:$0x3FFB];
	_ =	sdelay $0x3  }
0x92: {  	_ =	strace s18  }
0x93: {  	s3 =	sld [smem:$0x3FFC];
	_ =	sdelay $0x3  }
0x94: {  	_ =	strace s3  }
0x95: {  	s3 =	sld [smem:$0x3FFD];
	_ =	sdelay $0x3  }
0x96: {  	_ =	strace s3  }
0x97: {  	_ =	strace $0x8FFFFFFF  }
0x98: {  	s19 =	sld [smem:$0x3FDB];
	_ =	sdelay $0x1  }
0x99: {  	s4 =	simm.s32 $_scs_section_size  }
0x9a: {  	s5 =	simm.s32 $_size__tile_overlayer_lowered;
	s6 =	simm.s32 $_tile_overlayer_lowered  }
0x9b: {  	s22 =	simm.s32 $0x1BFF;
	s21 =	sshll.u32 s6, $0x1;
	s3 =	sadd.s32 s4, s19  }
0x9c: {  	s7 =	simm.s32 $0x0;
	s20 =	sshll.u32 s5, $0x1;
	s5 =	sadd.s32 s21, s3  }
0x9d: {  	[timem:s7], [sflag:s22] =	dma.local [hbm:s5], s20  }
0x9e: {  	_ =	swait.ge [sflag:s22], s20  }
0x9f: {  	s4 =	ssub.s32 $0x0, s20;
	[sflag:s22] =	ssyncset.done $0x0  }
0xa0: {  	[sflag:s22] =	ssyncadd.s32 s4;
	_ =	sdelay $0x1  }
0xa1: {  	s23 =	simm.s32 $0x1B8B  }
0xa2: {  	_ =	swait.ge [sflag:s23], $0x1  }
0xa3: {  	[sflag:s23] =	ssyncset.done $0x0  }
0xa4: {  	s25 =	simm.s32 $0x1B8E;
	s24 =	sld [smem:$0x3FFE];
	[sflag:s23] =	ssyncadd.s32 $0xFFFFFFFF  }
0xa5: {  	s26 =	simm.s32 $execute0_lowered;
	[smem:$0x3FD2] =	sst s25  }
0xa6: {  	s5 =	sshll.u32 s26, $0x1;
	_ =	strace $0x80000046;
	[dreg:$0x1] =	wrdreg $0xFFFFFFFF  }
0xa7: {  	s28 =	simm.s32 $_size_execute0_lowered;
	s3 =	sadd.s32 s3, s5;
	[dreg:$0x0] =	wrdreg $0x0  }
0xa8: {  	s5 =	sshll.u32 s28, $0x1;
	[dreg:$0x2] =	wrdreg s3  }
0xa9: {  	[dreg:$0x3] =	wrdreg s5  }
0xaa: {  	[dreg:$0x4] =	wrdreg $0xC0  }
0xab: {  	_ =	task [dreg:s7], $0x5FFFF  }
0xac: {  	[dreg:$0x1] =	wrdreg $0xFFFFFFFF  }
0xad: {  	[dreg:$0x0] =	wrdreg $0x60  }
0xae: {  	[dreg:$0x2] =	wrdreg s24  }
0xaf: {  	[dreg:$0x3] =	wrdreg s2  }
0xb0: {  	[dreg:$0x4] =	wrdreg $0x9  }
0xb1: {  	_ =	task.clear_ibuf [dreg:s7], $0x5FFFF;
	_ =	strace $0x90000046  }
0xb2: {  	s29 =	simm.s32 $0x9;
	_ =	strace $0x80000048  }
0xb3: {  	_ =	swait.ge [sflag:s29], $0x1  }
0xb4: {  	[sflag:s29] =	ssyncadd.s32 $0xFFFFFFFF  }
0xb5: {  	_ =	strace $0x90000048  }
0xb6: {  	_ =	sfence  }
0xb7: {  	s30 =	sld [smem:$0x0];
	_ =	sdelay $0x2  }
0xb8: {  	s31 =	sshll.u32 s1, $0xD;
	s1 =	sshrl.u32 s1, $0x2  }
0xb9: {  	s3 =	sand.u32 $0x4000, s31;
	s1 =	sadd.s32 s1, s30  }
0xba: {  	s0 =	sor.u32 s3, s0;
	s1 =	sshll.u32 s1, $0x11  }
0xbb: {  	s0 =	sor.u32 s1, s0  }
0xbc: {  	s0 =	sadd.s32 $0x8F2B, s0  }
0xbd: {  	[sflag:s0] =	ssyncadd.remote.s32 $0x1  }
0xbe: {  	_ =	sfence.sel $0xFFFF  }
0xbf: {  	[dreg:$0x0] =	wrdreg $0xFFFFFFFF;
	(pc) =	sbr.abs _section_cstart, $3  }
0xc0: {  	[dreg:$0x1] =	wrdreg $0xFFFFFFFF  }
0xc1: {  	_ =	task.clear_ibuf [dreg:s7], $0x2FFFF;
	_ =	strace $0x9FFFFFFF  }
0xc2: {  	(tm) =	ssettm $0x7FFFFFFF  }
0xc3: {  	_ =	shalt  }
tec
execute0_lowered:
.L_overlay_start_1:
0x0: {  	(tag) =	ssettag $0x1  }
0x1: {  	s0 =	rddreg [dreg:$0x0]  }
0x2: {  	s8 =	rddreg [dreg:$0x1];
	s1 =	simm.s32 $0x0;
	s2 =	srdreg.scid  }
0x3: {  	s22 =	simm.s32 $0x1;
	s23 =	simm.s32 $0x2800;
	s24 =	simm.s32 $0x5000  }
0x4: {  	s25 =	simm.s32 $0x6400;
	s28 =	simm.s32 $0x7800;
	s29 =	simm.s32 $0x0  }
0x5: {  	[smem:$0x7FF] =	sst s1;
	s5 =	sand.u32 $0x1, s2;
	s3 =	sadd.s32 $0x29000, s0  }
0x6: {  	s2 =	stileid.u32;
	s4 =	sadd.s32 $0x28000, s0;
	s17 =	sadd.s32 $0x2A000, s0  }
0x7: {  	s18 =	sadd.s32 $0x39000, s0;
	s19 =	sadd.s32 $0x48000, s0;
	s15 =	sadd.s32 $0x29A00, s0  }
0x8: {  	s16 =	sadd.s32 $0x28A00, s0;
	_ =	strace $0x80000047;
	s6 =	smul.u32 $0x14000, s5  }
0x9: {  	s7 =	smul.u32 $0x1400, s2;
	s9 =	sshll.u32 s5, $0x4;
	s5 =	ssub.s32 $0x2, s5  }
0xa: {  	v0 =	vimm.s32 $0xFFEDCBA9;
	v1 =	vimm.s32 $0x87654321;
	s26 =	sor.u32 s2, s9;
	s30 =	sshrl.u32 s5, $0x1;
	s9 =	sadd.s32 $0x29500, s0  }
0xb: {  	v2 =	vimm.s32 $0xEDCBA987;
	v0 =	vunpack.c.l.s4.s8 v0;
	v1 =	vunpack.c.l.s4.s8 v1;
	s6 =	sadd.s32 s7, s6;
	s10 =	smul.u32 $0x500, s26;
	s21 =	ssub.s32 s5, s30  }
0xc: {  	v3 =	vimm.s32 $0x65432100;
	v2 =	vunpack.c.l.s4.s8 v2;
	s26 =	simm.s32 $0x8C00;
	s20 =	sshrl.u32 s6, $0x3;
	s21 =	smax.u32 s21, $0x1  }
0xd: {  	v3 =	vunpack.c.l.s4.s8 v3;
	v0 =	vunpack.c.0.s8.s32 v0;
	v1 =	vunpack.c.0.s8.s32 v1;
	s5 =	sadd.s32 s17, s20;
	s6 =	sadd.s32 s18, s20;
	s7 =	sadd.s32 s19, s20  }
0xe: {  	v2 =	vunpack.c.0.s8.s32 v2;
	s8 =	sadd.s32 s8, s10;
	s13 =	sadd.s32 $0x5000, s20;
	s10 =	sadd.s32 $0x28500, s0  }
0xf: {  	vm0 =	vcmask $0x3F3C;
	v3 =	vunpack.c.0.s8.s32 v3;
	v1 =	vcombine.low v1, v0;
	s31 =	sadd.s32 $0xA000, s20;
	s11 =	sadd.s32 s17, s13;
	s12 =	sadd.s32 s18, s13  }
0x10: {  	vm1 =	vmmov $0x1;
	v2 =	vand.u32 $0xF, v2;
	v0 =	vimm.f32 $0.0e+00;
	s13 =	sadd.s32 s19, s13;
	s14 =	sadd.s32 $0xA000, s8;
	s17 =	sadd.s32 s17, s31  }
0x11: {  	v2 =	vcombine.low v3, v2;
	v3 =	vlaneseq.u32;
	s18 =	sadd.s32 s18, s31;
	s19 =	sadd.s32 s19, s31;
	s20 =	sadd.s32 $0x14000, s8;
	v1 =	vand.u32 $0xF, v1  }
.LBB2_1:
0x12: {  	[tilespmem:s1], [sflag:$0x1] =	stream.linear.gather [hbm4b:s3+s1], $0x2800, $0x38;
	[tilespmem:$0xB400] =	vst v63  }
0x13: {  	_ =	swait.ge [sflag:s22], $0x2800  }
0x14: {  	[sflag:s22] =	ssyncset.done $0x0  }
0x15: {  	[sflag:s22] =	ssyncadd.s32 $0xFFFFD800  }
0x16: {  	[tilespmem:s23], [sflag:$0x1] =	stream.linear.gather [hbm4b:s4+s1], $0x2800, $0x38;
	[tilespmem:$0xB400] =	vst v63  }
0x17: {  	_ =	swait.ge [sflag:s22], $0x2800  }
0x18: {  	[sflag:s22] =	ssyncset.done $0x0  }
0x19: {  	[sflag:s22] =	ssyncadd.s32 $0xFFFFD800  }
0x1a: {  	[tilespmem:s24], [sflag:$0x1] =	stream.linear.gather [hbm4b:s5+s1], $0x1400, $0x38;
	[tilespmem:$0xB400] =	vst v63  }
0x1b: {  	_ =	swait.ge [sflag:s22], $0x1400  }
0x1c: {  	[sflag:s22] =	ssyncset.done $0x0  }
0x1d: {  	[sflag:s22] =	ssyncadd.s32 $0xFFFFEC00  }
0x1e: {  	[tilespmem:s25], [sflag:$0x1] =	stream.linear.gather [hbm4b:s6+s1], $0x1400, $0x38;
	[tilespmem:$0xB400] =	vst v63  }
0x1f: {  	_ =	swait.ge [sflag:s22], $0x1400  }
0x20: {  	[sflag:s22] =	ssyncset.done $0x0  }
0x21: {  	s0 =	simm.s32 $0x0;
	[sflag:s22] =	ssyncadd.s32 $0xFFFFEC00  }
.LBB2_2:
0x22: {  	p0 =	sne.s32 s0, $0x9FC0  }
.Ltmp0:
0x23: {  	_ = 	snop;
	(pc) =	sbr.rel @p0 .LBB2_2-.Ltmp0, $3  }
0x24: {  	_ =	sdelay $0x1  }
0x25: {  	s30 =	sshra.s32 s0, $0x2  }
0x26: {  	s0 =	sadd.s32 $0x40, s0;
	[tilespmem:s30+$0x8C00] =	vst v0  }
0x27: {  	s30 =	simm.s32 $0x0  }
.LBB2_4:
0x28: {  	s31 =	sshra.s32 s30, $0x2  }
0x29: {  	v4 =	vld [tilespmem:s31+$0x5000]  }
0x2a: {  	v5 =	vld [tilespmem:s31+$0x6400];
	_ =	sdelay $0x6  }
0x2b: {  	v4 =	vld.idx.msk [tilespmem:v4+s1+$0x0], $0xffff  }
0x2c: {  	v6 =	vld.idx.msk [tilespmem:v5+s23+$0x0], $0xffff;
	_ =	sdelay $0x4  }
0x2d: {  	v4 =	vadd.f32 v6, v4;
	_ =	sdelay $0x1  }
0x2e: {  	v6 =	vmul.f32 $9.999999770e-03, v4  }
0x2f: {  	vm2 =	vge.f32 v4, $0.0e+00  }
0x30: {  	v4 =	vsel vm2, v4, v6  }
0x31: {  	v4 =	vmul.f32 $1.442695020e+00, v4;
	_ =	sdelay $0x1  }
0x32: {  	(erf) = vpow2.f32 v4;
	_ =	sdelay $0x8  }
0x33: {  	v5 =	vxor.u32 $0x80000000, v5;
	v4 =	vpop (erf)  }
0x34: {  	(xrf1) =	vsort.ascd.msk.u32 $0xffff, v5, v4;
	_ =	sdelay $0xd  }
0x35: {  	v5, v25, _ =	vpop (xrf1)  }
0x36: {  	(xrf2) =	vadd.scan.msk.f32 $0xffff, v25;
	_ =	sdelay $0x4  }
0x37: {  	v5 =	vxor.u32 $0x80000000, v5  }
0x38: {  	v26 =	vperm.xlane v5, v1  }
0x39: {  	v7 =	vperm.xlane v5, v2  }
0x3a: {  	vm2 =	vne.s32 v5, v26  }
0x3b: {  	vm3 =	vmor vm2, vm0;
	vm2 =	vne.s32 v5, v7  }
0x3c: {  	vm4 =	vmor vm2, vm1;
	v27, _, _ =	vpop (xrf2)  }
0x3d: {  	v28 =	vperm.xlane v27, v2  }
0x3e: {  	vm2 =	veq.s32 v3, $0x0  }
0x3f: {  	v7 =	vsel vm2, $0x0, v28  }
0x40: {  	[tilespmem:s31+$0x7800] =	vst v4;
	v4 =	vsub.f32 $0.0e+00, v7  }
0x41: {  	[tilespmem:v5+s26+$0x0] =	vst.idx.add.f32.msk vm3, v27  }
0x42: {  	[tilespmem:v5+s26+$0x0] =	vst.idx.add.f32.msk vm4, v4  }
0x43: {  	v4 =	vld [tilespmem:s31+$0x5010]  }
0x44: {  	v5 =	vld [tilespmem:s31+$0x6410];
	_ =	sdelay $0x6  }
0x45: {  	v4 =	vld.idx.msk [tilespmem:v4+s1+$0x0], $0xffff  }
0x46: {  	v6 =	vld.idx.msk [tilespmem:v5+s23+$0x0], $0xffff;
	_ =	sdelay $0x4  }
0x47: {  	v4 =	vadd.f32 v6, v4;
	_ =	sdelay $0x1  }
0x48: {  	v6 =	vmul.f32 $9.999999770e-03, v4  }
0x49: {  	vm3 =	vge.f32 v4, $0.0e+00  }
0x4a: {  	v4 =	vsel vm3, v4, v6  }
0x4b: {  	v4 =	vmul.f32 $1.442695020e+00, v4;
	_ =	sdelay $0x1  }
0x4c: {  	(erf) = vpow2.f32 v4;
	_ =	sdelay $0x8  }
0x4d: {  	v5 =	vxor.u32 $0x80000000, v5;
	v4 =	vpop (erf)  }
0x4e: {  	(xrf1) =	vsort.ascd.msk.u32 $0xffff, v5, v4;
	_ =	sdelay $0xd  }
0x4f: {  	v5, v29, _ =	vpop (xrf1)  }
0x50: {  	(xrf2) =	vadd.scan.msk.f32 $0xffff, v29;
	_ =	sdelay $0x4  }
0x51: {  	v5 =	vxor.u32 $0x80000000, v5  }
0x52: {  	v30 =	vperm.xlane v5, v1  }
0x53: {  	v31 =	vperm.xlane v5, v2  }
0x54: {  	vm3 =	vne.s32 v5, v30  }
0x55: {  	vm9 =	vne.s32 v5, v31;
	vm3 =	vmor vm3, vm0  }
0x56: {  	vm4 =	vmor vm9, vm1;
	v32, _, _ =	vpop (xrf2)  }
0x57: {  	v33 =	vperm.xlane v32, v2;
	_ =	sdelay $0x1  }
0x58: {  	v7 =	vsel vm2, $0x0, v33  }
0x59: {  	[tilespmem:s31+$0x7810] =	vst v4;
	v4 =	vsub.f32 $0.0e+00, v7  }
0x5a: {  	[tilespmem:v5+s26+$0x0] =	vst.idx.add.f32.msk vm3, v32  }
0x5b: {  	[tilespmem:v5+s26+$0x0] =	vst.idx.add.f32.msk vm4, v4  }
0x5c: {  	v4 =	vld [tilespmem:s31+$0x5020]  }
0x5d: {  	v5 =	vld [tilespmem:s31+$0x6420];
	_ =	sdelay $0x6  }
0x5e: {  	v4 =	vld.idx.msk [tilespmem:v4+s1+$0x0], $0xffff  }
0x5f: {  	v6 =	vld.idx.msk [tilespmem:v5+s23+$0x0], $0xffff;
	_ =	sdelay $0x4  }
0x60: {  	v4 =	vadd.f32 v6, v4;
	_ =	sdelay $0x1  }
0x61: {  	v6 =	vmul.f32 $9.999999770e-03, v4  }
0x62: {  	vm3 =	vge.f32 v4, $0.0e+00  }
0x63: {  	v4 =	vsel vm3, v4, v6  }
0x64: {  	v4 =	vmul.f32 $1.442695020e+00, v4;
	_ =	sdelay $0x1  }
0x65: {  	(erf) = vpow2.f32 v4;
	_ =	sdelay $0x8  }
0x66: {  	v5 =	vxor.u32 $0x80000000, v5;
	v4 =	vpop (erf)  }
0x67: {  	(xrf1) =	vsort.ascd.msk.u32 $0xffff, v5, v4;
	_ =	sdelay $0xd  }
0x68: {  	v5, v34, _ =	vpop (xrf1)  }
0x69: {  	(xrf2) =	vadd.scan.msk.f32 $0xffff, v34;
	_ =	sdelay $0x4  }
0x6a: {  	v5 =	vxor.u32 $0x80000000, v5  }
0x6b: {  	v35 =	vperm.xlane v5, v1  }
0x6c: {  	v36 =	vperm.xlane v5, v2  }
0x6d: {  	vm3 =	vne.s32 v5, v35  }
0x6e: {  	vm10 =	vne.s32 v5, v36;
	vm3 =	vmor vm3, vm0  }
0x6f: {  	vm4 =	vmor vm10, vm1;
	v37, _, _ =	vpop (xrf2)  }
0x70: {  	v38 =	vperm.xlane v37, v2;
	_ =	sdelay $0x1  }
0x71: {  	v7 =	vsel vm2, $0x0, v38  }
0x72: {  	[tilespmem:s31+$0x7820] =	vst v4;
	v4 =	vsub.f32 $0.0e+00, v7  }
0x73: {  	[tilespmem:v5+s26+$0x0] =	vst.idx.add.f32.msk vm3, v37  }
0x74: {  	[tilespmem:v5+s26+$0x0] =	vst.idx.add.f32.msk vm4, v4  }
0x75: {  	v4 =	vld [tilespmem:s31+$0x5030]  }
0x76: {  	v5 =	vld [tilespmem:s31+$0x6430];
	_ =	sdelay $0x6  }
0x77: {  	v4 =	vld.idx.msk [tilespmem:v4+s1+$0x0], $0xffff  }
0x78: {  	v6 =	vld.idx.msk [tilespmem:v5+s23+$0x0], $0xffff;
	_ =	sdelay $0x4  }
0x79: {  	v4 =	vadd.f32 v6, v4;
	_ =	sdelay $0x1  }
0x7a: {  	v6 =	vmul.f32 $9.999999770e-03, v4  }
0x7b: {  	vm3 =	vge.f32 v4, $0.0e+00  }
0x7c: {  	v4 =	vsel vm3, v4, v6  }
0x7d: {  	v4 =	vmul.f32 $1.442695020e+00, v4;
	_ =	sdelay $0x1  }
0x7e: {  	(erf) = vpow2.f32 v4;
	_ =	sdelay $0x8  }
0x7f: {  	v5 =	vxor.u32 $0x80000000, v5;
	v4 =	vpop (erf)  }
0x80: {  	(xrf1) =	vsort.ascd.msk.u32 $0xffff, v5, v4;
	_ =	sdelay $0xd  }
0x81: {  	v5, v39, _ =	vpop (xrf1)  }
0x82: {  	(xrf2) =	vadd.scan.msk.f32 $0xffff, v39;
	_ =	sdelay $0x4  }
0x83: {  	v5 =	vxor.u32 $0x80000000, v5  }
0x84: {  	v40 =	vperm.xlane v5, v1  }
0x85: {  	v41 =	vperm.xlane v5, v2  }
0x86: {  	vm3 =	vne.s32 v5, v40  }
0x87: {  	vm11 =	vne.s32 v5, v41;
	vm3 =	vmor vm3, vm0  }
0x88: {  	vm4 =	vmor vm11, vm1;
	v42, _, _ =	vpop (xrf2)  }
0x89: {  	v43 =	vperm.xlane v42, v2;
	_ =	sdelay $0x1  }
0x8a: {  	v7 =	vsel vm2, $0x0, v43  }
0x8b: {  	[tilespmem:s31+$0x7830] =	vst v4;
	v4 =	vsub.f32 $0.0e+00, v7  }
0x8c: {  	[tilespmem:v5+s26+$0x0] =	vst.idx.add.f32.msk vm3, v42  }
0x8d: {  	[tilespmem:v5+s26+$0x0] =	vst.idx.add.f32.msk vm4, v4  }
0x8e: {  	v4 =	vld [tilespmem:s31+$0x5040]  }
0x8f: {  	v5 =	vld [tilespmem:s31+$0x6440];
	_ =	sdelay $0x6  }
0x90: {  	v4 =	vld.idx.msk [tilespmem:v4+s1+$0x0], $0xffff  }
0x91: {  	v6 =	vld.idx.msk [tilespmem:v5+s23+$0x0], $0xffff;
	_ =	sdelay $0x4  }
0x92: {  	v4 =	vadd.f32 v6, v4;
	_ =	sdelay $0x1  }
0x93: {  	v6 =	vmul.f32 $9.999999770e-03, v4  }
0x94: {  	vm3 =	vge.f32 v4, $0.0e+00  }
0x95: {  	v4 =	vsel vm3, v4, v6  }
0x96: {  	v4 =	vmul.f32 $1.442695020e+00, v4;
	_ =	sdelay $0x1  }
0x97: {  	(erf) = vpow2.f32 v4;
	_ =	sdelay $0x8  }
0x98: {  	v5 =	vxor.u32 $0x80000000, v5;
	v4 =	vpop (erf)  }
0x99: {  	(xrf1) =	vsort.ascd.msk.u32 $0xffff, v5, v4;
	_ =	sdelay $0xd  }
0x9a: {  	v5, v44, _ =	vpop (xrf1)  }
0x9b: {  	(xrf2) =	vadd.scan.msk.f32 $0xffff, v44;
	_ =	sdelay $0x4  }
0x9c: {  	v5 =	vxor.u32 $0x80000000, v5  }
0x9d: {  	v45 =	vperm.xlane v5, v1  }
0x9e: {  	v46 =	vperm.xlane v5, v2  }
0x9f: {  	vm3 =	vne.s32 v5, v45  }
0xa0: {  	vm12 =	vne.s32 v5, v46;
	vm3 =	vmor vm3, vm0  }
0xa1: {  	vm4 =	vmor vm12, vm1;
	v47, _, _ =	vpop (xrf2)  }
0xa2: {  	v48 =	vperm.xlane v47, v2;
	_ =	sdelay $0x1  }
0xa3: {  	v7 =	vsel vm2, $0x0, v48  }
0xa4: {  	[tilespmem:s31+$0x7840] =	vst v4;
	v4 =	vsub.f32 $0.0e+00, v7  }
0xa5: {  	[tilespmem:v5+s26+$0x0] =	vst.idx.add.f32.msk vm3, v47  }
0xa6: {  	[tilespmem:v5+s26+$0x0] =	vst.idx.add.f32.msk vm4, v4  }
0xa7: {  	v4 =	vld [tilespmem:s31+$0x5050]  }
0xa8: {  	v5 =	vld [tilespmem:s31+$0x6450];
	_ =	sdelay $0x6  }
0xa9: {  	v4 =	vld.idx.msk [tilespmem:v4+s1+$0x0], $0xffff  }
0xaa: {  	v6 =	vld.idx.msk [tilespmem:v5+s23+$0x0], $0xffff;
	_ =	sdelay $0x4  }
0xab: {  	v4 =	vadd.f32 v6, v4;
	_ =	sdelay $0x1  }
0xac: {  	v6 =	vmul.f32 $9.999999770e-03, v4  }
0xad: {  	vm3 =	vge.f32 v4, $0.0e+00  }
0xae: {  	v4 =	vsel vm3, v4, v6  }
0xaf: {  	v4 =	vmul.f32 $1.442695020e+00, v4;
	_ =	sdelay $0x1  }
0xb0: {  	(erf) = vpow2.f32 v4;
	_ =	sdelay $0x8  }
0xb1: {  	v5 =	vxor.u32 $0x80000000, v5;
	v4 =	vpop (erf)  }
0xb2: {  	(xrf1) =	vsort.ascd.msk.u32 $0xffff, v5, v4;
	_ =	sdelay $0xd  }
0xb3: {  	v5, v49, _ =	vpop (xrf1)  }
0xb4: {  	(xrf2) =	vadd.scan.msk.f32 $0xffff, v49;
	_ =	sdelay $0x4  }
0xb5: {  	v5 =	vxor.u32 $0x80000000, v5  }
0xb6: {  	v50 =	vperm.xlane v5, v1  }
0xb7: {  	v51 =	vperm.xlane v5, v2  }
0xb8: {  	vm3 =	vne.s32 v5, v50  }
0xb9: {  	vm13 =	vne.s32 v5, v51;
	vm3 =	vmor vm3, vm0  }
0xba: {  	vm4 =	vmor vm13, vm1;
	v52, _, _ =	vpop (xrf2)  }
0xbb: {  	v53 =	vperm.xlane v52, v2;
	_ =	sdelay $0x1  }
0xbc: {  	v7 =	vsel vm2, $0x0, v53  }
0xbd: {  	[tilespmem:s31+$0x7850] =	vst v4;
	v4 =	vsub.f32 $0.0e+00, v7  }
0xbe: {  	[tilespmem:v5+s26+$0x0] =	vst.idx.add.f32.msk vm3, v52  }
0xbf: {  	[tilespmem:v5+s26+$0x0] =	vst.idx.add.f32.msk vm4, v4  }
0xc0: {  	v4 =	vld [tilespmem:s31+$0x5060]  }
0xc1: {  	v5 =	vld [tilespmem:s31+$0x6460];
	_ =	sdelay $0x6  }
0xc2: {  	v4 =	vld.idx.msk [tilespmem:v4+s1+$0x0], $0xffff  }
0xc3: {  	v6 =	vld.idx.msk [tilespmem:v5+s23+$0x0], $0xffff;
	_ =	sdelay $0x4  }
0xc4: {  	v4 =	vadd.f32 v6, v4;
	_ =	sdelay $0x1  }
0xc5: {  	v6 =	vmul.f32 $9.999999770e-03, v4  }
0xc6: {  	vm3 =	vge.f32 v4, $0.0e+00  }
0xc7: {  	v4 =	vsel vm3, v4, v6  }
0xc8: {  	v4 =	vmul.f32 $1.442695020e+00, v4;
	_ =	sdelay $0x1  }
0xc9: {  	(erf) = vpow2.f32 v4;
	_ =	sdelay $0x8  }
0xca: {  	v5 =	vxor.u32 $0x80000000, v5;
	v4 =	vpop (erf)  }
0xcb: {  	(xrf1) =	vsort.ascd.msk.u32 $0xffff, v5, v4;
	_ =	sdelay $0xd  }
0xcc: {  	v5, v54, _ =	vpop (xrf1)  }
0xcd: {  	(xrf2) =	vadd.scan.msk.f32 $0xffff, v54;
	_ =	sdelay $0x4  }
0xce: {  	v5 =	vxor.u32 $0x80000000, v5  }
0xcf: {  	v55 =	vperm.xlane v5, v1  }
0xd0: {  	v56 =	vperm.xlane v5, v2  }
0xd1: {  	vm3 =	vne.s32 v5, v55  }
0xd2: {  	vm14 =	vne.s32 v5, v56;
	vm3 =	vmor vm3, vm0  }
0xd3: {  	vm4 =	vmor vm14, vm1;
	v57, _, _ =	vpop (xrf2)  }
0xd4: {  	v58 =	vperm.xlane v57, v2;
	_ =	sdelay $0x1  }
0xd5: {  	v7 =	vsel vm2, $0x0, v58  }
0xd6: {  	[tilespmem:s31+$0x7860] =	vst v4;
	v4 =	vsub.f32 $0.0e+00, v7  }
0xd7: {  	[tilespmem:v5+s26+$0x0] =	vst.idx.add.f32.msk vm3, v57  }
0xd8: {  	[tilespmem:v5+s26+$0x0] =	vst.idx.add.f32.msk vm4, v4  }
0xd9: {  	v4 =	vld [tilespmem:s31+$0x5070]  }
0xda: {  	v5 =	vld [tilespmem:s31+$0x6470];
	_ =	sdelay $0x6  }
0xdb: {  	v4 =	vld.idx.msk [tilespmem:v4+s1+$0x0], $0xffff  }
0xdc: {  	v6 =	vld.idx.msk [tilespmem:v5+s23+$0x0], $0xffff;
	_ =	sdelay $0x4  }
0xdd: {  	v4 =	vadd.f32 v6, v4;
	_ =	sdelay $0x1  }
0xde: {  	v6 =	vmul.f32 $9.999999770e-03, v4  }
0xdf: {  	vm3 =	vge.f32 v4, $0.0e+00  }
0xe0: {  	v4 =	vsel vm3, v4, v6  }
0xe1: {  	v4 =	vmul.f32 $1.442695020e+00, v4;
	_ =	sdelay $0x1  }
0xe2: {  	(erf) = vpow2.f32 v4;
	_ =	sdelay $0x8  }
0xe3: {  	v5 =	vxor.u32 $0x80000000, v5;
	v4 =	vpop (erf)  }
0xe4: {  	(xrf1) =	vsort.ascd.msk.u32 $0xffff, v5, v4;
	_ =	sdelay $0xd  }
0xe5: {  	v5, v59, _ =	vpop (xrf1)  }
0xe6: {  	(xrf2) =	vadd.scan.msk.f32 $0xffff, v59;
	_ =	sdelay $0x4  }
0xe7: {  	v5 =	vxor.u32 $0x80000000, v5  }
0xe8: {  	v60 =	vperm.xlane v5, v1  }
0xe9: {  	v61 =	vperm.xlane v5, v2  }
0xea: {  	vm3 =	vne.s32 v5, v60  }
0xeb: {  	vm15 =	vne.s32 v5, v61;
	vm3 =	vmor vm3, vm0  }
0xec: {  	vm4 =	vmor vm15, vm1;
	v62, _, _ =	vpop (xrf2)  }
0xed: {  	p0 =	sne.s32 s30, $0x4E00;
	v63 =	vperm.xlane v62, v2  }
.Ltmp1:
0xee: {  	_ = 	snop;
	(pc) =	sbr.rel @p0 .LBB2_4-.Ltmp1, $4  }
0xef: {  	v7 =	vsel vm2, $0x0, v63  }
0xf0: {  	[tilespmem:s31+$0x7870] =	vst v4;
	v4 =	vsub.f32 $0.0e+00, v7  }
0xf1: {  	[tilespmem:v5+s26+$0x0] =	vst.idx.add.f32.msk vm3, v62  }
0xf2: {  	s30 =	sadd.s32 $0x200, s30;
	[tilespmem:v5+s26+$0x0] =	vst.idx.add.f32.msk vm4, v4  }
0xf3: {  	s30 =	simm.s32 $0x0  }
0xf4: {  	[hbm4b:s7+s30] =	stream.linear.scatter [tilespmem:s28], [sflag:$0x1], $0x1400, $0x38;
	[tilespmem:$0xB400] =	vst v63  }
0xf5: {  	_ =	swait.ge [sflag:s22], $0x1400  }
0xf6: {  	[sflag:s22] =	ssyncset.done $0x0  }
0xf7: {  	[sflag:s22] =	ssyncadd.s32 $0xFFFFEC00  }
0xf8: {  	[hbm4b:s8+s30] =	stream.linear.scatter [tilespmem:s26], [sflag:$0x1], $0x2800, $0x38;
	[tilespmem:$0xB400] =	vst v63  }
0xf9: {  	_ =	swait.ge [sflag:s22], $0x2800  }
0xfa: {  	[sflag:s22] =	ssyncset.done $0x0  }
0xfb: {  	[sflag:s22] =	ssyncadd.s32 $0xFFFFD800  }
0xfc: {  	[tilespmem:s30], [sflag:$0x1] =	stream.linear.gather [hbm4b:s9+s30], $0x2800, $0x38;
	[tilespmem:$0xB400] =	vst v63  }
0xfd: {  	_ =	swait.ge [sflag:s22], $0x2800  }
0xfe: {  	[sflag:s22] =	ssyncset.done $0x0  }
0xff: {  	[sflag:s22] =	ssyncadd.s32 $0xFFFFD800  }
0x100: {  	[tilespmem:s23], [sflag:$0x1] =	stream.linear.gather [hbm4b:s10+s30], $0x2800, $0x38;
	[tilespmem:$0xB400] =	vst v63  }
0x101: {  	_ =	swait.ge [sflag:s22], $0x2800  }
0x102: {  	[sflag:s22] =	ssyncset.done $0x0  }
0x103: {  	[sflag:s22] =	ssyncadd.s32 $0xFFFFD800  }
0x104: {  	[tilespmem:s24], [sflag:$0x1] =	stream.linear.gather [hbm4b:s11+s30], $0x1400, $0x38;
	[tilespmem:$0xB400] =	vst v63  }
0x105: {  	_ =	swait.ge [sflag:s22], $0x1400  }
0x106: {  	[sflag:s22] =	ssyncset.done $0x0  }
0x107: {  	[sflag:s22] =	ssyncadd.s32 $0xFFFFEC00  }
0x108: {  	[tilespmem:s25], [sflag:$0x1] =	stream.linear.gather [hbm4b:s12+s30], $0x1400, $0x38;
	[tilespmem:$0xB400] =	vst v63  }
0x109: {  	_ =	swait.ge [sflag:s22], $0x1400  }
0x10a: {  	[sflag:s22] =	ssyncset.done $0x0  }
0x10b: {  	s31 =	simm.s32 $0x40;
	s0 =	simm.s32 $0x0;
	[sflag:s22] =	ssyncadd.s32 $0xFFFFEC00  }
.LBB2_6:
0x10c: {  	p0 =	sne.s32 s31, $0x9FC0;
	[tilespmem:s0+$0x8C00] =	vst v0;
	s0 =	smov.u32 s31;
	s31 =	sadd.s32 $0x40, s31  }
.Ltmp2:
0x10d: {  	(pc) =	sbr.rel @p0 .LBB2_6-.Ltmp2, $2  }
0x10e: {  	_ =	sdelay $0x2  }
0x10f: {  	s0 =	sshra.s32 s0, $0x2  }
0x110: {  	[tilespmem:s0+$0x8C00] =	vst v0  }
.LBB2_8:
0x111: {  	s31 =	sshra.s32 s30, $0x2  }
0x112: {  	v4 =	vld [tilespmem:s31+$0x5000]  }
0x113: {  	v5 =	vld [tilespmem:s31+$0x6400];
	_ =	sdelay $0x6  }
0x114: {  	v4 =	vld.idx.msk [tilespmem:v4+s1+$0x0], $0xffff  }
0x115: {  	v6 =	vld.idx.msk [tilespmem:v5+s23+$0x0], $0xffff;
	_ =	sdelay $0x4  }
0x116: {  	v4 =	vadd.f32 v6, v4;
	_ =	sdelay $0x1  }
0x117: {  	v6 =	vmul.f32 $9.999999770e-03, v4  }
0x118: {  	vm2 =	vge.f32 v4, $0.0e+00  }
0x119: {  	v4 =	vsel vm2, v4, v6  }
0x11a: {  	v4 =	vmul.f32 $1.442695020e+00, v4;
	_ =	sdelay $0x1  }
0x11b: {  	(erf) = vpow2.f32 v4;
	_ =	sdelay $0x8  }
0x11c: {  	v5 =	vxor.u32 $0x80000000, v5;
	v4 =	vpop (erf)  }
0x11d: {  	(xrf1) =	vsort.ascd.msk.u32 $0xffff, v5, v4;
	_ =	sdelay $0xd  }
0x11e: {  	v5, v25, _ =	vpop (xrf1)  }
0x11f: {  	(xrf2) =	vadd.scan.msk.f32 $0xffff, v25;
	_ =	sdelay $0x4  }
0x120: {  	v5 =	vxor.u32 $0x80000000, v5  }
0x121: {  	v26 =	vperm.xlane v5, v1  }
0x122: {  	v7 =	vperm.xlane v5, v2  }
0x123: {  	vm2 =	vne.s32 v5, v26  }
0x124: {  	vm3 =	vmor vm2, vm0;
	vm2 =	vne.s32 v5, v7  }
0x125: {  	vm4 =	vmor vm2, vm1;
	v27, _, _ =	vpop (xrf2)  }
0x126: {  	v28 =	vperm.xlane v27, v2  }
0x127: {  	vm2 =	veq.s32 v3, $0x0  }
0x128: {  	v7 =	vsel vm2, $0x0, v28  }
0x129: {  	[tilespmem:s31+$0x7800] =	vst v4;
	v4 =	vsub.f32 $0.0e+00, v7  }
0x12a: {  	[tilespmem:v5+s26+$0x0] =	vst.idx.add.f32.msk vm3, v27  }
0x12b: {  	[tilespmem:v5+s26+$0x0] =	vst.idx.add.f32.msk vm4, v4  }
0x12c: {  	v4 =	vld [tilespmem:s31+$0x5010]  }
0x12d: {  	v5 =	vld [tilespmem:s31+$0x6410];
	_ =	sdelay $0x6  }
0x12e: {  	v4 =	vld.idx.msk [tilespmem:v4+s1+$0x0], $0xffff  }
0x12f: {  	v6 =	vld.idx.msk [tilespmem:v5+s23+$0x0], $0xffff;
	_ =	sdelay $0x4  }
0x130: {  	v4 =	vadd.f32 v6, v4;
	_ =	sdelay $0x1  }
0x131: {  	v6 =	vmul.f32 $9.999999770e-03, v4  }
0x132: {  	vm3 =	vge.f32 v4, $0.0e+00  }
0x133: {  	v4 =	vsel vm3, v4, v6  }
0x134: {  	v4 =	vmul.f32 $1.442695020e+00, v4;
	_ =	sdelay $0x1  }
0x135: {  	(erf) = vpow2.f32 v4;
	_ =	sdelay $0x8  }
0x136: {  	v5 =	vxor.u32 $0x80000000, v5;
	v4 =	vpop (erf)  }
0x137: {  	(xrf1) =	vsort.ascd.msk.u32 $0xffff, v5, v4;
	_ =	sdelay $0xd  }
0x138: {  	v5, v29, _ =	vpop (xrf1)  }
0x139: {  	(xrf2) =	vadd.scan.msk.f32 $0xffff, v29;
	_ =	sdelay $0x4  }
0x13a: {  	v5 =	vxor.u32 $0x80000000, v5  }
0x13b: {  	v30 =	vperm.xlane v5, v1  }
0x13c: {  	v31 =	vperm.xlane v5, v2  }
0x13d: {  	vm3 =	vne.s32 v5, v30  }
0x13e: {  	vm9 =	vne.s32 v5, v31;
	vm3 =	vmor vm3, vm0  }
0x13f: {  	vm4 =	vmor vm9, vm1;
	v32, _, _ =	vpop (xrf2)  }
0x140: {  	v33 =	vperm.xlane v32, v2;
	_ =	sdelay $0x1  }
0x141: {  	v7 =	vsel vm2, $0x0, v33  }
0x142: {  	[tilespmem:s31+$0x7810] =	vst v4;
	v4 =	vsub.f32 $0.0e+00, v7  }
0x143: {  	[tilespmem:v5+s26+$0x0] =	vst.idx.add.f32.msk vm3, v32  }
0x144: {  	[tilespmem:v5+s26+$0x0] =	vst.idx.add.f32.msk vm4, v4  }
0x145: {  	v4 =	vld [tilespmem:s31+$0x5020]  }
0x146: {  	v5 =	vld [tilespmem:s31+$0x6420];
	_ =	sdelay $0x6  }
0x147: {  	v4 =	vld.idx.msk [tilespmem:v4+s1+$0x0], $0xffff  }
0x148: {  	v6 =	vld.idx.msk [tilespmem:v5+s23+$0x0], $0xffff;
	_ =	sdelay $0x4  }
0x149: {  	v4 =	vadd.f32 v6, v4;
	_ =	sdelay $0x1  }
0x14a: {  	v6 =	vmul.f32 $9.999999770e-03, v4  }
0x14b: {  	vm3 =	vge.f32 v4, $0.0e+00  }
0x14c: {  	v4 =	vsel vm3, v4, v6  }
0x14d: {  	v4 =	vmul.f32 $1.442695020e+00, v4;
	_ =	sdelay $0x1  }
0x14e: {  	(erf) = vpow2.f32 v4;
	_ =	sdelay $0x8  }
0x14f: {  	v5 =	vxor.u32 $0x80000000, v5;
	v4 =	vpop (erf)  }
0x150: {  	(xrf1) =	vsort.ascd.msk.u32 $0xffff, v5, v4;
	_ =	sdelay $0xd  }
0x151: {  	v5, v34, _ =	vpop (xrf1)  }
0x152: {  	(xrf2) =	vadd.scan.msk.f32 $0xffff, v34;
	_ =	sdelay $0x4  }
0x153: {  	v5 =	vxor.u32 $0x80000000, v5  }
0x154: {  	v35 =	vperm.xlane v5, v1  }
0x155: {  	v36 =	vperm.xlane v5, v2  }
0x156: {  	vm3 =	vne.s32 v5, v35  }
0x157: {  	vm10 =	vne.s32 v5, v36;
	vm3 =	vmor vm3, vm0  }
0x158: {  	vm4 =	vmor vm10, vm1;
	v37, _, _ =	vpop (xrf2)  }
0x159: {  	v38 =	vperm.xlane v37, v2;
	_ =	sdelay $0x1  }
0x15a: {  	v7 =	vsel vm2, $0x0, v38  }
0x15b: {  	[tilespmem:s31+$0x7820] =	vst v4;
	v4 =	vsub.f32 $0.0e+00, v7  }
0x15c: {  	[tilespmem:v5+s26+$0x0] =	vst.idx.add.f32.msk vm3, v37  }
0x15d: {  	[tilespmem:v5+s26+$0x0] =	vst.idx.add.f32.msk vm4, v4  }
0x15e: {  	v4 =	vld [tilespmem:s31+$0x5030]  }
0x15f: {  	v5 =	vld [tilespmem:s31+$0x6430];
	_ =	sdelay $0x6  }
0x160: {  	v4 =	vld.idx.msk [tilespmem:v4+s1+$0x0], $0xffff  }
0x161: {  	v6 =	vld.idx.msk [tilespmem:v5+s23+$0x0], $0xffff;
	_ =	sdelay $0x4  }
0x162: {  	v4 =	vadd.f32 v6, v4;
	_ =	sdelay $0x1  }
0x163: {  	v6 =	vmul.f32 $9.999999770e-03, v4  }
0x164: {  	vm3 =	vge.f32 v4, $0.0e+00  }
0x165: {  	v4 =	vsel vm3, v4, v6  }
0x166: {  	v4 =	vmul.f32 $1.442695020e+00, v4;
	_ =	sdelay $0x1  }
0x167: {  	(erf) = vpow2.f32 v4;
	_ =	sdelay $0x8  }
0x168: {  	v5 =	vxor.u32 $0x80000000, v5;
	v4 =	vpop (erf)  }
0x169: {  	(xrf1) =	vsort.ascd.msk.u32 $0xffff, v5, v4;
	_ =	sdelay $0xd  }
0x16a: {  	v5, v39, _ =	vpop (xrf1)  }
0x16b: {  	(xrf2) =	vadd.scan.msk.f32 $0xffff, v39;
	_ =	sdelay $0x4  }
0x16c: {  	v5 =	vxor.u32 $0x80000000, v5  }
0x16d: {  	v40 =	vperm.xlane v5, v1  }
0x16e: {  	v41 =	vperm.xlane v5, v2  }
0x16f: {  	vm3 =	vne.s32 v5, v40  }
0x170: {  	vm11 =	vne.s32 v5, v41;
	vm3 =	vmor vm3, vm0  }
0x171: {  	vm4 =	vmor vm11, vm1;
	v42, _, _ =	vpop (xrf2)  }
0x172: {  	v43 =	vperm.xlane v42, v2;
	_ =	sdelay $0x1  }
0x173: {  	v7 =	vsel vm2, $0x0, v43  }
0x174: {  	[tilespmem:s31+$0x7830] =	vst v4;
	v4 =	vsub.f32 $0.0e+00, v7  }
0x175: {  	[tilespmem:v5+s26+$0x0] =	vst.idx.add.f32.msk vm3, v42  }
0x176: {  	[tilespmem:v5+s26+$0x0] =	vst.idx.add.f32.msk vm4, v4  }
0x177: {  	v4 =	vld [tilespmem:s31+$0x5040]  }
0x178: {  	v5 =	vld [tilespmem:s31+$0x6440];
	_ =	sdelay $0x6  }
0x179: {  	v4 =	vld.idx.msk [tilespmem:v4+s1+$0x0], $0xffff  }
0x17a: {  	v6 =	vld.idx.msk [tilespmem:v5+s23+$0x0], $0xffff;
	_ =	sdelay $0x4  }
0x17b: {  	v4 =	vadd.f32 v6, v4;
	_ =	sdelay $0x1  }
0x17c: {  	v6 =	vmul.f32 $9.999999770e-03, v4  }
0x17d: {  	vm3 =	vge.f32 v4, $0.0e+00  }
0x17e: {  	v4 =	vsel vm3, v4, v6  }
0x17f: {  	v4 =	vmul.f32 $1.442695020e+00, v4;
	_ =	sdelay $0x1  }
0x180: {  	(erf) = vpow2.f32 v4;
	_ =	sdelay $0x8  }
0x181: {  	v5 =	vxor.u32 $0x80000000, v5;
	v4 =	vpop (erf)  }
0x182: {  	(xrf1) =	vsort.ascd.msk.u32 $0xffff, v5, v4;
	_ =	sdelay $0xd  }
0x183: {  	v5, v44, _ =	vpop (xrf1)  }
0x184: {  	(xrf2) =	vadd.scan.msk.f32 $0xffff, v44;
	_ =	sdelay $0x4  }
0x185: {  	v5 =	vxor.u32 $0x80000000, v5  }
0x186: {  	v45 =	vperm.xlane v5, v1  }
0x187: {  	v46 =	vperm.xlane v5, v2  }
0x188: {  	vm3 =	vne.s32 v5, v45  }
0x189: {  	vm12 =	vne.s32 v5, v46;
	vm3 =	vmor vm3, vm0  }
0x18a: {  	vm4 =	vmor vm12, vm1;
	v47, _, _ =	vpop (xrf2)  }
0x18b: {  	v48 =	vperm.xlane v47, v2;
	_ =	sdelay $0x1  }
0x18c: {  	v7 =	vsel vm2, $0x0, v48  }
0x18d: {  	[tilespmem:s31+$0x7840] =	vst v4;
	v4 =	vsub.f32 $0.0e+00, v7  }
0x18e: {  	[tilespmem:v5+s26+$0x0] =	vst.idx.add.f32.msk vm3, v47  }
0x18f: {  	[tilespmem:v5+s26+$0x0] =	vst.idx.add.f32.msk vm4, v4  }
0x190: {  	v4 =	vld [tilespmem:s31+$0x5050]  }
0x191: {  	v5 =	vld [tilespmem:s31+$0x6450];
	_ =	sdelay $0x6  }
0x192: {  	v4 =	vld.idx.msk [tilespmem:v4+s1+$0x0], $0xffff  }
0x193: {  	v6 =	vld.idx.msk [tilespmem:v5+s23+$0x0], $0xffff;
	_ =	sdelay $0x4  }
0x194: {  	v4 =	vadd.f32 v6, v4;
	_ =	sdelay $0x1  }
0x195: {  	v6 =	vmul.f32 $9.999999770e-03, v4  }
0x196: {  	vm3 =	vge.f32 v4, $0.0e+00  }
0x197: {  	v4 =	vsel vm3, v4, v6  }
0x198: {  	v4 =	vmul.f32 $1.442695020e+00, v4;
	_ =	sdelay $0x1  }
0x199: {  	(erf) = vpow2.f32 v4;
	_ =	sdelay $0x8  }
0x19a: {  	v5 =	vxor.u32 $0x80000000, v5;
	v4 =	vpop (erf)  }
0x19b: {  	(xrf1) =	vsort.ascd.msk.u32 $0xffff, v5, v4;
	_ =	sdelay $0xd  }
0x19c: {  	v5, v49, _ =	vpop (xrf1)  }
0x19d: {  	(xrf2) =	vadd.scan.msk.f32 $0xffff, v49;
	_ =	sdelay $0x4  }
0x19e: {  	v5 =	vxor.u32 $0x80000000, v5  }
0x19f: {  	v50 =	vperm.xlane v5, v1  }
0x1a0: {  	v51 =	vperm.xlane v5, v2  }
0x1a1: {  	vm3 =	vne.s32 v5, v50  }
0x1a2: {  	vm13 =	vne.s32 v5, v51;
	vm3 =	vmor vm3, vm0  }
0x1a3: {  	vm4 =	vmor vm13, vm1;
	v52, _, _ =	vpop (xrf2)  }
0x1a4: {  	v53 =	vperm.xlane v52, v2;
	_ =	sdelay $0x1  }
0x1a5: {  	v7 =	vsel vm2, $0x0, v53  }
0x1a6: {  	[tilespmem:s31+$0x7850] =	vst v4;
	v4 =	vsub.f32 $0.0e+00, v7  }
0x1a7: {  	[tilespmem:v5+s26+$0x0] =	vst.idx.add.f32.msk vm3, v52  }
0x1a8: {  	[tilespmem:v5+s26+$0x0] =	vst.idx.add.f32.msk vm4, v4  }
0x1a9: {  	v4 =	vld [tilespmem:s31+$0x5060]  }
0x1aa: {  	v5 =	vld [tilespmem:s31+$0x6460];
	_ =	sdelay $0x6  }
0x1ab: {  	v4 =	vld.idx.msk [tilespmem:v4+s1+$0x0], $0xffff  }
0x1ac: {  	v6 =	vld.idx.msk [tilespmem:v5+s23+$0x0], $0xffff;
	_ =	sdelay $0x4  }
0x1ad: {  	v4 =	vadd.f32 v6, v4;
	_ =	sdelay $0x1  }
0x1ae: {  	v6 =	vmul.f32 $9.999999770e-03, v4  }
0x1af: {  	vm3 =	vge.f32 v4, $0.0e+00  }
0x1b0: {  	v4 =	vsel vm3, v4, v6  }
0x1b1: {  	v4 =	vmul.f32 $1.442695020e+00, v4;
	_ =	sdelay $0x1  }
0x1b2: {  	(erf) = vpow2.f32 v4;
	_ =	sdelay $0x8  }
0x1b3: {  	v5 =	vxor.u32 $0x80000000, v5;
	v4 =	vpop (erf)  }
0x1b4: {  	(xrf1) =	vsort.ascd.msk.u32 $0xffff, v5, v4;
	_ =	sdelay $0xd  }
0x1b5: {  	v5, v54, _ =	vpop (xrf1)  }
0x1b6: {  	(xrf2) =	vadd.scan.msk.f32 $0xffff, v54;
	_ =	sdelay $0x4  }
0x1b7: {  	v5 =	vxor.u32 $0x80000000, v5  }
0x1b8: {  	v55 =	vperm.xlane v5, v1  }
0x1b9: {  	v56 =	vperm.xlane v5, v2  }
0x1ba: {  	vm3 =	vne.s32 v5, v55  }
0x1bb: {  	vm14 =	vne.s32 v5, v56;
	vm3 =	vmor vm3, vm0  }
0x1bc: {  	vm4 =	vmor vm14, vm1;
	v57, _, _ =	vpop (xrf2)  }
0x1bd: {  	v58 =	vperm.xlane v57, v2;
	_ =	sdelay $0x1  }
0x1be: {  	v7 =	vsel vm2, $0x0, v58  }
0x1bf: {  	[tilespmem:s31+$0x7860] =	vst v4;
	v4 =	vsub.f32 $0.0e+00, v7  }
0x1c0: {  	[tilespmem:v5+s26+$0x0] =	vst.idx.add.f32.msk vm3, v57  }
0x1c1: {  	[tilespmem:v5+s26+$0x0] =	vst.idx.add.f32.msk vm4, v4  }
0x1c2: {  	v4 =	vld [tilespmem:s31+$0x5070]  }
0x1c3: {  	v5 =	vld [tilespmem:s31+$0x6470];
	_ =	sdelay $0x6  }
0x1c4: {  	v4 =	vld.idx.msk [tilespmem:v4+s1+$0x0], $0xffff  }
0x1c5: {  	v6 =	vld.idx.msk [tilespmem:v5+s23+$0x0], $0xffff;
	_ =	sdelay $0x4  }
0x1c6: {  	v4 =	vadd.f32 v6, v4;
	_ =	sdelay $0x1  }
0x1c7: {  	v6 =	vmul.f32 $9.999999770e-03, v4  }
0x1c8: {  	vm3 =	vge.f32 v4, $0.0e+00  }
0x1c9: {  	v4 =	vsel vm3, v4, v6  }
0x1ca: {  	v4 =	vmul.f32 $1.442695020e+00, v4;
	_ =	sdelay $0x1  }
0x1cb: {  	(erf) = vpow2.f32 v4;
	_ =	sdelay $0x8  }
0x1cc: {  	v5 =	vxor.u32 $0x80000000, v5;
	v4 =	vpop (erf)  }
0x1cd: {  	(xrf1) =	vsort.ascd.msk.u32 $0xffff, v5, v4;
	_ =	sdelay $0xd  }
0x1ce: {  	v5, v59, _ =	vpop (xrf1)  }
0x1cf: {  	(xrf2) =	vadd.scan.msk.f32 $0xffff, v59;
	_ =	sdelay $0x4  }
0x1d0: {  	v5 =	vxor.u32 $0x80000000, v5  }
0x1d1: {  	v60 =	vperm.xlane v5, v1  }
0x1d2: {  	v61 =	vperm.xlane v5, v2  }
0x1d3: {  	vm3 =	vne.s32 v5, v60  }
0x1d4: {  	vm15 =	vne.s32 v5, v61;
	vm3 =	vmor vm3, vm0  }
0x1d5: {  	vm4 =	vmor vm15, vm1;
	v62, _, _ =	vpop (xrf2)  }
0x1d6: {  	p0 =	sne.s32 s30, $0x4E00;
	v63 =	vperm.xlane v62, v2  }
.Ltmp3:
0x1d7: {  	_ = 	snop;
	(pc) =	sbr.rel @p0 .LBB2_8-.Ltmp3, $4  }
0x1d8: {  	v7 =	vsel vm2, $0x0, v63  }
0x1d9: {  	[tilespmem:s31+$0x7870] =	vst v4;
	v4 =	vsub.f32 $0.0e+00, v7  }
0x1da: {  	[tilespmem:v5+s26+$0x0] =	vst.idx.add.f32.msk vm3, v62  }
0x1db: {  	s30 =	sadd.s32 $0x200, s30;
	[tilespmem:v5+s26+$0x0] =	vst.idx.add.f32.msk vm4, v4  }
0x1dc: {  	s30 =	simm.s32 $0x0  }
0x1dd: {  	[hbm4b:s13+s30] =	stream.linear.scatter [tilespmem:s28], [sflag:$0x1], $0x1400, $0x38;
	[tilespmem:$0xB400] =	vst v63  }
0x1de: {  	_ =	swait.ge [sflag:s22], $0x1400  }
0x1df: {  	[sflag:s22] =	ssyncset.done $0x0  }
0x1e0: {  	[sflag:s22] =	ssyncadd.s32 $0xFFFFEC00  }
0x1e1: {  	[hbm4b:s14+s30] =	stream.linear.scatter [tilespmem:s26], [sflag:$0x1], $0x2800, $0x38;
	[tilespmem:$0xB400] =	vst v63  }
0x1e2: {  	_ =	swait.ge [sflag:s22], $0x2800  }
0x1e3: {  	[sflag:s22] =	ssyncset.done $0x0  }
0x1e4: {  	[sflag:s22] =	ssyncadd.s32 $0xFFFFD800  }
0x1e5: {  	[tilespmem:s30], [sflag:$0x1] =	stream.linear.gather [hbm4b:s15+s30], $0x2800, $0x38;
	[tilespmem:$0xB400] =	vst v63  }
0x1e6: {  	_ =	swait.ge [sflag:s22], $0x2800  }
0x1e7: {  	[sflag:s22] =	ssyncset.done $0x0  }
0x1e8: {  	[sflag:s22] =	ssyncadd.s32 $0xFFFFD800  }
0x1e9: {  	[tilespmem:s23], [sflag:$0x1] =	stream.linear.gather [hbm4b:s16+s30], $0x2800, $0x38;
	[tilespmem:$0xB400] =	vst v63  }
0x1ea: {  	_ =	swait.ge [sflag:s22], $0x2800  }
0x1eb: {  	[sflag:s22] =	ssyncset.done $0x0  }
0x1ec: {  	[sflag:s22] =	ssyncadd.s32 $0xFFFFD800  }
0x1ed: {  	[tilespmem:s24], [sflag:$0x1] =	stream.linear.gather [hbm4b:s17+s30], $0x1400, $0x38;
	[tilespmem:$0xB400] =	vst v63  }
0x1ee: {  	_ =	swait.ge [sflag:s22], $0x1400  }
0x1ef: {  	[sflag:s22] =	ssyncset.done $0x0  }
0x1f0: {  	[sflag:s22] =	ssyncadd.s32 $0xFFFFEC00  }
0x1f1: {  	[tilespmem:s25], [sflag:$0x1] =	stream.linear.gather [hbm4b:s18+s30], $0x1400, $0x38;
	[tilespmem:$0xB400] =	vst v63  }
0x1f2: {  	_ =	swait.ge [sflag:s22], $0x1400  }
0x1f3: {  	[sflag:s22] =	ssyncset.done $0x0  }
0x1f4: {  	s31 =	simm.s32 $0x40;
	s0 =	simm.s32 $0x0;
	[sflag:s22] =	ssyncadd.s32 $0xFFFFEC00  }
.LBB2_10:
0x1f5: {  	p0 =	sne.s32 s31, $0x9FC0;
	[tilespmem:s0+$0x8C00] =	vst v0;
	s0 =	smov.u32 s31;
	s31 =	sadd.s32 $0x40, s31  }
.Ltmp4:
0x1f6: {  	(pc) =	sbr.rel @p0 .LBB2_10-.Ltmp4, $2  }
0x1f7: {  	_ =	sdelay $0x2  }
0x1f8: {  	s0 =	sshra.s32 s0, $0x2  }
0x1f9: {  	[tilespmem:s0+$0x8C00] =	vst v0  }
.LBB2_12:
0x1fa: {  	s31 =	sshra.s32 s30, $0x2  }
0x1fb: {  	v4 =	vld [tilespmem:s31+$0x5000]  }
0x1fc: {  	v5 =	vld [tilespmem:s31+$0x6400];
	_ =	sdelay $0x6  }
0x1fd: {  	v4 =	vld.idx.msk [tilespmem:v4+s1+$0x0], $0xffff  }
0x1fe: {  	v6 =	vld.idx.msk [tilespmem:v5+s23+$0x0], $0xffff;
	_ =	sdelay $0x4  }
0x1ff: {  	v4 =	vadd.f32 v6, v4;
	_ =	sdelay $0x1  }
0x200: {  	v6 =	vmul.f32 $9.999999770e-03, v4  }
0x201: {  	vm2 =	vge.f32 v4, $0.0e+00  }
0x202: {  	v4 =	vsel vm2, v4, v6  }
0x203: {  	v4 =	vmul.f32 $1.442695020e+00, v4;
	_ =	sdelay $0x1  }
0x204: {  	(erf) = vpow2.f32 v4;
	_ =	sdelay $0x8  }
0x205: {  	v5 =	vxor.u32 $0x80000000, v5;
	v4 =	vpop (erf)  }
0x206: {  	(xrf1) =	vsort.ascd.msk.u32 $0xffff, v5, v4;
	_ =	sdelay $0xd  }
0x207: {  	v5, v25, _ =	vpop (xrf1)  }
0x208: {  	(xrf2) =	vadd.scan.msk.f32 $0xffff, v25;
	_ =	sdelay $0x4  }
0x209: {  	v5 =	vxor.u32 $0x80000000, v5  }
0x20a: {  	v26 =	vperm.xlane v5, v1  }
0x20b: {  	v7 =	vperm.xlane v5, v2  }
0x20c: {  	vm2 =	vne.s32 v5, v26  }
0x20d: {  	vm3 =	vmor vm2, vm0;
	vm2 =	vne.s32 v5, v7  }
0x20e: {  	vm4 =	vmor vm2, vm1;
	v27, _, _ =	vpop (xrf2)  }
0x20f: {  	v28 =	vperm.xlane v27, v2  }
0x210: {  	vm2 =	veq.s32 v3, $0x0  }
0x211: {  	v7 =	vsel vm2, $0x0, v28  }
0x212: {  	[tilespmem:s31+$0x7800] =	vst v4;
	v4 =	vsub.f32 $0.0e+00, v7  }
0x213: {  	[tilespmem:v5+s26+$0x0] =	vst.idx.add.f32.msk vm3, v27  }
0x214: {  	[tilespmem:v5+s26+$0x0] =	vst.idx.add.f32.msk vm4, v4  }
0x215: {  	v4 =	vld [tilespmem:s31+$0x5010]  }
0x216: {  	v5 =	vld [tilespmem:s31+$0x6410];
	_ =	sdelay $0x6  }
0x217: {  	v4 =	vld.idx.msk [tilespmem:v4+s1+$0x0], $0xffff  }
0x218: {  	v6 =	vld.idx.msk [tilespmem:v5+s23+$0x0], $0xffff;
	_ =	sdelay $0x4  }
0x219: {  	v4 =	vadd.f32 v6, v4;
	_ =	sdelay $0x1  }
0x21a: {  	v6 =	vmul.f32 $9.999999770e-03, v4  }
0x21b: {  	vm3 =	vge.f32 v4, $0.0e+00  }
0x21c: {  	v4 =	vsel vm3, v4, v6  }
0x21d: {  	v4 =	vmul.f32 $1.442695020e+00, v4;
	_ =	sdelay $0x1  }
0x21e: {  	(erf) = vpow2.f32 v4;
	_ =	sdelay $0x8  }
0x21f: {  	v5 =	vxor.u32 $0x80000000, v5;
	v4 =	vpop (erf)  }
0x220: {  	(xrf1) =	vsort.ascd.msk.u32 $0xffff, v5, v4;
	_ =	sdelay $0xd  }
0x221: {  	v5, v29, _ =	vpop (xrf1)  }
0x222: {  	(xrf2) =	vadd.scan.msk.f32 $0xffff, v29;
	_ =	sdelay $0x4  }
0x223: {  	v5 =	vxor.u32 $0x80000000, v5  }
0x224: {  	v30 =	vperm.xlane v5, v1  }
0x225: {  	v31 =	vperm.xlane v5, v2  }
0x226: {  	vm3 =	vne.s32 v5, v30  }
0x227: {  	vm9 =	vne.s32 v5, v31;
	vm3 =	vmor vm3, vm0  }
0x228: {  	vm4 =	vmor vm9, vm1;
	v32, _, _ =	vpop (xrf2)  }
0x229: {  	v33 =	vperm.xlane v32, v2;
	_ =	sdelay $0x1  }
0x22a: {  	v7 =	vsel vm2, $0x0, v33  }
0x22b: {  	[tilespmem:s31+$0x7810] =	vst v4;
	v4 =	vsub.f32 $0.0e+00, v7  }
0x22c: {  	[tilespmem:v5+s26+$0x0] =	vst.idx.add.f32.msk vm3, v32  }
0x22d: {  	[tilespmem:v5+s26+$0x0] =	vst.idx.add.f32.msk vm4, v4  }
0x22e: {  	v4 =	vld [tilespmem:s31+$0x5020]  }
0x22f: {  	v5 =	vld [tilespmem:s31+$0x6420];
	_ =	sdelay $0x6  }
0x230: {  	v4 =	vld.idx.msk [tilespmem:v4+s1+$0x0], $0xffff  }
0x231: {  	v6 =	vld.idx.msk [tilespmem:v5+s23+$0x0], $0xffff;
	_ =	sdelay $0x4  }
0x232: {  	v4 =	vadd.f32 v6, v4;
	_ =	sdelay $0x1  }
0x233: {  	v6 =	vmul.f32 $9.999999770e-03, v4  }
0x234: {  	vm3 =	vge.f32 v4, $0.0e+00  }
0x235: {  	v4 =	vsel vm3, v4, v6  }
0x236: {  	v4 =	vmul.f32 $1.442695020e+00, v4;
	_ =	sdelay $0x1  }
0x237: {  	(erf) = vpow2.f32 v4;
	_ =	sdelay $0x8  }
0x238: {  	v5 =	vxor.u32 $0x80000000, v5;
	v4 =	vpop (erf)  }
0x239: {  	(xrf1) =	vsort.ascd.msk.u32 $0xffff, v5, v4;
	_ =	sdelay $0xd  }
0x23a: {  	v5, v34, _ =	vpop (xrf1)  }
0x23b: {  	(xrf2) =	vadd.scan.msk.f32 $0xffff, v34;
	_ =	sdelay $0x4  }
0x23c: {  	v5 =	vxor.u32 $0x80000000, v5  }
0x23d: {  	v35 =	vperm.xlane v5, v1  }
0x23e: {  	v36 =	vperm.xlane v5, v2  }
0x23f: {  	vm3 =	vne.s32 v5, v35  }
0x240: {  	vm10 =	vne.s32 v5, v36;
	vm3 =	vmor vm3, vm0  }
0x241: {  	vm4 =	vmor vm10, vm1;
	v37, _, _ =	vpop (xrf2)  }
0x242: {  	v38 =	vperm.xlane v37, v2;
	_ =	sdelay $0x1  }
0x243: {  	v7 =	vsel vm2, $0x0, v38  }
0x244: {  	[tilespmem:s31+$0x7820] =	vst v4;
	v4 =	vsub.f32 $0.0e+00, v7  }
0x245: {  	[tilespmem:v5+s26+$0x0] =	vst.idx.add.f32.msk vm3, v37  }
0x246: {  	[tilespmem:v5+s26+$0x0] =	vst.idx.add.f32.msk vm4, v4  }
0x247: {  	v4 =	vld [tilespmem:s31+$0x5030]  }
0x248: {  	v5 =	vld [tilespmem:s31+$0x6430];
	_ =	sdelay $0x6  }
0x249: {  	v4 =	vld.idx.msk [tilespmem:v4+s1+$0x0], $0xffff  }
0x24a: {  	v6 =	vld.idx.msk [tilespmem:v5+s23+$0x0], $0xffff;
	_ =	sdelay $0x4  }
0x24b: {  	v4 =	vadd.f32 v6, v4;
	_ =	sdelay $0x1  }
0x24c: {  	v6 =	vmul.f32 $9.999999770e-03, v4  }
0x24d: {  	vm3 =	vge.f32 v4, $0.0e+00  }
0x24e: {  	v4 =	vsel vm3, v4, v6  }
0x24f: {  	v4 =	vmul.f32 $1.442695020e+00, v4;
	_ =	sdelay $0x1  }
0x250: {  	(erf) = vpow2.f32 v4;
	_ =	sdelay $0x8  }
0x251: {  	v5 =	vxor.u32 $0x80000000, v5;
	v4 =	vpop (erf)  }
0x252: {  	(xrf1) =	vsort.ascd.msk.u32 $0xffff, v5, v4;
	_ =	sdelay $0xd  }
0x253: {  	v5, v39, _ =	vpop (xrf1)  }
0x254: {  	(xrf2) =	vadd.scan.msk.f32 $0xffff, v39;
	_ =	sdelay $0x4  }
0x255: {  	v5 =	vxor.u32 $0x80000000, v5  }
0x256: {  	v40 =	vperm.xlane v5, v1  }
0x257: {  	v41 =	vperm.xlane v5, v2  }
0x258: {  	vm3 =	vne.s32 v5, v40  }
0x259: {  	vm11 =	vne.s32 v5, v41;
	vm3 =	vmor vm3, vm0  }
0x25a: {  	vm4 =	vmor vm11, vm1;
	v42, _, _ =	vpop (xrf2)  }
0x25b: {  	v43 =	vperm.xlane v42, v2;
	_ =	sdelay $0x1  }
0x25c: {  	v7 =	vsel vm2, $0x0, v43  }
0x25d: {  	[tilespmem:s31+$0x7830] =	vst v4;
	v4 =	vsub.f32 $0.0e+00, v7  }
0x25e: {  	[tilespmem:v5+s26+$0x0] =	vst.idx.add.f32.msk vm3, v42  }
0x25f: {  	[tilespmem:v5+s26+$0x0] =	vst.idx.add.f32.msk vm4, v4  }
0x260: {  	v4 =	vld [tilespmem:s31+$0x5040]  }
0x261: {  	v5 =	vld [tilespmem:s31+$0x6440];
	_ =	sdelay $0x6  }
0x262: {  	v4 =	vld.idx.msk [tilespmem:v4+s1+$0x0], $0xffff  }
0x263: {  	v6 =	vld.idx.msk [tilespmem:v5+s23+$0x0], $0xffff;
	_ =	sdelay $0x4  }
0x264: {  	v4 =	vadd.f32 v6, v4;
	_ =	sdelay $0x1  }
0x265: {  	v6 =	vmul.f32 $9.999999770e-03, v4  }
0x266: {  	vm3 =	vge.f32 v4, $0.0e+00  }
0x267: {  	v4 =	vsel vm3, v4, v6  }
0x268: {  	v4 =	vmul.f32 $1.442695020e+00, v4;
	_ =	sdelay $0x1  }
0x269: {  	(erf) = vpow2.f32 v4;
	_ =	sdelay $0x8  }
0x26a: {  	v5 =	vxor.u32 $0x80000000, v5;
	v4 =	vpop (erf)  }
0x26b: {  	(xrf1) =	vsort.ascd.msk.u32 $0xffff, v5, v4;
	_ =	sdelay $0xd  }
0x26c: {  	v5, v44, _ =	vpop (xrf1)  }
0x26d: {  	(xrf2) =	vadd.scan.msk.f32 $0xffff, v44;
	_ =	sdelay $0x4  }
0x26e: {  	v5 =	vxor.u32 $0x80000000, v5  }
0x26f: {  	v45 =	vperm.xlane v5, v1  }
0x270: {  	v46 =	vperm.xlane v5, v2  }
0x271: {  	vm3 =	vne.s32 v5, v45  }
0x272: {  	vm12 =	vne.s32 v5, v46;
	vm3 =	vmor vm3, vm0  }
0x273: {  	vm4 =	vmor vm12, vm1;
	v47, _, _ =	vpop (xrf2)  }
0x274: {  	v48 =	vperm.xlane v47, v2;
	_ =	sdelay $0x1  }
0x275: {  	v7 =	vsel vm2, $0x0, v48  }
0x276: {  	[tilespmem:s31+$0x7840] =	vst v4;
	v4 =	vsub.f32 $0.0e+00, v7  }
0x277: {  	[tilespmem:v5+s26+$0x0] =	vst.idx.add.f32.msk vm3, v47  }
0x278: {  	[tilespmem:v5+s26+$0x0] =	vst.idx.add.f32.msk vm4, v4  }
0x279: {  	v4 =	vld [tilespmem:s31+$0x5050]  }
0x27a: {  	v5 =	vld [tilespmem:s31+$0x6450];
	_ =	sdelay $0x6  }
0x27b: {  	v4 =	vld.idx.msk [tilespmem:v4+s1+$0x0], $0xffff  }
0x27c: {  	v6 =	vld.idx.msk [tilespmem:v5+s23+$0x0], $0xffff;
	_ =	sdelay $0x4  }
0x27d: {  	v4 =	vadd.f32 v6, v4;
	_ =	sdelay $0x1  }
0x27e: {  	v6 =	vmul.f32 $9.999999770e-03, v4  }
0x27f: {  	vm3 =	vge.f32 v4, $0.0e+00  }
0x280: {  	v4 =	vsel vm3, v4, v6  }
0x281: {  	v4 =	vmul.f32 $1.442695020e+00, v4;
	_ =	sdelay $0x1  }
0x282: {  	(erf) = vpow2.f32 v4;
	_ =	sdelay $0x8  }
0x283: {  	v5 =	vxor.u32 $0x80000000, v5;
	v4 =	vpop (erf)  }
0x284: {  	(xrf1) =	vsort.ascd.msk.u32 $0xffff, v5, v4;
	_ =	sdelay $0xd  }
0x285: {  	v5, v49, _ =	vpop (xrf1)  }
0x286: {  	(xrf2) =	vadd.scan.msk.f32 $0xffff, v49;
	_ =	sdelay $0x4  }
0x287: {  	v5 =	vxor.u32 $0x80000000, v5  }
0x288: {  	v50 =	vperm.xlane v5, v1  }
0x289: {  	v51 =	vperm.xlane v5, v2  }
0x28a: {  	vm3 =	vne.s32 v5, v50  }
0x28b: {  	vm13 =	vne.s32 v5, v51;
	vm3 =	vmor vm3, vm0  }
0x28c: {  	vm4 =	vmor vm13, vm1;
	v52, _, _ =	vpop (xrf2)  }
0x28d: {  	v53 =	vperm.xlane v52, v2;
	_ =	sdelay $0x1  }
0x28e: {  	v7 =	vsel vm2, $0x0, v53  }
0x28f: {  	[tilespmem:s31+$0x7850] =	vst v4;
	v4 =	vsub.f32 $0.0e+00, v7  }
0x290: {  	[tilespmem:v5+s26+$0x0] =	vst.idx.add.f32.msk vm3, v52  }
0x291: {  	[tilespmem:v5+s26+$0x0] =	vst.idx.add.f32.msk vm4, v4  }
0x292: {  	v4 =	vld [tilespmem:s31+$0x5060]  }
0x293: {  	v5 =	vld [tilespmem:s31+$0x6460];
	_ =	sdelay $0x6  }
0x294: {  	v4 =	vld.idx.msk [tilespmem:v4+s1+$0x0], $0xffff  }
0x295: {  	v6 =	vld.idx.msk [tilespmem:v5+s23+$0x0], $0xffff;
	_ =	sdelay $0x4  }
0x296: {  	v4 =	vadd.f32 v6, v4;
	_ =	sdelay $0x1  }
0x297: {  	v6 =	vmul.f32 $9.999999770e-03, v4  }
0x298: {  	vm3 =	vge.f32 v4, $0.0e+00  }
0x299: {  	v4 =	vsel vm3, v4, v6  }
0x29a: {  	v4 =	vmul.f32 $1.442695020e+00, v4;
	_ =	sdelay $0x1  }
0x29b: {  	(erf) = vpow2.f32 v4;
	_ =	sdelay $0x8  }
0x29c: {  	v5 =	vxor.u32 $0x80000000, v5;
	v4 =	vpop (erf)  }
0x29d: {  	(xrf1) =	vsort.ascd.msk.u32 $0xffff, v5, v4;
	_ =	sdelay $0xd  }
0x29e: {  	v5, v54, _ =	vpop (xrf1)  }
0x29f: {  	(xrf2) =	vadd.scan.msk.f32 $0xffff, v54;
	_ =	sdelay $0x4  }
0x2a0: {  	v5 =	vxor.u32 $0x80000000, v5  }
0x2a1: {  	v55 =	vperm.xlane v5, v1  }
0x2a2: {  	v56 =	vperm.xlane v5, v2  }
0x2a3: {  	vm3 =	vne.s32 v5, v55  }
0x2a4: {  	vm14 =	vne.s32 v5, v56;
	vm3 =	vmor vm3, vm0  }
0x2a5: {  	vm4 =	vmor vm14, vm1;
	v57, _, _ =	vpop (xrf2)  }
0x2a6: {  	v58 =	vperm.xlane v57, v2;
	_ =	sdelay $0x1  }
0x2a7: {  	v7 =	vsel vm2, $0x0, v58  }
0x2a8: {  	[tilespmem:s31+$0x7860] =	vst v4;
	v4 =	vsub.f32 $0.0e+00, v7  }
0x2a9: {  	[tilespmem:v5+s26+$0x0] =	vst.idx.add.f32.msk vm3, v57  }
0x2aa: {  	[tilespmem:v5+s26+$0x0] =	vst.idx.add.f32.msk vm4, v4  }
0x2ab: {  	v4 =	vld [tilespmem:s31+$0x5070]  }
0x2ac: {  	v5 =	vld [tilespmem:s31+$0x6470];
	_ =	sdelay $0x6  }
0x2ad: {  	v4 =	vld.idx.msk [tilespmem:v4+s1+$0x0], $0xffff  }
0x2ae: {  	v6 =	vld.idx.msk [tilespmem:v5+s23+$0x0], $0xffff;
	_ =	sdelay $0x4  }
0x2af: {  	v4 =	vadd.f32 v6, v4;
	_ =	sdelay $0x1  }
0x2b0: {  	v6 =	vmul.f32 $9.999999770e-03, v4  }
0x2b1: {  	vm3 =	vge.f32 v4, $0.0e+00  }
0x2b2: {  	v4 =	vsel vm3, v4, v6  }
0x2b3: {  	v4 =	vmul.f32 $1.442695020e+00, v4;
	_ =	sdelay $0x1  }
0x2b4: {  	(erf) = vpow2.f32 v4;
	_ =	sdelay $0x8  }
0x2b5: {  	v5 =	vxor.u32 $0x80000000, v5;
	v4 =	vpop (erf)  }
0x2b6: {  	(xrf1) =	vsort.ascd.msk.u32 $0xffff, v5, v4;
	_ =	sdelay $0xd  }
0x2b7: {  	v5, v59, _ =	vpop (xrf1)  }
0x2b8: {  	(xrf2) =	vadd.scan.msk.f32 $0xffff, v59;
	_ =	sdelay $0x4  }
0x2b9: {  	v5 =	vxor.u32 $0x80000000, v5  }
0x2ba: {  	v60 =	vperm.xlane v5, v1  }
0x2bb: {  	v61 =	vperm.xlane v5, v2  }
0x2bc: {  	vm3 =	vne.s32 v5, v60  }
0x2bd: {  	vm15 =	vne.s32 v5, v61;
	vm3 =	vmor vm3, vm0  }
0x2be: {  	vm4 =	vmor vm15, vm1;
	v62, _, _ =	vpop (xrf2)  }
0x2bf: {  	p0 =	sne.s32 s30, $0x4E00;
	v63 =	vperm.xlane v62, v2  }
.Ltmp5:
0x2c0: {  	_ = 	snop;
	(pc) =	sbr.rel @p0 .LBB2_12-.Ltmp5, $4  }
0x2c1: {  	v7 =	vsel vm2, $0x0, v63  }
0x2c2: {  	[tilespmem:s31+$0x7870] =	vst v4;
	v4 =	vsub.f32 $0.0e+00, v7  }
0x2c3: {  	[tilespmem:v5+s26+$0x0] =	vst.idx.add.f32.msk vm3, v62  }
0x2c4: {  	s30 =	sadd.s32 $0x200, s30;
	[tilespmem:v5+s26+$0x0] =	vst.idx.add.f32.msk vm4, v4  }
0x2c5: {  	[hbm4b:s19+s1] =	stream.linear.scatter [tilespmem:s28], [sflag:$0x1], $0x1400, $0x38;
	[tilespmem:$0xB400] =	vst v63  }
0x2c6: {  	s29 =	sadd.s32 $0x1, s29;
	_ =	swait.ge [sflag:s22], $0x1400  }
0x2c7: {  	p0 =	sne.s32 s29, s21;
	[sflag:s22] =	ssyncset.done $0x0  }
.Ltmp6:
0x2c8: {  	[sflag:s22] =	ssyncadd.s32 $0xFFFFEC00;
	(pc) =	sbr.rel @p0 .LBB2_1-.Ltmp6, $4  }
0x2c9: {  	[hbm4b:s20+s1] =	stream.linear.scatter [tilespmem:s26], [sflag:$0x1], $0x2800, $0x38;
	[tilespmem:$0xB400] =	vst v63  }
0x2ca: {  	_ =	swait.ge [sflag:s22], $0x2800  }
0x2cb: {  	[sflag:s22] =	ssyncset.done $0x0  }
0x2cc: {  	[sflag:s22] =	ssyncadd.s32 $0xFFFFD800  }
0x2cd: {  	_ =	sfence.sel $0x180000  }
0x2ce: {  	[bflag:$0x0] =	sbarrier.arrive $0xFFFF  }
0x2cf: {  	_ =	strace $0x90000047  }
0x2d0: {  	[bflag:$0x2] =	sbarrier.arrive $0xFFFF  }
0x2d1: {  	p0 =	sne.s32 s2, $0x0;
	s0 =	rddreg [dreg:$0x2]  }
0x2d2: {  	s0 =	sadd.s32 @!p0 $0x100000, s0  }
0x2d3: {  	[sflag:s0] =	ssyncadd.tile.s32 @!p0 $0x1;
	_ =	shalt  }
.Lfunc_end2:
_tile_overlayer_lowered:
.L_overlay_start_2:
0x2d4: {  	(tag) =	ssettag $0x2  }
0x2d5: {  	s0 =	rddreg [dreg:$0x0];
	s2 =	stileid.u32  }
0x2d6: {  	s1 =	rddreg [dreg:$0x1];
	p0 =	sne.s32 s2, $0x0  }
0x2d7: {  	s3 =	rddreg [dreg:$0x2];
	[bflag:$0x3] =	sbarrier.arrive $0xFFFF;
	s2 =	simm.s32 @!p0 $0x1C01  }
0x2d8: {  	[timem:s3], [sflag:s2] =	dma.local @!p0 [hbm:s0], s1  }
0x2d9: {  	s0 =	simm.s32 @!p0 $0x1  }
0x2da: {  	_ =	swait.ge @!p0 [sflag:s0], s1  }
0x2db: {  	s1 =	ssub.s32 @!p0 $0x0, s1;
	[sflag:s0] =	ssyncset.done @!p0 $0x0  }
0x2dc: {  	[sflag:s0] =	ssyncadd.s32 @!p0 s1  }
0x2dd: {  	[bflag:$0x3] =	sbarrier.arrive $0xFFFF  }
0x2de: {  	_ =	shalt  }

</sc_bundles>
